<compile_context>
chip_gen: v7x
topology: tpu7x:2x2x1
jax: 0.10.2.dev20260603
libtpu: 0.0.44.dev20260713+nightly
codegen_flags: <defaults>
</compile_context>

<pallas_src>
import functools

import jax
import jax.numpy as jnp
from jax import lax
from jax.experimental import pallas as pl
from jax.experimental.pallas import tpu as pltpu
from jax.experimental.pallas import tpu_sc as plsc

B = 10000
K = 32
U = 128
D_IN = 128

NC = 2
NS = 16
L = 16
NW = NC * NS
B_PAD = 10240
BPW = B_PAD // NW
APC = 4
ROWS = APC * K
NCHUNK = BPW // APC
NBUF = 2
OB = 2
NV = U // L
KU = 4
T_ROWS = 10240
SPS = 624
ZR = B


@functools.cache
def _make_sc_gather_sum():
    mesh = plsc.VectorSubcoreMesh(core_axis_name="c", subcore_axis_name="s")
    return functools.partial(
        pl.kernel,
        mesh=mesh,
        out_type=jax.ShapeDtypeStruct((B_PAD, U), jnp.float32),
        scratch_types=[
            pltpu.VMEM((NCHUNK, ROWS), jnp.int32),
            pltpu.VMEM((NBUF, ROWS, U), jnp.float32),
            pltpu.VMEM((OB, APC, U), jnp.float32),
            pltpu.VMEM((8, U), jnp.float32),
            pltpu.VMEM_SHARED((T_ROWS, U), jnp.float32),
        ] + [pltpu.SemaphoreType.DMA] * (NBUF + OB),
    )(_sc_gather_sum_body)


def _sc_gather_sum_body(states_hbm, idx_hbm, out_hbm, idx_v, rows_v, outb_v,
                        zbuf_v, table_sh, *sems):
    gsems = sems[:NBUF]
    osems = sems[NBUF:]
    sid = lax.axis_index("s")
    wid = sid * NC + lax.axis_index("c")
    pltpu.sync_copy(states_hbm.at[pl.ds(sid * SPS, SPS)],
                    table_sh.at[pl.ds(sid * SPS, SPS)])

    @pl.when(sid == NS - 1)
    def _tail():
        pltpu.sync_copy(states_hbm.at[pl.ds(NS * SPS, B - NS * SPS)],
                        table_sh.at[pl.ds(NS * SPS, B - NS * SPS)])

    @pl.when(sid == 0)
    def _zero_row():
        for r in range(8):
            for v in range(NV):
                zbuf_v[r, pl.ds(v * L, L)] = jnp.zeros((L,), jnp.float32)
        pltpu.sync_copy(zbuf_v, table_sh.at[pl.ds(ZR, 8)])

    pltpu.sync_copy(idx_hbm.at[wid], idx_v)
    plsc.subcore_barrier()

    for b in range(NBUF):
        pltpu.async_copy(table_sh.at[idx_v.at[b]], rows_v.at[b], gsems[b])

    obase = wid * BPW

    def step_body(step, _):
        for b in range(NBUF):
            c = step * NBUF + b
            ob = b
            pltpu.make_async_copy(
                table_sh.at[idx_v.at[c]], rows_v.at[b], gsems[b]
            ).wait()

            @pl.when(c >= OB)
            def _drain(_ob=ob):
                pltpu.make_async_copy(
                    outb_v.at[_ob], out_hbm.at[pl.ds(obase, APC)], osems[_ob]
                ).wait()

            for a in range(APC):
                def kbody(kk, accs, _a=a, _b=b):
                    base = _a * K + kk * KU
                    for u in range(KU):
                        accs = tuple(
                            accs[v] + rows_v[_b, base + u, pl.ds(v * L, L)]
                            for v in range(NV)
                        )
                    return accs
                accs = lax.fori_loop(
                    0, K // KU, kbody,
                    tuple(jnp.zeros((L,), jnp.float32) for _ in range(NV)),
                )
                for v in range(NV):
                    outb_v[ob, a, pl.ds(v * L, L)] = accs[v]
            pltpu.async_copy(
                outb_v.at[ob], out_hbm.at[pl.ds(obase + c * APC, APC)],
                osems[ob])
            nxt = c + NBUF

            @pl.when(nxt < NCHUNK)
            def _prefetch(_b=b, _nxt=nxt):
                pltpu.async_copy(
                    table_sh.at[idx_v.at[_nxt]], rows_v.at[_b], gsems[_b]
                )
        return 0

    lax.fori_loop(0, NCHUNK // NBUF, step_body, 0)
    for ob in range(OB):
        pltpu.make_async_copy(
            outb_v.at[ob], out_hbm.at[pl.ds(obase, APC)], osems[ob]
        ).wait()


BLK = 2000


def _tc_gru_body(x_ref, h_ref, s_ref, pi_ref, wx_ref, wf_ref, wr_ref, b_ref,
                 o_ref, o2_ref):
    cnt = jnp.sum((pi_ref[...] >= 0).astype(jnp.float32), axis=1,
                  keepdims=True)
    feat = s_ref[...] / (1e-5 + cnt)
    x = x_ref[...]
    h = h_ref[...]
    xm = (jnp.dot(x, wx_ref[...], preferred_element_type=jnp.float32)
          + jnp.dot(feat, wf_ref[...], preferred_element_type=jnp.float32)
          + b_ref[0:1, :])
    hm = (jnp.dot(h, wr_ref[...], preferred_element_type=jnp.float32)
          + b_ref[1:2, :])
    xz, xr, xh = xm[:, :U], xm[:, U:2 * U], xm[:, 2 * U:]
    hz, hr, hh = hm[:, :U], hm[:, U:2 * U], hm[:, 2 * U:]
    z = jax.nn.sigmoid(xz + hz)
    r = jax.nn.sigmoid(xr + hr)
    cand = jnp.tanh(xh + r * hh)
    h_new = z * h + (1.0 - z) * cand
    o_ref[...] = h_new
    o2_ref[...] = h_new


def _tc_gru(x, h, sums, pidx, wx, wf, wr, bias):
    grid = (B // BLK,)
    return pl.pallas_call(
        _tc_gru_body,
        grid=grid,
        in_specs=[
            pl.BlockSpec((BLK, D_IN), lambda i: (i, 0)),
            pl.BlockSpec((BLK, U), lambda i: (i, 0)),
            pl.BlockSpec((BLK, U), lambda i: (i, 0)),
            pl.BlockSpec((BLK, K), lambda i: (i, 0)),
            pl.BlockSpec((D_IN, 3 * U), lambda i: (0, 0)),
            pl.BlockSpec((U, 3 * U), lambda i: (0, 0)),
            pl.BlockSpec((U, 3 * U), lambda i: (0, 0)),
            pl.BlockSpec((2, 3 * U), lambda i: (0, 0)),
        ],
        out_specs=[pl.BlockSpec((BLK, U), lambda i: (i, 0)),
                   pl.BlockSpec((BLK, U), lambda i: (i, 0))],
        out_shape=[jax.ShapeDtypeStruct((B, U), jnp.float32),
                   jax.ShapeDtypeStruct((B, U), jnp.float32)],
    )(x, h, sums, pidx, wx, wf, wr, bias)


def kernel(inputs, rnn_states, kernel, recurrent_kernel, bias,
           present_indices):
    idx_pad = jnp.pad(present_indices, ((0, B_PAD - B), (0, 0)))
    idx3 = jnp.where(idx_pad < 0, ZR, idx_pad).reshape(NW, NCHUNK, ROWS)
    sums = _make_sc_gather_sum()(rnn_states, idx3)
    wx = kernel[:D_IN]
    wf = kernel[D_IN:]
    h_new, h_new2 = _tc_gru(inputs, rnn_states, sums, present_indices, wx, wf,
                            recurrent_kernel, bias)
    return (h_new, h_new2)

# --- scband reference (transcript-rebuilt; emitter-appended) ---
"""Pipeline reference for scband-comm-cell-state-avg-reader-12695923326982 (READ-ONLY COPY).

The authoritative reference and input builder live on the scoring server;
editing this copy changes nothing except your own understanding.
"""

import jax, jax.numpy as jnp
import numpy as np

B = 10000      # number of agents (batch)
K = 32         # visible agents per agent
D_IN = 128     # per-agent input feature dim
UNITS = 128    # GRU units (wrapped StackedRNNCells([GRUCell(128)]))


def setup_inputs(seed: int = 0) -> dict:
    key = jax.random.key(seed)
    k1, k2, k3, k4, k5 = jax.random.split(key, 5)
    inputs = jax.random.normal(k1, (B, D_IN), dtype=jnp.float32)
    # -1 marks an absent slot (masked out), values in [-1, B)
    present_indices = jax.random.randint(k2, (B, K), -1, B, dtype=jnp.int32)
    rnn_states = jax.random.normal(k3, (B, UNITS), dtype=jnp.float32)
    # GRUCell params (keras default reset_after=True): kernel, recurrent_kernel, bias[2, 3U]
    kernel = jax.random.normal(k4, (D_IN + UNITS, 3 * UNITS), dtype=jnp.float32) * 0.05
    recurrent_kernel = jax.random.normal(k5, (UNITS, 3 * UNITS), dtype=jnp.float32) * 0.05
    bias = jnp.zeros((2, 3 * UNITS), dtype=jnp.float32)
    return {
        "inputs": inputs,
        "rnn_states": rnn_states,
        "kernel": kernel,
        "recurrent_kernel": recurrent_kernel,
        "bias": bias,
        "present_indices": present_indices,
    }


def _gru_step(x, h, kernel, recurrent_kernel, bias):
    # keras GRUCell with reset_after=True
    xm = x @ kernel + bias[0]
    hm = h @ recurrent_kernel + bias[1]
    xz, xr, xh = jnp.split(xm, 3, axis=1)
    hz, hr, hh = jnp.split(hm, 3, axis=1)
    z = jax.nn.sigmoid(xz + hz)
    r = jax.nn.sigmoid(xr + hr)
    cand = jnp.tanh(xh + r * hh)
    h_new = z * h + (1.0 - z) * cand
    return h_new


def reference(inputs, rnn_states, kernel, recurrent_kernel, bias, present_indices):
    # _gather_present: pad a zero row at index 0, gather at idx+1, mask = idx >= 0
    padded = jnp.pad(rnn_states, ((1, 0), (0, 0)))
    readed = jnp.take(padded, present_indices + 1, axis=0)        # [B, K, UNITS]
    mask = (present_indices >= 0)
    mask_f = mask.astype(jnp.float32)[:, :, None]                 # [B, K, 1]
    features = jnp.sum(mask_f * readed, axis=1) / (1e-05 + jnp.sum(mask_f, axis=1))
    full_input = jnp.concatenate([inputs, features], axis=1)      # [B, D_IN + UNITS]
    h_new = _gru_step(full_input, rnn_states, kernel, recurrent_kernel, bias)
    # GRUCell output == new state; cell returns (features, new_states)
    return (h_new, h_new)

if __name__ == "__main__":
    import jax
    _d = setup_inputs()
    print(jax.jit(kernel)(*tuple(_d.values())))

</pallas_src>

<mosaic_0001>
#map = affine_map<(d0, d1) -> (0, 0)>
#map1 = affine_map<(d0, d1) -> (0, 0, 0)>
module attributes {stable_mosaic.version = 14 : i64} {
  func.func @_sc_gather_sum_body(%arg0: i32, %arg1: i32, %arg2: memref<10000x128xf32, #tpu.memory_space<hbm>>, %arg3: memref<32x80x128xi32, #tpu.memory_space<hbm>>, %arg4: memref<10240x128xf32, #tpu.memory_space<hbm>>, %arg5: memref<80x128xi32, #tpu.memory_space<vmem>>, %arg6: memref<2x128x128xf32, #tpu.memory_space<vmem>>, %arg7: memref<2x4x128xf32, #tpu.memory_space<vmem>>, %arg8: memref<8x128xf32, #tpu.memory_space<vmem>>, %arg9: memref<10240x128xf32, #tpu.memory_space<vmem_shared>>, %arg10: memref<!tpu.dma_semaphore, #tpu.memory_space<semaphore_mem>>, %arg11: memref<!tpu.dma_semaphore, #tpu.memory_space<semaphore_mem>>, %arg12: memref<!tpu.dma_semaphore, #tpu.memory_space<semaphore_mem>>, %arg13: memref<!tpu.dma_semaphore, #tpu.memory_space<semaphore_mem>>) attributes {dimension_semantics = [#tpu.dimension_semantics<core_parallel>, #tpu.dimension_semantics<subcore_parallel>], iteration_bounds = array<i64: 2, 16>, scalar_prefetch = 0 : i64, scratch_operands = 9 : i64, tpu.core_type = #tpu.core_type<sc_vector_subcore>, window_params = [{transform_indices = #map}, {transform_indices = #map1}, {transform_indices = #map}]} {
    %mul3A = arith.constant 2 : i32
    %mul3A_0 = arith.muli %arg1, %mul3A : i32
    %add3A = arith.addi %mul3A_0, %arg0 : i32
    %mul3A_1 = arith.constant 624 : i32
    %mul3A_2 = arith.muli %arg1, %mul3A_1 : i32
    %mul3A_3 = arith.constant 624 : i32
    %mul3A_4 = arith.muli %arg1, %mul3A_3 : i32
    "tpu.region"() ({
      %run_scoped3A = tpu.sem_alloc : memref<!tpu.dma_semaphore, #tpu.memory_space<semaphore_mem>>
      %dma_start3A_68 = arith.constant 0 : i32
      %dma_start3A_69 = tpu.memref_slice %arg9[%mul3A_4, %dma_start3A_68] : memref<10240x128xf32, #tpu.memory_space<vmem_shared>> -> memref<624x128xf32, #tpu.memory_space<vmem_shared>>
      %dma_start3A_70 = arith.constant 0 : i32
      %dma_start3A_71 = tpu.memref_slice %arg2[%mul3A_2, %dma_start3A_70] : memref<10000x128xf32, #tpu.memory_space<hbm>> -> memref<624x128xf32, #tpu.memory_space<hbm>>
      tpu.enqueue_dma source(%dma_start3A_71 : memref<624x128xf32, #tpu.memory_space<hbm>>) target(%dma_start3A_69 : memref<624x128xf32, #tpu.memory_space<vmem_shared>>) target_semaphore(%run_scoped3A : memref<!tpu.dma_semaphore, #tpu.memory_space<semaphore_mem>>)
      %dma_wait3A_72 = arith.constant 0 : i32
      %dma_wait3A_73 = tpu.memref_slice %arg9[%mul3A_4, %dma_wait3A_72] : memref<10240x128xf32, #tpu.memory_space<vmem_shared>> -> memref<624x128xf32, #tpu.memory_space<vmem_shared>>
      %dma_wait3A_74 = arith.constant 0 : i32
      %dma_wait3A_75 = tpu.memref_slice %arg2[%mul3A_2, %dma_wait3A_74] : memref<10000x128xf32, #tpu.memory_space<hbm>> -> memref<624x128xf32, #tpu.memory_space<hbm>>
      tpu.wait_dma2 semaphore(%run_scoped3A : memref<!tpu.dma_semaphore, #tpu.memory_space<semaphore_mem>>) src(%dma_wait3A_75 : memref<624x128xf32, #tpu.memory_space<hbm>>) dst(%dma_wait3A_73 : memref<624x128xf32, #tpu.memory_space<vmem_shared>>)
      tpu.yield
    }) : () -> ()
    %eq3A = arith.constant 15 : i32
    %eq3A_5 = arith.cmpi eq, %arg1, %eq3A : i32
    %convert_element_type3A = arith.extui %eq3A_5 : i1 to i32
    %cond3A = arith.constant 0 : i32
    %cond3A_6 = arith.cmpi ne, %convert_element_type3A, %cond3A : i32
    scf.if %cond3A_6 {
      "tpu.region"() ({
        %run_scoped3A = tpu.sem_alloc : memref<!tpu.dma_semaphore, #tpu.memory_space<semaphore_mem>>
        %dma_start3A_68 = arith.constant 9984 : i32
        %dma_start3A_69 = arith.constant 0 : i32
        %dma_start3A_70 = tpu.memref_slice %arg9[%dma_start3A_68, %dma_start3A_69] : memref<10240x128xf32, #tpu.memory_space<vmem_shared>> -> memref<16x128xf32, #tpu.memory_space<vmem_shared>>
        %dma_start3A_71 = arith.constant 9984 : i32
        %dma_start3A_72 = arith.constant 0 : i32
        %dma_start3A_73 = tpu.memref_slice %arg2[%dma_start3A_71, %dma_start3A_72] : memref<10000x128xf32, #tpu.memory_space<hbm>> -> memref<16x128xf32, #tpu.memory_space<hbm>>
        tpu.enqueue_dma source(%dma_start3A_73 : memref<16x128xf32, #tpu.memory_space<hbm>>) target(%dma_start3A_70 : memref<16x128xf32, #tpu.memory_space<vmem_shared>>) target_semaphore(%run_scoped3A : memref<!tpu.dma_semaphore, #tpu.memory_space<semaphore_mem>>)
        %dma_wait3A_74 = arith.constant 9984 : i32
        %dma_wait3A_75 = arith.constant 0 : i32
        %dma_wait3A_76 = tpu.memref_slice %arg9[%dma_wait3A_74, %dma_wait3A_75] : memref<10240x128xf32, #tpu.memory_space<vmem_shared>> -> memref<16x128xf32, #tpu.memory_space<vmem_shared>>
        %dma_wait3A_77 = arith.constant 9984 : i32
        %dma_wait3A_78 = arith.constant 0 : i32
        %dma_wait3A_79 = tpu.memref_slice %arg2[%dma_wait3A_77, %dma_wait3A_78] : memref<10000x128xf32, #tpu.memory_space<hbm>> -> memref<16x128xf32, #tpu.memory_space<hbm>>
        tpu.wait_dma2 semaphore(%run_scoped3A : memref<!tpu.dma_semaphore, #tpu.memory_space<semaphore_mem>>) src(%dma_wait3A_79 : memref<16x128xf32, #tpu.memory_space<hbm>>) dst(%dma_wait3A_76 : memref<16x128xf32, #tpu.memory_space<vmem_shared>>)
        tpu.yield
      }) : () -> ()
    } else {
    }
    %eq3A_7 = arith.constant 0 : i32
    %eq3A_8 = arith.cmpi eq, %arg1, %eq3A_7 : i32
    %convert_element_type3A_9 = arith.extui %eq3A_8 : i1 to i32
    %cond3A_10 = arith.constant 0 : i32
    %cond3A_11 = arith.cmpi ne, %convert_element_type3A_9, %cond3A_10 : i32
    scf.if %cond3A_11 {
      %broadcast_in_dim3A = arith.constant 0.000000e+00 : f32
      %broadcast_in_dim3A_68 = vector.broadcast %broadcast_in_dim3A : f32 to vector<16xf32>
      %swap3A = arith.constant 0 : i32
      %swap3A_69 = arith.index_cast %swap3A : i32 to index
      %swap3A_70 = arith.constant 0 : index
      %swap3A_71 = tpu.vector_load %arg8[%swap3A_69, %swap3A_70] {strides = array<i32>} : memref<8x128xf32, #tpu.memory_space<vmem>>, vector<1x16xf32>,
      %swap3A_72 = vector.shape_cast %swap3A_71 : vector<1x16xf32> to vector<16xf32>
      %swap3A_73 = vector.shape_cast %broadcast_in_dim3A_68 : vector<16xf32> to vector<1x16xf32>
      tpu.vector_store %arg8[%swap3A_69, %swap3A_70], %swap3A_73 {strides = array<i32>} : memref<8x128xf32, #tpu.memory_space<vmem>>, vector<1x16xf32>,
      %broadcast_in_dim3A_74 = arith.constant 0.000000e+00 : f32
      %broadcast_in_dim3A_75 = vector.broadcast %broadcast_in_dim3A_74 : f32 to vector<16xf32>
      %swap3A_76 = arith.constant 0 : i32
      %swap3A_77 = arith.index_cast %swap3A_76 : i32 to index
      %swap3A_78 = arith.constant 16 : index
      %swap3A_79 = tpu.vector_load %arg8[%swap3A_77, %swap3A_78] {strides = array<i32>} : memref<8x128xf32, #tpu.memory_space<vmem>>, vector<1x16xf32>,
      %swap3A_80 = vector.shape_cast %swap3A_79 : vector<1x16xf32> to vector<16xf32>
      %swap3A_81 = vector.shape_cast %broadcast_in_dim3A_75 : vector<16xf32> to vector<1x16xf32>
      tpu.vector_store %arg8[%swap3A_77, %swap3A_78], %swap3A_81 {strides = array<i32>} : memref<8x128xf32, #tpu.memory_space<vmem>>, vector<1x16xf32>,
      %broadcast_in_dim3A_82 = arith.constant 0.000000e+00 : f32
      %broadcast_in_dim3A_83 = vector.broadcast %broadcast_in_dim3A_82 : f32 to vector<16xf32>
      %swap3A_84 = arith.constant 0 : i32
      %swap3A_85 = arith.index_cast %swap3A_84 : i32 to index
      %swap3A_86 = arith.constant 32 : index
      %swap3A_87 = tpu.vector_load %arg8[%swap3A_85, %swap3A_86] {strides = array<i32>} : memref<8x128xf32, #tpu.memory_space<vmem>>, vector<1x16xf32>,
      %swap3A_88 = vector.shape_cast %swap3A_87 : vector<1x16xf32> to vector<16xf32>
      %swap3A_89 = vector.shape_cast %broadcast_in_dim3A_83 : vector<16xf32> to vector<1x16xf32>
      tpu.vector_store %arg8[%swap3A_85, %swap3A_86], %swap3A_89 {strides = array<i32>} : memref<8x128xf32, #tpu.memory_space<vmem>>, vector<1x16xf32>,
      %broadcast_in_dim3A_90 = arith.constant 0.000000e+00 : f32
      %broadcast_in_dim3A_91 = vector.broadcast %broadcast_in_dim3A_90 : f32 to vector<16xf32>
      %swap3A_92 = arith.constant 0 : i32
      %swap3A_93 = arith.index_cast %swap3A_92 : i32 to index
      %swap3A_94 = arith.constant 48 : index
      %swap3A_95 = tpu.vector_load %arg8[%swap3A_93, %swap3A_94] {strides = array<i32>} : memref<8x128xf32, #tpu.memory_space<vmem>>, vector<1x16xf32>,
      %swap3A_96 = vector.shape_cast %swap3A_95 : vector<1x16xf32> to vector<16xf32>
      %swap3A_97 = vector.shape_cast %broadcast_in_dim3A_91 : vector<16xf32> to vector<1x16xf32>
      tpu.vector_store %arg8[%swap3A_93, %swap3A_94], %swap3A_97 {strides = array<i32>} : memref<8x128xf32, #tpu.memory_space<vmem>>, vector<1x16xf32>,
      %broadcast_in_dim3A_98 = arith.constant 0.000000e+00 : f32
      %broadcast_in_dim3A_99 = vector.broadcast %broadcast_in_dim3A_98 : f32 to vector<16xf32>
      %swap3A_100 = arith.constant 0 : i32
      %swap3A_101 = arith.index_cast %swap3A_100 : i32 to index
      %swap3A_102 = arith.constant 64 : index
      %swap3A_103 = tpu.vector_load %arg8[%swap3A_101, %swap3A_102] {strides = array<i32>} : memref<8x128xf32, #tpu.memory_space<vmem>>, vector<1x16xf32>,
      %swap3A_104 = vector.shape_cast %swap3A_103 : vector<1x16xf32> to vector<16xf32>
      %swap3A_105 = vector.shape_cast %broadcast_in_dim3A_99 : vector<16xf32> to vector<1x16xf32>
      tpu.vector_store %arg8[%swap3A_101, %swap3A_102], %swap3A_105 {strides = array<i32>} : memref<8x128xf32, #tpu.memory_space<vmem>>, vector<1x16xf32>,
      %broadcast_in_dim3A_106 = arith.constant 0.000000e+00 : f32
      %broadcast_in_dim3A_107 = vector.broadcast %broadcast_in_dim3A_106 : f32 to vector<16xf32>
      %swap3A_108 = arith.constant 0 : i32
      %swap3A_109 = arith.index_cast %swap3A_108 : i32 to index
      %swap3A_110 = arith.constant 80 : index
      %swap3A_111 = tpu.vector_load %arg8[%swap3A_109, %swap3A_110] {strides = array<i32>} : memref<8x128xf32, #tpu.memory_space<vmem>>, vector<1x16xf32>,
      %swap3A_112 = vector.shape_cast %swap3A_111 : vector<1x16xf32> to vector<16xf32>
      %swap3A_113 = vector.shape_cast %broadcast_in_dim3A_107 : vector<16xf32> to vector<1x16xf32>
      tpu.vector_store %arg8[%swap3A_109, %swap3A_110], %swap3A_113 {strides = array<i32>} : memref<8x128xf32, #tpu.memory_space<vmem>>, vector<1x16xf32>,
      %broadcast_in_dim3A_114 = arith.constant 0.000000e+00 : f32
      %broadcast_in_dim3A_115 = vector.broadcast %broadcast_in_dim3A_114 : f32 to vector<16xf32>
      %swap3A_116 = arith.constant 0 : i32
      %swap3A_117 = arith.index_cast %swap3A_116 : i32 to index
      %swap3A_118 = arith.constant 96 : index
      %swap3A_119 = tpu.vector_load %arg8[%swap3A_117, %swap3A_118] {strides = array<i32>} : memref<8x128xf32, #tpu.memory_space<vmem>>, vector<1x16xf32>,
      %swap3A_120 = vector.shape_cast %swap3A_119 : vector<1x16xf32> to vector<16xf32>
      %swap3A_121 = vector.shape_cast %broadcast_in_dim3A_115 : vector<16xf32> to vector<1x16xf32>
      tpu.vector_store %arg8[%swap3A_117, %swap3A_118], %swap3A_121 {strides = array<i32>} : memref<8x128xf32, #tpu.memory_space<vmem>>, vector<1x16xf32>,
      %broadcast_in_dim3A_122 = arith.constant 0.000000e+00 : f32
      %broadcast_in_dim3A_123 = vector.broadcast %broadcast_in_dim3A_122 : f32 to vector<16xf32>
      %swap3A_124 = arith.constant 0 : i32
      %swap3A_125 = arith.index_cast %swap3A_124 : i32 to index
      %swap3A_126 = arith.constant 112 : index
      %swap3A_127 = tpu.vector_load %arg8[%swap3A_125, %swap3A_126] {strides = array<i32>} : memref<8x128xf32, #tpu.memory_space<vmem>>, vector<1x16xf32>,
      %swap3A_128 = vector.shape_cast %swap3A_127 : vector<1x16xf32> to vector<16xf32>
      %swap3A_129 = vector.shape_cast %broadcast_in_dim3A_123 : vector<16xf32> to vector<1x16xf32>
      tpu.vector_store %arg8[%swap3A_125, %swap3A_126], %swap3A_129 {strides = array<i32>} : memref<8x128xf32, #tpu.memory_space<vmem>>, vector<1x16xf32>,
      %broadcast_in_dim3A_130 = arith.constant 0.000000e+00 : f32
      %broadcast_in_dim3A_131 = vector.broadcast %broadcast_in_dim3A_130 : f32 to vector<16xf32>
      %swap3A_132 = arith.constant 1 : i32
      %swap3A_133 = arith.index_cast %swap3A_132 : i32 to index
      %swap3A_134 = arith.constant 0 : index
      %swap3A_135 = tpu.vector_load %arg8[%swap3A_133, %swap3A_134] {strides = array<i32>} : memref<8x128xf32, #tpu.memory_space<vmem>>, vector<1x16xf32>,
      %swap3A_136 = vector.shape_cast %swap3A_135 : vector<1x16xf32> to vector<16xf32>
      %swap3A_137 = vector.shape_cast %broadcast_in_dim3A_131 : vector<16xf32> to vector<1x16xf32>
      tpu.vector_store %arg8[%swap3A_133, %swap3A_134], %swap3A_137 {strides = array<i32>} : memref<8x128xf32, #tpu.memory_space<vmem>>, vector<1x16xf32>,
      %broadcast_in_dim3A_138 = arith.constant 0.000000e+00 : f32
      %broadcast_in_dim3A_139 = vector.broadcast %broadcast_in_dim3A_138 : f32 to vector<16xf32>
      %swap3A_140 = arith.constant 1 : i32
      %swap3A_141 = arith.index_cast %swap3A_140 : i32 to index
      %swap3A_142 = arith.constant 16 : index
      %swap3A_143 = tpu.vector_load %arg8[%swap3A_141, %swap3A_142] {strides = array<i32>} : memref<8x128xf32, #tpu.memory_space<vmem>>, vector<1x16xf32>,
      %swap3A_144 = vector.shape_cast %swap3A_143 : vector<1x16xf32> to vector<16xf32>
      %swap3A_145 = vector.shape_cast %broadcast_in_dim3A_139 : vector<16xf32> to vector<1x16xf32>
      tpu.vector_store %arg8[%swap3A_141, %swap3A_142], %swap3A_145 {strides = array<i32>} : memref<8x128xf32, #tpu.memory_space<vmem>>, vector<1x16xf32>,
      %broadcast_in_dim3A_146 = arith.constant 0.000000e+00 : f32
      %broadcast_in_dim3A_147 = vector.broadcast %broadcast_in_dim3A_146 : f32 to vector<16xf32>
      %swap3A_148 = arith.constant 1 : i32
      %swap3A_149 = arith.index_cast %swap3A_148 : i32 to index
      %swap3A_150 = arith.constant 32 : index
      %swap3A_151 = tpu.vector_load %arg8[%swap3A_149, %swap3A_150] {strides = array<i32>} : memref<8x128xf32, #tpu.memory_space<vmem>>, vector<1x16xf32>,
      %swap3A_152 = vector.shape_cast %swap3A_151 : vector<1x16xf32> to vector<16xf32>
      %swap3A_153 = vector.shape_cast %broadcast_in_dim3A_147 : vector<16xf32> to vector<1x16xf32>
      tpu.vector_store %arg8[%swap3A_149, %swap3A_150], %swap3A_153 {strides = array<i32>} : memref<8x128xf32, #tpu.memory_space<vmem>>, vector<1x16xf32>,
      %broadcast_in_dim3A_154 = arith.constant 0.000000e+00 : f32
      %broadcast_in_dim3A_155 = vector.broadcast %broadcast_in_dim3A_154 : f32 to vector<16xf32>
      %swap3A_156 = arith.constant 1 : i32
      %swap3A_157 = arith.index_cast %swap3A_156 : i32 to index
      %swap3A_158 = arith.constant 48 : index
      %swap3A_159 = tpu.vector_load %arg8[%swap3A_157, %swap3A_158] {strides = array<i32>} : memref<8x128xf32, #tpu.memory_space<vmem>>, vector<1x16xf32>,
      %swap3A_160 = vector.shape_cast %swap3A_159 : vector<1x16xf32> to vector<16xf32>
      %swap3A_161 = vector.shape_cast %broadcast_in_dim3A_155 : vector<16xf32> to vector<1x16xf32>
      tpu.vector_store %arg8[%swap3A_157, %swap3A_158], %swap3A_161 {strides = array<i32>} : memref<8x128xf32, #tpu.memory_space<vmem>>, vector<1x16xf32>,
      %broadcast_in_dim3A_162 = arith.constant 0.000000e+00 : f32
      %broadcast_in_dim3A_163 = vector.broadcast %broadcast_in_dim3A_162 : f32 to vector<16xf32>
      %swap3A_164 = arith.constant 1 : i32
      %swap3A_165 = arith.index_cast %swap3A_164 : i32 to index
      %swap3A_166 = arith.constant 64 : index
      %swap3A_167 = tpu.vector_load %arg8[%swap3A_165, %swap3A_166] {strides = array<i32>} : memref<8x128xf32, #tpu.memory_space<vmem>>, vector<1x16xf32>,
      %swap3A_168 = vector.shape_cast %swap3A_167 : vector<1x16xf32> to vector<16xf32>
      %swap3A_169 = vector.shape_cast %broadcast_in_dim3A_163 : vector<16xf32> to vector<1x16xf32>
      tpu.vector_store %arg8[%swap3A_165, %swap3A_166], %swap3A_169 {strides = array<i32>} : memref<8x128xf32, #tpu.memory_space<vmem>>, vector<1x16xf32>,
      %broadcast_in_dim3A_170 = arith.constant 0.000000e+00 : f32
      %broadcast_in_dim3A_171 = vector.broadcast %broadcast_in_dim3A_170 : f32 to vector<16xf32>
      %swap3A_172 = arith.constant 1 : i32
      %swap3A_173 = arith.index_cast %swap3A_172 : i32 to index
      %swap3A_174 = arith.constant 80 : index
      %swap3A_175 = tpu.vector_load %arg8[%swap3A_173, %swap3A_174] {strides = array<i32>} : memref<8x128xf32, #tpu.memory_space<vmem>>, vector<1x16xf32>,
      %swap3A_176 = vector.shape_cast %swap3A_175 : vector<1x16xf32> to vector<16xf32>
      %swap3A_177 = vector.shape_cast %broadcast_in_dim3A_171 : vector<16xf32> to vector<1x16xf32>
      tpu.vector_store %arg8[%swap3A_173, %swap3A_174], %swap3A_177 {strides = array<i32>} : memref<8x128xf32, #tpu.memory_space<vmem>>, vector<1x16xf32>,
      %broadcast_in_dim3A_178 = arith.constant 0.000000e+00 : f32
      %broadcast_in_dim3A_179 = vector.broadcast %broadcast_in_dim3A_178 : f32 to vector<16xf32>
      %swap3A_180 = arith.constant 1 : i32
      %swap3A_181 = arith.index_cast %swap3A_180 : i32 to index
      %swap3A_182 = arith.constant 96 : index
      %swap3A_183 = tpu.vector_load %arg8[%swap3A_181, %swap3A_182] {strides = array<i32>} : memref<8x128xf32, #tpu.memory_space<vmem>>, vector<1x16xf32>,
      %swap3A_184 = vector.shape_cast %swap3A_183 : vector<1x16xf32> to vector<16xf32>
      %swap3A_185 = vector.shape_cast %broadcast_in_dim3A_179 : vector<16xf32> to vector<1x16xf32>
      tpu.vector_store %arg8[%swap3A_181, %swap3A_182], %swap3A_185 {strides = array<i32>} : memref<8x128xf32, #tpu.memory_space<vmem>>, vector<1x16xf32>,
      %broadcast_in_dim3A_186 = arith.constant 0.000000e+00 : f32
      %broadcast_in_dim3A_187 = vector.broadcast %broadcast_in_dim3A_186 : f32 to vector<16xf32>
      %swap3A_188 = arith.constant 1 : i32
      %swap3A_189 = arith.index_cast %swap3A_188 : i32 to index
      %swap3A_190 = arith.constant 112 : index
      %swap3A_191 = tpu.vector_load %arg8[%swap3A_189, %swap3A_190] {strides = array<i32>} : memref<8x128xf32, #tpu.memory_space<vmem>>, vector<1x16xf32>,
      %swap3A_192 = vector.shape_cast %swap3A_191 : vector<1x16xf32> to vector<16xf32>
      %swap3A_193 = vector.shape_cast %broadcast_in_dim3A_187 : vector<16xf32> to vector<1x16xf32>
      tpu.vector_store %arg8[%swap3A_189, %swap3A_190], %swap3A_193 {strides = array<i32>} : memref<8x128xf32, #tpu.memory_space<vmem>>, vector<1x16xf32>,
      %broadcast_in_dim3A_194 = arith.constant 0.000000e+00 : f32
      %broadcast_in_dim3A_195 = vector.broadcast %broadcast_in_dim3A_194 : f32 to vector<16xf32>
      %swap3A_196 = arith.constant 2 : i32
      %swap3A_197 = arith.index_cast %swap3A_196 : i32 to index
      %swap3A_198 = arith.constant 0 : index
      %swap3A_199 = tpu.vector_load %arg8[%swap3A_197, %swap3A_198] {strides = array<i32>} : memref<8x128xf32, #tpu.memory_space<vmem>>, vector<1x16xf32>,
      %swap3A_200 = vector.shape_cast %swap3A_199 : vector<1x16xf32> to vector<16xf32>
      %swap3A_201 = vector.shape_cast %broadcast_in_dim3A_195 : vector<16xf32> to vector<1x16xf32>
      tpu.vector_store %arg8[%swap3A_197, %swap3A_198], %swap3A_201 {strides = array<i32>} : memref<8x128xf32, #tpu.memory_space<vmem>>, vector<1x16xf32>,
      %broadcast_in_dim3A_202 = arith.constant 0.000000e+00 : f32
      %broadcast_in_dim3A_203 = vector.broadcast %broadcast_in_dim3A_202 : f32 to vector<16xf32>
      %swap3A_204 = arith.constant 2 : i32
      %swap3A_205 = arith.index_cast %swap3A_204 : i32 to index
      %swap3A_206 = arith.constant 16 : index
      %swap3A_207 = tpu.vector_load %arg8[%swap3A_205, %swap3A_206] {strides = array<i32>} : memref<8x128xf32, #tpu.memory_space<vmem>>, vector<1x16xf32>,
      %swap3A_208 = vector.shape_cast %swap3A_207 : vector<1x16xf32> to vector<16xf32>
      %swap3A_209 = vector.shape_cast %broadcast_in_dim3A_203 : vector<16xf32> to vector<1x16xf32>
      tpu.vector_store %arg8[%swap3A_205, %swap3A_206], %swap3A_209 {strides = array<i32>} : memref<8x128xf32, #tpu.memory_space<vmem>>, vector<1x16xf32>,
      %broadcast_in_dim3A_210 = arith.constant 0.000000e+00 : f32
      %broadcast_in_dim3A_211 = vector.broadcast %broadcast_in_dim3A_210 : f32 to vector<16xf32>
      %swap3A_212 = arith.constant 2 : i32
      %swap3A_213 = arith.index_cast %swap3A_212 : i32 to index
      %swap3A_214 = arith.constant 32 : index
      %swap3A_215 = tpu.vector_load %arg8[%swap3A_213, %swap3A_214] {strides = array<i32>} : memref<8x128xf32, #tpu.memory_space<vmem>>, vector<1x16xf32>,
      %swap3A_216 = vector.shape_cast %swap3A_215 : vector<1x16xf32> to vector<16xf32>
      %swap3A_217 = vector.shape_cast %broadcast_in_dim3A_211 : vector<16xf32> to vector<1x16xf32>
      tpu.vector_store %arg8[%swap3A_213, %swap3A_214], %swap3A_217 {strides = array<i32>} : memref<8x128xf32, #tpu.memory_space<vmem>>, vector<1x16xf32>,
      %broadcast_in_dim3A_218 = arith.constant 0.000000e+00 : f32
      %broadcast_in_dim3A_219 = vector.broadcast %broadcast_in_dim3A_218 : f32 to vector<16xf32>
      %swap3A_220 = arith.constant 2 : i32
      %swap3A_221 = arith.index_cast %swap3A_220 : i32 to index
      %swap3A_222 = arith.constant 48 : index
      %swap3A_223 = tpu.vector_load %arg8[%swap3A_221, %swap3A_222] {strides = array<i32>} : memref<8x128xf32, #tpu.memory_space<vmem>>, vector<1x16xf32>,
      %swap3A_224 = vector.shape_cast %swap3A_223 : vector<1x16xf32> to vector<16xf32>
      %swap3A_225 = vector.shape_cast %broadcast_in_dim3A_219 : vector<16xf32> to vector<1x16xf32>
      tpu.vector_store %arg8[%swap3A_221, %swap3A_222], %swap3A_225 {strides = array<i32>} : memref<8x128xf32, #tpu.memory_space<vmem>>, vector<1x16xf32>,
      %broadcast_in_dim3A_226 = arith.constant 0.000000e+00 : f32
      %broadcast_in_dim3A_227 = vector.broadcast %broadcast_in_dim3A_226 : f32 to vector<16xf32>
      %swap3A_228 = arith.constant 2 : i32
      %swap3A_229 = arith.index_cast %swap3A_228 : i32 to index
      %swap3A_230 = arith.constant 64 : index
      %swap3A_231 = tpu.vector_load %arg8[%swap3A_229, %swap3A_230] {strides = array<i32>} : memref<8x128xf32, #tpu.memory_space<vmem>>, vector<1x16xf32>,
      %swap3A_232 = vector.shape_cast %swap3A_231 : vector<1x16xf32> to vector<16xf32>
      %swap3A_233 = vector.shape_cast %broadcast_in_dim3A_227 : vector<16xf32> to vector<1x16xf32>
      tpu.vector_store %arg8[%swap3A_229, %swap3A_230], %swap3A_233 {strides = array<i32>} : memref<8x128xf32, #tpu.memory_space<vmem>>, vector<1x16xf32>,
      %broadcast_in_dim3A_234 = arith.constant 0.000000e+00 : f32
      %broadcast_in_dim3A_235 = vector.broadcast %broadcast_in_dim3A_234 : f32 to vector<16xf32>
      %swap3A_236 = arith.constant 2 : i32
      %swap3A_237 = arith.index_cast %swap3A_236 : i32 to index
      %swap3A_238 = arith.constant 80 : index
      %swap3A_239 = tpu.vector_load %arg8[%swap3A_237, %swap3A_238] {strides = array<i32>} : memref<8x128xf32, #tpu.memory_space<vmem>>, vector<1x16xf32>,
      %swap3A_240 = vector.shape_cast %swap3A_239 : vector<1x16xf32> to vector<16xf32>
      %swap3A_241 = vector.shape_cast %broadcast_in_dim3A_235 : vector<16xf32> to vector<1x16xf32>
      tpu.vector_store %arg8[%swap3A_237, %swap3A_238], %swap3A_241 {strides = array<i32>} : memref<8x128xf32, #tpu.memory_space<vmem>>, vector<1x16xf32>,
      %broadcast_in_dim3A_242 = arith.constant 0.000000e+00 : f32
      %broadcast_in_dim3A_243 = vector.broadcast %broadcast_in_dim3A_242 : f32 to vector<16xf32>
      %swap3A_244 = arith.constant 2 : i32
      %swap3A_245 = arith.index_cast %swap3A_244 : i32 to index
      %swap3A_246 = arith.constant 96 : index
      %swap3A_247 = tpu.vector_load %arg8[%swap3A_245, %swap3A_246] {strides = array<i32>} : memref<8x128xf32, #tpu.memory_space<vmem>>, vector<1x16xf32>,
      %swap3A_248 = vector.shape_cast %swap3A_247 : vector<1x16xf32> to vector<16xf32>
      %swap3A_249 = vector.shape_cast %broadcast_in_dim3A_243 : vector<16xf32> to vector<1x16xf32>
      tpu.vector_store %arg8[%swap3A_245, %swap3A_246], %swap3A_249 {strides = array<i32>} : memref<8x128xf32, #tpu.memory_space<vmem>>, vector<1x16xf32>,
      %broadcast_in_dim3A_250 = arith.constant 0.000000e+00 : f32
      %broadcast_in_dim3A_251 = vector.broadcast %broadcast_in_dim3A_250 : f32 to vector<16xf32>
      %swap3A_252 = arith.constant 2 : i32
      %swap3A_253 = arith.index_cast %swap3A_252 : i32 to index
      %swap3A_254 = arith.constant 112 : index
      %swap3A_255 = tpu.vector_load %arg8[%swap3A_253, %swap3A_254] {strides = array<i32>} : memref<8x128xf32, #tpu.memory_space<vmem>>, vector<1x16xf32>,
      %swap3A_256 = vector.shape_cast %swap3A_255 : vector<1x16xf32> to vector<16xf32>
      %swap3A_257 = vector.shape_cast %broadcast_in_dim3A_251 : vector<16xf32> to vector<1x16xf32>
      tpu.vector_store %arg8[%swap3A_253, %swap3A_254], %swap3A_257 {strides = array<i32>} : memref<8x128xf32, #tpu.memory_space<vmem>>, vector<1x16xf32>,
      %broadcast_in_dim3A_258 = arith.constant 0.000000e+00 : f32
      %broadcast_in_dim3A_259 = vector.broadcast %broadcast_in_dim3A_258 : f32 to vector<16xf32>
      %swap3A_260 = arith.constant 3 : i32
      %swap3A_261 = arith.index_cast %swap3A_260 : i32 to index
      %swap3A_262 = arith.constant 0 : index
      %swap3A_263 = tpu.vector_load %arg8[%swap3A_261, %swap3A_262] {strides = array<i32>} : memref<8x128xf32, #tpu.memory_space<vmem>>, vector<1x16xf32>,
      %swap3A_264 = vector.shape_cast %swap3A_263 : vector<1x16xf32> to vector<16xf32>
      %swap3A_265 = vector.shape_cast %broadcast_in_dim3A_259 : vector<16xf32> to vector<1x16xf32>
      tpu.vector_store %arg8[%swap3A_261, %swap3A_262], %swap3A_265 {strides = array<i32>} : memref<8x128xf32, #tpu.memory_space<vmem>>, vector<1x16xf32>,
      %broadcast_in_dim3A_266 = arith.constant 0.000000e+00 : f32
      %broadcast_in_dim3A_267 = vector.broadcast %broadcast_in_dim3A_266 : f32 to vector<16xf32>
      %swap3A_268 = arith.constant 3 : i32
      %swap3A_269 = arith.index_cast %swap3A_268 : i32 to index
      %swap3A_270 = arith.constant 16 : index
      %swap3A_271 = tpu.vector_load %arg8[%swap3A_269, %swap3A_270] {strides = array<i32>} : memref<8x128xf32, #tpu.memory_space<vmem>>, vector<1x16xf32>,
      %swap3A_272 = vector.shape_cast %swap3A_271 : vector<1x16xf32> to vector<16xf32>
      %swap3A_273 = vector.shape_cast %broadcast_in_dim3A_267 : vector<16xf32> to vector<1x16xf32>
      tpu.vector_store %arg8[%swap3A_269, %swap3A_270], %swap3A_273 {strides = array<i32>} : memref<8x128xf32, #tpu.memory_space<vmem>>, vector<1x16xf32>,
      %broadcast_in_dim3A_274 = arith.constant 0.000000e+00 : f32
      %broadcast_in_dim3A_275 = vector.broadcast %broadcast_in_dim3A_274 : f32 to vector<16xf32>
      %swap3A_276 = arith.constant 3 : i32
      %swap3A_277 = arith.index_cast %swap3A_276 : i32 to index
      %swap3A_278 = arith.constant 32 : index
      %swap3A_279 = tpu.vector_load %arg8[%swap3A_277, %swap3A_278] {strides = array<i32>} : memref<8x128xf32, #tpu.memory_space<vmem>>, vector<1x16xf32>,
      %swap3A_280 = vector.shape_cast %swap3A_279 : vector<1x16xf32> to vector<16xf32>
      %swap3A_281 = vector.shape_cast %broadcast_in_dim3A_275 : vector<16xf32> to vector<1x16xf32>
      tpu.vector_store %arg8[%swap3A_277, %swap3A_278], %swap3A_281 {strides = array<i32>} : memref<8x128xf32, #tpu.memory_space<vmem>>, vector<1x16xf32>,
      %broadcast_in_dim3A_282 = arith.constant 0.000000e+00 : f32
      %broadcast_in_dim3A_283 = vector.broadcast %broadcast_in_dim3A_282 : f32 to vector<16xf32>
      %swap3A_284 = arith.constant 3 : i32
      %swap3A_285 = arith.index_cast %swap3A_284 : i32 to index
      %swap3A_286 = arith.constant 48 : index
      %swap3A_287 = tpu.vector_load %arg8[%swap3A_285, %swap3A_286] {strides = array<i32>} : memref<8x128xf32, #tpu.memory_space<vmem>>, vector<1x16xf32>,
      %swap3A_288 = vector.shape_cast %swap3A_287 : vector<1x16xf32> to vector<16xf32>
      %swap3A_289 = vector.shape_cast %broadcast_in_dim3A_283 : vector<16xf32> to vector<1x16xf32>
      tpu.vector_store %arg8[%swap3A_285, %swap3A_286], %swap3A_289 {strides = array<i32>} : memref<8x128xf32, #tpu.memory_space<vmem>>, vector<1x16xf32>,
      %broadcast_in_dim3A_290 = arith.constant 0.000000e+00 : f32
      %broadcast_in_dim3A_291 = vector.broadcast %broadcast_in_dim3A_290 : f32 to vector<16xf32>
      %swap3A_292 = arith.constant 3 : i32
      %swap3A_293 = arith.index_cast %swap3A_292 : i32 to index
      %swap3A_294 = arith.constant 64 : index
      %swap3A_295 = tpu.vector_load %arg8[%swap3A_293, %swap3A_294] {strides = array<i32>} : memref<8x128xf32, #tpu.memory_space<vmem>>, vector<1x16xf32>,
      %swap3A_296 = vector.shape_cast %swap3A_295 : vector<1x16xf32> to vector<16xf32>
      %swap3A_297 = vector.shape_cast %broadcast_in_dim3A_291 : vector<16xf32> to vector<1x16xf32>
      tpu.vector_store %arg8[%swap3A_293, %swap3A_294], %swap3A_297 {strides = array<i32>} : memref<8x128xf32, #tpu.memory_space<vmem>>, vector<1x16xf32>,
      %broadcast_in_dim3A_298 = arith.constant 0.000000e+00 : f32
      %broadcast_in_dim3A_299 = vector.broadcast %broadcast_in_dim3A_298 : f32 to vector<16xf32>
      %swap3A_300 = arith.constant 3 : i32
      %swap3A_301 = arith.index_cast %swap3A_300 : i32 to index
      %swap3A_302 = arith.constant 80 : index
      %swap3A_303 = tpu.vector_load %arg8[%swap3A_301, %swap3A_302] {strides = array<i32>} : memref<8x128xf32, #tpu.memory_space<vmem>>, vector<1x16xf32>,
      %swap3A_304 = vector.shape_cast %swap3A_303 : vector<1x16xf32> to vector<16xf32>
      %swap3A_305 = vector.shape_cast %broadcast_in_dim3A_299 : vector<16xf32> to vector<1x16xf32>
      tpu.vector_store %arg8[%swap3A_301, %swap3A_302], %swap3A_305 {strides = array<i32>} : memref<8x128xf32, #tpu.memory_space<vmem>>, vector<1x16xf32>,
      %broadcast_in_dim3A_306 = arith.constant 0.000000e+00 : f32
      %broadcast_in_dim3A_307 = vector.broadcast %broadcast_in_dim3A_306 : f32 to vector<16xf32>
      %swap3A_308 = arith.constant 3 : i32
      %swap3A_309 = arith.index_cast %swap3A_308 : i32 to index
      %swap3A_310 = arith.constant 96 : index
      %swap3A_311 = tpu.vector_load %arg8[%swap3A_309, %swap3A_310] {strides = array<i32>} : memref<8x128xf32, #tpu.memory_space<vmem>>, vector<1x16xf32>,
      %swap3A_312 = vector.shape_cast %swap3A_311 : vector<1x16xf32> to vector<16xf32>
      %swap3A_313 = vector.shape_cast %broadcast_in_dim3A_307 : vector<16xf32> to vector<1x16xf32>
      tpu.vector_store %arg8[%swap3A_309, %swap3A_310], %swap3A_313 {strides = array<i32>} : memref<8x128xf32, #tpu.memory_space<vmem>>, vector<1x16xf32>,
      %broadcast_in_dim3A_314 = arith.constant 0.000000e+00 : f32
      %broadcast_in_dim3A_315 = vector.broadcast %broadcast_in_dim3A_314 : f32 to vector<16xf32>
      %swap3A_316 = arith.constant 3 : i32
      %swap3A_317 = arith.index_cast %swap3A_316 : i32 to index
      %swap3A_318 = arith.constant 112 : index
      %swap3A_319 = tpu.vector_load %arg8[%swap3A_317, %swap3A_318] {strides = array<i32>} : memref<8x128xf32, #tpu.memory_space<vmem>>, vector<1x16xf32>,
      %swap3A_320 = vector.shape_cast %swap3A_319 : vector<1x16xf32> to vector<16xf32>
      %swap3A_321 = vector.shape_cast %broadcast_in_dim3A_315 : vector<16xf32> to vector<1x16xf32>
      tpu.vector_store %arg8[%swap3A_317, %swap3A_318], %swap3A_321 {strides = array<i32>} : memref<8x128xf32, #tpu.memory_space<vmem>>, vector<1x16xf32>,
      %broadcast_in_dim3A_322 = arith.constant 0.000000e+00 : f32
      %broadcast_in_dim3A_323 = vector.broadcast %broadcast_in_dim3A_322 : f32 to vector<16xf32>
      %swap3A_324 = arith.constant 4 : i32
      %swap3A_325 = arith.index_cast %swap3A_324 : i32 to index
      %swap3A_326 = arith.constant 0 : index
      %swap3A_327 = tpu.vector_load %arg8[%swap3A_325, %swap3A_326] {strides = array<i32>} : memref<8x128xf32, #tpu.memory_space<vmem>>, vector<1x16xf32>,
      %swap3A_328 = vector.shape_cast %swap3A_327 : vector<1x16xf32> to vector<16xf32>
      %swap3A_329 = vector.shape_cast %broadcast_in_dim3A_323 : vector<16xf32> to vector<1x16xf32>
      tpu.vector_store %arg8[%swap3A_325, %swap3A_326], %swap3A_329 {strides = array<i32>} : memref<8x128xf32, #tpu.memory_space<vmem>>, vector<1x16xf32>,
      %broadcast_in_dim3A_330 = arith.constant 0.000000e+00 : f32
      %broadcast_in_dim3A_331 = vector.broadcast %broadcast_in_dim3A_330 : f32 to vector<16xf32>
      %swap3A_332 = arith.constant 4 : i32
      %swap3A_333 = arith.index_cast %swap3A_332 : i32 to index
      %swap3A_334 = arith.constant 16 : index
      %swap3A_335 = tpu.vector_load %arg8[%swap3A_333, %swap3A_334] {strides = array<i32>} : memref<8x128xf32, #tpu.memory_space<vmem>>, vector<1x16xf32>,
      %swap3A_336 = vector.shape_cast %swap3A_335 : vector<1x16xf32> to vector<16xf32>
      %swap3A_337 = vector.shape_cast %broadcast_in_dim3A_331 : vector<16xf32> to vector<1x16xf32>
      tpu.vector_store %arg8[%swap3A_333, %swap3A_334], %swap3A_337 {strides = array<i32>} : memref<8x128xf32, #tpu.memory_space<vmem>>, vector<1x16xf32>,
      %broadcast_in_dim3A_338 = arith.constant 0.000000e+00 : f32
      %broadcast_in_dim3A_339 = vector.broadcast %broadcast_in_dim3A_338 : f32 to vector<16xf32>
      %swap3A_340 = arith.constant 4 : i32
      %swap3A_341 = arith.index_cast %swap3A_340 : i32 to index
      %swap3A_342 = arith.constant 32 : index
      %swap3A_343 = tpu.vector_load %arg8[%swap3A_341, %swap3A_342] {strides = array<i32>} : memref<8x128xf32, #tpu.memory_space<vmem>>, vector<1x16xf32>,
      %swap3A_344 = vector.shape_cast %swap3A_343 : vector<1x16xf32> to vector<16xf32>
      %swap3A_345 = vector.shape_cast %broadcast_in_dim3A_339 : vector<16xf32> to vector<1x16xf32>
      tpu.vector_store %arg8[%swap3A_341, %swap3A_342], %swap3A_345 {strides = array<i32>} : memref<8x128xf32, #tpu.memory_space<vmem>>, vector<1x16xf32>,
      %broadcast_in_dim3A_346 = arith.constant 0.000000e+00 : f32
      %broadcast_in_dim3A_347 = vector.broadcast %broadcast_in_dim3A_346 : f32 to vector<16xf32>
      %swap3A_348 = arith.constant 4 : i32
      %swap3A_349 = arith.index_cast %swap3A_348 : i32 to index
      %swap3A_350 = arith.constant 48 : index
      %swap3A_351 = tpu.vector_load %arg8[%swap3A_349, %swap3A_350] {strides = array<i32>} : memref<8x128xf32, #tpu.memory_space<vmem>>, vector<1x16xf32>,
      %swap3A_352 = vector.shape_cast %swap3A_351 : vector<1x16xf32> to vector<16xf32>
      %swap3A_353 = vector.shape_cast %broadcast_in_dim3A_347 : vector<16xf32> to vector<1x16xf32>
      tpu.vector_store %arg8[%swap3A_349, %swap3A_350], %swap3A_353 {strides = array<i32>} : memref<8x128xf32, #tpu.memory_space<vmem>>, vector<1x16xf32>,
      %broadcast_in_dim3A_354 = arith.constant 0.000000e+00 : f32
      %broadcast_in_dim3A_355 = vector.broadcast %broadcast_in_dim3A_354 : f32 to vector<16xf32>
      %swap3A_356 = arith.constant 4 : i32
      %swap3A_357 = arith.index_cast %swap3A_356 : i32 to index
      %swap3A_358 = arith.constant 64 : index
      %swap3A_359 = tpu.vector_load %arg8[%swap3A_357, %swap3A_358] {strides = array<i32>} : memref<8x128xf32, #tpu.memory_space<vmem>>, vector<1x16xf32>,
      %swap3A_360 = vector.shape_cast %swap3A_359 : vector<1x16xf32> to vector<16xf32>
      %swap3A_361 = vector.shape_cast %broadcast_in_dim3A_355 : vector<16xf32> to vector<1x16xf32>
      tpu.vector_store %arg8[%swap3A_357, %swap3A_358], %swap3A_361 {strides = array<i32>} : memref<8x128xf32, #tpu.memory_space<vmem>>, vector<1x16xf32>,
      %broadcast_in_dim3A_362 = arith.constant 0.000000e+00 : f32
      %broadcast_in_dim3A_363 = vector.broadcast %broadcast_in_dim3A_362 : f32 to vector<16xf32>
      %swap3A_364 = arith.constant 4 : i32
      %swap3A_365 = arith.index_cast %swap3A_364 : i32 to index
      %swap3A_366 = arith.constant 80 : index
      %swap3A_367 = tpu.vector_load %arg8[%swap3A_365, %swap3A_366] {strides = array<i32>} : memref<8x128xf32, #tpu.memory_space<vmem>>, vector<1x16xf32>,
      %swap3A_368 = vector.shape_cast %swap3A_367 : vector<1x16xf32> to vector<16xf32>
      %swap3A_369 = vector.shape_cast %broadcast_in_dim3A_363 : vector<16xf32> to vector<1x16xf32>
      tpu.vector_store %arg8[%swap3A_365, %swap3A_366], %swap3A_369 {strides = array<i32>} : memref<8x128xf32, #tpu.memory_space<vmem>>, vector<1x16xf32>,
      %broadcast_in_dim3A_370 = arith.constant 0.000000e+00 : f32
      %broadcast_in_dim3A_371 = vector.broadcast %broadcast_in_dim3A_370 : f32 to vector<16xf32>
      %swap3A_372 = arith.constant 4 : i32
      %swap3A_373 = arith.index_cast %swap3A_372 : i32 to index
      %swap3A_374 = arith.constant 96 : index
      %swap3A_375 = tpu.vector_load %arg8[%swap3A_373, %swap3A_374] {strides = array<i32>} : memref<8x128xf32, #tpu.memory_space<vmem>>, vector<1x16xf32>,
      %swap3A_376 = vector.shape_cast %swap3A_375 : vector<1x16xf32> to vector<16xf32>
      %swap3A_377 = vector.shape_cast %broadcast_in_dim3A_371 : vector<16xf32> to vector<1x16xf32>
      tpu.vector_store %arg8[%swap3A_373, %swap3A_374], %swap3A_377 {strides = array<i32>} : memref<8x128xf32, #tpu.memory_space<vmem>>, vector<1x16xf32>,
      %broadcast_in_dim3A_378 = arith.constant 0.000000e+00 : f32
      %broadcast_in_dim3A_379 = vector.broadcast %broadcast_in_dim3A_378 : f32 to vector<16xf32>
      %swap3A_380 = arith.constant 4 : i32
      %swap3A_381 = arith.index_cast %swap3A_380 : i32 to index
      %swap3A_382 = arith.constant 112 : index
      %swap3A_383 = tpu.vector_load %arg8[%swap3A_381, %swap3A_382] {strides = array<i32>} : memref<8x128xf32, #tpu.memory_space<vmem>>, vector<1x16xf32>,
      %swap3A_384 = vector.shape_cast %swap3A_383 : vector<1x16xf32> to vector<16xf32>
      %swap3A_385 = vector.shape_cast %broadcast_in_dim3A_379 : vector<16xf32> to vector<1x16xf32>
      tpu.vector_store %arg8[%swap3A_381, %swap3A_382], %swap3A_385 {strides = array<i32>} : memref<8x128xf32, #tpu.memory_space<vmem>>, vector<1x16xf32>,
      %broadcast_in_dim3A_386 = arith.constant 0.000000e+00 : f32
      %broadcast_in_dim3A_387 = vector.broadcast %broadcast_in_dim3A_386 : f32 to vector<16xf32>
      %swap3A_388 = arith.constant 5 : i32
      %swap3A_389 = arith.index_cast %swap3A_388 : i32 to index
      %swap3A_390 = arith.constant 0 : index
      %swap3A_391 = tpu.vector_load %arg8[%swap3A_389, %swap3A_390] {strides = array<i32>} : memref<8x128xf32, #tpu.memory_space<vmem>>, vector<1x16xf32>,
      %swap3A_392 = vector.shape_cast %swap3A_391 : vector<1x16xf32> to vector<16xf32>
      %swap3A_393 = vector.shape_cast %broadcast_in_dim3A_387 : vector<16xf32> to vector<1x16xf32>
      tpu.vector_store %arg8[%swap3A_389, %swap3A_390], %swap3A_393 {strides = array<i32>} : memref<8x128xf32, #tpu.memory_space<vmem>>, vector<1x16xf32>,
      %broadcast_in_dim3A_394 = arith.constant 0.000000e+00 : f32
      %broadcast_in_dim3A_395 = vector.broadcast %broadcast_in_dim3A_394 : f32 to vector<16xf32>
      %swap3A_396 = arith.constant 5 : i32
      %swap3A_397 = arith.index_cast %swap3A_396 : i32 to index
      %swap3A_398 = arith.constant 16 : index
      %swap3A_399 = tpu.vector_load %arg8[%swap3A_397, %swap3A_398] {strides = array<i32>} : memref<8x128xf32, #tpu.memory_space<vmem>>, vector<1x16xf32>,
      %swap3A_400 = vector.shape_cast %swap3A_399 : vector<1x16xf32> to vector<16xf32>
      %swap3A_401 = vector.shape_cast %broadcast_in_dim3A_395 : vector<16xf32> to vector<1x16xf32>
      tpu.vector_store %arg8[%swap3A_397, %swap3A_398], %swap3A_401 {strides = array<i32>} : memref<8x128xf32, #tpu.memory_space<vmem>>, vector<1x16xf32>,
      %broadcast_in_dim3A_402 = arith.constant 0.000000e+00 : f32
      %broadcast_in_dim3A_403 = vector.broadcast %broadcast_in_dim3A_402 : f32 to vector<16xf32>
      %swap3A_404 = arith.constant 5 : i32
      %swap3A_405 = arith.index_cast %swap3A_404 : i32 to index
      %swap3A_406 = arith.constant 32 : index
      %swap3A_407 = tpu.vector_load %arg8[%swap3A_405, %swap3A_406] {strides = array<i32>} : memref<8x128xf32, #tpu.memory_space<vmem>>, vector<1x16xf32>,
      %swap3A_408 = vector.shape_cast %swap3A_407 : vector<1x16xf32> to vector<16xf32>
      %swap3A_409 = vector.shape_cast %broadcast_in_dim3A_403 : vector<16xf32> to vector<1x16xf32>
      tpu.vector_store %arg8[%swap3A_405, %swap3A_406], %swap3A_409 {strides = array<i32>} : memref<8x128xf32, #tpu.memory_space<vmem>>, vector<1x16xf32>,
      %broadcast_in_dim3A_410 = arith.constant 0.000000e+00 : f32
      %broadcast_in_dim3A_411 = vector.broadcast %broadcast_in_dim3A_410 : f32 to vector<16xf32>
      %swap3A_412 = arith.constant 5 : i32
      %swap3A_413 = arith.index_cast %swap3A_412 : i32 to index
      %swap3A_414 = arith.constant 48 : index
      %swap3A_415 = tpu.vector_load %arg8[%swap3A_413, %swap3A_414] {strides = array<i32>} : memref<8x128xf32, #tpu.memory_space<vmem>>, vector<1x16xf32>,
      %swap3A_416 = vector.shape_cast %swap3A_415 : vector<1x16xf32> to vector<16xf32>
      %swap3A_417 = vector.shape_cast %broadcast_in_dim3A_411 : vector<16xf32> to vector<1x16xf32>
      tpu.vector_store %arg8[%swap3A_413, %swap3A_414], %swap3A_417 {strides = array<i32>} : memref<8x128xf32, #tpu.memory_space<vmem>>, vector<1x16xf32>,
      %broadcast_in_dim3A_418 = arith.constant 0.000000e+00 : f32
      %broadcast_in_dim3A_419 = vector.broadcast %broadcast_in_dim3A_418 : f32 to vector<16xf32>
      %swap3A_420 = arith.constant 5 : i32
      %swap3A_421 = arith.index_cast %swap3A_420 : i32 to index
      %swap3A_422 = arith.constant 64 : index
      %swap3A_423 = tpu.vector_load %arg8[%swap3A_421, %swap3A_422] {strides = array<i32>} : memref<8x128xf32, #tpu.memory_space<vmem>>, vector<1x16xf32>,
      %swap3A_424 = vector.shape_cast %swap3A_423 : vector<1x16xf32> to vector<16xf32>
      %swap3A_425 = vector.shape_cast %broadcast_in_dim3A_419 : vector<16xf32> to vector<1x16xf32>
      tpu.vector_store %arg8[%swap3A_421, %swap3A_422], %swap3A_425 {strides = array<i32>} : memref<8x128xf32, #tpu.memory_space<vmem>>, vector<1x16xf32>,
      %broadcast_in_dim3A_426 = arith.constant 0.000000e+00 : f32
      %broadcast_in_dim3A_427 = vector.broadcast %broadcast_in_dim3A_426 : f32 to vector<16xf32>
      %swap3A_428 = arith.constant 5 : i32
      %swap3A_429 = arith.index_cast %swap3A_428 : i32 to index
      %swap3A_430 = arith.constant 80 : index
      %swap3A_431 = tpu.vector_load %arg8[%swap3A_429, %swap3A_430] {strides = array<i32>} : memref<8x128xf32, #tpu.memory_space<vmem>>, vector<1x16xf32>,
      %swap3A_432 = vector.shape_cast %swap3A_431 : vector<1x16xf32> to vector<16xf32>
      %swap3A_433 = vector.shape_cast %broadcast_in_dim3A_427 : vector<16xf32> to vector<1x16xf32>
      tpu.vector_store %arg8[%swap3A_429, %swap3A_430], %swap3A_433 {strides = array<i32>} : memref<8x128xf32, #tpu.memory_space<vmem>>, vector<1x16xf32>,
      %broadcast_in_dim3A_434 = arith.constant 0.000000e+00 : f32
      %broadcast_in_dim3A_435 = vector.broadcast %broadcast_in_dim3A_434 : f32 to vector<16xf32>
      %swap3A_436 = arith.constant 5 : i32
      %swap3A_437 = arith.index_cast %swap3A_436 : i32 to index
      %swap3A_438 = arith.constant 96 : index
      %swap3A_439 = tpu.vector_load %arg8[%swap3A_437, %swap3A_438] {strides = array<i32>} : memref<8x128xf32, #tpu.memory_space<vmem>>, vector<1x16xf32>,
      %swap3A_440 = vector.shape_cast %swap3A_439 : vector<1x16xf32> to vector<16xf32>
      %swap3A_441 = vector.shape_cast %broadcast_in_dim3A_435 : vector<16xf32> to vector<1x16xf32>
      tpu.vector_store %arg8[%swap3A_437, %swap3A_438], %swap3A_441 {strides = array<i32>} : memref<8x128xf32, #tpu.memory_space<vmem>>, vector<1x16xf32>,
      %broadcast_in_dim3A_442 = arith.constant 0.000000e+00 : f32
      %broadcast_in_dim3A_443 = vector.broadcast %broadcast_in_dim3A_442 : f32 to vector<16xf32>
      %swap3A_444 = arith.constant 5 : i32
      %swap3A_445 = arith.index_cast %swap3A_444 : i32 to index
      %swap3A_446 = arith.constant 112 : index
      %swap3A_447 = tpu.vector_load %arg8[%swap3A_445, %swap3A_446] {strides = array<i32>} : memref<8x128xf32, #tpu.memory_space<vmem>>, vector<1x16xf32>,
      %swap3A_448 = vector.shape_cast %swap3A_447 : vector<1x16xf32> to vector<16xf32>
      %swap3A_449 = vector.shape_cast %broadcast_in_dim3A_443 : vector<16xf32> to vector<1x16xf32>
      tpu.vector_store %arg8[%swap3A_445, %swap3A_446], %swap3A_449 {strides = array<i32>} : memref<8x128xf32, #tpu.memory_space<vmem>>, vector<1x16xf32>,
      %broadcast_in_dim3A_450 = arith.constant 0.000000e+00 : f32
      %broadcast_in_dim3A_451 = vector.broadcast %broadcast_in_dim3A_450 : f32 to vector<16xf32>
      %swap3A_452 = arith.constant 6 : i32
      %swap3A_453 = arith.index_cast %swap3A_452 : i32 to index
      %swap3A_454 = arith.constant 0 : index
      %swap3A_455 = tpu.vector_load %arg8[%swap3A_453, %swap3A_454] {strides = array<i32>} : memref<8x128xf32, #tpu.memory_space<vmem>>, vector<1x16xf32>,
      %swap3A_456 = vector.shape_cast %swap3A_455 : vector<1x16xf32> to vector<16xf32>
      %swap3A_457 = vector.shape_cast %broadcast_in_dim3A_451 : vector<16xf32> to vector<1x16xf32>
      tpu.vector_store %arg8[%swap3A_453, %swap3A_454], %swap3A_457 {strides = array<i32>} : memref<8x128xf32, #tpu.memory_space<vmem>>, vector<1x16xf32>,
      %broadcast_in_dim3A_458 = arith.constant 0.000000e+00 : f32
      %broadcast_in_dim3A_459 = vector.broadcast %broadcast_in_dim3A_458 : f32 to vector<16xf32>
      %swap3A_460 = arith.constant 6 : i32
      %swap3A_461 = arith.index_cast %swap3A_460 : i32 to index
      %swap3A_462 = arith.constant 16 : index
      %swap3A_463 = tpu.vector_load %arg8[%swap3A_461, %swap3A_462] {strides = array<i32>} : memref<8x128xf32, #tpu.memory_space<vmem>>, vector<1x16xf32>,
      %swap3A_464 = vector.shape_cast %swap3A_463 : vector<1x16xf32> to vector<16xf32>
      %swap3A_465 = vector.shape_cast %broadcast_in_dim3A_459 : vector<16xf32> to vector<1x16xf32>
      tpu.vector_store %arg8[%swap3A_461, %swap3A_462], %swap3A_465 {strides = array<i32>} : memref<8x128xf32, #tpu.memory_space<vmem>>, vector<1x16xf32>,
      %broadcast_in_dim3A_466 = arith.constant 0.000000e+00 : f32
      %broadcast_in_dim3A_467 = vector.broadcast %broadcast_in_dim3A_466 : f32 to vector<16xf32>
      %swap3A_468 = arith.constant 6 : i32
      %swap3A_469 = arith.index_cast %swap3A_468 : i32 to index
      %swap3A_470 = arith.constant 32 : index
      %swap3A_471 = tpu.vector_load %arg8[%swap3A_469, %swap3A_470] {strides = array<i32>} : memref<8x128xf32, #tpu.memory_space<vmem>>, vector<1x16xf32>,
      %swap3A_472 = vector.shape_cast %swap3A_471 : vector<1x16xf32> to vector<16xf32>
      %swap3A_473 = vector.shape_cast %broadcast_in_dim3A_467 : vector<16xf32> to vector<1x16xf32>
      tpu.vector_store %arg8[%swap3A_469, %swap3A_470], %swap3A_473 {strides = array<i32>} : memref<8x128xf32, #tpu.memory_space<vmem>>, vector<1x16xf32>,
      %broadcast_in_dim3A_474 = arith.constant 0.000000e+00 : f32
      %broadcast_in_dim3A_475 = vector.broadcast %broadcast_in_dim3A_474 : f32 to vector<16xf32>
      %swap3A_476 = arith.constant 6 : i32
      %swap3A_477 = arith.index_cast %swap3A_476 : i32 to index
      %swap3A_478 = arith.constant 48 : index
      %swap3A_479 = tpu.vector_load %arg8[%swap3A_477, %swap3A_478] {strides = array<i32>} : memref<8x128xf32, #tpu.memory_space<vmem>>, vector<1x16xf32>,
      %swap3A_480 = vector.shape_cast %swap3A_479 : vector<1x16xf32> to vector<16xf32>
      %swap3A_481 = vector.shape_cast %broadcast_in_dim3A_475 : vector<16xf32> to vector<1x16xf32>
      tpu.vector_store %arg8[%swap3A_477, %swap3A_478], %swap3A_481 {strides = array<i32>} : memref<8x128xf32, #tpu.memory_space<vmem>>, vector<1x16xf32>,
      %broadcast_in_dim3A_482 = arith.constant 0.000000e+00 : f32
      %broadcast_in_dim3A_483 = vector.broadcast %broadcast_in_dim3A_482 : f32 to vector<16xf32>
      %swap3A_484 = arith.constant 6 : i32
      %swap3A_485 = arith.index_cast %swap3A_484 : i32 to index
      %swap3A_486 = arith.constant 64 : index
      %swap3A_487 = tpu.vector_load %arg8[%swap3A_485, %swap3A_486] {strides = array<i32>} : memref<8x128xf32, #tpu.memory_space<vmem>>, vector<1x16xf32>,
      %swap3A_488 = vector.shape_cast %swap3A_487 : vector<1x16xf32> to vector<16xf32>
      %swap3A_489 = vector.shape_cast %broadcast_in_dim3A_483 : vector<16xf32> to vector<1x16xf32>
      tpu.vector_store %arg8[%swap3A_485, %swap3A_486], %swap3A_489 {strides = array<i32>} : memref<8x128xf32, #tpu.memory_space<vmem>>, vector<1x16xf32>,
      %broadcast_in_dim3A_490 = arith.constant 0.000000e+00 : f32
      %broadcast_in_dim3A_491 = vector.broadcast %broadcast_in_dim3A_490 : f32 to vector<16xf32>
      %swap3A_492 = arith.constant 6 : i32
      %swap3A_493 = arith.index_cast %swap3A_492 : i32 to index
      %swap3A_494 = arith.constant 80 : index
      %swap3A_495 = tpu.vector_load %arg8[%swap3A_493, %swap3A_494] {strides = array<i32>} : memref<8x128xf32, #tpu.memory_space<vmem>>, vector<1x16xf32>,
      %swap3A_496 = vector.shape_cast %swap3A_495 : vector<1x16xf32> to vector<16xf32>
      %swap3A_497 = vector.shape_cast %broadcast_in_dim3A_491 : vector<16xf32> to vector<1x16xf32>
      tpu.vector_store %arg8[%swap3A_493, %swap3A_494], %swap3A_497 {strides = array<i32>} : memref<8x128xf32, #tpu.memory_space<vmem>>, vector<1x16xf32>,
      %broadcast_in_dim3A_498 = arith.constant 0.000000e+00 : f32
      %broadcast_in_dim3A_499 = vector.broadcast %broadcast_in_dim3A_498 : f32 to vector<16xf32>
      %swap3A_500 = arith.constant 6 : i32
      %swap3A_501 = arith.index_cast %swap3A_500 : i32 to index
      %swap3A_502 = arith.constant 96 : index
      %swap3A_503 = tpu.vector_load %arg8[%swap3A_501, %swap3A_502] {strides = array<i32>} : memref<8x128xf32, #tpu.memory_space<vmem>>, vector<1x16xf32>,
      %swap3A_504 = vector.shape_cast %swap3A_503 : vector<1x16xf32> to vector<16xf32>
      %swap3A_505 = vector.shape_cast %broadcast_in_dim3A_499 : vector<16xf32> to vector<1x16xf32>
      tpu.vector_store %arg8[%swap3A_501, %swap3A_502], %swap3A_505 {strides = array<i32>} : memref<8x128xf32, #tpu.memory_space<vmem>>, vector<1x16xf32>,
      %broadcast_in_dim3A_506 = arith.constant 0.000000e+00 : f32
      %broadcast_in_dim3A_507 = vector.broadcast %broadcast_in_dim3A_506 : f32 to vector<16xf32>
      %swap3A_508 = arith.constant 6 : i32
      %swap3A_509 = arith.index_cast %swap3A_508 : i32 to index
      %swap3A_510 = arith.constant 112 : index
      %swap3A_511 = tpu.vector_load %arg8[%swap3A_509, %swap3A_510] {strides = array<i32>} : memref<8x128xf32, #tpu.memory_space<vmem>>, vector<1x16xf32>,
      %swap3A_512 = vector.shape_cast %swap3A_511 : vector<1x16xf32> to vector<16xf32>
      %swap3A_513 = vector.shape_cast %broadcast_in_dim3A_507 : vector<16xf32> to vector<1x16xf32>
      tpu.vector_store %arg8[%swap3A_509, %swap3A_510], %swap3A_513 {strides = array<i32>} : memref<8x128xf32, #tpu.memory_space<vmem>>, vector<1x16xf32>,
      %broadcast_in_dim3A_514 = arith.constant 0.000000e+00 : f32
      %broadcast_in_dim3A_515 = vector.broadcast %broadcast_in_dim3A_514 : f32 to vector<16xf32>
      %swap3A_516 = arith.constant 7 : i32
      %swap3A_517 = arith.index_cast %swap3A_516 : i32 to index
      %swap3A_518 = arith.constant 0 : index
      %swap3A_519 = tpu.vector_load %arg8[%swap3A_517, %swap3A_518] {strides = array<i32>} : memref<8x128xf32, #tpu.memory_space<vmem>>, vector<1x16xf32>,
      %swap3A_520 = vector.shape_cast %swap3A_519 : vector<1x16xf32> to vector<16xf32>
      %swap3A_521 = vector.shape_cast %broadcast_in_dim3A_515 : vector<16xf32> to vector<1x16xf32>
      tpu.vector_store %arg8[%swap3A_517, %swap3A_518], %swap3A_521 {strides = array<i32>} : memref<8x128xf32, #tpu.memory_space<vmem>>, vector<1x16xf32>,
      %broadcast_in_dim3A_522 = arith.constant 0.000000e+00 : f32
      %broadcast_in_dim3A_523 = vector.broadcast %broadcast_in_dim3A_522 : f32 to vector<16xf32>
      %swap3A_524 = arith.constant 7 : i32
      %swap3A_525 = arith.index_cast %swap3A_524 : i32 to index
      %swap3A_526 = arith.constant 16 : index
      %swap3A_527 = tpu.vector_load %arg8[%swap3A_525, %swap3A_526] {strides = array<i32>} : memref<8x128xf32, #tpu.memory_space<vmem>>, vector<1x16xf32>,
      %swap3A_528 = vector.shape_cast %swap3A_527 : vector<1x16xf32> to vector<16xf32>
      %swap3A_529 = vector.shape_cast %broadcast_in_dim3A_523 : vector<16xf32> to vector<1x16xf32>
      tpu.vector_store %arg8[%swap3A_525, %swap3A_526], %swap3A_529 {strides = array<i32>} : memref<8x128xf32, #tpu.memory_space<vmem>>, vector<1x16xf32>,
      %broadcast_in_dim3A_530 = arith.constant 0.000000e+00 : f32
      %broadcast_in_dim3A_531 = vector.broadcast %broadcast_in_dim3A_530 : f32 to vector<16xf32>
      %swap3A_532 = arith.constant 7 : i32
      %swap3A_533 = arith.index_cast %swap3A_532 : i32 to index
      %swap3A_534 = arith.constant 32 : index
      %swap3A_535 = tpu.vector_load %arg8[%swap3A_533, %swap3A_534] {strides = array<i32>} : memref<8x128xf32, #tpu.memory_space<vmem>>, vector<1x16xf32>,
      %swap3A_536 = vector.shape_cast %swap3A_535 : vector<1x16xf32> to vector<16xf32>
      %swap3A_537 = vector.shape_cast %broadcast_in_dim3A_531 : vector<16xf32> to vector<1x16xf32>
      tpu.vector_store %arg8[%swap3A_533, %swap3A_534], %swap3A_537 {strides = array<i32>} : memref<8x128xf32, #tpu.memory_space<vmem>>, vector<1x16xf32>,
      %broadcast_in_dim3A_538 = arith.constant 0.000000e+00 : f32
      %broadcast_in_dim3A_539 = vector.broadcast %broadcast_in_dim3A_538 : f32 to vector<16xf32>
      %swap3A_540 = arith.constant 7 : i32
      %swap3A_541 = arith.index_cast %swap3A_540 : i32 to index
      %swap3A_542 = arith.constant 48 : index
      %swap3A_543 = tpu.vector_load %arg8[%swap3A_541, %swap3A_542] {strides = array<i32>} : memref<8x128xf32, #tpu.memory_space<vmem>>, vector<1x16xf32>,
      %swap3A_544 = vector.shape_cast %swap3A_543 : vector<1x16xf32> to vector<16xf32>
      %swap3A_545 = vector.shape_cast %broadcast_in_dim3A_539 : vector<16xf32> to vector<1x16xf32>
      tpu.vector_store %arg8[%swap3A_541, %swap3A_542], %swap3A_545 {strides = array<i32>} : memref<8x128xf32, #tpu.memory_space<vmem>>, vector<1x16xf32>,
      %broadcast_in_dim3A_546 = arith.constant 0.000000e+00 : f32
      %broadcast_in_dim3A_547 = vector.broadcast %broadcast_in_dim3A_546 : f32 to vector<16xf32>
      %swap3A_548 = arith.constant 7 : i32
      %swap3A_549 = arith.index_cast %swap3A_548 : i32 to index
      %swap3A_550 = arith.constant 64 : index
      %swap3A_551 = tpu.vector_load %arg8[%swap3A_549, %swap3A_550] {strides = array<i32>} : memref<8x128xf32, #tpu.memory_space<vmem>>, vector<1x16xf32>,
      %swap3A_552 = vector.shape_cast %swap3A_551 : vector<1x16xf32> to vector<16xf32>
      %swap3A_553 = vector.shape_cast %broadcast_in_dim3A_547 : vector<16xf32> to vector<1x16xf32>
      tpu.vector_store %arg8[%swap3A_549, %swap3A_550], %swap3A_553 {strides = array<i32>} : memref<8x128xf32, #tpu.memory_space<vmem>>, vector<1x16xf32>,
      %broadcast_in_dim3A_554 = arith.constant 0.000000e+00 : f32
      %broadcast_in_dim3A_555 = vector.broadcast %broadcast_in_dim3A_554 : f32 to vector<16xf32>
      %swap3A_556 = arith.constant 7 : i32
      %swap3A_557 = arith.index_cast %swap3A_556 : i32 to index
      %swap3A_558 = arith.constant 80 : index
      %swap3A_559 = tpu.vector_load %arg8[%swap3A_557, %swap3A_558] {strides = array<i32>} : memref<8x128xf32, #tpu.memory_space<vmem>>, vector<1x16xf32>,
      %swap3A_560 = vector.shape_cast %swap3A_559 : vector<1x16xf32> to vector<16xf32>
      %swap3A_561 = vector.shape_cast %broadcast_in_dim3A_555 : vector<16xf32> to vector<1x16xf32>
      tpu.vector_store %arg8[%swap3A_557, %swap3A_558], %swap3A_561 {strides = array<i32>} : memref<8x128xf32, #tpu.memory_space<vmem>>, vector<1x16xf32>,
      %broadcast_in_dim3A_562 = arith.constant 0.000000e+00 : f32
      %broadcast_in_dim3A_563 = vector.broadcast %broadcast_in_dim3A_562 : f32 to vector<16xf32>
      %swap3A_564 = arith.constant 7 : i32
      %swap3A_565 = arith.index_cast %swap3A_564 : i32 to index
      %swap3A_566 = arith.constant 96 : index
      %swap3A_567 = tpu.vector_load %arg8[%swap3A_565, %swap3A_566] {strides = array<i32>} : memref<8x128xf32, #tpu.memory_space<vmem>>, vector<1x16xf32>,
      %swap3A_568 = vector.shape_cast %swap3A_567 : vector<1x16xf32> to vector<16xf32>
      %swap3A_569 = vector.shape_cast %broadcast_in_dim3A_563 : vector<16xf32> to vector<1x16xf32>
      tpu.vector_store %arg8[%swap3A_565, %swap3A_566], %swap3A_569 {strides = array<i32>} : memref<8x128xf32, #tpu.memory_space<vmem>>, vector<1x16xf32>,
      %broadcast_in_dim3A_570 = arith.constant 0.000000e+00 : f32
      %broadcast_in_dim3A_571 = vector.broadcast %broadcast_in_dim3A_570 : f32 to vector<16xf32>
      %swap3A_572 = arith.constant 7 : i32
      %swap3A_573 = arith.index_cast %swap3A_572 : i32 to index
      %swap3A_574 = arith.constant 112 : index
      %swap3A_575 = tpu.vector_load %arg8[%swap3A_573, %swap3A_574] {strides = array<i32>} : memref<8x128xf32, #tpu.memory_space<vmem>>, vector<1x16xf32>,
      %swap3A_576 = vector.shape_cast %swap3A_575 : vector<1x16xf32> to vector<16xf32>
      %swap3A_577 = vector.shape_cast %broadcast_in_dim3A_571 : vector<16xf32> to vector<1x16xf32>
      tpu.vector_store %arg8[%swap3A_573, %swap3A_574], %swap3A_577 {strides = array<i32>} : memref<8x128xf32, #tpu.memory_space<vmem>>, vector<1x16xf32>,
      "tpu.region"() ({
        %run_scoped3A = tpu.sem_alloc : memref<!tpu.dma_semaphore, #tpu.memory_space<semaphore_mem>>
        %dma_start3A_578 = arith.constant 10000 : i32
        %dma_start3A_579 = arith.constant 0 : i32
        %dma_start3A_580 = tpu.memref_slice %arg9[%dma_start3A_578, %dma_start3A_579] : memref<10240x128xf32, #tpu.memory_space<vmem_shared>> -> memref<8x128xf32, #tpu.memory_space<vmem_shared>>
        %dma_start3A_581 = arith.constant 10000 : i32
        %dma_start3A_582 = arith.constant 0 : i32
        %dma_start3A_583 = tpu.memref_slice %arg9[%dma_start3A_581, %dma_start3A_582] : memref<10240x128xf32, #tpu.memory_space<vmem_shared>> -> memref<8x128xf32, #tpu.memory_space<vmem_shared>>
        tpu.enqueue_dma source(%arg8 : memref<8x128xf32, #tpu.memory_space<vmem>>) target(%dma_start3A_583 : memref<8x128xf32, #tpu.memory_space<vmem_shared>>) target_semaphore(%run_scoped3A : memref<!tpu.dma_semaphore, #tpu.memory_space<semaphore_mem>>)
        %dma_wait3A_584 = arith.constant 10000 : i32
        %dma_wait3A_585 = arith.constant 0 : i32
        %dma_wait3A_586 = tpu.memref_slice %arg9[%dma_wait3A_584, %dma_wait3A_585] : memref<10240x128xf32, #tpu.memory_space<vmem_shared>> -> memref<8x128xf32, #tpu.memory_space<vmem_shared>>
        %dma_wait3A_587 = arith.constant 10000 : i32
        %dma_wait3A_588 = arith.constant 0 : i32
        %dma_wait3A_589 = tpu.memref_slice %arg9[%dma_wait3A_587, %dma_wait3A_588] : memref<10240x128xf32, #tpu.memory_space<vmem_shared>> -> memref<8x128xf32, #tpu.memory_space<vmem_shared>>
        tpu.wait_dma2 semaphore(%run_scoped3A : memref<!tpu.dma_semaphore, #tpu.memory_space<semaphore_mem>>) src(%arg8 : memref<8x128xf32, #tpu.memory_space<vmem>>) dst(%dma_wait3A_589 : memref<8x128xf32, #tpu.memory_space<vmem_shared>>)
        tpu.yield
      }) : () -> ()
    } else {
    }
    "tpu.region"() ({
      %run_scoped3A = tpu.sem_alloc : memref<!tpu.dma_semaphore, #tpu.memory_space<semaphore_mem>>
      %dma_start3A_68 = arith.constant 0 : i32
      %dma_start3A_69 = arith.constant 0 : i32
      %dma_start3A_70 = tpu.memref_slice %arg3[%add3A, %dma_start3A_68, %dma_start3A_69] : memref<32x80x128xi32, #tpu.memory_space<hbm>> -> memref<1x80x128xi32, #tpu.memory_space<hbm>>
      %dma_start3A_71 = tpu.memref_squeeze %dma_start3A_70 : memref<1x80x128xi32, #tpu.memory_space<hbm>> -> memref<80x128xi32, #tpu.memory_space<hbm>>
      %dma_start3A_72 = arith.constant 0 : i32
      %dma_start3A_73 = arith.constant 0 : i32
      %dma_start3A_74 = tpu.memref_slice %arg3[%add3A, %dma_start3A_72, %dma_start3A_73] : memref<32x80x128xi32, #tpu.memory_space<hbm>> -> memref<1x80x128xi32, #tpu.memory_space<hbm>>
      %dma_start3A_75 = tpu.memref_squeeze %dma_start3A_74 : memref<1x80x128xi32, #tpu.memory_space<hbm>> -> memref<80x128xi32, #tpu.memory_space<hbm>>
      tpu.enqueue_dma source(%dma_start3A_75 : memref<80x128xi32, #tpu.memory_space<hbm>>) target(%arg5 : memref<80x128xi32, #tpu.memory_space<vmem>>) target_semaphore(%run_scoped3A : memref<!tpu.dma_semaphore, #tpu.memory_space<semaphore_mem>>)
      %dma_wait3A_76 = arith.constant 0 : i32
      %dma_wait3A_77 = arith.constant 0 : i32
      %dma_wait3A_78 = tpu.memref_slice %arg3[%add3A, %dma_wait3A_76, %dma_wait3A_77] : memref<32x80x128xi32, #tpu.memory_space<hbm>> -> memref<1x80x128xi32, #tpu.memory_space<hbm>>
      %dma_wait3A_79 = tpu.memref_squeeze %dma_wait3A_78 : memref<1x80x128xi32, #tpu.memory_space<hbm>> -> memref<80x128xi32, #tpu.memory_space<hbm>>
      %dma_wait3A_80 = arith.constant 0 : i32
      %dma_wait3A_81 = arith.constant 0 : i32
      %dma_wait3A_82 = tpu.memref_slice %arg3[%add3A, %dma_wait3A_80, %dma_wait3A_81] : memref<32x80x128xi32, #tpu.memory_space<hbm>> -> memref<1x80x128xi32, #tpu.memory_space<hbm>>
      %dma_wait3A_83 = tpu.memref_squeeze %dma_wait3A_82 : memref<1x80x128xi32, #tpu.memory_space<hbm>> -> memref<80x128xi32, #tpu.memory_space<hbm>>
      tpu.wait_dma2 semaphore(%run_scoped3A : memref<!tpu.dma_semaphore, #tpu.memory_space<semaphore_mem>>) src(%dma_wait3A_83 : memref<80x128xi32, #tpu.memory_space<hbm>>) dst(%arg5 : memref<80x128xi32, #tpu.memory_space<vmem>>)
      tpu.yield
    }) : () -> ()
    %barrier3A = arith.constant 0 : index
    tpu.barrier barrier_id(%barrier3A)
    %dma_start3A = arith.constant 0 : i32
    %dma_start3A_12 = arith.constant 0 : i32
    %dma_start3A_13 = arith.constant 0 : i32
    %dma_start3A_14 = arith.constant 0 : i32
    %dma_start3A_15 = tpu.memref_slice %arg6[%dma_start3A_12, %dma_start3A_13, %dma_start3A_14] : memref<2x128x128xf32, #tpu.memory_space<vmem>> -> memref<1x128x128xf32, #tpu.memory_space<vmem>>
    %dma_start3A_16 = tpu.memref_squeeze %dma_start3A_15 : memref<1x128x128xf32, #tpu.memory_space<vmem>> -> memref<128x128xf32, #tpu.memory_space<vmem>>
    %dma_start3A_17 = arith.constant 0 : i32
    %dma_start3A_18 = tpu.memref_slice %arg5[%dma_start3A, %dma_start3A_17] : memref<80x128xi32, #tpu.memory_space<vmem>> -> memref<1x128xi32, #tpu.memory_space<vmem>>
    %dma_start3A_19 = tpu.memref_squeeze %dma_start3A_18 : memref<1x128xi32, #tpu.memory_space<vmem>> -> memref<128xi32, #tpu.memory_space<vmem>>
    %dma_start3A_20 = arith.constant 0 : i32
    %dma_start3A_21 = arith.constant 0 : i32
    %dma_start3A_22 = tpu.memref_slice %arg9[%dma_start3A_20, %dma_start3A_21] : memref<10240x128xf32, #tpu.memory_space<vmem_shared>> -> memref<10240x128xf32, #tpu.memory_space<vmem_shared>>
    tpu.enqueue_indirect_dma source(%dma_start3A_22 : memref<10240x128xf32, #tpu.memory_space<vmem_shared>>) target(%dma_start3A_16 : memref<128x128xf32, #tpu.memory_space<vmem>>) offsets(%dma_start3A_19 : memref<128xi32, #tpu.memory_space<vmem>>) semaphore(%arg10 : memref<!tpu.dma_semaphore, #tpu.memory_space<semaphore_mem>>)
    %dma_start3A_23 = arith.constant 1 : i32
    %dma_start3A_24 = arith.constant 1 : i32
    %dma_start3A_25 = arith.constant 0 : i32
    %dma_start3A_26 = arith.constant 0 : i32
    %dma_start3A_27 = tpu.memref_slice %arg6[%dma_start3A_24, %dma_start3A_25, %dma_start3A_26] : memref<2x128x128xf32, #tpu.memory_space<vmem>> -> memref<1x128x128xf32, #tpu.memory_space<vmem>>
    %dma_start3A_28 = tpu.memref_squeeze %dma_start3A_27 : memref<1x128x128xf32, #tpu.memory_space<vmem>> -> memref<128x128xf32, #tpu.memory_space<vmem>>
    %dma_start3A_29 = arith.constant 0 : i32
    %dma_start3A_30 = tpu.memref_slice %arg5[%dma_start3A_23, %dma_start3A_29] : memref<80x128xi32, #tpu.memory_space<vmem>> -> memref<1x128xi32, #tpu.memory_space<vmem>>
    %dma_start3A_31 = tpu.memref_squeeze %dma_start3A_30 : memref<1x128xi32, #tpu.memory_space<vmem>> -> memref<128xi32, #tpu.memory_space<vmem>>
    %dma_start3A_32 = arith.constant 0 : i32
    %dma_start3A_33 = arith.constant 0 : i32
    %dma_start3A_34 = tpu.memref_slice %arg9[%dma_start3A_32, %dma_start3A_33] : memref<10240x128xf32, #tpu.memory_space<vmem_shared>> -> memref<10240x128xf32, #tpu.memory_space<vmem_shared>>
    tpu.enqueue_indirect_dma source(%dma_start3A_34 : memref<10240x128xf32, #tpu.memory_space<vmem_shared>>) target(%dma_start3A_28 : memref<128x128xf32, #tpu.memory_space<vmem>>) offsets(%dma_start3A_31 : memref<128xi32, #tpu.memory_space<vmem>>) semaphore(%arg11 : memref<!tpu.dma_semaphore, #tpu.memory_space<semaphore_mem>>)
    %mul3A_35 = arith.constant 320 : i32
    %mul3A_36 = arith.muli %add3A, %mul3A_35 : i32
    %scan3A = arith.constant 0 : i32
    %scan3A_37 = arith.constant 0 : i32
    %scan3A_38 = arith.constant 40 : i32
    %scan3A_39 = arith.addi %scan3A_37, %scan3A_38 : i32
    %scan3A_40 = arith.constant 1 : i32
    %scan3A_41 = scf.for %scan3A_68 = %scan3A_37 to %scan3A_39 step %scan3A_40 iter_args(%scan3A_69 = %scan3A) -> (i32)  : i32 {
      %mul3A_70 = arith.constant 2 : i32
      %mul3A_71 = arith.muli %scan3A_68, %mul3A_70 : i32
      %add3A_72 = arith.constant 0 : i32
      %add3A_73 = arith.addi %mul3A_71, %add3A_72 : i32
      %dma_wait3A_74 = arith.constant 0 : i32
      %dma_wait3A_75 = arith.constant 0 : i32
      %dma_wait3A_76 = arith.constant 0 : i32
      %dma_wait3A_77 = tpu.memref_slice %arg6[%dma_wait3A_74, %dma_wait3A_75, %dma_wait3A_76] : memref<2x128x128xf32, #tpu.memory_space<vmem>> -> memref<1x128x128xf32, #tpu.memory_space<vmem>>
      %dma_wait3A_78 = tpu.memref_squeeze %dma_wait3A_77 : memref<1x128x128xf32, #tpu.memory_space<vmem>> -> memref<128x128xf32, #tpu.memory_space<vmem>>
      %dma_wait3A_79 = arith.constant 0 : i32
      %dma_wait3A_80 = tpu.memref_slice %arg5[%add3A_73, %dma_wait3A_79] : memref<80x128xi32, #tpu.memory_space<vmem>> -> memref<1x128xi32, #tpu.memory_space<vmem>>
      %dma_wait3A_81 = tpu.memref_squeeze %dma_wait3A_80 : memref<1x128xi32, #tpu.memory_space<vmem>> -> memref<128xi32, #tpu.memory_space<vmem>>
      %dma_wait3A_82 = arith.constant 0 : i32
      %dma_wait3A_83 = arith.constant 0 : i32
      %dma_wait3A_84 = tpu.memref_slice %arg9[%dma_wait3A_82, %dma_wait3A_83] : memref<10240x128xf32, #tpu.memory_space<vmem_shared>> -> memref<10240x128xf32, #tpu.memory_space<vmem_shared>>
      tpu.wait_indirect_dma semaphore(%arg10 : memref<!tpu.dma_semaphore, #tpu.memory_space<semaphore_mem>>) src(%dma_wait3A_84 : memref<10240x128xf32, #tpu.memory_space<vmem_shared>>) dst(%dma_wait3A_78 : memref<128x128xf32, #tpu.memory_space<vmem>>)
      %ge3A = arith.constant 2 : i32
      %ge3A_85 = arith.cmpi sge, %add3A_73, %ge3A : i32
      %convert_element_type3A_86 = arith.extui %ge3A_85 : i1 to i32
      %cond3A_87 = arith.constant 0 : i32
      %cond3A_88 = arith.cmpi ne, %convert_element_type3A_86, %cond3A_87 : i32
      scf.if %cond3A_88 {
        %dma_wait3A_841 = arith.constant 0 : i32
        %dma_wait3A_842 = arith.constant 0 : i32
        %dma_wait3A_843 = arith.constant 0 : i32
        %dma_wait3A_844 = tpu.memref_slice %arg7[%dma_wait3A_841, %dma_wait3A_842, %dma_wait3A_843] : memref<2x4x128xf32, #tpu.memory_space<vmem>> -> memref<1x4x128xf32, #tpu.memory_space<vmem>>
        %dma_wait3A_845 = tpu.memref_squeeze %dma_wait3A_844 : memref<1x4x128xf32, #tpu.memory_space<vmem>> -> memref<4x128xf32, #tpu.memory_space<vmem>>
        %dma_wait3A_846 = arith.constant 0 : i32
        %dma_wait3A_847 = tpu.memref_slice %arg4[%mul3A_36, %dma_wait3A_846] : memref<10240x128xf32, #tpu.memory_space<hbm>> -> memref<4x128xf32, #tpu.memory_space<hbm>>
        %dma_wait3A_848 = arith.constant 0 : i32
        %dma_wait3A_849 = tpu.memref_slice %arg4[%mul3A_36, %dma_wait3A_848] : memref<10240x128xf32, #tpu.memory_space<hbm>> -> memref<4x128xf32, #tpu.memory_space<hbm>>
        %dma_wait3A_850 = arith.constant 0 : i32
        %dma_wait3A_851 = arith.constant 0 : i32
        %dma_wait3A_852 = tpu.memref_slice %arg7[%dma_wait3A_841, %dma_wait3A_850, %dma_wait3A_851] : memref<2x4x128xf32, #tpu.memory_space<vmem>> -> memref<1x4x128xf32, #tpu.memory_space<vmem>>
        %dma_wait3A_853 = tpu.memref_squeeze %dma_wait3A_852 : memref<1x4x128xf32, #tpu.memory_space<vmem>> -> memref<4x128xf32, #tpu.memory_space<vmem>>
        tpu.wait_dma2 semaphore(%arg12 : memref<!tpu.dma_semaphore, #tpu.memory_space<semaphore_mem>>) src(%dma_wait3A_853 : memref<4x128xf32, #tpu.memory_space<vmem>>) dst(%dma_wait3A_849 : memref<4x128xf32, #tpu.memory_space<hbm>>)
      } else {
      }
      %broadcast_in_dim3A = arith.constant 0.000000e+00 : f32
      %broadcast_in_dim3A_89 = vector.broadcast %broadcast_in_dim3A : f32 to vector<16xf32>
      %broadcast_in_dim3A_90 = arith.constant 0.000000e+00 : f32
      %broadcast_in_dim3A_91 = vector.broadcast %broadcast_in_dim3A_90 : f32 to vector<16xf32>
      %broadcast_in_dim3A_92 = arith.constant 0.000000e+00 : f32
      %broadcast_in_dim3A_93 = vector.broadcast %broadcast_in_dim3A_92 : f32 to vector<16xf32>
      %broadcast_in_dim3A_94 = arith.constant 0.000000e+00 : f32
      %broadcast_in_dim3A_95 = vector.broadcast %broadcast_in_dim3A_94 : f32 to vector<16xf32>
      %broadcast_in_dim3A_96 = arith.constant 0.000000e+00 : f32
      %broadcast_in_dim3A_97 = vector.broadcast %broadcast_in_dim3A_96 : f32 to vector<16xf32>
      %broadcast_in_dim3A_98 = arith.constant 0.000000e+00 : f32
      %broadcast_in_dim3A_99 = vector.broadcast %broadcast_in_dim3A_98 : f32 to vector<16xf32>
      %broadcast_in_dim3A_100 = arith.constant 0.000000e+00 : f32
      %broadcast_in_dim3A_101 = vector.broadcast %broadcast_in_dim3A_100 : f32 to vector<16xf32>
      %broadcast_in_dim3A_102 = arith.constant 0.000000e+00 : f32
      %broadcast_in_dim3A_103 = vector.broadcast %broadcast_in_dim3A_102 : f32 to vector<16xf32>
      %scan3A_104 = arith.constant 0 : i32
      %scan3A_105 = arith.constant 8 : i32
      %scan3A_106 = arith.addi %scan3A_104, %scan3A_105 : i32
      %scan3A_107 = arith.constant 1 : i32
      %scan3A_108:8 = scf.for %scan3A_841 = %scan3A_104 to %scan3A_106 step %scan3A_107 iter_args(%scan3A_842 = %broadcast_in_dim3A_89, %scan3A_843 = %broadcast_in_dim3A_91, %scan3A_844 = %broadcast_in_dim3A_93, %scan3A_845 = %broadcast_in_dim3A_95, %scan3A_846 = %broadcast_in_dim3A_97, %scan3A_847 = %broadcast_in_dim3A_99, %scan3A_848 = %broadcast_in_dim3A_101, %scan3A_849 = %broadcast_in_dim3A_103) -> (vector<16xf32>, vector<16xf32>, vector<16xf32>, vector<16xf32>, vector<16xf32>, vector<16xf32>, vector<16xf32>, vector<16xf32>)  : i32 {
        %mul3A_850 = arith.constant 4 : i32
        %mul3A_851 = arith.muli %scan3A_841, %mul3A_850 : i32
        %add3A_852 = arith.constant 0 : i32
        %add3A_853 = arith.addi %add3A_852, %mul3A_851 : i32
        %add3A_854 = arith.constant 0 : i32
        %add3A_855 = arith.addi %add3A_853, %add3A_854 : i32
        %get3A = arith.constant 0 : i32
        %get3A_856 = arith.index_cast %get3A : i32 to index
        %get3A_857 = arith.index_cast %add3A_855 : i32 to index
        %get3A_858 = arith.constant 0 : index
        %get3A_859 = tpu.vector_load %arg6[%get3A_856, %get3A_857, %get3A_858] {strides = array<i32>} : memref<2x128x128xf32, #tpu.memory_space<vmem>>, vector<1x1x16xf32>,
        %get3A_860 = vector.shape_cast %get3A_859 : vector<1x1x16xf32> to vector<16xf32>
        %add3A_861 = arith.addf %scan3A_842, %get3A_860 : vector<16xf32>
        %add3A_862 = arith.constant 0 : i32
        %add3A_863 = arith.addi %add3A_853, %add3A_862 : i32
        %get3A_864 = arith.constant 0 : i32
        %get3A_865 = arith.index_cast %get3A_864 : i32 to index
        %get3A_866 = arith.index_cast %add3A_863 : i32 to index
        %get3A_867 = arith.constant 16 : index
        %get3A_868 = tpu.vector_load %arg6[%get3A_865, %get3A_866, %get3A_867] {strides = array<i32>} : memref<2x128x128xf32, #tpu.memory_space<vmem>>, vector<1x1x16xf32>,
        %get3A_869 = vector.shape_cast %get3A_868 : vector<1x1x16xf32> to vector<16xf32>
        %add3A_870 = arith.addf %scan3A_843, %get3A_869 : vector<16xf32>
        %add3A_871 = arith.constant 0 : i32
        %add3A_872 = arith.addi %add3A_853, %add3A_871 : i32
        %get3A_873 = arith.constant 0 : i32
        %get3A_874 = arith.index_cast %get3A_873 : i32 to index
        %get3A_875 = arith.index_cast %add3A_872 : i32 to index
        %get3A_876 = arith.constant 32 : index
        %get3A_877 = tpu.vector_load %arg6[%get3A_874, %get3A_875, %get3A_876] {strides = array<i32>} : memref<2x128x128xf32, #tpu.memory_space<vmem>>, vector<1x1x16xf32>,
        %get3A_878 = vector.shape_cast %get3A_877 : vector<1x1x16xf32> to vector<16xf32>
        %add3A_879 = arith.addf %scan3A_844, %get3A_878 : vector<16xf32>
        %add3A_880 = arith.constant 0 : i32
        %add3A_881 = arith.addi %add3A_853, %add3A_880 : i32
        %get3A_882 = arith.constant 0 : i32
        %get3A_883 = arith.index_cast %get3A_882 : i32 to index
        %get3A_884 = arith.index_cast %add3A_881 : i32 to index
        %get3A_885 = arith.constant 48 : index
        %get3A_886 = tpu.vector_load %arg6[%get3A_883, %get3A_884, %get3A_885] {strides = array<i32>} : memref<2x128x128xf32, #tpu.memory_space<vmem>>, vector<1x1x16xf32>,
        %get3A_887 = vector.shape_cast %get3A_886 : vector<1x1x16xf32> to vector<16xf32>
        %add3A_888 = arith.addf %scan3A_845, %get3A_887 : vector<16xf32>
        %add3A_889 = arith.constant 0 : i32
        %add3A_890 = arith.addi %add3A_853, %add3A_889 : i32
        %get3A_891 = arith.constant 0 : i32
        %get3A_892 = arith.index_cast %get3A_891 : i32 to index
        %get3A_893 = arith.index_cast %add3A_890 : i32 to index
        %get3A_894 = arith.constant 64 : index
        %get3A_895 = tpu.vector_load %arg6[%get3A_892, %get3A_893, %get3A_894] {strides = array<i32>} : memref<2x128x128xf32, #tpu.memory_space<vmem>>, vector<1x1x16xf32>,
        %get3A_896 = vector.shape_cast %get3A_895 : vector<1x1x16xf32> to vector<16xf32>
        %add3A_897 = arith.addf %scan3A_846, %get3A_896 : vector<16xf32>
        %add3A_898 = arith.constant 0 : i32
        %add3A_899 = arith.addi %add3A_853, %add3A_898 : i32
        %get3A_900 = arith.constant 0 : i32
        %get3A_901 = arith.index_cast %get3A_900 : i32 to index
        %get3A_902 = arith.index_cast %add3A_899 : i32 to index
        %get3A_903 = arith.constant 80 : index
        %get3A_904 = tpu.vector_load %arg6[%get3A_901, %get3A_902, %get3A_903] {strides = array<i32>} : memref<2x128x128xf32, #tpu.memory_space<vmem>>, vector<1x1x16xf32>,
        %get3A_905 = vector.shape_cast %get3A_904 : vector<1x1x16xf32> to vector<16xf32>
        %add3A_906 = arith.addf %scan3A_847, %get3A_905 : vector<16xf32>
        %add3A_907 = arith.constant 0 : i32
        %add3A_908 = arith.addi %add3A_853, %add3A_907 : i32
        %get3A_909 = arith.constant 0 : i32
        %get3A_910 = arith.index_cast %get3A_909 : i32 to index
        %get3A_911 = arith.index_cast %add3A_908 : i32 to index
        %get3A_912 = arith.constant 96 : index
        %get3A_913 = tpu.vector_load %arg6[%get3A_910, %get3A_911, %get3A_912] {strides = array<i32>} : memref<2x128x128xf32, #tpu.memory_space<vmem>>, vector<1x1x16xf32>,
        %get3A_914 = vector.shape_cast %get3A_913 : vector<1x1x16xf32> to vector<16xf32>
        %add3A_915 = arith.addf %scan3A_848, %get3A_914 : vector<16xf32>
        %add3A_916 = arith.constant 0 : i32
        %add3A_917 = arith.addi %add3A_853, %add3A_916 : i32
        %get3A_918 = arith.constant 0 : i32
        %get3A_919 = arith.index_cast %get3A_918 : i32 to index
        %get3A_920 = arith.index_cast %add3A_917 : i32 to index
        %get3A_921 = arith.constant 112 : index
        %get3A_922 = tpu.vector_load %arg6[%get3A_919, %get3A_920, %get3A_921] {strides = array<i32>} : memref<2x128x128xf32, #tpu.memory_space<vmem>>, vector<1x1x16xf32>,
        %get3A_923 = vector.shape_cast %get3A_922 : vector<1x1x16xf32> to vector<16xf32>
        %add3A_924 = arith.addf %scan3A_849, %get3A_923 : vector<16xf32>
        %add3A_925 = arith.constant 1 : i32
        %add3A_926 = arith.addi %add3A_853, %add3A_925 : i32
        %get3A_927 = arith.constant 0 : i32
        %get3A_928 = arith.index_cast %get3A_927 : i32 to index
        %get3A_929 = arith.index_cast %add3A_926 : i32 to index
        %get3A_930 = arith.constant 0 : index
        %get3A_931 = tpu.vector_load %arg6[%get3A_928, %get3A_929, %get3A_930] {strides = array<i32>} : memref<2x128x128xf32, #tpu.memory_space<vmem>>, vector<1x1x16xf32>,
        %get3A_932 = vector.shape_cast %get3A_931 : vector<1x1x16xf32> to vector<16xf32>
        %add3A_933 = arith.addf %add3A_861, %get3A_932 : vector<16xf32>
        %add3A_934 = arith.constant 1 : i32
        %add3A_935 = arith.addi %add3A_853, %add3A_934 : i32
        %get3A_936 = arith.constant 0 : i32
        %get3A_937 = arith.index_cast %get3A_936 : i32 to index
        %get3A_938 = arith.index_cast %add3A_935 : i32 to index
        %get3A_939 = arith.constant 16 : index
        %get3A_940 = tpu.vector_load %arg6[%get3A_937, %get3A_938, %get3A_939] {strides = array<i32>} : memref<2x128x128xf32, #tpu.memory_space<vmem>>, vector<1x1x16xf32>,
        %get3A_941 = vector.shape_cast %get3A_940 : vector<1x1x16xf32> to vector<16xf32>
        %add3A_942 = arith.addf %add3A_870, %get3A_941 : vector<16xf32>
        %add3A_943 = arith.constant 1 : i32
        %add3A_944 = arith.addi %add3A_853, %add3A_943 : i32
        %get3A_945 = arith.constant 0 : i32
        %get3A_946 = arith.index_cast %get3A_945 : i32 to index
        %get3A_947 = arith.index_cast %add3A_944 : i32 to index
        %get3A_948 = arith.constant 32 : index
        %get3A_949 = tpu.vector_load %arg6[%get3A_946, %get3A_947, %get3A_948] {strides = array<i32>} : memref<2x128x128xf32, #tpu.memory_space<vmem>>, vector<1x1x16xf32>,
        %get3A_950 = vector.shape_cast %get3A_949 : vector<1x1x16xf32> to vector<16xf32>
        %add3A_951 = arith.addf %add3A_879, %get3A_950 : vector<16xf32>
        %add3A_952 = arith.constant 1 : i32
        %add3A_953 = arith.addi %add3A_853, %add3A_952 : i32
        %get3A_954 = arith.constant 0 : i32
        %get3A_955 = arith.index_cast %get3A_954 : i32 to index
        %get3A_956 = arith.index_cast %add3A_953 : i32 to index
        %get3A_957 = arith.constant 48 : index
        %get3A_958 = tpu.vector_load %arg6[%get3A_955, %get3A_956, %get3A_957] {strides = array<i32>} : memref<2x128x128xf32, #tpu.memory_space<vmem>>, vector<1x1x16xf32>,
        %get3A_959 = vector.shape_cast %get3A_958 : vector<1x1x16xf32> to vector<16xf32>
        %add3A_960 = arith.addf %add3A_888, %get3A_959 : vector<16xf32>
        %add3A_961 = arith.constant 1 : i32
        %add3A_962 = arith.addi %add3A_853, %add3A_961 : i32
        %get3A_963 = arith.constant 0 : i32
        %get3A_964 = arith.index_cast %get3A_963 : i32 to index
        %get3A_965 = arith.index_cast %add3A_962 : i32 to index
        %get3A_966 = arith.constant 64 : index
        %get3A_967 = tpu.vector_load %arg6[%get3A_964, %get3A_965, %get3A_966] {strides = array<i32>} : memref<2x128x128xf32, #tpu.memory_space<vmem>>, vector<1x1x16xf32>,
        %get3A_968 = vector.shape_cast %get3A_967 : vector<1x1x16xf32> to vector<16xf32>
        %add3A_969 = arith.addf %add3A_897, %get3A_968 : vector<16xf32>
        %add3A_970 = arith.constant 1 : i32
        %add3A_971 = arith.addi %add3A_853, %add3A_970 : i32
        %get3A_972 = arith.constant 0 : i32
        %get3A_973 = arith.index_cast %get3A_972 : i32 to index
        %get3A_974 = arith.index_cast %add3A_971 : i32 to index
        %get3A_975 = arith.constant 80 : index
        %get3A_976 = tpu.vector_load %arg6[%get3A_973, %get3A_974, %get3A_975] {strides = array<i32>} : memref<2x128x128xf32, #tpu.memory_space<vmem>>, vector<1x1x16xf32>,
        %get3A_977 = vector.shape_cast %get3A_976 : vector<1x1x16xf32> to vector<16xf32>
        %add3A_978 = arith.addf %add3A_906, %get3A_977 : vector<16xf32>
        %add3A_979 = arith.constant 1 : i32
        %add3A_980 = arith.addi %add3A_853, %add3A_979 : i32
        %get3A_981 = arith.constant 0 : i32
        %get3A_982 = arith.index_cast %get3A_981 : i32 to index
        %get3A_983 = arith.index_cast %add3A_980 : i32 to index
        %get3A_984 = arith.constant 96 : index
        %get3A_985 = tpu.vector_load %arg6[%get3A_982, %get3A_983, %get3A_984] {strides = array<i32>} : memref<2x128x128xf32, #tpu.memory_space<vmem>>, vector<1x1x16xf32>,
        %get3A_986 = vector.shape_cast %get3A_985 : vector<1x1x16xf32> to vector<16xf32>
        %add3A_987 = arith.addf %add3A_915, %get3A_986 : vector<16xf32>
        %add3A_988 = arith.constant 1 : i32
        %add3A_989 = arith.addi %add3A_853, %add3A_988 : i32
        %get3A_990 = arith.constant 0 : i32
        %get3A_991 = arith.index_cast %get3A_990 : i32 to index
        %get3A_992 = arith.index_cast %add3A_989 : i32 to index
        %get3A_993 = arith.constant 112 : index
        %get3A_994 = tpu.vector_load %arg6[%get3A_991, %get3A_992, %get3A_993] {strides = array<i32>} : memref<2x128x128xf32, #tpu.memory_space<vmem>>, vector<1x1x16xf32>,
        %get3A_995 = vector.shape_cast %get3A_994 : vector<1x1x16xf32> to vector<16xf32>
        %add3A_996 = arith.addf %add3A_924, %get3A_995 : vector<16xf32>
        %add3A_997 = arith.constant 2 : i32
        %add3A_998 = arith.addi %add3A_853, %add3A_997 : i32
        %get3A_999 = arith.constant 0 : i32
        %get3A_1000 = arith.index_cast %get3A_999 : i32 to index
        %get3A_1001 = arith.index_cast %add3A_998 : i32 to index
        %get3A_1002 = arith.constant 0 : index
        %get3A_1003 = tpu.vector_load %arg6[%get3A_1000, %get3A_1001, %get3A_1002] {strides = array<i32>} : memref<2x128x128xf32, #tpu.memory_space<vmem>>, vector<1x1x16xf32>,
        %get3A_1004 = vector.shape_cast %get3A_1003 : vector<1x1x16xf32> to vector<16xf32>
        %add3A_1005 = arith.addf %add3A_933, %get3A_1004 : vector<16xf32>
        %add3A_1006 = arith.constant 2 : i32
        %add3A_1007 = arith.addi %add3A_853, %add3A_1006 : i32
        %get3A_1008 = arith.constant 0 : i32
        %get3A_1009 = arith.index_cast %get3A_1008 : i32 to index
        %get3A_1010 = arith.index_cast %add3A_1007 : i32 to index
        %get3A_1011 = arith.constant 16 : index
        %get3A_1012 = tpu.vector_load %arg6[%get3A_1009, %get3A_1010, %get3A_1011] {strides = array<i32>} : memref<2x128x128xf32, #tpu.memory_space<vmem>>, vector<1x1x16xf32>,
        %get3A_1013 = vector.shape_cast %get3A_1012 : vector<1x1x16xf32> to vector<16xf32>
        %add3A_1014 = arith.addf %add3A_942, %get3A_1013 : vector<16xf32>
        %add3A_1015 = arith.constant 2 : i32
        %add3A_1016 = arith.addi %add3A_853, %add3A_1015 : i32
        %get3A_1017 = arith.constant 0 : i32
        %get3A_1018 = arith.index_cast %get3A_1017 : i32 to index
        %get3A_1019 = arith.index_cast %add3A_1016 : i32 to index
        %get3A_1020 = arith.constant 32 : index
        %get3A_1021 = tpu.vector_load %arg6[%get3A_1018, %get3A_1019, %get3A_1020] {strides = array<i32>} : memref<2x128x128xf32, #tpu.memory_space<vmem>>, vector<1x1x16xf32>,
        %get3A_1022 = vector.shape_cast %get3A_1021 : vector<1x1x16xf32> to vector<16xf32>
        %add3A_1023 = arith.addf %add3A_951, %get3A_1022 : vector<16xf32>
        %add3A_1024 = arith.constant 2 : i32
        %add3A_1025 = arith.addi %add3A_853, %add3A_1024 : i32
        %get3A_1026 = arith.constant 0 : i32
        %get3A_1027 = arith.index_cast %get3A_1026 : i32 to index
        %get3A_1028 = arith.index_cast %add3A_1025 : i32 to index
        %get3A_1029 = arith.constant 48 : index
        %get3A_1030 = tpu.vector_load %arg6[%get3A_1027, %get3A_1028, %get3A_1029] {strides = array<i32>} : memref<2x128x128xf32, #tpu.memory_space<vmem>>, vector<1x1x16xf32>,
        %get3A_1031 = vector.shape_cast %get3A_1030 : vector<1x1x16xf32> to vector<16xf32>
        %add3A_1032 = arith.addf %add3A_960, %get3A_1031 : vector<16xf32>
        %add3A_1033 = arith.constant 2 : i32
        %add3A_1034 = arith.addi %add3A_853, %add3A_1033 : i32
        %get3A_1035 = arith.constant 0 : i32
        %get3A_1036 = arith.index_cast %get3A_1035 : i32 to index
        %get3A_1037 = arith.index_cast %add3A_1034 : i32 to index
        %get3A_1038 = arith.constant 64 : index
        %get3A_1039 = tpu.vector_load %arg6[%get3A_1036, %get3A_1037, %get3A_1038] {strides = array<i32>} : memref<2x128x128xf32, #tpu.memory_space<vmem>>, vector<1x1x16xf32>,
        %get3A_1040 = vector.shape_cast %get3A_1039 : vector<1x1x16xf32> to vector<16xf32>
        %add3A_1041 = arith.addf %add3A_969, %get3A_1040 : vector<16xf32>
        %add3A_1042 = arith.constant 2 : i32
        %add3A_1043 = arith.addi %add3A_853, %add3A_1042 : i32
        %get3A_1044 = arith.constant 0 : i32
        %get3A_1045 = arith.index_cast %get3A_1044 : i32 to index
        %get3A_1046 = arith.index_cast %add3A_1043 : i32 to index
        %get3A_1047 = arith.constant 80 : index
        %get3A_1048 = tpu.vector_load %arg6[%get3A_1045, %get3A_1046, %get3A_1047] {strides = array<i32>} : memref<2x128x128xf32, #tpu.memory_space<vmem>>, vector<1x1x16xf32>,
        %get3A_1049 = vector.shape_cast %get3A_1048 : vector<1x1x16xf32> to vector<16xf32>
        %add3A_1050 = arith.addf %add3A_978, %get3A_1049 : vector<16xf32>
        %add3A_1051 = arith.constant 2 : i32
        %add3A_1052 = arith.addi %add3A_853, %add3A_1051 : i32
        %get3A_1053 = arith.constant 0 : i32
        %get3A_1054 = arith.index_cast %get3A_1053 : i32 to index
        %get3A_1055 = arith.index_cast %add3A_1052 : i32 to index
        %get3A_1056 = arith.constant 96 : index
        %get3A_1057 = tpu.vector_load %arg6[%get3A_1054, %get3A_1055, %get3A_1056] {strides = array<i32>} : memref<2x128x128xf32, #tpu.memory_space<vmem>>, vector<1x1x16xf32>,
        %get3A_1058 = vector.shape_cast %get3A_1057 : vector<1x1x16xf32> to vector<16xf32>
        %add3A_1059 = arith.addf %add3A_987, %get3A_1058 : vector<16xf32>
        %add3A_1060 = arith.constant 2 : i32
        %add3A_1061 = arith.addi %add3A_853, %add3A_1060 : i32
        %get3A_1062 = arith.constant 0 : i32
        %get3A_1063 = arith.index_cast %get3A_1062 : i32 to index
        %get3A_1064 = arith.index_cast %add3A_1061 : i32 to index
        %get3A_1065 = arith.constant 112 : index
        %get3A_1066 = tpu.vector_load %arg6[%get3A_1063, %get3A_1064, %get3A_1065] {strides = array<i32>} : memref<2x128x128xf32, #tpu.memory_space<vmem>>, vector<1x1x16xf32>,
        %get3A_1067 = vector.shape_cast %get3A_1066 : vector<1x1x16xf32> to vector<16xf32>
        %add3A_1068 = arith.addf %add3A_996, %get3A_1067 : vector<16xf32>
        %add3A_1069 = arith.constant 3 : i32
        %add3A_1070 = arith.addi %add3A_853, %add3A_1069 : i32
        %get3A_1071 = arith.constant 0 : i32
        %get3A_1072 = arith.index_cast %get3A_1071 : i32 to index
        %get3A_1073 = arith.index_cast %add3A_1070 : i32 to index
        %get3A_1074 = arith.constant 0 : index
        %get3A_1075 = tpu.vector_load %arg6[%get3A_1072, %get3A_1073, %get3A_1074] {strides = array<i32>} : memref<2x128x128xf32, #tpu.memory_space<vmem>>, vector<1x1x16xf32>,
        %get3A_1076 = vector.shape_cast %get3A_1075 : vector<1x1x16xf32> to vector<16xf32>
        %add3A_1077 = arith.addf %add3A_1005, %get3A_1076 : vector<16xf32>
        %add3A_1078 = arith.constant 3 : i32
        %add3A_1079 = arith.addi %add3A_853, %add3A_1078 : i32
        %get3A_1080 = arith.constant 0 : i32
        %get3A_1081 = arith.index_cast %get3A_1080 : i32 to index
        %get3A_1082 = arith.index_cast %add3A_1079 : i32 to index
        %get3A_1083 = arith.constant 16 : index
        %get3A_1084 = tpu.vector_load %arg6[%get3A_1081, %get3A_1082, %get3A_1083] {strides = array<i32>} : memref<2x128x128xf32, #tpu.memory_space<vmem>>, vector<1x1x16xf32>,
        %get3A_1085 = vector.shape_cast %get3A_1084 : vector<1x1x16xf32> to vector<16xf32>
        %add3A_1086 = arith.addf %add3A_1014, %get3A_1085 : vector<16xf32>
        %add3A_1087 = arith.constant 3 : i32
        %add3A_1088 = arith.addi %add3A_853, %add3A_1087 : i32
        %get3A_1089 = arith.constant 0 : i32
        %get3A_1090 = arith.index_cast %get3A_1089 : i32 to index
        %get3A_1091 = arith.index_cast %add3A_1088 : i32 to index
        %get3A_1092 = arith.constant 32 : index
        %get3A_1093 = tpu.vector_load %arg6[%get3A_1090, %get3A_1091, %get3A_1092] {strides = array<i32>} : memref<2x128x128xf32, #tpu.memory_space<vmem>>, vector<1x1x16xf32>,
        %get3A_1094 = vector.shape_cast %get3A_1093 : vector<1x1x16xf32> to vector<16xf32>
        %add3A_1095 = arith.addf %add3A_1023, %get3A_1094 : vector<16xf32>
        %add3A_1096 = arith.constant 3 : i32
        %add3A_1097 = arith.addi %add3A_853, %add3A_1096 : i32
        %get3A_1098 = arith.constant 0 : i32
        %get3A_1099 = arith.index_cast %get3A_1098 : i32 to index
        %get3A_1100 = arith.index_cast %add3A_1097 : i32 to index
        %get3A_1101 = arith.constant 48 : index
        %get3A_1102 = tpu.vector_load %arg6[%get3A_1099, %get3A_1100, %get3A_1101] {strides = array<i32>} : memref<2x128x128xf32, #tpu.memory_space<vmem>>, vector<1x1x16xf32>,
        %get3A_1103 = vector.shape_cast %get3A_1102 : vector<1x1x16xf32> to vector<16xf32>
        %add3A_1104 = arith.addf %add3A_1032, %get3A_1103 : vector<16xf32>
        %add3A_1105 = arith.constant 3 : i32
        %add3A_1106 = arith.addi %add3A_853, %add3A_1105 : i32
        %get3A_1107 = arith.constant 0 : i32
        %get3A_1108 = arith.index_cast %get3A_1107 : i32 to index
        %get3A_1109 = arith.index_cast %add3A_1106 : i32 to index
        %get3A_1110 = arith.constant 64 : index
        %get3A_1111 = tpu.vector_load %arg6[%get3A_1108, %get3A_1109, %get3A_1110] {strides = array<i32>} : memref<2x128x128xf32, #tpu.memory_space<vmem>>, vector<1x1x16xf32>,
        %get3A_1112 = vector.shape_cast %get3A_1111 : vector<1x1x16xf32> to vector<16xf32>
        %add3A_1113 = arith.addf %add3A_1041, %get3A_1112 : vector<16xf32>
        %add3A_1114 = arith.constant 3 : i32
        %add3A_1115 = arith.addi %add3A_853, %add3A_1114 : i32
        %get3A_1116 = arith.constant 0 : i32
        %get3A_1117 = arith.index_cast %get3A_1116 : i32 to index
        %get3A_1118 = arith.index_cast %add3A_1115 : i32 to index
        %get3A_1119 = arith.constant 80 : index
        %get3A_1120 = tpu.vector_load %arg6[%get3A_1117, %get3A_1118, %get3A_1119] {strides = array<i32>} : memref<2x128x128xf32, #tpu.memory_space<vmem>>, vector<1x1x16xf32>,
        %get3A_1121 = vector.shape_cast %get3A_1120 : vector<1x1x16xf32> to vector<16xf32>
        %add3A_1122 = arith.addf %add3A_1050, %get3A_1121 : vector<16xf32>
        %add3A_1123 = arith.constant 3 : i32
        %add3A_1124 = arith.addi %add3A_853, %add3A_1123 : i32
        %get3A_1125 = arith.constant 0 : i32
        %get3A_1126 = arith.index_cast %get3A_1125 : i32 to index
        %get3A_1127 = arith.index_cast %add3A_1124 : i32 to index
        %get3A_1128 = arith.constant 96 : index
        %get3A_1129 = tpu.vector_load %arg6[%get3A_1126, %get3A_1127, %get3A_1128] {strides = array<i32>} : memref<2x128x128xf32, #tpu.memory_space<vmem>>, vector<1x1x16xf32>,
        %get3A_1130 = vector.shape_cast %get3A_1129 : vector<1x1x16xf32> to vector<16xf32>
        %add3A_1131 = arith.addf %add3A_1059, %get3A_1130 : vector<16xf32>
        %add3A_1132 = arith.constant 3 : i32
        %add3A_1133 = arith.addi %add3A_853, %add3A_1132 : i32
        %get3A_1134 = arith.constant 0 : i32
        %get3A_1135 = arith.index_cast %get3A_1134 : i32 to index
        %get3A_1136 = arith.index_cast %add3A_1133 : i32 to index
        %get3A_1137 = arith.constant 112 : index
        %get3A_1138 = tpu.vector_load %arg6[%get3A_1135, %get3A_1136, %get3A_1137] {strides = array<i32>} : memref<2x128x128xf32, #tpu.memory_space<vmem>>, vector<1x1x16xf32>,
        %get3A_1139 = vector.shape_cast %get3A_1138 : vector<1x1x16xf32> to vector<16xf32>
        %add3A_1140 = arith.addf %add3A_1068, %get3A_1139 : vector<16xf32>
        scf.yield %add3A_1077, %add3A_1086, %add3A_1095, %add3A_1104, %add3A_1113, %add3A_1122, %add3A_1131, %add3A_1140 : vector<16xf32>, vector<16xf32>, vector<16xf32>, vector<16xf32>, vector<16xf32>, vector<16xf32>, vector<16xf32>, vector<16xf32>
      }
      %scan3A_109 = arith.constant 8 : i32
      %swap3A = arith.constant 0 : i32
      %swap3A_110 = arith.constant 0 : i32
      %swap3A_111 = arith.index_cast %swap3A : i32 to index
      %swap3A_112 = arith.index_cast %swap3A_110 : i32 to index
      %swap3A_113 = arith.constant 0 : index
      %swap3A_114 = tpu.vector_load %arg7[%swap3A_111, %swap3A_112, %swap3A_113] {strides = array<i32>} : memref<2x4x128xf32, #tpu.memory_space<vmem>>, vector<1x1x16xf32>,
      %swap3A_115 = vector.shape_cast %swap3A_114 : vector<1x1x16xf32> to vector<16xf32>
      %swap3A_116 = vector.shape_cast %scan3A_108#0 : vector<16xf32> to vector<1x1x16xf32>
      tpu.vector_store %arg7[%swap3A_111, %swap3A_112, %swap3A_113], %swap3A_116 {strides = array<i32>} : memref<2x4x128xf32, #tpu.memory_space<vmem>>, vector<1x1x16xf32>,
      %swap3A_117 = arith.constant 0 : i32
      %swap3A_118 = arith.constant 0 : i32
      %swap3A_119 = arith.index_cast %swap3A_117 : i32 to index
      %swap3A_120 = arith.index_cast %swap3A_118 : i32 to index
      %swap3A_121 = arith.constant 16 : index
      %swap3A_122 = tpu.vector_load %arg7[%swap3A_119, %swap3A_120, %swap3A_121] {strides = array<i32>} : memref<2x4x128xf32, #tpu.memory_space<vmem>>, vector<1x1x16xf32>,
      %swap3A_123 = vector.shape_cast %swap3A_122 : vector<1x1x16xf32> to vector<16xf32>
      %swap3A_124 = vector.shape_cast %scan3A_108#1 : vector<16xf32> to vector<1x1x16xf32>
      tpu.vector_store %arg7[%swap3A_119, %swap3A_120, %swap3A_121], %swap3A_124 {strides = array<i32>} : memref<2x4x128xf32, #tpu.memory_space<vmem>>, vector<1x1x16xf32>,
      %swap3A_125 = arith.constant 0 : i32
      %swap3A_126 = arith.constant 0 : i32
      %swap3A_127 = arith.index_cast %swap3A_125 : i32 to index
      %swap3A_128 = arith.index_cast %swap3A_126 : i32 to index
      %swap3A_129 = arith.constant 32 : index
      %swap3A_130 = tpu.vector_load %arg7[%swap3A_127, %swap3A_128, %swap3A_129] {strides = array<i32>} : memref<2x4x128xf32, #tpu.memory_space<vmem>>, vector<1x1x16xf32>,
      %swap3A_131 = vector.shape_cast %swap3A_130 : vector<1x1x16xf32> to vector<16xf32>
      %swap3A_132 = vector.shape_cast %scan3A_108#2 : vector<16xf32> to vector<1x1x16xf32>
      tpu.vector_store %arg7[%swap3A_127, %swap3A_128, %swap3A_129], %swap3A_132 {strides = array<i32>} : memref<2x4x128xf32, #tpu.memory_space<vmem>>, vector<1x1x16xf32>,
      %swap3A_133 = arith.constant 0 : i32
      %swap3A_134 = arith.constant 0 : i32
      %swap3A_135 = arith.index_cast %swap3A_133 : i32 to index
      %swap3A_136 = arith.index_cast %swap3A_134 : i32 to index
      %swap3A_137 = arith.constant 48 : index
      %swap3A_138 = tpu.vector_load %arg7[%swap3A_135, %swap3A_136, %swap3A_137] {strides = array<i32>} : memref<2x4x128xf32, #tpu.memory_space<vmem>>, vector<1x1x16xf32>,
      %swap3A_139 = vector.shape_cast %swap3A_138 : vector<1x1x16xf32> to vector<16xf32>
      %swap3A_140 = vector.shape_cast %scan3A_108#3 : vector<16xf32> to vector<1x1x16xf32>
      tpu.vector_store %arg7[%swap3A_135, %swap3A_136, %swap3A_137], %swap3A_140 {strides = array<i32>} : memref<2x4x128xf32, #tpu.memory_space<vmem>>, vector<1x1x16xf32>,
      %swap3A_141 = arith.constant 0 : i32
      %swap3A_142 = arith.constant 0 : i32
      %swap3A_143 = arith.index_cast %swap3A_141 : i32 to index
      %swap3A_144 = arith.index_cast %swap3A_142 : i32 to index
      %swap3A_145 = arith.constant 64 : index
      %swap3A_146 = tpu.vector_load %arg7[%swap3A_143, %swap3A_144, %swap3A_145] {strides = array<i32>} : memref<2x4x128xf32, #tpu.memory_space<vmem>>, vector<1x1x16xf32>,
      %swap3A_147 = vector.shape_cast %swap3A_146 : vector<1x1x16xf32> to vector<16xf32>
      %swap3A_148 = vector.shape_cast %scan3A_108#4 : vector<16xf32> to vector<1x1x16xf32>
      tpu.vector_store %arg7[%swap3A_143, %swap3A_144, %swap3A_145], %swap3A_148 {strides = array<i32>} : memref<2x4x128xf32, #tpu.memory_space<vmem>>, vector<1x1x16xf32>,
      %swap3A_149 = arith.constant 0 : i32
      %swap3A_150 = arith.constant 0 : i32
      %swap3A_151 = arith.index_cast %swap3A_149 : i32 to index
      %swap3A_152 = arith.index_cast %swap3A_150 : i32 to index
      %swap3A_153 = arith.constant 80 : index
      %swap3A_154 = tpu.vector_load %arg7[%swap3A_151, %swap3A_152, %swap3A_153] {strides = array<i32>} : memref<2x4x128xf32, #tpu.memory_space<vmem>>, vector<1x1x16xf32>,
      %swap3A_155 = vector.shape_cast %swap3A_154 : vector<1x1x16xf32> to vector<16xf32>
      %swap3A_156 = vector.shape_cast %scan3A_108#5 : vector<16xf32> to vector<1x1x16xf32>
      tpu.vector_store %arg7[%swap3A_151, %swap3A_152, %swap3A_153], %swap3A_156 {strides = array<i32>} : memref<2x4x128xf32, #tpu.memory_space<vmem>>, vector<1x1x16xf32>,
      %swap3A_157 = arith.constant 0 : i32
      %swap3A_158 = arith.constant 0 : i32
      %swap3A_159 = arith.index_cast %swap3A_157 : i32 to index
      %swap3A_160 = arith.index_cast %swap3A_158 : i32 to index
      %swap3A_161 = arith.constant 96 : index
      %swap3A_162 = tpu.vector_load %arg7[%swap3A_159, %swap3A_160, %swap3A_161] {strides = array<i32>} : memref<2x4x128xf32, #tpu.memory_space<vmem>>, vector<1x1x16xf32>,
      %swap3A_163 = vector.shape_cast %swap3A_162 : vector<1x1x16xf32> to vector<16xf32>
      %swap3A_164 = vector.shape_cast %scan3A_108#6 : vector<16xf32> to vector<1x1x16xf32>
      tpu.vector_store %arg7[%swap3A_159, %swap3A_160, %swap3A_161], %swap3A_164 {strides = array<i32>} : memref<2x4x128xf32, #tpu.memory_space<vmem>>, vector<1x1x16xf32>,
      %swap3A_165 = arith.constant 0 : i32
      %swap3A_166 = arith.constant 0 : i32
      %swap3A_167 = arith.index_cast %swap3A_165 : i32 to index
      %swap3A_168 = arith.index_cast %swap3A_166 : i32 to index
      %swap3A_169 = arith.constant 112 : index
      %swap3A_170 = tpu.vector_load %arg7[%swap3A_167, %swap3A_168, %swap3A_169] {strides = array<i32>} : memref<2x4x128xf32, #tpu.memory_space<vmem>>, vector<1x1x16xf32>,
      %swap3A_171 = vector.shape_cast %swap3A_170 : vector<1x1x16xf32> to vector<16xf32>
      %swap3A_172 = vector.shape_cast %scan3A_108#7 : vector<16xf32> to vector<1x1x16xf32>
      tpu.vector_store %arg7[%swap3A_167, %swap3A_168, %swap3A_169], %swap3A_172 {strides = array<i32>} : memref<2x4x128xf32, #tpu.memory_space<vmem>>, vector<1x1x16xf32>,
      %broadcast_in_dim3A_173 = arith.constant 0.000000e+00 : f32
      %broadcast_in_dim3A_174 = vector.broadcast %broadcast_in_dim3A_173 : f32 to vector<16xf32>
      %broadcast_in_dim3A_175 = arith.constant 0.000000e+00 : f32
      %broadcast_in_dim3A_176 = vector.broadcast %broadcast_in_dim3A_175 : f32 to vector<16xf32>
      %broadcast_in_dim3A_177 = arith.constant 0.000000e+00 : f32
      %broadcast_in_dim3A_178 = vector.broadcast %broadcast_in_dim3A_177 : f32 to vector<16xf32>
      %broadcast_in_dim3A_179 = arith.constant 0.000000e+00 : f32
      %broadcast_in_dim3A_180 = vector.broadcast %broadcast_in_dim3A_179 : f32 to vector<16xf32>
      %broadcast_in_dim3A_181 = arith.constant 0.000000e+00 : f32
      %broadcast_in_dim3A_182 = vector.broadcast %broadcast_in_dim3A_181 : f32 to vector<16xf32>
      %broadcast_in_dim3A_183 = arith.constant 0.000000e+00 : f32
      %broadcast_in_dim3A_184 = vector.broadcast %broadcast_in_dim3A_183 : f32 to vector<16xf32>
      %broadcast_in_dim3A_185 = arith.constant 0.000000e+00 : f32
      %broadcast_in_dim3A_186 = vector.broadcast %broadcast_in_dim3A_185 : f32 to vector<16xf32>
      %broadcast_in_dim3A_187 = arith.constant 0.000000e+00 : f32
      %broadcast_in_dim3A_188 = vector.broadcast %broadcast_in_dim3A_187 : f32 to vector<16xf32>
      %scan3A_189 = arith.constant 0 : i32
      %scan3A_190 = arith.constant 8 : i32
      %scan3A_191 = arith.addi %scan3A_189, %scan3A_190 : i32
      %scan3A_192 = arith.constant 1 : i32
      %scan3A_193:8 = scf.for %scan3A_841 = %scan3A_189 to %scan3A_191 step %scan3A_192 iter_args(%scan3A_842 = %broadcast_in_dim3A_174, %scan3A_843 = %broadcast_in_dim3A_176, %scan3A_844 = %broadcast_in_dim3A_178, %scan3A_845 = %broadcast_in_dim3A_180, %scan3A_846 = %broadcast_in_dim3A_182, %scan3A_847 = %broadcast_in_dim3A_184, %scan3A_848 = %broadcast_in_dim3A_186, %scan3A_849 = %broadcast_in_dim3A_188) -> (vector<16xf32>, vector<16xf32>, vector<16xf32>, vector<16xf32>, vector<16xf32>, vector<16xf32>, vector<16xf32>, vector<16xf32>)  : i32 {
        %mul3A_850 = arith.constant 4 : i32
        %mul3A_851 = arith.muli %scan3A_841, %mul3A_850 : i32
        %add3A_852 = arith.constant 32 : i32
        %add3A_853 = arith.addi %add3A_852, %mul3A_851 : i32
        %add3A_854 = arith.constant 0 : i32
        %add3A_855 = arith.addi %add3A_853, %add3A_854 : i32
        %get3A = arith.constant 0 : i32
        %get3A_856 = arith.index_cast %get3A : i32 to index
        %get3A_857 = arith.index_cast %add3A_855 : i32 to index
        %get3A_858 = arith.constant 0 : index
        %get3A_859 = tpu.vector_load %arg6[%get3A_856, %get3A_857, %get3A_858] {strides = array<i32>} : memref<2x128x128xf32, #tpu.memory_space<vmem>>, vector<1x1x16xf32>,
        %get3A_860 = vector.shape_cast %get3A_859 : vector<1x1x16xf32> to vector<16xf32>
        %add3A_861 = arith.addf %scan3A_842, %get3A_860 : vector<16xf32>
        %add3A_862 = arith.constant 0 : i32
        %add3A_863 = arith.addi %add3A_853, %add3A_862 : i32
        %get3A_864 = arith.constant 0 : i32
        %get3A_865 = arith.index_cast %get3A_864 : i32 to index
        %get3A_866 = arith.index_cast %add3A_863 : i32 to index
        %get3A_867 = arith.constant 16 : index
        %get3A_868 = tpu.vector_load %arg6[%get3A_865, %get3A_866, %get3A_867] {strides = array<i32>} : memref<2x128x128xf32, #tpu.memory_space<vmem>>, vector<1x1x16xf32>,
        %get3A_869 = vector.shape_cast %get3A_868 : vector<1x1x16xf32> to vector<16xf32>
        %add3A_870 = arith.addf %scan3A_843, %get3A_869 : vector<16xf32>
        %add3A_871 = arith.constant 0 : i32
        %add3A_872 = arith.addi %add3A_853, %add3A_871 : i32
        %get3A_873 = arith.constant 0 : i32
        %get3A_874 = arith.index_cast %get3A_873 : i32 to index
        %get3A_875 = arith.index_cast %add3A_872 : i32 to index
        %get3A_876 = arith.constant 32 : index
        %get3A_877 = tpu.vector_load %arg6[%get3A_874, %get3A_875, %get3A_876] {strides = array<i32>} : memref<2x128x128xf32, #tpu.memory_space<vmem>>, vector<1x1x16xf32>,
        %get3A_878 = vector.shape_cast %get3A_877 : vector<1x1x16xf32> to vector<16xf32>
        %add3A_879 = arith.addf %scan3A_844, %get3A_878 : vector<16xf32>
        %add3A_880 = arith.constant 0 : i32
        %add3A_881 = arith.addi %add3A_853, %add3A_880 : i32
        %get3A_882 = arith.constant 0 : i32
        %get3A_883 = arith.index_cast %get3A_882 : i32 to index
        %get3A_884 = arith.index_cast %add3A_881 : i32 to index
        %get3A_885 = arith.constant 48 : index
        %get3A_886 = tpu.vector_load %arg6[%get3A_883, %get3A_884, %get3A_885] {strides = array<i32>} : memref<2x128x128xf32, #tpu.memory_space<vmem>>, vector<1x1x16xf32>,
        %get3A_887 = vector.shape_cast %get3A_886 : vector<1x1x16xf32> to vector<16xf32>
        %add3A_888 = arith.addf %scan3A_845, %get3A_887 : vector<16xf32>
        %add3A_889 = arith.constant 0 : i32
        %add3A_890 = arith.addi %add3A_853, %add3A_889 : i32
        %get3A_891 = arith.constant 0 : i32
        %get3A_892 = arith.index_cast %get3A_891 : i32 to index
        %get3A_893 = arith.index_cast %add3A_890 : i32 to index
        %get3A_894 = arith.constant 64 : index
        %get3A_895 = tpu.vector_load %arg6[%get3A_892, %get3A_893, %get3A_894] {strides = array<i32>} : memref<2x128x128xf32, #tpu.memory_space<vmem>>, vector<1x1x16xf32>,
        %get3A_896 = vector.shape_cast %get3A_895 : vector<1x1x16xf32> to vector<16xf32>
        %add3A_897 = arith.addf %scan3A_846, %get3A_896 : vector<16xf32>
        %add3A_898 = arith.constant 0 : i32
        %add3A_899 = arith.addi %add3A_853, %add3A_898 : i32
        %get3A_900 = arith.constant 0 : i32
        %get3A_901 = arith.index_cast %get3A_900 : i32 to index
        %get3A_902 = arith.index_cast %add3A_899 : i32 to index
        %get3A_903 = arith.constant 80 : index
        %get3A_904 = tpu.vector_load %arg6[%get3A_901, %get3A_902, %get3A_903] {strides = array<i32>} : memref<2x128x128xf32, #tpu.memory_space<vmem>>, vector<1x1x16xf32>,
        %get3A_905 = vector.shape_cast %get3A_904 : vector<1x1x16xf32> to vector<16xf32>
        %add3A_906 = arith.addf %scan3A_847, %get3A_905 : vector<16xf32>
        %add3A_907 = arith.constant 0 : i32
        %add3A_908 = arith.addi %add3A_853, %add3A_907 : i32
        %get3A_909 = arith.constant 0 : i32
        %get3A_910 = arith.index_cast %get3A_909 : i32 to index
        %get3A_911 = arith.index_cast %add3A_908 : i32 to index
        %get3A_912 = arith.constant 96 : index
        %get3A_913 = tpu.vector_load %arg6[%get3A_910, %get3A_911, %get3A_912] {strides = array<i32>} : memref<2x128x128xf32, #tpu.memory_space<vmem>>, vector<1x1x16xf32>,
        %get3A_914 = vector.shape_cast %get3A_913 : vector<1x1x16xf32> to vector<16xf32>
        %add3A_915 = arith.addf %scan3A_848, %get3A_914 : vector<16xf32>
        %add3A_916 = arith.constant 0 : i32
        %add3A_917 = arith.addi %add3A_853, %add3A_916 : i32
        %get3A_918 = arith.constant 0 : i32
        %get3A_919 = arith.index_cast %get3A_918 : i32 to index
        %get3A_920 = arith.index_cast %add3A_917 : i32 to index
        %get3A_921 = arith.constant 112 : index
        %get3A_922 = tpu.vector_load %arg6[%get3A_919, %get3A_920, %get3A_921] {strides = array<i32>} : memref<2x128x128xf32, #tpu.memory_space<vmem>>, vector<1x1x16xf32>,
        %get3A_923 = vector.shape_cast %get3A_922 : vector<1x1x16xf32> to vector<16xf32>
        %add3A_924 = arith.addf %scan3A_849, %get3A_923 : vector<16xf32>
        %add3A_925 = arith.constant 1 : i32
        %add3A_926 = arith.addi %add3A_853, %add3A_925 : i32
        %get3A_927 = arith.constant 0 : i32
        %get3A_928 = arith.index_cast %get3A_927 : i32 to index
        %get3A_929 = arith.index_cast %add3A_926 : i32 to index
        %get3A_930 = arith.constant 0 : index
        %get3A_931 = tpu.vector_load %arg6[%get3A_928, %get3A_929, %get3A_930] {strides = array<i32>} : memref<2x128x128xf32, #tpu.memory_space<vmem>>, vector<1x1x16xf32>,
        %get3A_932 = vector.shape_cast %get3A_931 : vector<1x1x16xf32> to vector<16xf32>
        %add3A_933 = arith.addf %add3A_861, %get3A_932 : vector<16xf32>
        %add3A_934 = arith.constant 1 : i32
        %add3A_935 = arith.addi %add3A_853, %add3A_934 : i32
        %get3A_936 = arith.constant 0 : i32
        %get3A_937 = arith.index_cast %get3A_936 : i32 to index
        %get3A_938 = arith.index_cast %add3A_935 : i32 to index
        %get3A_939 = arith.constant 16 : index
        %get3A_940 = tpu.vector_load %arg6[%get3A_937, %get3A_938, %get3A_939] {strides = array<i32>} : memref<2x128x128xf32, #tpu.memory_space<vmem>>, vector<1x1x16xf32>,
        %get3A_941 = vector.shape_cast %get3A_940 : vector<1x1x16xf32> to vector<16xf32>
        %add3A_942 = arith.addf %add3A_870, %get3A_941 : vector<16xf32>
        %add3A_943 = arith.constant 1 : i32
        %add3A_944 = arith.addi %add3A_853, %add3A_943 : i32
        %get3A_945 = arith.constant 0 : i32
        %get3A_946 = arith.index_cast %get3A_945 : i32 to index
        %get3A_947 = arith.index_cast %add3A_944 : i32 to index
        %get3A_948 = arith.constant 32 : index
        %get3A_949 = tpu.vector_load %arg6[%get3A_946, %get3A_947, %get3A_948] {strides = array<i32>} : memref<2x128x128xf32, #tpu.memory_space<vmem>>, vector<1x1x16xf32>,
        %get3A_950 = vector.shape_cast %get3A_949 : vector<1x1x16xf32> to vector<16xf32>
        %add3A_951 = arith.addf %add3A_879, %get3A_950 : vector<16xf32>
        %add3A_952 = arith.constant 1 : i32
        %add3A_953 = arith.addi %add3A_853, %add3A_952 : i32
        %get3A_954 = arith.constant 0 : i32
        %get3A_955 = arith.index_cast %get3A_954 : i32 to index
        %get3A_956 = arith.index_cast %add3A_953 : i32 to index
        %get3A_957 = arith.constant 48 : index
        %get3A_958 = tpu.vector_load %arg6[%get3A_955, %get3A_956, %get3A_957] {strides = array<i32>} : memref<2x128x128xf32, #tpu.memory_space<vmem>>, vector<1x1x16xf32>,
        %get3A_959 = vector.shape_cast %get3A_958 : vector<1x1x16xf32> to vector<16xf32>
        %add3A_960 = arith.addf %add3A_888, %get3A_959 : vector<16xf32>
        %add3A_961 = arith.constant 1 : i32
        %add3A_962 = arith.addi %add3A_853, %add3A_961 : i32
        %get3A_963 = arith.constant 0 : i32
        %get3A_964 = arith.index_cast %get3A_963 : i32 to index
        %get3A_965 = arith.index_cast %add3A_962 : i32 to index
        %get3A_966 = arith.constant 64 : index
        %get3A_967 = tpu.vector_load %arg6[%get3A_964, %get3A_965, %get3A_966] {strides = array<i32>} : memref<2x128x128xf32, #tpu.memory_space<vmem>>, vector<1x1x16xf32>,
        %get3A_968 = vector.shape_cast %get3A_967 : vector<1x1x16xf32> to vector<16xf32>
        %add3A_969 = arith.addf %add3A_897, %get3A_968 : vector<16xf32>
        %add3A_970 = arith.constant 1 : i32
        %add3A_971 = arith.addi %add3A_853, %add3A_970 : i32
        %get3A_972 = arith.constant 0 : i32
        %get3A_973 = arith.index_cast %get3A_972 : i32 to index
        %get3A_974 = arith.index_cast %add3A_971 : i32 to index
        %get3A_975 = arith.constant 80 : index
        %get3A_976 = tpu.vector_load %arg6[%get3A_973, %get3A_974, %get3A_975] {strides = array<i32>} : memref<2x128x128xf32, #tpu.memory_space<vmem>>, vector<1x1x16xf32>,
        %get3A_977 = vector.shape_cast %get3A_976 : vector<1x1x16xf32> to vector<16xf32>
        %add3A_978 = arith.addf %add3A_906, %get3A_977 : vector<16xf32>
        %add3A_979 = arith.constant 1 : i32
        %add3A_980 = arith.addi %add3A_853, %add3A_979 : i32
        %get3A_981 = arith.constant 0 : i32
        %get3A_982 = arith.index_cast %get3A_981 : i32 to index
        %get3A_983 = arith.index_cast %add3A_980 : i32 to index
        %get3A_984 = arith.constant 96 : index
        %get3A_985 = tpu.vector_load %arg6[%get3A_982, %get3A_983, %get3A_984] {strides = array<i32>} : memref<2x128x128xf32, #tpu.memory_space<vmem>>, vector<1x1x16xf32>,
        %get3A_986 = vector.shape_cast %get3A_985 : vector<1x1x16xf32> to vector<16xf32>
        %add3A_987 = arith.addf %add3A_915, %get3A_986 : vector<16xf32>
        %add3A_988 = arith.constant 1 : i32
        %add3A_989 = arith.addi %add3A_853, %add3A_988 : i32
        %get3A_990 = arith.constant 0 : i32
        %get3A_991 = arith.index_cast %get3A_990 : i32 to index
        %get3A_992 = arith.index_cast %add3A_989 : i32 to index
        %get3A_993 = arith.constant 112 : index
        %get3A_994 = tpu.vector_load %arg6[%get3A_991, %get3A_992, %get3A_993] {strides = array<i32>} : memref<2x128x128xf32, #tpu.memory_space<vmem>>, vector<1x1x16xf32>,
        %get3A_995 = vector.shape_cast %get3A_994 : vector<1x1x16xf32> to vector<16xf32>
        %add3A_996 = arith.addf %add3A_924, %get3A_995 : vector<16xf32>
        %add3A_997 = arith.constant 2 : i32
        %add3A_998 = arith.addi %add3A_853, %add3A_997 : i32
        %get3A_999 = arith.constant 0 : i32
        %get3A_1000 = arith.index_cast %get3A_999 : i32 to index
        %get3A_1001 = arith.index_cast %add3A_998 : i32 to index
        %get3A_1002 = arith.constant 0 : index
        %get3A_1003 = tpu.vector_load %arg6[%get3A_1000, %get3A_1001, %get3A_1002] {strides = array<i32>} : memref<2x128x128xf32, #tpu.memory_space<vmem>>, vector<1x1x16xf32>,
        %get3A_1004 = vector.shape_cast %get3A_1003 : vector<1x1x16xf32> to vector<16xf32>
        %add3A_1005 = arith.addf %add3A_933, %get3A_1004 : vector<16xf32>
        %add3A_1006 = arith.constant 2 : i32
        %add3A_1007 = arith.addi %add3A_853, %add3A_1006 : i32
        %get3A_1008 = arith.constant 0 : i32
        %get3A_1009 = arith.index_cast %get3A_1008 : i32 to index
        %get3A_1010 = arith.index_cast %add3A_1007 : i32 to index
        %get3A_1011 = arith.constant 16 : index
        %get3A_1012 = tpu.vector_load %arg6[%get3A_1009, %get3A_1010, %get3A_1011] {strides = array<i32>} : memref<2x128x128xf32, #tpu.memory_space<vmem>>, vector<1x1x16xf32>,
        %get3A_1013 = vector.shape_cast %get3A_1012 : vector<1x1x16xf32> to vector<16xf32>
        %add3A_1014 = arith.addf %add3A_942, %get3A_1013 : vector<16xf32>
        %add3A_1015 = arith.constant 2 : i32
        %add3A_1016 = arith.addi %add3A_853, %add3A_1015 : i32
        %get3A_1017 = arith.constant 0 : i32
        %get3A_1018 = arith.index_cast %get3A_1017 : i32 to index
        %get3A_1019 = arith.index_cast %add3A_1016 : i32 to index
        %get3A_1020 = arith.constant 32 : index
        %get3A_1021 = tpu.vector_load %arg6[%get3A_1018, %get3A_1019, %get3A_1020] {strides = array<i32>} : memref<2x128x128xf32, #tpu.memory_space<vmem>>, vector<1x1x16xf32>,
        %get3A_1022 = vector.shape_cast %get3A_1021 : vector<1x1x16xf32> to vector<16xf32>
        %add3A_1023 = arith.addf %add3A_951, %get3A_1022 : vector<16xf32>
        %add3A_1024 = arith.constant 2 : i32
        %add3A_1025 = arith.addi %add3A_853, %add3A_1024 : i32
        %get3A_1026 = arith.constant 0 : i32
        %get3A_1027 = arith.index_cast %get3A_1026 : i32 to index
        %get3A_1028 = arith.index_cast %add3A_1025 : i32 to index
        %get3A_1029 = arith.constant 48 : index
        %get3A_1030 = tpu.vector_load %arg6[%get3A_1027, %get3A_1028, %get3A_1029] {strides = array<i32>} : memref<2x128x128xf32, #tpu.memory_space<vmem>>, vector<1x1x16xf32>,
        %get3A_1031 = vector.shape_cast %get3A_1030 : vector<1x1x16xf32> to vector<16xf32>
        %add3A_1032 = arith.addf %add3A_960, %get3A_1031 : vector<16xf32>
        %add3A_1033 = arith.constant 2 : i32
        %add3A_1034 = arith.addi %add3A_853, %add3A_1033 : i32
        %get3A_1035 = arith.constant 0 : i32
        %get3A_1036 = arith.index_cast %get3A_1035 : i32 to index
        %get3A_1037 = arith.index_cast %add3A_1034 : i32 to index
        %get3A_1038 = arith.constant 64 : index
        %get3A_1039 = tpu.vector_load %arg6[%get3A_1036, %get3A_1037, %get3A_1038] {strides = array<i32>} : memref<2x128x128xf32, #tpu.memory_space<vmem>>, vector<1x1x16xf32>,
        %get3A_1040 = vector.shape_cast %get3A_1039 : vector<1x1x16xf32> to vector<16xf32>
        %add3A_1041 = arith.addf %add3A_969, %get3A_1040 : vector<16xf32>
        %add3A_1042 = arith.constant 2 : i32
        %add3A_1043 = arith.addi %add3A_853, %add3A_1042 : i32
        %get3A_1044 = arith.constant 0 : i32
        %get3A_1045 = arith.index_cast %get3A_1044 : i32 to index
        %get3A_1046 = arith.index_cast %add3A_1043 : i32 to index
        %get3A_1047 = arith.constant 80 : index
        %get3A_1048 = tpu.vector_load %arg6[%get3A_1045, %get3A_1046, %get3A_1047] {strides = array<i32>} : memref<2x128x128xf32, #tpu.memory_space<vmem>>, vector<1x1x16xf32>,
        %get3A_1049 = vector.shape_cast %get3A_1048 : vector<1x1x16xf32> to vector<16xf32>
        %add3A_1050 = arith.addf %add3A_978, %get3A_1049 : vector<16xf32>
        %add3A_1051 = arith.constant 2 : i32
        %add3A_1052 = arith.addi %add3A_853, %add3A_1051 : i32
        %get3A_1053 = arith.constant 0 : i32
        %get3A_1054 = arith.index_cast %get3A_1053 : i32 to index
        %get3A_1055 = arith.index_cast %add3A_1052 : i32 to index
        %get3A_1056 = arith.constant 96 : index
        %get3A_1057 = tpu.vector_load %arg6[%get3A_1054, %get3A_1055, %get3A_1056] {strides = array<i32>} : memref<2x128x128xf32, #tpu.memory_space<vmem>>, vector<1x1x16xf32>,
        %get3A_1058 = vector.shape_cast %get3A_1057 : vector<1x1x16xf32> to vector<16xf32>
        %add3A_1059 = arith.addf %add3A_987, %get3A_1058 : vector<16xf32>
        %add3A_1060 = arith.constant 2 : i32
        %add3A_1061 = arith.addi %add3A_853, %add3A_1060 : i32
        %get3A_1062 = arith.constant 0 : i32
        %get3A_1063 = arith.index_cast %get3A_1062 : i32 to index
        %get3A_1064 = arith.index_cast %add3A_1061 : i32 to index
        %get3A_1065 = arith.constant 112 : index
        %get3A_1066 = tpu.vector_load %arg6[%get3A_1063, %get3A_1064, %get3A_1065] {strides = array<i32>} : memref<2x128x128xf32, #tpu.memory_space<vmem>>, vector<1x1x16xf32>,
        %get3A_1067 = vector.shape_cast %get3A_1066 : vector<1x1x16xf32> to vector<16xf32>
        %add3A_1068 = arith.addf %add3A_996, %get3A_1067 : vector<16xf32>
        %add3A_1069 = arith.constant 3 : i32
        %add3A_1070 = arith.addi %add3A_853, %add3A_1069 : i32
        %get3A_1071 = arith.constant 0 : i32
        %get3A_1072 = arith.index_cast %get3A_1071 : i32 to index
        %get3A_1073 = arith.index_cast %add3A_1070 : i32 to index
        %get3A_1074 = arith.constant 0 : index
        %get3A_1075 = tpu.vector_load %arg6[%get3A_1072, %get3A_1073, %get3A_1074] {strides = array<i32>} : memref<2x128x128xf32, #tpu.memory_space<vmem>>, vector<1x1x16xf32>,
        %get3A_1076 = vector.shape_cast %get3A_1075 : vector<1x1x16xf32> to vector<16xf32>
        %add3A_1077 = arith.addf %add3A_1005, %get3A_1076 : vector<16xf32>
        %add3A_1078 = arith.constant 3 : i32
        %add3A_1079 = arith.addi %add3A_853, %add3A_1078 : i32
        %get3A_1080 = arith.constant 0 : i32
        %get3A_1081 = arith.index_cast %get3A_1080 : i32 to index
        %get3A_1082 = arith.index_cast %add3A_1079 : i32 to index
        %get3A_1083 = arith.constant 16 : index
        %get3A_1084 = tpu.vector_load %arg6[%get3A_1081, %get3A_1082, %get3A_1083] {strides = array<i32>} : memref<2x128x128xf32, #tpu.memory_space<vmem>>, vector<1x1x16xf32>,
        %get3A_1085 = vector.shape_cast %get3A_1084 : vector<1x1x16xf32> to vector<16xf32>
        %add3A_1086 = arith.addf %add3A_1014, %get3A_1085 : vector<16xf32>
        %add3A_1087 = arith.constant 3 : i32
        %add3A_1088 = arith.addi %add3A_853, %add3A_1087 : i32
        %get3A_1089 = arith.constant 0 : i32
        %get3A_1090 = arith.index_cast %get3A_1089 : i32 to index
        %get3A_1091 = arith.index_cast %add3A_1088 : i32 to index
        %get3A_1092 = arith.constant 32 : index
        %get3A_1093 = tpu.vector_load %arg6[%get3A_1090, %get3A_1091, %get3A_1092] {strides = array<i32>} : memref<2x128x128xf32, #tpu.memory_space<vmem>>, vector<1x1x16xf32>,
        %get3A_1094 = vector.shape_cast %get3A_1093 : vector<1x1x16xf32> to vector<16xf32>
        %add3A_1095 = arith.addf %add3A_1023, %get3A_1094 : vector<16xf32>
        %add3A_1096 = arith.constant 3 : i32
        %add3A_1097 = arith.addi %add3A_853, %add3A_1096 : i32
        %get3A_1098 = arith.constant 0 : i32
        %get3A_1099 = arith.index_cast %get3A_1098 : i32 to index
        %get3A_1100 = arith.index_cast %add3A_1097 : i32 to index
        %get3A_1101 = arith.constant 48 : index
        %get3A_1102 = tpu.vector_load %arg6[%get3A_1099, %get3A_1100, %get3A_1101] {strides = array<i32>} : memref<2x128x128xf32, #tpu.memory_space<vmem>>, vector<1x1x16xf32>,
        %get3A_1103 = vector.shape_cast %get3A_1102 : vector<1x1x16xf32> to vector<16xf32>
        %add3A_1104 = arith.addf %add3A_1032, %get3A_1103 : vector<16xf32>
        %add3A_1105 = arith.constant 3 : i32
        %add3A_1106 = arith.addi %add3A_853, %add3A_1105 : i32
        %get3A_1107 = arith.constant 0 : i32
        %get3A_1108 = arith.index_cast %get3A_1107 : i32 to index
        %get3A_1109 = arith.index_cast %add3A_1106 : i32 to index
        %get3A_1110 = arith.constant 64 : index
        %get3A_1111 = tpu.vector_load %arg6[%get3A_1108, %get3A_1109, %get3A_1110] {strides = array<i32>} : memref<2x128x128xf32, #tpu.memory_space<vmem>>, vector<1x1x16xf32>,
        %get3A_1112 = vector.shape_cast %get3A_1111 : vector<1x1x16xf32> to vector<16xf32>
        %add3A_1113 = arith.addf %add3A_1041, %get3A_1112 : vector<16xf32>
        %add3A_1114 = arith.constant 3 : i32
        %add3A_1115 = arith.addi %add3A_853, %add3A_1114 : i32
        %get3A_1116 = arith.constant 0 : i32
        %get3A_1117 = arith.index_cast %get3A_1116 : i32 to index
        %get3A_1118 = arith.index_cast %add3A_1115 : i32 to index
        %get3A_1119 = arith.constant 80 : index
        %get3A_1120 = tpu.vector_load %arg6[%get3A_1117, %get3A_1118, %get3A_1119] {strides = array<i32>} : memref<2x128x128xf32, #tpu.memory_space<vmem>>, vector<1x1x16xf32>,
        %get3A_1121 = vector.shape_cast %get3A_1120 : vector<1x1x16xf32> to vector<16xf32>
        %add3A_1122 = arith.addf %add3A_1050, %get3A_1121 : vector<16xf32>
        %add3A_1123 = arith.constant 3 : i32
        %add3A_1124 = arith.addi %add3A_853, %add3A_1123 : i32
        %get3A_1125 = arith.constant 0 : i32
        %get3A_1126 = arith.index_cast %get3A_1125 : i32 to index
        %get3A_1127 = arith.index_cast %add3A_1124 : i32 to index
        %get3A_1128 = arith.constant 96 : index
        %get3A_1129 = tpu.vector_load %arg6[%get3A_1126, %get3A_1127, %get3A_1128] {strides = array<i32>} : memref<2x128x128xf32, #tpu.memory_space<vmem>>, vector<1x1x16xf32>,
        %get3A_1130 = vector.shape_cast %get3A_1129 : vector<1x1x16xf32> to vector<16xf32>
        %add3A_1131 = arith.addf %add3A_1059, %get3A_1130 : vector<16xf32>
        %add3A_1132 = arith.constant 3 : i32
        %add3A_1133 = arith.addi %add3A_853, %add3A_1132 : i32
        %get3A_1134 = arith.constant 0 : i32
        %get3A_1135 = arith.index_cast %get3A_1134 : i32 to index
        %get3A_1136 = arith.index_cast %add3A_1133 : i32 to index
        %get3A_1137 = arith.constant 112 : index
        %get3A_1138 = tpu.vector_load %arg6[%get3A_1135, %get3A_1136, %get3A_1137] {strides = array<i32>} : memref<2x128x128xf32, #tpu.memory_space<vmem>>, vector<1x1x16xf32>,
        %get3A_1139 = vector.shape_cast %get3A_1138 : vector<1x1x16xf32> to vector<16xf32>
        %add3A_1140 = arith.addf %add3A_1068, %get3A_1139 : vector<16xf32>
        scf.yield %add3A_1077, %add3A_1086, %add3A_1095, %add3A_1104, %add3A_1113, %add3A_1122, %add3A_1131, %add3A_1140 : vector<16xf32>, vector<16xf32>, vector<16xf32>, vector<16xf32>, vector<16xf32>, vector<16xf32>, vector<16xf32>, vector<16xf32>
      }
      %scan3A_194 = arith.constant 8 : i32
      %swap3A_195 = arith.constant 0 : i32
      %swap3A_196 = arith.constant 1 : i32
      %swap3A_197 = arith.index_cast %swap3A_195 : i32 to index
      %swap3A_198 = arith.index_cast %swap3A_196 : i32 to index
      %swap3A_199 = arith.constant 0 : index
      %swap3A_200 = tpu.vector_load %arg7[%swap3A_197, %swap3A_198, %swap3A_199] {strides = array<i32>} : memref<2x4x128xf32, #tpu.memory_space<vmem>>, vector<1x1x16xf32>,
      %swap3A_201 = vector.shape_cast %swap3A_200 : vector<1x1x16xf32> to vector<16xf32>
      %swap3A_202 = vector.shape_cast %scan3A_193#0 : vector<16xf32> to vector<1x1x16xf32>
      tpu.vector_store %arg7[%swap3A_197, %swap3A_198, %swap3A_199], %swap3A_202 {strides = array<i32>} : memref<2x4x128xf32, #tpu.memory_space<vmem>>, vector<1x1x16xf32>,
      %swap3A_203 = arith.constant 0 : i32
      %swap3A_204 = arith.constant 1 : i32
      %swap3A_205 = arith.index_cast %swap3A_203 : i32 to index
      %swap3A_206 = arith.index_cast %swap3A_204 : i32 to index
      %swap3A_207 = arith.constant 16 : index
      %swap3A_208 = tpu.vector_load %arg7[%swap3A_205, %swap3A_206, %swap3A_207] {strides = array<i32>} : memref<2x4x128xf32, #tpu.memory_space<vmem>>, vector<1x1x16xf32>,
      %swap3A_209 = vector.shape_cast %swap3A_208 : vector<1x1x16xf32> to vector<16xf32>
      %swap3A_210 = vector.shape_cast %scan3A_193#1 : vector<16xf32> to vector<1x1x16xf32>
      tpu.vector_store %arg7[%swap3A_205, %swap3A_206, %swap3A_207], %swap3A_210 {strides = array<i32>} : memref<2x4x128xf32, #tpu.memory_space<vmem>>, vector<1x1x16xf32>,
      %swap3A_211 = arith.constant 0 : i32
      %swap3A_212 = arith.constant 1 : i32
      %swap3A_213 = arith.index_cast %swap3A_211 : i32 to index
      %swap3A_214 = arith.index_cast %swap3A_212 : i32 to index
      %swap3A_215 = arith.constant 32 : index
      %swap3A_216 = tpu.vector_load %arg7[%swap3A_213, %swap3A_214, %swap3A_215] {strides = array<i32>} : memref<2x4x128xf32, #tpu.memory_space<vmem>>, vector<1x1x16xf32>,
      %swap3A_217 = vector.shape_cast %swap3A_216 : vector<1x1x16xf32> to vector<16xf32>
      %swap3A_218 = vector.shape_cast %scan3A_193#2 : vector<16xf32> to vector<1x1x16xf32>
      tpu.vector_store %arg7[%swap3A_213, %swap3A_214, %swap3A_215], %swap3A_218 {strides = array<i32>} : memref<2x4x128xf32, #tpu.memory_space<vmem>>, vector<1x1x16xf32>,
      %swap3A_219 = arith.constant 0 : i32
      %swap3A_220 = arith.constant 1 : i32
      %swap3A_221 = arith.index_cast %swap3A_219 : i32 to index
      %swap3A_222 = arith.index_cast %swap3A_220 : i32 to index
      %swap3A_223 = arith.constant 48 : index
      %swap3A_224 = tpu.vector_load %arg7[%swap3A_221, %swap3A_222, %swap3A_223] {strides = array<i32>} : memref<2x4x128xf32, #tpu.memory_space<vmem>>, vector<1x1x16xf32>,
      %swap3A_225 = vector.shape_cast %swap3A_224 : vector<1x1x16xf32> to vector<16xf32>
      %swap3A_226 = vector.shape_cast %scan3A_193#3 : vector<16xf32> to vector<1x1x16xf32>
      tpu.vector_store %arg7[%swap3A_221, %swap3A_222, %swap3A_223], %swap3A_226 {strides = array<i32>} : memref<2x4x128xf32, #tpu.memory_space<vmem>>, vector<1x1x16xf32>,
      %swap3A_227 = arith.constant 0 : i32
      %swap3A_228 = arith.constant 1 : i32
      %swap3A_229 = arith.index_cast %swap3A_227 : i32 to index
      %swap3A_230 = arith.index_cast %swap3A_228 : i32 to index
      %swap3A_231 = arith.constant 64 : index
      %swap3A_232 = tpu.vector_load %arg7[%swap3A_229, %swap3A_230, %swap3A_231] {strides = array<i32>} : memref<2x4x128xf32, #tpu.memory_space<vmem>>, vector<1x1x16xf32>,
      %swap3A_233 = vector.shape_cast %swap3A_232 : vector<1x1x16xf32> to vector<16xf32>
      %swap3A_234 = vector.shape_cast %scan3A_193#4 : vector<16xf32> to vector<1x1x16xf32>
      tpu.vector_store %arg7[%swap3A_229, %swap3A_230, %swap3A_231], %swap3A_234 {strides = array<i32>} : memref<2x4x128xf32, #tpu.memory_space<vmem>>, vector<1x1x16xf32>,
      %swap3A_235 = arith.constant 0 : i32
      %swap3A_236 = arith.constant 1 : i32
      %swap3A_237 = arith.index_cast %swap3A_235 : i32 to index
      %swap3A_238 = arith.index_cast %swap3A_236 : i32 to index
      %swap3A_239 = arith.constant 80 : index
      %swap3A_240 = tpu.vector_load %arg7[%swap3A_237, %swap3A_238, %swap3A_239] {strides = array<i32>} : memref<2x4x128xf32, #tpu.memory_space<vmem>>, vector<1x1x16xf32>,
      %swap3A_241 = vector.shape_cast %swap3A_240 : vector<1x1x16xf32> to vector<16xf32>
      %swap3A_242 = vector.shape_cast %scan3A_193#5 : vector<16xf32> to vector<1x1x16xf32>
      tpu.vector_store %arg7[%swap3A_237, %swap3A_238, %swap3A_239], %swap3A_242 {strides = array<i32>} : memref<2x4x128xf32, #tpu.memory_space<vmem>>, vector<1x1x16xf32>,
      %swap3A_243 = arith.constant 0 : i32
      %swap3A_244 = arith.constant 1 : i32
      %swap3A_245 = arith.index_cast %swap3A_243 : i32 to index
      %swap3A_246 = arith.index_cast %swap3A_244 : i32 to index
      %swap3A_247 = arith.constant 96 : index
      %swap3A_248 = tpu.vector_load %arg7[%swap3A_245, %swap3A_246, %swap3A_247] {strides = array<i32>} : memref<2x4x128xf32, #tpu.memory_space<vmem>>, vector<1x1x16xf32>,
      %swap3A_249 = vector.shape_cast %swap3A_248 : vector<1x1x16xf32> to vector<16xf32>
      %swap3A_250 = vector.shape_cast %scan3A_193#6 : vector<16xf32> to vector<1x1x16xf32>
      tpu.vector_store %arg7[%swap3A_245, %swap3A_246, %swap3A_247], %swap3A_250 {strides = array<i32>} : memref<2x4x128xf32, #tpu.memory_space<vmem>>, vector<1x1x16xf32>,
      %swap3A_251 = arith.constant 0 : i32
      %swap3A_252 = arith.constant 1 : i32
      %swap3A_253 = arith.index_cast %swap3A_251 : i32 to index
      %swap3A_254 = arith.index_cast %swap3A_252 : i32 to index
      %swap3A_255 = arith.constant 112 : index
      %swap3A_256 = tpu.vector_load %arg7[%swap3A_253, %swap3A_254, %swap3A_255] {strides = array<i32>} : memref<2x4x128xf32, #tpu.memory_space<vmem>>, vector<1x1x16xf32>,
      %swap3A_257 = vector.shape_cast %swap3A_256 : vector<1x1x16xf32> to vector<16xf32>
      %swap3A_258 = vector.shape_cast %scan3A_193#7 : vector<16xf32> to vector<1x1x16xf32>
      tpu.vector_store %arg7[%swap3A_253, %swap3A_254, %swap3A_255], %swap3A_258 {strides = array<i32>} : memref<2x4x128xf32, #tpu.memory_space<vmem>>, vector<1x1x16xf32>,
      %broadcast_in_dim3A_259 = arith.constant 0.000000e+00 : f32
      %broadcast_in_dim3A_260 = vector.broadcast %broadcast_in_dim3A_259 : f32 to vector<16xf32>
      %broadcast_in_dim3A_261 = arith.constant 0.000000e+00 : f32
      %broadcast_in_dim3A_262 = vector.broadcast %broadcast_in_dim3A_261 : f32 to vector<16xf32>
      %broadcast_in_dim3A_263 = arith.constant 0.000000e+00 : f32
      %broadcast_in_dim3A_264 = vector.broadcast %broadcast_in_dim3A_263 : f32 to vector<16xf32>
      %broadcast_in_dim3A_265 = arith.constant 0.000000e+00 : f32
      %broadcast_in_dim3A_266 = vector.broadcast %broadcast_in_dim3A_265 : f32 to vector<16xf32>
      %broadcast_in_dim3A_267 = arith.constant 0.000000e+00 : f32
      %broadcast_in_dim3A_268 = vector.broadcast %broadcast_in_dim3A_267 : f32 to vector<16xf32>
      %broadcast_in_dim3A_269 = arith.constant 0.000000e+00 : f32
      %broadcast_in_dim3A_270 = vector.broadcast %broadcast_in_dim3A_269 : f32 to vector<16xf32>
      %broadcast_in_dim3A_271 = arith.constant 0.000000e+00 : f32
      %broadcast_in_dim3A_272 = vector.broadcast %broadcast_in_dim3A_271 : f32 to vector<16xf32>
      %broadcast_in_dim3A_273 = arith.constant 0.000000e+00 : f32
      %broadcast_in_dim3A_274 = vector.broadcast %broadcast_in_dim3A_273 : f32 to vector<16xf32>
      %scan3A_275 = arith.constant 0 : i32
      %scan3A_276 = arith.constant 8 : i32
      %scan3A_277 = arith.addi %scan3A_275, %scan3A_276 : i32
      %scan3A_278 = arith.constant 1 : i32
      %scan3A_279:8 = scf.for %scan3A_841 = %scan3A_275 to %scan3A_277 step %scan3A_278 iter_args(%scan3A_842 = %broadcast_in_dim3A_260, %scan3A_843 = %broadcast_in_dim3A_262, %scan3A_844 = %broadcast_in_dim3A_264, %scan3A_845 = %broadcast_in_dim3A_266, %scan3A_846 = %broadcast_in_dim3A_268, %scan3A_847 = %broadcast_in_dim3A_270, %scan3A_848 = %broadcast_in_dim3A_272, %scan3A_849 = %broadcast_in_dim3A_274) -> (vector<16xf32>, vector<16xf32>, vector<16xf32>, vector<16xf32>, vector<16xf32>, vector<16xf32>, vector<16xf32>, vector<16xf32>)  : i32 {
        %mul3A_850 = arith.constant 4 : i32
        %mul3A_851 = arith.muli %scan3A_841, %mul3A_850 : i32
        %add3A_852 = arith.constant 64 : i32
        %add3A_853 = arith.addi %add3A_852, %mul3A_851 : i32
        %add3A_854 = arith.constant 0 : i32
        %add3A_855 = arith.addi %add3A_853, %add3A_854 : i32
        %get3A = arith.constant 0 : i32
        %get3A_856 = arith.index_cast %get3A : i32 to index
        %get3A_857 = arith.index_cast %add3A_855 : i32 to index
        %get3A_858 = arith.constant 0 : index
        %get3A_859 = tpu.vector_load %arg6[%get3A_856, %get3A_857, %get3A_858] {strides = array<i32>} : memref<2x128x128xf32, #tpu.memory_space<vmem>>, vector<1x1x16xf32>,
        %get3A_860 = vector.shape_cast %get3A_859 : vector<1x1x16xf32> to vector<16xf32>
        %add3A_861 = arith.addf %scan3A_842, %get3A_860 : vector<16xf32>
        %add3A_862 = arith.constant 0 : i32
        %add3A_863 = arith.addi %add3A_853, %add3A_862 : i32
        %get3A_864 = arith.constant 0 : i32
        %get3A_865 = arith.index_cast %get3A_864 : i32 to index
        %get3A_866 = arith.index_cast %add3A_863 : i32 to index
        %get3A_867 = arith.constant 16 : index
        %get3A_868 = tpu.vector_load %arg6[%get3A_865, %get3A_866, %get3A_867] {strides = array<i32>} : memref<2x128x128xf32, #tpu.memory_space<vmem>>, vector<1x1x16xf32>,
        %get3A_869 = vector.shape_cast %get3A_868 : vector<1x1x16xf32> to vector<16xf32>
        %add3A_870 = arith.addf %scan3A_843, %get3A_869 : vector<16xf32>
        %add3A_871 = arith.constant 0 : i32
        %add3A_872 = arith.addi %add3A_853, %add3A_871 : i32
        %get3A_873 = arith.constant 0 : i32
        %get3A_874 = arith.index_cast %get3A_873 : i32 to index
        %get3A_875 = arith.index_cast %add3A_872 : i32 to index
        %get3A_876 = arith.constant 32 : index
        %get3A_877 = tpu.vector_load %arg6[%get3A_874, %get3A_875, %get3A_876] {strides = array<i32>} : memref<2x128x128xf32, #tpu.memory_space<vmem>>, vector<1x1x16xf32>,
        %get3A_878 = vector.shape_cast %get3A_877 : vector<1x1x16xf32> to vector<16xf32>
        %add3A_879 = arith.addf %scan3A_844, %get3A_878 : vector<16xf32>
        %add3A_880 = arith.constant 0 : i32
        %add3A_881 = arith.addi %add3A_853, %add3A_880 : i32
        %get3A_882 = arith.constant 0 : i32
        %get3A_883 = arith.index_cast %get3A_882 : i32 to index
        %get3A_884 = arith.index_cast %add3A_881 : i32 to index
        %get3A_885 = arith.constant 48 : index
        %get3A_886 = tpu.vector_load %arg6[%get3A_883, %get3A_884, %get3A_885] {strides = array<i32>} : memref<2x128x128xf32, #tpu.memory_space<vmem>>, vector<1x1x16xf32>,
        %get3A_887 = vector.shape_cast %get3A_886 : vector<1x1x16xf32> to vector<16xf32>
        %add3A_888 = arith.addf %scan3A_845, %get3A_887 : vector<16xf32>
        %add3A_889 = arith.constant 0 : i32
        %add3A_890 = arith.addi %add3A_853, %add3A_889 : i32
        %get3A_891 = arith.constant 0 : i32
        %get3A_892 = arith.index_cast %get3A_891 : i32 to index
        %get3A_893 = arith.index_cast %add3A_890 : i32 to index
        %get3A_894 = arith.constant 64 : index
        %get3A_895 = tpu.vector_load %arg6[%get3A_892, %get3A_893, %get3A_894] {strides = array<i32>} : memref<2x128x128xf32, #tpu.memory_space<vmem>>, vector<1x1x16xf32>,
        %get3A_896 = vector.shape_cast %get3A_895 : vector<1x1x16xf32> to vector<16xf32>
        %add3A_897 = arith.addf %scan3A_846, %get3A_896 : vector<16xf32>
        %add3A_898 = arith.constant 0 : i32
        %add3A_899 = arith.addi %add3A_853, %add3A_898 : i32
        %get3A_900 = arith.constant 0 : i32
        %get3A_901 = arith.index_cast %get3A_900 : i32 to index
        %get3A_902 = arith.index_cast %add3A_899 : i32 to index
        %get3A_903 = arith.constant 80 : index
        %get3A_904 = tpu.vector_load %arg6[%get3A_901, %get3A_902, %get3A_903] {strides = array<i32>} : memref<2x128x128xf32, #tpu.memory_space<vmem>>, vector<1x1x16xf32>,
        %get3A_905 = vector.shape_cast %get3A_904 : vector<1x1x16xf32> to vector<16xf32>
        %add3A_906 = arith.addf %scan3A_847, %get3A_905 : vector<16xf32>
        %add3A_907 = arith.constant 0 : i32
        %add3A_908 = arith.addi %add3A_853, %add3A_907 : i32
        %get3A_909 = arith.constant 0 : i32
        %get3A_910 = arith.index_cast %get3A_909 : i32 to index
        %get3A_911 = arith.index_cast %add3A_908 : i32 to index
        %get3A_912 = arith.constant 96 : index
        %get3A_913 = tpu.vector_load %arg6[%get3A_910, %get3A_911, %get3A_912] {strides = array<i32>} : memref<2x128x128xf32, #tpu.memory_space<vmem>>, vector<1x1x16xf32>,
        %get3A_914 = vector.shape_cast %get3A_913 : vector<1x1x16xf32> to vector<16xf32>
        %add3A_915 = arith.addf %scan3A_848, %get3A_914 : vector<16xf32>
        %add3A_916 = arith.constant 0 : i32
        %add3A_917 = arith.addi %add3A_853, %add3A_916 : i32
        %get3A_918 = arith.constant 0 : i32
        %get3A_919 = arith.index_cast %get3A_918 : i32 to index
        %get3A_920 = arith.index_cast %add3A_917 : i32 to index
        %get3A_921 = arith.constant 112 : index
        %get3A_922 = tpu.vector_load %arg6[%get3A_919, %get3A_920, %get3A_921] {strides = array<i32>} : memref<2x128x128xf32, #tpu.memory_space<vmem>>, vector<1x1x16xf32>,
        %get3A_923 = vector.shape_cast %get3A_922 : vector<1x1x16xf32> to vector<16xf32>
        %add3A_924 = arith.addf %scan3A_849, %get3A_923 : vector<16xf32>
        %add3A_925 = arith.constant 1 : i32
        %add3A_926 = arith.addi %add3A_853, %add3A_925 : i32
        %get3A_927 = arith.constant 0 : i32
        %get3A_928 = arith.index_cast %get3A_927 : i32 to index
        %get3A_929 = arith.index_cast %add3A_926 : i32 to index
        %get3A_930 = arith.constant 0 : index
        %get3A_931 = tpu.vector_load %arg6[%get3A_928, %get3A_929, %get3A_930] {strides = array<i32>} : memref<2x128x128xf32, #tpu.memory_space<vmem>>, vector<1x1x16xf32>,
        %get3A_932 = vector.shape_cast %get3A_931 : vector<1x1x16xf32> to vector<16xf32>
        %add3A_933 = arith.addf %add3A_861, %get3A_932 : vector<16xf32>
        %add3A_934 = arith.constant 1 : i32
        %add3A_935 = arith.addi %add3A_853, %add3A_934 : i32
        %get3A_936 = arith.constant 0 : i32
        %get3A_937 = arith.index_cast %get3A_936 : i32 to index
        %get3A_938 = arith.index_cast %add3A_935 : i32 to index
        %get3A_939 = arith.constant 16 : index
        %get3A_940 = tpu.vector_load %arg6[%get3A_937, %get3A_938, %get3A_939] {strides = array<i32>} : memref<2x128x128xf32, #tpu.memory_space<vmem>>, vector<1x1x16xf32>,
        %get3A_941 = vector.shape_cast %get3A_940 : vector<1x1x16xf32> to vector<16xf32>
        %add3A_942 = arith.addf %add3A_870, %get3A_941 : vector<16xf32>
        %add3A_943 = arith.constant 1 : i32
        %add3A_944 = arith.addi %add3A_853, %add3A_943 : i32
        %get3A_945 = arith.constant 0 : i32
        %get3A_946 = arith.index_cast %get3A_945 : i32 to index
        %get3A_947 = arith.index_cast %add3A_944 : i32 to index
        %get3A_948 = arith.constant 32 : index
        %get3A_949 = tpu.vector_load %arg6[%get3A_946, %get3A_947, %get3A_948] {strides = array<i32>} : memref<2x128x128xf32, #tpu.memory_space<vmem>>, vector<1x1x16xf32>,
        %get3A_950 = vector.shape_cast %get3A_949 : vector<1x1x16xf32> to vector<16xf32>
        %add3A_951 = arith.addf %add3A_879, %get3A_950 : vector<16xf32>
        %add3A_952 = arith.constant 1 : i32
        %add3A_953 = arith.addi %add3A_853, %add3A_952 : i32
        %get3A_954 = arith.constant 0 : i32
        %get3A_955 = arith.index_cast %get3A_954 : i32 to index
        %get3A_956 = arith.index_cast %add3A_953 : i32 to index
        %get3A_957 = arith.constant 48 : index
        %get3A_958 = tpu.vector_load %arg6[%get3A_955, %get3A_956, %get3A_957] {strides = array<i32>} : memref<2x128x128xf32, #tpu.memory_space<vmem>>, vector<1x1x16xf32>,
        %get3A_959 = vector.shape_cast %get3A_958 : vector<1x1x16xf32> to vector<16xf32>
        %add3A_960 = arith.addf %add3A_888, %get3A_959 : vector<16xf32>
        %add3A_961 = arith.constant 1 : i32
        %add3A_962 = arith.addi %add3A_853, %add3A_961 : i32
        %get3A_963 = arith.constant 0 : i32
        %get3A_964 = arith.index_cast %get3A_963 : i32 to index
        %get3A_965 = arith.index_cast %add3A_962 : i32 to index
        %get3A_966 = arith.constant 64 : index
        %get3A_967 = tpu.vector_load %arg6[%get3A_964, %get3A_965, %get3A_966] {strides = array<i32>} : memref<2x128x128xf32, #tpu.memory_space<vmem>>, vector<1x1x16xf32>,
        %get3A_968 = vector.shape_cast %get3A_967 : vector<1x1x16xf32> to vector<16xf32>
        %add3A_969 = arith.addf %add3A_897, %get3A_968 : vector<16xf32>
        %add3A_970 = arith.constant 1 : i32
        %add3A_971 = arith.addi %add3A_853, %add3A_970 : i32
        %get3A_972 = arith.constant 0 : i32
        %get3A_973 = arith.index_cast %get3A_972 : i32 to index
        %get3A_974 = arith.index_cast %add3A_971 : i32 to index
        %get3A_975 = arith.constant 80 : index
        %get3A_976 = tpu.vector_load %arg6[%get3A_973, %get3A_974, %get3A_975] {strides = array<i32>} : memref<2x128x128xf32, #tpu.memory_space<vmem>>, vector<1x1x16xf32>,
        %get3A_977 = vector.shape_cast %get3A_976 : vector<1x1x16xf32> to vector<16xf32>
        %add3A_978 = arith.addf %add3A_906, %get3A_977 : vector<16xf32>
        %add3A_979 = arith.constant 1 : i32
        %add3A_980 = arith.addi %add3A_853, %add3A_979 : i32
        %get3A_981 = arith.constant 0 : i32
        %get3A_982 = arith.index_cast %get3A_981 : i32 to index
        %get3A_983 = arith.index_cast %add3A_980 : i32 to index
        %get3A_984 = arith.constant 96 : index
        %get3A_985 = tpu.vector_load %arg6[%get3A_982, %get3A_983, %get3A_984] {strides = array<i32>} : memref<2x128x128xf32, #tpu.memory_space<vmem>>, vector<1x1x16xf32>,
        %get3A_986 = vector.shape_cast %get3A_985 : vector<1x1x16xf32> to vector<16xf32>
        %add3A_987 = arith.addf %add3A_915, %get3A_986 : vector<16xf32>
        %add3A_988 = arith.constant 1 : i32
        %add3A_989 = arith.addi %add3A_853, %add3A_988 : i32
        %get3A_990 = arith.constant 0 : i32
        %get3A_991 = arith.index_cast %get3A_990 : i32 to index
        %get3A_992 = arith.index_cast %add3A_989 : i32 to index
        %get3A_993 = arith.constant 112 : index
        %get3A_994 = tpu.vector_load %arg6[%get3A_991, %get3A_992, %get3A_993] {strides = array<i32>} : memref<2x128x128xf32, #tpu.memory_space<vmem>>, vector<1x1x16xf32>,
        %get3A_995 = vector.shape_cast %get3A_994 : vector<1x1x16xf32> to vector<16xf32>
        %add3A_996 = arith.addf %add3A_924, %get3A_995 : vector<16xf32>
        %add3A_997 = arith.constant 2 : i32
        %add3A_998 = arith.addi %add3A_853, %add3A_997 : i32
        %get3A_999 = arith.constant 0 : i32
        %get3A_1000 = arith.index_cast %get3A_999 : i32 to index
        %get3A_1001 = arith.index_cast %add3A_998 : i32 to index
        %get3A_1002 = arith.constant 0 : index
        %get3A_1003 = tpu.vector_load %arg6[%get3A_1000, %get3A_1001, %get3A_1002] {strides = array<i32>} : memref<2x128x128xf32, #tpu.memory_space<vmem>>, vector<1x1x16xf32>,
        %get3A_1004 = vector.shape_cast %get3A_1003 : vector<1x1x16xf32> to vector<16xf32>
        %add3A_1005 = arith.addf %add3A_933, %get3A_1004 : vector<16xf32>
        %add3A_1006 = arith.constant 2 : i32
        %add3A_1007 = arith.addi %add3A_853, %add3A_1006 : i32
        %get3A_1008 = arith.constant 0 : i32
        %get3A_1009 = arith.index_cast %get3A_1008 : i32 to index
        %get3A_1010 = arith.index_cast %add3A_1007 : i32 to index
        %get3A_1011 = arith.constant 16 : index
        %get3A_1012 = tpu.vector_load %arg6[%get3A_1009, %get3A_1010, %get3A_1011] {strides = array<i32>} : memref<2x128x128xf32, #tpu.memory_space<vmem>>, vector<1x1x16xf32>,
        %get3A_1013 = vector.shape_cast %get3A_1012 : vector<1x1x16xf32> to vector<16xf32>
        %add3A_1014 = arith.addf %add3A_942, %get3A_1013 : vector<16xf32>
        %add3A_1015 = arith.constant 2 : i32
        %add3A_1016 = arith.addi %add3A_853, %add3A_1015 : i32
        %get3A_1017 = arith.constant 0 : i32
        %get3A_1018 = arith.index_cast %get3A_1017 : i32 to index
        %get3A_1019 = arith.index_cast %add3A_1016 : i32 to index
        %get3A_1020 = arith.constant 32 : index
        %get3A_1021 = tpu.vector_load %arg6[%get3A_1018, %get3A_1019, %get3A_1020] {strides = array<i32>} : memref<2x128x128xf32, #tpu.memory_space<vmem>>, vector<1x1x16xf32>,
        %get3A_1022 = vector.shape_cast %get3A_1021 : vector<1x1x16xf32> to vector<16xf32>
        %add3A_1023 = arith.addf %add3A_951, %get3A_1022 : vector<16xf32>
        %add3A_1024 = arith.constant 2 : i32
        %add3A_1025 = arith.addi %add3A_853, %add3A_1024 : i32
        %get3A_1026 = arith.constant 0 : i32
        %get3A_1027 = arith.index_cast %get3A_1026 : i32 to index
        %get3A_1028 = arith.index_cast %add3A_1025 : i32 to index
        %get3A_1029 = arith.constant 48 : index
        %get3A_1030 = tpu.vector_load %arg6[%get3A_1027, %get3A_1028, %get3A_1029] {strides = array<i32>} : memref<2x128x128xf32, #tpu.memory_space<vmem>>, vector<1x1x16xf32>,
        %get3A_1031 = vector.shape_cast %get3A_1030 : vector<1x1x16xf32> to vector<16xf32>
        %add3A_1032 = arith.addf %add3A_960, %get3A_1031 : vector<16xf32>
        %add3A_1033 = arith.constant 2 : i32
        %add3A_1034 = arith.addi %add3A_853, %add3A_1033 : i32
        %get3A_1035 = arith.constant 0 : i32
        %get3A_1036 = arith.index_cast %get3A_1035 : i32 to index
        %get3A_1037 = arith.index_cast %add3A_1034 : i32 to index
        %get3A_1038 = arith.constant 64 : index
        %get3A_1039 = tpu.vector_load %arg6[%get3A_1036, %get3A_1037, %get3A_1038] {strides = array<i32>} : memref<2x128x128xf32, #tpu.memory_space<vmem>>, vector<1x1x16xf32>,
        %get3A_1040 = vector.shape_cast %get3A_1039 : vector<1x1x16xf32> to vector<16xf32>
        %add3A_1041 = arith.addf %add3A_969, %get3A_1040 : vector<16xf32>
        %add3A_1042 = arith.constant 2 : i32
        %add3A_1043 = arith.addi %add3A_853, %add3A_1042 : i32
        %get3A_1044 = arith.constant 0 : i32
        %get3A_1045 = arith.index_cast %get3A_1044 : i32 to index
        %get3A_1046 = arith.index_cast %add3A_1043 : i32 to index
        %get3A_1047 = arith.constant 80 : index
        %get3A_1048 = tpu.vector_load %arg6[%get3A_1045, %get3A_1046, %get3A_1047] {strides = array<i32>} : memref<2x128x128xf32, #tpu.memory_space<vmem>>, vector<1x1x16xf32>,
        %get3A_1049 = vector.shape_cast %get3A_1048 : vector<1x1x16xf32> to vector<16xf32>
        %add3A_1050 = arith.addf %add3A_978, %get3A_1049 : vector<16xf32>
        %add3A_1051 = arith.constant 2 : i32
        %add3A_1052 = arith.addi %add3A_853, %add3A_1051 : i32
        %get3A_1053 = arith.constant 0 : i32
        %get3A_1054 = arith.index_cast %get3A_1053 : i32 to index
        %get3A_1055 = arith.index_cast %add3A_1052 : i32 to index
        %get3A_1056 = arith.constant 96 : index
        %get3A_1057 = tpu.vector_load %arg6[%get3A_1054, %get3A_1055, %get3A_1056] {strides = array<i32>} : memref<2x128x128xf32, #tpu.memory_space<vmem>>, vector<1x1x16xf32>,
        %get3A_1058 = vector.shape_cast %get3A_1057 : vector<1x1x16xf32> to vector<16xf32>
        %add3A_1059 = arith.addf %add3A_987, %get3A_1058 : vector<16xf32>
        %add3A_1060 = arith.constant 2 : i32
        %add3A_1061 = arith.addi %add3A_853, %add3A_1060 : i32
        %get3A_1062 = arith.constant 0 : i32
        %get3A_1063 = arith.index_cast %get3A_1062 : i32 to index
        %get3A_1064 = arith.index_cast %add3A_1061 : i32 to index
        %get3A_1065 = arith.constant 112 : index
        %get3A_1066 = tpu.vector_load %arg6[%get3A_1063, %get3A_1064, %get3A_1065] {strides = array<i32>} : memref<2x128x128xf32, #tpu.memory_space<vmem>>, vector<1x1x16xf32>,
        %get3A_1067 = vector.shape_cast %get3A_1066 : vector<1x1x16xf32> to vector<16xf32>
        %add3A_1068 = arith.addf %add3A_996, %get3A_1067 : vector<16xf32>
        %add3A_1069 = arith.constant 3 : i32
        %add3A_1070 = arith.addi %add3A_853, %add3A_1069 : i32
        %get3A_1071 = arith.constant 0 : i32
        %get3A_1072 = arith.index_cast %get3A_1071 : i32 to index
        %get3A_1073 = arith.index_cast %add3A_1070 : i32 to index
        %get3A_1074 = arith.constant 0 : index
        %get3A_1075 = tpu.vector_load %arg6[%get3A_1072, %get3A_1073, %get3A_1074] {strides = array<i32>} : memref<2x128x128xf32, #tpu.memory_space<vmem>>, vector<1x1x16xf32>,
        %get3A_1076 = vector.shape_cast %get3A_1075 : vector<1x1x16xf32> to vector<16xf32>
        %add3A_1077 = arith.addf %add3A_1005, %get3A_1076 : vector<16xf32>
        %add3A_1078 = arith.constant 3 : i32
        %add3A_1079 = arith.addi %add3A_853, %add3A_1078 : i32
        %get3A_1080 = arith.constant 0 : i32
        %get3A_1081 = arith.index_cast %get3A_1080 : i32 to index
        %get3A_1082 = arith.index_cast %add3A_1079 : i32 to index
        %get3A_1083 = arith.constant 16 : index
        %get3A_1084 = tpu.vector_load %arg6[%get3A_1081, %get3A_1082, %get3A_1083] {strides = array<i32>} : memref<2x128x128xf32, #tpu.memory_space<vmem>>, vector<1x1x16xf32>,
        %get3A_1085 = vector.shape_cast %get3A_1084 : vector<1x1x16xf32> to vector<16xf32>
        %add3A_1086 = arith.addf %add3A_1014, %get3A_1085 : vector<16xf32>
        %add3A_1087 = arith.constant 3 : i32
        %add3A_1088 = arith.addi %add3A_853, %add3A_1087 : i32
        %get3A_1089 = arith.constant 0 : i32
        %get3A_1090 = arith.index_cast %get3A_1089 : i32 to index
        %get3A_1091 = arith.index_cast %add3A_1088 : i32 to index
        %get3A_1092 = arith.constant 32 : index
        %get3A_1093 = tpu.vector_load %arg6[%get3A_1090, %get3A_1091, %get3A_1092] {strides = array<i32>} : memref<2x128x128xf32, #tpu.memory_space<vmem>>, vector<1x1x16xf32>,
        %get3A_1094 = vector.shape_cast %get3A_1093 : vector<1x1x16xf32> to vector<16xf32>
        %add3A_1095 = arith.addf %add3A_1023, %get3A_1094 : vector<16xf32>
        %add3A_1096 = arith.constant 3 : i32
        %add3A_1097 = arith.addi %add3A_853, %add3A_1096 : i32
        %get3A_1098 = arith.constant 0 : i32
        %get3A_1099 = arith.index_cast %get3A_1098 : i32 to index
        %get3A_1100 = arith.index_cast %add3A_1097 : i32 to index
        %get3A_1101 = arith.constant 48 : index
        %get3A_1102 = tpu.vector_load %arg6[%get3A_1099, %get3A_1100, %get3A_1101] {strides = array<i32>} : memref<2x128x128xf32, #tpu.memory_space<vmem>>, vector<1x1x16xf32>,
        %get3A_1103 = vector.shape_cast %get3A_1102 : vector<1x1x16xf32> to vector<16xf32>
        %add3A_1104 = arith.addf %add3A_1032, %get3A_1103 : vector<16xf32>
        %add3A_1105 = arith.constant 3 : i32
        %add3A_1106 = arith.addi %add3A_853, %add3A_1105 : i32
        %get3A_1107 = arith.constant 0 : i32
        %get3A_1108 = arith.index_cast %get3A_1107 : i32 to index
        %get3A_1109 = arith.index_cast %add3A_1106 : i32 to index
        %get3A_1110 = arith.constant 64 : index
        %get3A_1111 = tpu.vector_load %arg6[%get3A_1108, %get3A_1109, %get3A_1110] {strides = array<i32>} : memref<2x128x128xf32, #tpu.memory_space<vmem>>, vector<1x1x16xf32>,
        %get3A_1112 = vector.shape_cast %get3A_1111 : vector<1x1x16xf32> to vector<16xf32>
        %add3A_1113 = arith.addf %add3A_1041, %get3A_1112 : vector<16xf32>
        %add3A_1114 = arith.constant 3 : i32
        %add3A_1115 = arith.addi %add3A_853, %add3A_1114 : i32
        %get3A_1116 = arith.constant 0 : i32
        %get3A_1117 = arith.index_cast %get3A_1116 : i32 to index
        %get3A_1118 = arith.index_cast %add3A_1115 : i32 to index
        %get3A_1119 = arith.constant 80 : index
        %get3A_1120 = tpu.vector_load %arg6[%get3A_1117, %get3A_1118, %get3A_1119] {strides = array<i32>} : memref<2x128x128xf32, #tpu.memory_space<vmem>>, vector<1x1x16xf32>,
        %get3A_1121 = vector.shape_cast %get3A_1120 : vector<1x1x16xf32> to vector<16xf32>
        %add3A_1122 = arith.addf %add3A_1050, %get3A_1121 : vector<16xf32>
        %add3A_1123 = arith.constant 3 : i32
        %add3A_1124 = arith.addi %add3A_853, %add3A_1123 : i32
        %get3A_1125 = arith.constant 0 : i32
        %get3A_1126 = arith.index_cast %get3A_1125 : i32 to index
        %get3A_1127 = arith.index_cast %add3A_1124 : i32 to index
        %get3A_1128 = arith.constant 96 : index
        %get3A_1129 = tpu.vector_load %arg6[%get3A_1126, %get3A_1127, %get3A_1128] {strides = array<i32>} : memref<2x128x128xf32, #tpu.memory_space<vmem>>, vector<1x1x16xf32>,
        %get3A_1130 = vector.shape_cast %get3A_1129 : vector<1x1x16xf32> to vector<16xf32>
        %add3A_1131 = arith.addf %add3A_1059, %get3A_1130 : vector<16xf32>
        %add3A_1132 = arith.constant 3 : i32
        %add3A_1133 = arith.addi %add3A_853, %add3A_1132 : i32
        %get3A_1134 = arith.constant 0 : i32
        %get3A_1135 = arith.index_cast %get3A_1134 : i32 to index
        %get3A_1136 = arith.index_cast %add3A_1133 : i32 to index
        %get3A_1137 = arith.constant 112 : index
        %get3A_1138 = tpu.vector_load %arg6[%get3A_1135, %get3A_1136, %get3A_1137] {strides = array<i32>} : memref<2x128x128xf32, #tpu.memory_space<vmem>>, vector<1x1x16xf32>,
        %get3A_1139 = vector.shape_cast %get3A_1138 : vector<1x1x16xf32> to vector<16xf32>
        %add3A_1140 = arith.addf %add3A_1068, %get3A_1139 : vector<16xf32>
        scf.yield %add3A_1077, %add3A_1086, %add3A_1095, %add3A_1104, %add3A_1113, %add3A_1122, %add3A_1131, %add3A_1140 : vector<16xf32>, vector<16xf32>, vector<16xf32>, vector<16xf32>, vector<16xf32>, vector<16xf32>, vector<16xf32>, vector<16xf32>
      }
      %scan3A_280 = arith.constant 8 : i32
      %swap3A_281 = arith.constant 0 : i32
      %swap3A_282 = arith.constant 2 : i32
      %swap3A_283 = arith.index_cast %swap3A_281 : i32 to index
      %swap3A_284 = arith.index_cast %swap3A_282 : i32 to index
      %swap3A_285 = arith.constant 0 : index
      %swap3A_286 = tpu.vector_load %arg7[%swap3A_283, %swap3A_284, %swap3A_285] {strides = array<i32>} : memref<2x4x128xf32, #tpu.memory_space<vmem>>, vector<1x1x16xf32>,
      %swap3A_287 = vector.shape_cast %swap3A_286 : vector<1x1x16xf32> to vector<16xf32>
      %swap3A_288 = vector.shape_cast %scan3A_279#0 : vector<16xf32> to vector<1x1x16xf32>
      tpu.vector_store %arg7[%swap3A_283, %swap3A_284, %swap3A_285], %swap3A_288 {strides = array<i32>} : memref<2x4x128xf32, #tpu.memory_space<vmem>>, vector<1x1x16xf32>,
      %swap3A_289 = arith.constant 0 : i32
      %swap3A_290 = arith.constant 2 : i32
      %swap3A_291 = arith.index_cast %swap3A_289 : i32 to index
      %swap3A_292 = arith.index_cast %swap3A_290 : i32 to index
      %swap3A_293 = arith.constant 16 : index
      %swap3A_294 = tpu.vector_load %arg7[%swap3A_291, %swap3A_292, %swap3A_293] {strides = array<i32>} : memref<2x4x128xf32, #tpu.memory_space<vmem>>, vector<1x1x16xf32>,
      %swap3A_295 = vector.shape_cast %swap3A_294 : vector<1x1x16xf32> to vector<16xf32>
      %swap3A_296 = vector.shape_cast %scan3A_279#1 : vector<16xf32> to vector<1x1x16xf32>
      tpu.vector_store %arg7[%swap3A_291, %swap3A_292, %swap3A_293], %swap3A_296 {strides = array<i32>} : memref<2x4x128xf32, #tpu.memory_space<vmem>>, vector<1x1x16xf32>,
      %swap3A_297 = arith.constant 0 : i32
      %swap3A_298 = arith.constant 2 : i32
      %swap3A_299 = arith.index_cast %swap3A_297 : i32 to index
      %swap3A_300 = arith.index_cast %swap3A_298 : i32 to index
      %swap3A_301 = arith.constant 32 : index
      %swap3A_302 = tpu.vector_load %arg7[%swap3A_299, %swap3A_300, %swap3A_301] {strides = array<i32>} : memref<2x4x128xf32, #tpu.memory_space<vmem>>, vector<1x1x16xf32>,
      %swap3A_303 = vector.shape_cast %swap3A_302 : vector<1x1x16xf32> to vector<16xf32>
      %swap3A_304 = vector.shape_cast %scan3A_279#2 : vector<16xf32> to vector<1x1x16xf32>
      tpu.vector_store %arg7[%swap3A_299, %swap3A_300, %swap3A_301], %swap3A_304 {strides = array<i32>} : memref<2x4x128xf32, #tpu.memory_space<vmem>>, vector<1x1x16xf32>,
      %swap3A_305 = arith.constant 0 : i32
      %swap3A_306 = arith.constant 2 : i32
      %swap3A_307 = arith.index_cast %swap3A_305 : i32 to index
      %swap3A_308 = arith.index_cast %swap3A_306 : i32 to index
      %swap3A_309 = arith.constant 48 : index
      %swap3A_310 = tpu.vector_load %arg7[%swap3A_307, %swap3A_308, %swap3A_309] {strides = array<i32>} : memref<2x4x128xf32, #tpu.memory_space<vmem>>, vector<1x1x16xf32>,
      %swap3A_311 = vector.shape_cast %swap3A_310 : vector<1x1x16xf32> to vector<16xf32>
      %swap3A_312 = vector.shape_cast %scan3A_279#3 : vector<16xf32> to vector<1x1x16xf32>
      tpu.vector_store %arg7[%swap3A_307, %swap3A_308, %swap3A_309], %swap3A_312 {strides = array<i32>} : memref<2x4x128xf32, #tpu.memory_space<vmem>>, vector<1x1x16xf32>,
      %swap3A_313 = arith.constant 0 : i32
      %swap3A_314 = arith.constant 2 : i32
      %swap3A_315 = arith.index_cast %swap3A_313 : i32 to index
      %swap3A_316 = arith.index_cast %swap3A_314 : i32 to index
      %swap3A_317 = arith.constant 64 : index
      %swap3A_318 = tpu.vector_load %arg7[%swap3A_315, %swap3A_316, %swap3A_317] {strides = array<i32>} : memref<2x4x128xf32, #tpu.memory_space<vmem>>, vector<1x1x16xf32>,
      %swap3A_319 = vector.shape_cast %swap3A_318 : vector<1x1x16xf32> to vector<16xf32>
      %swap3A_320 = vector.shape_cast %scan3A_279#4 : vector<16xf32> to vector<1x1x16xf32>
      tpu.vector_store %arg7[%swap3A_315, %swap3A_316, %swap3A_317], %swap3A_320 {strides = array<i32>} : memref<2x4x128xf32, #tpu.memory_space<vmem>>, vector<1x1x16xf32>,
      %swap3A_321 = arith.constant 0 : i32
      %swap3A_322 = arith.constant 2 : i32
      %swap3A_323 = arith.index_cast %swap3A_321 : i32 to index
      %swap3A_324 = arith.index_cast %swap3A_322 : i32 to index
      %swap3A_325 = arith.constant 80 : index
      %swap3A_326 = tpu.vector_load %arg7[%swap3A_323, %swap3A_324, %swap3A_325] {strides = array<i32>} : memref<2x4x128xf32, #tpu.memory_space<vmem>>, vector<1x1x16xf32>,
      %swap3A_327 = vector.shape_cast %swap3A_326 : vector<1x1x16xf32> to vector<16xf32>
      %swap3A_328 = vector.shape_cast %scan3A_279#5 : vector<16xf32> to vector<1x1x16xf32>
      tpu.vector_store %arg7[%swap3A_323, %swap3A_324, %swap3A_325], %swap3A_328 {strides = array<i32>} : memref<2x4x128xf32, #tpu.memory_space<vmem>>, vector<1x1x16xf32>,
      %swap3A_329 = arith.constant 0 : i32
      %swap3A_330 = arith.constant 2 : i32
      %swap3A_331 = arith.index_cast %swap3A_329 : i32 to index
      %swap3A_332 = arith.index_cast %swap3A_330 : i32 to index
      %swap3A_333 = arith.constant 96 : index
      %swap3A_334 = tpu.vector_load %arg7[%swap3A_331, %swap3A_332, %swap3A_333] {strides = array<i32>} : memref<2x4x128xf32, #tpu.memory_space<vmem>>, vector<1x1x16xf32>,
      %swap3A_335 = vector.shape_cast %swap3A_334 : vector<1x1x16xf32> to vector<16xf32>
      %swap3A_336 = vector.shape_cast %scan3A_279#6 : vector<16xf32> to vector<1x1x16xf32>
      tpu.vector_store %arg7[%swap3A_331, %swap3A_332, %swap3A_333], %swap3A_336 {strides = array<i32>} : memref<2x4x128xf32, #tpu.memory_space<vmem>>, vector<1x1x16xf32>,
      %swap3A_337 = arith.constant 0 : i32
      %swap3A_338 = arith.constant 2 : i32
      %swap3A_339 = arith.index_cast %swap3A_337 : i32 to index
      %swap3A_340 = arith.index_cast %swap3A_338 : i32 to index
      %swap3A_341 = arith.constant 112 : index
      %swap3A_342 = tpu.vector_load %arg7[%swap3A_339, %swap3A_340, %swap3A_341] {strides = array<i32>} : memref<2x4x128xf32, #tpu.memory_space<vmem>>, vector<1x1x16xf32>,
      %swap3A_343 = vector.shape_cast %swap3A_342 : vector<1x1x16xf32> to vector<16xf32>
      %swap3A_344 = vector.shape_cast %scan3A_279#7 : vector<16xf32> to vector<1x1x16xf32>
      tpu.vector_store %arg7[%swap3A_339, %swap3A_340, %swap3A_341], %swap3A_344 {strides = array<i32>} : memref<2x4x128xf32, #tpu.memory_space<vmem>>, vector<1x1x16xf32>,
      %broadcast_in_dim3A_345 = arith.constant 0.000000e+00 : f32
      %broadcast_in_dim3A_346 = vector.broadcast %broadcast_in_dim3A_345 : f32 to vector<16xf32>
      %broadcast_in_dim3A_347 = arith.constant 0.000000e+00 : f32
      %broadcast_in_dim3A_348 = vector.broadcast %broadcast_in_dim3A_347 : f32 to vector<16xf32>
      %broadcast_in_dim3A_349 = arith.constant 0.000000e+00 : f32
      %broadcast_in_dim3A_350 = vector.broadcast %broadcast_in_dim3A_349 : f32 to vector<16xf32>
      %broadcast_in_dim3A_351 = arith.constant 0.000000e+00 : f32
      %broadcast_in_dim3A_352 = vector.broadcast %broadcast_in_dim3A_351 : f32 to vector<16xf32>
      %broadcast_in_dim3A_353 = arith.constant 0.000000e+00 : f32
      %broadcast_in_dim3A_354 = vector.broadcast %broadcast_in_dim3A_353 : f32 to vector<16xf32>
      %broadcast_in_dim3A_355 = arith.constant 0.000000e+00 : f32
      %broadcast_in_dim3A_356 = vector.broadcast %broadcast_in_dim3A_355 : f32 to vector<16xf32>
      %broadcast_in_dim3A_357 = arith.constant 0.000000e+00 : f32
      %broadcast_in_dim3A_358 = vector.broadcast %broadcast_in_dim3A_357 : f32 to vector<16xf32>
      %broadcast_in_dim3A_359 = arith.constant 0.000000e+00 : f32
      %broadcast_in_dim3A_360 = vector.broadcast %broadcast_in_dim3A_359 : f32 to vector<16xf32>
      %scan3A_361 = arith.constant 0 : i32
      %scan3A_362 = arith.constant 8 : i32
      %scan3A_363 = arith.addi %scan3A_361, %scan3A_362 : i32
      %scan3A_364 = arith.constant 1 : i32
      %scan3A_365:8 = scf.for %scan3A_841 = %scan3A_361 to %scan3A_363 step %scan3A_364 iter_args(%scan3A_842 = %broadcast_in_dim3A_346, %scan3A_843 = %broadcast_in_dim3A_348, %scan3A_844 = %broadcast_in_dim3A_350, %scan3A_845 = %broadcast_in_dim3A_352, %scan3A_846 = %broadcast_in_dim3A_354, %scan3A_847 = %broadcast_in_dim3A_356, %scan3A_848 = %broadcast_in_dim3A_358, %scan3A_849 = %broadcast_in_dim3A_360) -> (vector<16xf32>, vector<16xf32>, vector<16xf32>, vector<16xf32>, vector<16xf32>, vector<16xf32>, vector<16xf32>, vector<16xf32>)  : i32 {
        %mul3A_850 = arith.constant 4 : i32
        %mul3A_851 = arith.muli %scan3A_841, %mul3A_850 : i32
        %add3A_852 = arith.constant 96 : i32
        %add3A_853 = arith.addi %add3A_852, %mul3A_851 : i32
        %add3A_854 = arith.constant 0 : i32
        %add3A_855 = arith.addi %add3A_853, %add3A_854 : i32
        %get3A = arith.constant 0 : i32
        %get3A_856 = arith.index_cast %get3A : i32 to index
        %get3A_857 = arith.index_cast %add3A_855 : i32 to index
        %get3A_858 = arith.constant 0 : index
        %get3A_859 = tpu.vector_load %arg6[%get3A_856, %get3A_857, %get3A_858] {strides = array<i32>} : memref<2x128x128xf32, #tpu.memory_space<vmem>>, vector<1x1x16xf32>,
        %get3A_860 = vector.shape_cast %get3A_859 : vector<1x1x16xf32> to vector<16xf32>
        %add3A_861 = arith.addf %scan3A_842, %get3A_860 : vector<16xf32>
        %add3A_862 = arith.constant 0 : i32
        %add3A_863 = arith.addi %add3A_853, %add3A_862 : i32
        %get3A_864 = arith.constant 0 : i32
        %get3A_865 = arith.index_cast %get3A_864 : i32 to index
        %get3A_866 = arith.index_cast %add3A_863 : i32 to index
        %get3A_867 = arith.constant 16 : index
        %get3A_868 = tpu.vector_load %arg6[%get3A_865, %get3A_866, %get3A_867] {strides = array<i32>} : memref<2x128x128xf32, #tpu.memory_space<vmem>>, vector<1x1x16xf32>,
        %get3A_869 = vector.shape_cast %get3A_868 : vector<1x1x16xf32> to vector<16xf32>
        %add3A_870 = arith.addf %scan3A_843, %get3A_869 : vector<16xf32>
        %add3A_871 = arith.constant 0 : i32
        %add3A_872 = arith.addi %add3A_853, %add3A_871 : i32
        %get3A_873 = arith.constant 0 : i32
        %get3A_874 = arith.index_cast %get3A_873 : i32 to index
        %get3A_875 = arith.index_cast %add3A_872 : i32 to index
        %get3A_876 = arith.constant 32 : index
        %get3A_877 = tpu.vector_load %arg6[%get3A_874, %get3A_875, %get3A_876] {strides = array<i32>} : memref<2x128x128xf32, #tpu.memory_space<vmem>>, vector<1x1x16xf32>,
        %get3A_878 = vector.shape_cast %get3A_877 : vector<1x1x16xf32> to vector<16xf32>
        %add3A_879 = arith.addf %scan3A_844, %get3A_878 : vector<16xf32>
        %add3A_880 = arith.constant 0 : i32
        %add3A_881 = arith.addi %add3A_853, %add3A_880 : i32
        %get3A_882 = arith.constant 0 : i32
        %get3A_883 = arith.index_cast %get3A_882 : i32 to index
        %get3A_884 = arith.index_cast %add3A_881 : i32 to index
        %get3A_885 = arith.constant 48 : index
        %get3A_886 = tpu.vector_load %arg6[%get3A_883, %get3A_884, %get3A_885] {strides = array<i32>} : memref<2x128x128xf32, #tpu.memory_space<vmem>>, vector<1x1x16xf32>,
        %get3A_887 = vector.shape_cast %get3A_886 : vector<1x1x16xf32> to vector<16xf32>
        %add3A_888 = arith.addf %scan3A_845, %get3A_887 : vector<16xf32>
        %add3A_889 = arith.constant 0 : i32
        %add3A_890 = arith.addi %add3A_853, %add3A_889 : i32
        %get3A_891 = arith.constant 0 : i32
        %get3A_892 = arith.index_cast %get3A_891 : i32 to index
        %get3A_893 = arith.index_cast %add3A_890 : i32 to index
        %get3A_894 = arith.constant 64 : index
        %get3A_895 = tpu.vector_load %arg6[%get3A_892, %get3A_893, %get3A_894] {strides = array<i32>} : memref<2x128x128xf32, #tpu.memory_space<vmem>>, vector<1x1x16xf32>,
        %get3A_896 = vector.shape_cast %get3A_895 : vector<1x1x16xf32> to vector<16xf32>
        %add3A_897 = arith.addf %scan3A_846, %get3A_896 : vector<16xf32>
        %add3A_898 = arith.constant 0 : i32
        %add3A_899 = arith.addi %add3A_853, %add3A_898 : i32
        %get3A_900 = arith.constant 0 : i32
        %get3A_901 = arith.index_cast %get3A_900 : i32 to index
        %get3A_902 = arith.index_cast %add3A_899 : i32 to index
        %get3A_903 = arith.constant 80 : index
        %get3A_904 = tpu.vector_load %arg6[%get3A_901, %get3A_902, %get3A_903] {strides = array<i32>} : memref<2x128x128xf32, #tpu.memory_space<vmem>>, vector<1x1x16xf32>,
        %get3A_905 = vector.shape_cast %get3A_904 : vector<1x1x16xf32> to vector<16xf32>
        %add3A_906 = arith.addf %scan3A_847, %get3A_905 : vector<16xf32>
        %add3A_907 = arith.constant 0 : i32
        %add3A_908 = arith.addi %add3A_853, %add3A_907 : i32
        %get3A_909 = arith.constant 0 : i32
        %get3A_910 = arith.index_cast %get3A_909 : i32 to index
        %get3A_911 = arith.index_cast %add3A_908 : i32 to index
        %get3A_912 = arith.constant 96 : index
        %get3A_913 = tpu.vector_load %arg6[%get3A_910, %get3A_911, %get3A_912] {strides = array<i32>} : memref<2x128x128xf32, #tpu.memory_space<vmem>>, vector<1x1x16xf32>,
        %get3A_914 = vector.shape_cast %get3A_913 : vector<1x1x16xf32> to vector<16xf32>
        %add3A_915 = arith.addf %scan3A_848, %get3A_914 : vector<16xf32>
        %add3A_916 = arith.constant 0 : i32
        %add3A_917 = arith.addi %add3A_853, %add3A_916 : i32
        %get3A_918 = arith.constant 0 : i32
        %get3A_919 = arith.index_cast %get3A_918 : i32 to index
        %get3A_920 = arith.index_cast %add3A_917 : i32 to index
        %get3A_921 = arith.constant 112 : index
        %get3A_922 = tpu.vector_load %arg6[%get3A_919, %get3A_920, %get3A_921] {strides = array<i32>} : memref<2x128x128xf32, #tpu.memory_space<vmem>>, vector<1x1x16xf32>,
        %get3A_923 = vector.shape_cast %get3A_922 : vector<1x1x16xf32> to vector<16xf32>
        %add3A_924 = arith.addf %scan3A_849, %get3A_923 : vector<16xf32>
        %add3A_925 = arith.constant 1 : i32
        %add3A_926 = arith.addi %add3A_853, %add3A_925 : i32
        %get3A_927 = arith.constant 0 : i32
        %get3A_928 = arith.index_cast %get3A_927 : i32 to index
        %get3A_929 = arith.index_cast %add3A_926 : i32 to index
        %get3A_930 = arith.constant 0 : index
        %get3A_931 = tpu.vector_load %arg6[%get3A_928, %get3A_929, %get3A_930] {strides = array<i32>} : memref<2x128x128xf32, #tpu.memory_space<vmem>>, vector<1x1x16xf32>,
        %get3A_932 = vector.shape_cast %get3A_931 : vector<1x1x16xf32> to vector<16xf32>
        %add3A_933 = arith.addf %add3A_861, %get3A_932 : vector<16xf32>
        %add3A_934 = arith.constant 1 : i32
        %add3A_935 = arith.addi %add3A_853, %add3A_934 : i32
        %get3A_936 = arith.constant 0 : i32
        %get3A_937 = arith.index_cast %get3A_936 : i32 to index
        %get3A_938 = arith.index_cast %add3A_935 : i32 to index
        %get3A_939 = arith.constant 16 : index
        %get3A_940 = tpu.vector_load %arg6[%get3A_937, %get3A_938, %get3A_939] {strides = array<i32>} : memref<2x128x128xf32, #tpu.memory_space<vmem>>, vector<1x1x16xf32>,
        %get3A_941 = vector.shape_cast %get3A_940 : vector<1x1x16xf32> to vector<16xf32>
        %add3A_942 = arith.addf %add3A_870, %get3A_941 : vector<16xf32>
        %add3A_943 = arith.constant 1 : i32
        %add3A_944 = arith.addi %add3A_853, %add3A_943 : i32
        %get3A_945 = arith.constant 0 : i32
        %get3A_946 = arith.index_cast %get3A_945 : i32 to index
        %get3A_947 = arith.index_cast %add3A_944 : i32 to index
        %get3A_948 = arith.constant 32 : index
        %get3A_949 = tpu.vector_load %arg6[%get3A_946, %get3A_947, %get3A_948] {strides = array<i32>} : memref<2x128x128xf32, #tpu.memory_space<vmem>>, vector<1x1x16xf32>,
        %get3A_950 = vector.shape_cast %get3A_949 : vector<1x1x16xf32> to vector<16xf32>
        %add3A_951 = arith.addf %add3A_879, %get3A_950 : vector<16xf32>
        %add3A_952 = arith.constant 1 : i32
        %add3A_953 = arith.addi %add3A_853, %add3A_952 : i32
        %get3A_954 = arith.constant 0 : i32
        %get3A_955 = arith.index_cast %get3A_954 : i32 to index
        %get3A_956 = arith.index_cast %add3A_953 : i32 to index
        %get3A_957 = arith.constant 48 : index
        %get3A_958 = tpu.vector_load %arg6[%get3A_955, %get3A_956, %get3A_957] {strides = array<i32>} : memref<2x128x128xf32, #tpu.memory_space<vmem>>, vector<1x1x16xf32>,
        %get3A_959 = vector.shape_cast %get3A_958 : vector<1x1x16xf32> to vector<16xf32>
        %add3A_960 = arith.addf %add3A_888, %get3A_959 : vector<16xf32>
        %add3A_961 = arith.constant 1 : i32
        %add3A_962 = arith.addi %add3A_853, %add3A_961 : i32
        %get3A_963 = arith.constant 0 : i32
        %get3A_964 = arith.index_cast %get3A_963 : i32 to index
        %get3A_965 = arith.index_cast %add3A_962 : i32 to index
        %get3A_966 = arith.constant 64 : index
        %get3A_967 = tpu.vector_load %arg6[%get3A_964, %get3A_965, %get3A_966] {strides = array<i32>} : memref<2x128x128xf32, #tpu.memory_space<vmem>>, vector<1x1x16xf32>,
        %get3A_968 = vector.shape_cast %get3A_967 : vector<1x1x16xf32> to vector<16xf32>
        %add3A_969 = arith.addf %add3A_897, %get3A_968 : vector<16xf32>
        %add3A_970 = arith.constant 1 : i32
        %add3A_971 = arith.addi %add3A_853, %add3A_970 : i32
        %get3A_972 = arith.constant 0 : i32
        %get3A_973 = arith.index_cast %get3A_972 : i32 to index
        %get3A_974 = arith.index_cast %add3A_971 : i32 to index
        %get3A_975 = arith.constant 80 : index
        %get3A_976 = tpu.vector_load %arg6[%get3A_973, %get3A_974, %get3A_975] {strides = array<i32>} : memref<2x128x128xf32, #tpu.memory_space<vmem>>, vector<1x1x16xf32>,
        %get3A_977 = vector.shape_cast %get3A_976 : vector<1x1x16xf32> to vector<16xf32>
        %add3A_978 = arith.addf %add3A_906, %get3A_977 : vector<16xf32>
        %add3A_979 = arith.constant 1 : i32
        %add3A_980 = arith.addi %add3A_853, %add3A_979 : i32
        %get3A_981 = arith.constant 0 : i32
        %get3A_982 = arith.index_cast %get3A_981 : i32 to index
        %get3A_983 = arith.index_cast %add3A_980 : i32 to index
        %get3A_984 = arith.constant 96 : index
        %get3A_985 = tpu.vector_load %arg6[%get3A_982, %get3A_983, %get3A_984] {strides = array<i32>} : memref<2x128x128xf32, #tpu.memory_space<vmem>>, vector<1x1x16xf32>,
        %get3A_986 = vector.shape_cast %get3A_985 : vector<1x1x16xf32> to vector<16xf32>
        %add3A_987 = arith.addf %add3A_915, %get3A_986 : vector<16xf32>
        %add3A_988 = arith.constant 1 : i32
        %add3A_989 = arith.addi %add3A_853, %add3A_988 : i32
        %get3A_990 = arith.constant 0 : i32
        %get3A_991 = arith.index_cast %get3A_990 : i32 to index
        %get3A_992 = arith.index_cast %add3A_989 : i32 to index
        %get3A_993 = arith.constant 112 : index
        %get3A_994 = tpu.vector_load %arg6[%get3A_991, %get3A_992, %get3A_993] {strides = array<i32>} : memref<2x128x128xf32, #tpu.memory_space<vmem>>, vector<1x1x16xf32>,
        %get3A_995 = vector.shape_cast %get3A_994 : vector<1x1x16xf32> to vector<16xf32>
        %add3A_996 = arith.addf %add3A_924, %get3A_995 : vector<16xf32>
        %add3A_997 = arith.constant 2 : i32
        %add3A_998 = arith.addi %add3A_853, %add3A_997 : i32
        %get3A_999 = arith.constant 0 : i32
        %get3A_1000 = arith.index_cast %get3A_999 : i32 to index
        %get3A_1001 = arith.index_cast %add3A_998 : i32 to index
        %get3A_1002 = arith.constant 0 : index
        %get3A_1003 = tpu.vector_load %arg6[%get3A_1000, %get3A_1001, %get3A_1002] {strides = array<i32>} : memref<2x128x128xf32, #tpu.memory_space<vmem>>, vector<1x1x16xf32>,
        %get3A_1004 = vector.shape_cast %get3A_1003 : vector<1x1x16xf32> to vector<16xf32>
        %add3A_1005 = arith.addf %add3A_933, %get3A_1004 : vector<16xf32>
        %add3A_1006 = arith.constant 2 : i32
        %add3A_1007 = arith.addi %add3A_853, %add3A_1006 : i32
        %get3A_1008 = arith.constant 0 : i32
        %get3A_1009 = arith.index_cast %get3A_1008 : i32 to index
        %get3A_1010 = arith.index_cast %add3A_1007 : i32 to index
        %get3A_1011 = arith.constant 16 : index
        %get3A_1012 = tpu.vector_load %arg6[%get3A_1009, %get3A_1010, %get3A_1011] {strides = array<i32>} : memref<2x128x128xf32, #tpu.memory_space<vmem>>, vector<1x1x16xf32>,
        %get3A_1013 = vector.shape_cast %get3A_1012 : vector<1x1x16xf32> to vector<16xf32>
        %add3A_1014 = arith.addf %add3A_942, %get3A_1013 : vector<16xf32>
        %add3A_1015 = arith.constant 2 : i32
        %add3A_1016 = arith.addi %add3A_853, %add3A_1015 : i32
        %get3A_1017 = arith.constant 0 : i32
        %get3A_1018 = arith.index_cast %get3A_1017 : i32 to index
        %get3A_1019 = arith.index_cast %add3A_1016 : i32 to index
        %get3A_1020 = arith.constant 32 : index
        %get3A_1021 = tpu.vector_load %arg6[%get3A_1018, %get3A_1019, %get3A_1020] {strides = array<i32>} : memref<2x128x128xf32, #tpu.memory_space<vmem>>, vector<1x1x16xf32>,
        %get3A_1022 = vector.shape_cast %get3A_1021 : vector<1x1x16xf32> to vector<16xf32>
        %add3A_1023 = arith.addf %add3A_951, %get3A_1022 : vector<16xf32>
        %add3A_1024 = arith.constant 2 : i32
        %add3A_1025 = arith.addi %add3A_853, %add3A_1024 : i32
        %get3A_1026 = arith.constant 0 : i32
        %get3A_1027 = arith.index_cast %get3A_1026 : i32 to index
        %get3A_1028 = arith.index_cast %add3A_1025 : i32 to index
        %get3A_1029 = arith.constant 48 : index
        %get3A_1030 = tpu.vector_load %arg6[%get3A_1027, %get3A_1028, %get3A_1029] {strides = array<i32>} : memref<2x128x128xf32, #tpu.memory_space<vmem>>, vector<1x1x16xf32>,
        %get3A_1031 = vector.shape_cast %get3A_1030 : vector<1x1x16xf32> to vector<16xf32>
        %add3A_1032 = arith.addf %add3A_960, %get3A_1031 : vector<16xf32>
        %add3A_1033 = arith.constant 2 : i32
        %add3A_1034 = arith.addi %add3A_853, %add3A_1033 : i32
        %get3A_1035 = arith.constant 0 : i32
        %get3A_1036 = arith.index_cast %get3A_1035 : i32 to index
        %get3A_1037 = arith.index_cast %add3A_1034 : i32 to index
        %get3A_1038 = arith.constant 64 : index
        %get3A_1039 = tpu.vector_load %arg6[%get3A_1036, %get3A_1037, %get3A_1038] {strides = array<i32>} : memref<2x128x128xf32, #tpu.memory_space<vmem>>, vector<1x1x16xf32>,
        %get3A_1040 = vector.shape_cast %get3A_1039 : vector<1x1x16xf32> to vector<16xf32>
        %add3A_1041 = arith.addf %add3A_969, %get3A_1040 : vector<16xf32>
        %add3A_1042 = arith.constant 2 : i32
        %add3A_1043 = arith.addi %add3A_853, %add3A_1042 : i32
        %get3A_1044 = arith.constant 0 : i32
        %get3A_1045 = arith.index_cast %get3A_1044 : i32 to index
        %get3A_1046 = arith.index_cast %add3A_1043 : i32 to index
        %get3A_1047 = arith.constant 80 : index
        %get3A_1048 = tpu.vector_load %arg6[%get3A_1045, %get3A_1046, %get3A_1047] {strides = array<i32>} : memref<2x128x128xf32, #tpu.memory_space<vmem>>, vector<1x1x16xf32>,
        %get3A_1049 = vector.shape_cast %get3A_1048 : vector<1x1x16xf32> to vector<16xf32>
        %add3A_1050 = arith.addf %add3A_978, %get3A_1049 : vector<16xf32>
        %add3A_1051 = arith.constant 2 : i32
        %add3A_1052 = arith.addi %add3A_853, %add3A_1051 : i32
        %get3A_1053 = arith.constant 0 : i32
        %get3A_1054 = arith.index_cast %get3A_1053 : i32 to index
        %get3A_1055 = arith.index_cast %add3A_1052 : i32 to index
        %get3A_1056 = arith.constant 96 : index
        %get3A_1057 = tpu.vector_load %arg6[%get3A_1054, %get3A_1055, %get3A_1056] {strides = array<i32>} : memref<2x128x128xf32, #tpu.memory_space<vmem>>, vector<1x1x16xf32>,
        %get3A_1058 = vector.shape_cast %get3A_1057 : vector<1x1x16xf32> to vector<16xf32>
        %add3A_1059 = arith.addf %add3A_987, %get3A_1058 : vector<16xf32>
        %add3A_1060 = arith.constant 2 : i32
        %add3A_1061 = arith.addi %add3A_853, %add3A_1060 : i32
        %get3A_1062 = arith.constant 0 : i32
        %get3A_1063 = arith.index_cast %get3A_1062 : i32 to index
        %get3A_1064 = arith.index_cast %add3A_1061 : i32 to index
        %get3A_1065 = arith.constant 112 : index
        %get3A_1066 = tpu.vector_load %arg6[%get3A_1063, %get3A_1064, %get3A_1065] {strides = array<i32>} : memref<2x128x128xf32, #tpu.memory_space<vmem>>, vector<1x1x16xf32>,
        %get3A_1067 = vector.shape_cast %get3A_1066 : vector<1x1x16xf32> to vector<16xf32>
        %add3A_1068 = arith.addf %add3A_996, %get3A_1067 : vector<16xf32>
        %add3A_1069 = arith.constant 3 : i32
        %add3A_1070 = arith.addi %add3A_853, %add3A_1069 : i32
        %get3A_1071 = arith.constant 0 : i32
        %get3A_1072 = arith.index_cast %get3A_1071 : i32 to index
        %get3A_1073 = arith.index_cast %add3A_1070 : i32 to index
        %get3A_1074 = arith.constant 0 : index
        %get3A_1075 = tpu.vector_load %arg6[%get3A_1072, %get3A_1073, %get3A_1074] {strides = array<i32>} : memref<2x128x128xf32, #tpu.memory_space<vmem>>, vector<1x1x16xf32>,
        %get3A_1076 = vector.shape_cast %get3A_1075 : vector<1x1x16xf32> to vector<16xf32>
        %add3A_1077 = arith.addf %add3A_1005, %get3A_1076 : vector<16xf32>
        %add3A_1078 = arith.constant 3 : i32
        %add3A_1079 = arith.addi %add3A_853, %add3A_1078 : i32
        %get3A_1080 = arith.constant 0 : i32
        %get3A_1081 = arith.index_cast %get3A_1080 : i32 to index
        %get3A_1082 = arith.index_cast %add3A_1079 : i32 to index
        %get3A_1083 = arith.constant 16 : index
        %get3A_1084 = tpu.vector_load %arg6[%get3A_1081, %get3A_1082, %get3A_1083] {strides = array<i32>} : memref<2x128x128xf32, #tpu.memory_space<vmem>>, vector<1x1x16xf32>,
        %get3A_1085 = vector.shape_cast %get3A_1084 : vector<1x1x16xf32> to vector<16xf32>
        %add3A_1086 = arith.addf %add3A_1014, %get3A_1085 : vector<16xf32>
        %add3A_1087 = arith.constant 3 : i32
        %add3A_1088 = arith.addi %add3A_853, %add3A_1087 : i32
        %get3A_1089 = arith.constant 0 : i32
        %get3A_1090 = arith.index_cast %get3A_1089 : i32 to index
        %get3A_1091 = arith.index_cast %add3A_1088 : i32 to index
        %get3A_1092 = arith.constant 32 : index
        %get3A_1093 = tpu.vector_load %arg6[%get3A_1090, %get3A_1091, %get3A_1092] {strides = array<i32>} : memref<2x128x128xf32, #tpu.memory_space<vmem>>, vector<1x1x16xf32>,
        %get3A_1094 = vector.shape_cast %get3A_1093 : vector<1x1x16xf32> to vector<16xf32>
        %add3A_1095 = arith.addf %add3A_1023, %get3A_1094 : vector<16xf32>
        %add3A_1096 = arith.constant 3 : i32
        %add3A_1097 = arith.addi %add3A_853, %add3A_1096 : i32
        %get3A_1098 = arith.constant 0 : i32
        %get3A_1099 = arith.index_cast %get3A_1098 : i32 to index
        %get3A_1100 = arith.index_cast %add3A_1097 : i32 to index
        %get3A_1101 = arith.constant 48 : index
        %get3A_1102 = tpu.vector_load %arg6[%get3A_1099, %get3A_1100, %get3A_1101] {strides = array<i32>} : memref<2x128x128xf32, #tpu.memory_space<vmem>>, vector<1x1x16xf32>,
        %get3A_1103 = vector.shape_cast %get3A_1102 : vector<1x1x16xf32> to vector<16xf32>
        %add3A_1104 = arith.addf %add3A_1032, %get3A_1103 : vector<16xf32>
        %add3A_1105 = arith.constant 3 : i32
        %add3A_1106 = arith.addi %add3A_853, %add3A_1105 : i32
        %get3A_1107 = arith.constant 0 : i32
        %get3A_1108 = arith.index_cast %get3A_1107 : i32 to index
        %get3A_1109 = arith.index_cast %add3A_1106 : i32 to index
        %get3A_1110 = arith.constant 64 : index
        %get3A_1111 = tpu.vector_load %arg6[%get3A_1108, %get3A_1109, %get3A_1110] {strides = array<i32>} : memref<2x128x128xf32, #tpu.memory_space<vmem>>, vector<1x1x16xf32>,
        %get3A_1112 = vector.shape_cast %get3A_1111 : vector<1x1x16xf32> to vector<16xf32>
        %add3A_1113 = arith.addf %add3A_1041, %get3A_1112 : vector<16xf32>
        %add3A_1114 = arith.constant 3 : i32
        %add3A_1115 = arith.addi %add3A_853, %add3A_1114 : i32
        %get3A_1116 = arith.constant 0 : i32
        %get3A_1117 = arith.index_cast %get3A_1116 : i32 to index
        %get3A_1118 = arith.index_cast %add3A_1115 : i32 to index
        %get3A_1119 = arith.constant 80 : index
        %get3A_1120 = tpu.vector_load %arg6[%get3A_1117, %get3A_1118, %get3A_1119] {strides = array<i32>} : memref<2x128x128xf32, #tpu.memory_space<vmem>>, vector<1x1x16xf32>,
        %get3A_1121 = vector.shape_cast %get3A_1120 : vector<1x1x16xf32> to vector<16xf32>
        %add3A_1122 = arith.addf %add3A_1050, %get3A_1121 : vector<16xf32>
        %add3A_1123 = arith.constant 3 : i32
        %add3A_1124 = arith.addi %add3A_853, %add3A_1123 : i32
        %get3A_1125 = arith.constant 0 : i32
        %get3A_1126 = arith.index_cast %get3A_1125 : i32 to index
        %get3A_1127 = arith.index_cast %add3A_1124 : i32 to index
        %get3A_1128 = arith.constant 96 : index
        %get3A_1129 = tpu.vector_load %arg6[%get3A_1126, %get3A_1127, %get3A_1128] {strides = array<i32>} : memref<2x128x128xf32, #tpu.memory_space<vmem>>, vector<1x1x16xf32>,
        %get3A_1130 = vector.shape_cast %get3A_1129 : vector<1x1x16xf32> to vector<16xf32>
        %add3A_1131 = arith.addf %add3A_1059, %get3A_1130 : vector<16xf32>
        %add3A_1132 = arith.constant 3 : i32
        %add3A_1133 = arith.addi %add3A_853, %add3A_1132 : i32
        %get3A_1134 = arith.constant 0 : i32
        %get3A_1135 = arith.index_cast %get3A_1134 : i32 to index
        %get3A_1136 = arith.index_cast %add3A_1133 : i32 to index
        %get3A_1137 = arith.constant 112 : index
        %get3A_1138 = tpu.vector_load %arg6[%get3A_1135, %get3A_1136, %get3A_1137] {strides = array<i32>} : memref<2x128x128xf32, #tpu.memory_space<vmem>>, vector<1x1x16xf32>,
        %get3A_1139 = vector.shape_cast %get3A_1138 : vector<1x1x16xf32> to vector<16xf32>
        %add3A_1140 = arith.addf %add3A_1068, %get3A_1139 : vector<16xf32>
        scf.yield %add3A_1077, %add3A_1086, %add3A_1095, %add3A_1104, %add3A_1113, %add3A_1122, %add3A_1131, %add3A_1140 : vector<16xf32>, vector<16xf32>, vector<16xf32>, vector<16xf32>, vector<16xf32>, vector<16xf32>, vector<16xf32>, vector<16xf32>
      }
      %scan3A_366 = arith.constant 8 : i32
      %swap3A_367 = arith.constant 0 : i32
      %swap3A_368 = arith.constant 3 : i32
      %swap3A_369 = arith.index_cast %swap3A_367 : i32 to index
      %swap3A_370 = arith.index_cast %swap3A_368 : i32 to index
      %swap3A_371 = arith.constant 0 : index
      %swap3A_372 = tpu.vector_load %arg7[%swap3A_369, %swap3A_370, %swap3A_371] {strides = array<i32>} : memref<2x4x128xf32, #tpu.memory_space<vmem>>, vector<1x1x16xf32>,
      %swap3A_373 = vector.shape_cast %swap3A_372 : vector<1x1x16xf32> to vector<16xf32>
      %swap3A_374 = vector.shape_cast %scan3A_365#0 : vector<16xf32> to vector<1x1x16xf32>
      tpu.vector_store %arg7[%swap3A_369, %swap3A_370, %swap3A_371], %swap3A_374 {strides = array<i32>} : memref<2x4x128xf32, #tpu.memory_space<vmem>>, vector<1x1x16xf32>,
      %swap3A_375 = arith.constant 0 : i32
      %swap3A_376 = arith.constant 3 : i32
      %swap3A_377 = arith.index_cast %swap3A_375 : i32 to index
      %swap3A_378 = arith.index_cast %swap3A_376 : i32 to index
      %swap3A_379 = arith.constant 16 : index
      %swap3A_380 = tpu.vector_load %arg7[%swap3A_377, %swap3A_378, %swap3A_379] {strides = array<i32>} : memref<2x4x128xf32, #tpu.memory_space<vmem>>, vector<1x1x16xf32>,
      %swap3A_381 = vector.shape_cast %swap3A_380 : vector<1x1x16xf32> to vector<16xf32>
      %swap3A_382 = vector.shape_cast %scan3A_365#1 : vector<16xf32> to vector<1x1x16xf32>
      tpu.vector_store %arg7[%swap3A_377, %swap3A_378, %swap3A_379], %swap3A_382 {strides = array<i32>} : memref<2x4x128xf32, #tpu.memory_space<vmem>>, vector<1x1x16xf32>,
      %swap3A_383 = arith.constant 0 : i32
      %swap3A_384 = arith.constant 3 : i32
      %swap3A_385 = arith.index_cast %swap3A_383 : i32 to index
      %swap3A_386 = arith.index_cast %swap3A_384 : i32 to index
      %swap3A_387 = arith.constant 32 : index
      %swap3A_388 = tpu.vector_load %arg7[%swap3A_385, %swap3A_386, %swap3A_387] {strides = array<i32>} : memref<2x4x128xf32, #tpu.memory_space<vmem>>, vector<1x1x16xf32>,
      %swap3A_389 = vector.shape_cast %swap3A_388 : vector<1x1x16xf32> to vector<16xf32>
      %swap3A_390 = vector.shape_cast %scan3A_365#2 : vector<16xf32> to vector<1x1x16xf32>
      tpu.vector_store %arg7[%swap3A_385, %swap3A_386, %swap3A_387], %swap3A_390 {strides = array<i32>} : memref<2x4x128xf32, #tpu.memory_space<vmem>>, vector<1x1x16xf32>,
      %swap3A_391 = arith.constant 0 : i32
      %swap3A_392 = arith.constant 3 : i32
      %swap3A_393 = arith.index_cast %swap3A_391 : i32 to index
      %swap3A_394 = arith.index_cast %swap3A_392 : i32 to index
      %swap3A_395 = arith.constant 48 : index
      %swap3A_396 = tpu.vector_load %arg7[%swap3A_393, %swap3A_394, %swap3A_395] {strides = array<i32>} : memref<2x4x128xf32, #tpu.memory_space<vmem>>, vector<1x1x16xf32>,
      %swap3A_397 = vector.shape_cast %swap3A_396 : vector<1x1x16xf32> to vector<16xf32>
      %swap3A_398 = vector.shape_cast %scan3A_365#3 : vector<16xf32> to vector<1x1x16xf32>
      tpu.vector_store %arg7[%swap3A_393, %swap3A_394, %swap3A_395], %swap3A_398 {strides = array<i32>} : memref<2x4x128xf32, #tpu.memory_space<vmem>>, vector<1x1x16xf32>,
      %swap3A_399 = arith.constant 0 : i32
      %swap3A_400 = arith.constant 3 : i32
      %swap3A_401 = arith.index_cast %swap3A_399 : i32 to index
      %swap3A_402 = arith.index_cast %swap3A_400 : i32 to index
      %swap3A_403 = arith.constant 64 : index
      %swap3A_404 = tpu.vector_load %arg7[%swap3A_401, %swap3A_402, %swap3A_403] {strides = array<i32>} : memref<2x4x128xf32, #tpu.memory_space<vmem>>, vector<1x1x16xf32>,
      %swap3A_405 = vector.shape_cast %swap3A_404 : vector<1x1x16xf32> to vector<16xf32>
      %swap3A_406 = vector.shape_cast %scan3A_365#4 : vector<16xf32> to vector<1x1x16xf32>
      tpu.vector_store %arg7[%swap3A_401, %swap3A_402, %swap3A_403], %swap3A_406 {strides = array<i32>} : memref<2x4x128xf32, #tpu.memory_space<vmem>>, vector<1x1x16xf32>,
      %swap3A_407 = arith.constant 0 : i32
      %swap3A_408 = arith.constant 3 : i32
      %swap3A_409 = arith.index_cast %swap3A_407 : i32 to index
      %swap3A_410 = arith.index_cast %swap3A_408 : i32 to index
      %swap3A_411 = arith.constant 80 : index
      %swap3A_412 = tpu.vector_load %arg7[%swap3A_409, %swap3A_410, %swap3A_411] {strides = array<i32>} : memref<2x4x128xf32, #tpu.memory_space<vmem>>, vector<1x1x16xf32>,
      %swap3A_413 = vector.shape_cast %swap3A_412 : vector<1x1x16xf32> to vector<16xf32>
      %swap3A_414 = vector.shape_cast %scan3A_365#5 : vector<16xf32> to vector<1x1x16xf32>
      tpu.vector_store %arg7[%swap3A_409, %swap3A_410, %swap3A_411], %swap3A_414 {strides = array<i32>} : memref<2x4x128xf32, #tpu.memory_space<vmem>>, vector<1x1x16xf32>,
      %swap3A_415 = arith.constant 0 : i32
      %swap3A_416 = arith.constant 3 : i32
      %swap3A_417 = arith.index_cast %swap3A_415 : i32 to index
      %swap3A_418 = arith.index_cast %swap3A_416 : i32 to index
      %swap3A_419 = arith.constant 96 : index
      %swap3A_420 = tpu.vector_load %arg7[%swap3A_417, %swap3A_418, %swap3A_419] {strides = array<i32>} : memref<2x4x128xf32, #tpu.memory_space<vmem>>, vector<1x1x16xf32>,
      %swap3A_421 = vector.shape_cast %swap3A_420 : vector<1x1x16xf32> to vector<16xf32>
      %swap3A_422 = vector.shape_cast %scan3A_365#6 : vector<16xf32> to vector<1x1x16xf32>
      tpu.vector_store %arg7[%swap3A_417, %swap3A_418, %swap3A_419], %swap3A_422 {strides = array<i32>} : memref<2x4x128xf32, #tpu.memory_space<vmem>>, vector<1x1x16xf32>,
      %swap3A_423 = arith.constant 0 : i32
      %swap3A_424 = arith.constant 3 : i32
      %swap3A_425 = arith.index_cast %swap3A_423 : i32 to index
      %swap3A_426 = arith.index_cast %swap3A_424 : i32 to index
      %swap3A_427 = arith.constant 112 : index
      %swap3A_428 = tpu.vector_load %arg7[%swap3A_425, %swap3A_426, %swap3A_427] {strides = array<i32>} : memref<2x4x128xf32, #tpu.memory_space<vmem>>, vector<1x1x16xf32>,
      %swap3A_429 = vector.shape_cast %swap3A_428 : vector<1x1x16xf32> to vector<16xf32>
      %swap3A_430 = vector.shape_cast %scan3A_365#7 : vector<16xf32> to vector<1x1x16xf32>
      tpu.vector_store %arg7[%swap3A_425, %swap3A_426, %swap3A_427], %swap3A_430 {strides = array<i32>} : memref<2x4x128xf32, #tpu.memory_space<vmem>>, vector<1x1x16xf32>,
      %mul3A_431 = arith.constant 4 : i32
      %mul3A_432 = arith.muli %add3A_73, %mul3A_431 : i32
      %add3A_433 = arith.addi %mul3A_36, %mul3A_432 : i32
      %dma_start3A_434 = arith.constant 0 : i32
      %dma_start3A_435 = arith.constant 0 : i32
      %dma_start3A_436 = arith.constant 0 : i32
      %dma_start3A_437 = tpu.memref_slice %arg7[%dma_start3A_434, %dma_start3A_435, %dma_start3A_436] : memref<2x4x128xf32, #tpu.memory_space<vmem>> -> memref<1x4x128xf32, #tpu.memory_space<vmem>>
      %dma_start3A_438 = tpu.memref_squeeze %dma_start3A_437 : memref<1x4x128xf32, #tpu.memory_space<vmem>> -> memref<4x128xf32, #tpu.memory_space<vmem>>
      %dma_start3A_439 = arith.constant 0 : i32
      %dma_start3A_440 = tpu.memref_slice %arg4[%add3A_433, %dma_start3A_439] : memref<10240x128xf32, #tpu.memory_space<hbm>> -> memref<4x128xf32, #tpu.memory_space<hbm>>
      %dma_start3A_441 = arith.constant 0 : i32
      %dma_start3A_442 = tpu.memref_slice %arg4[%add3A_433, %dma_start3A_441] : memref<10240x128xf32, #tpu.memory_space<hbm>> -> memref<4x128xf32, #tpu.memory_space<hbm>>
      %dma_start3A_443 = arith.constant 0 : i32
      %dma_start3A_444 = arith.constant 0 : i32
      %dma_start3A_445 = tpu.memref_slice %arg7[%dma_start3A_434, %dma_start3A_443, %dma_start3A_444] : memref<2x4x128xf32, #tpu.memory_space<vmem>> -> memref<1x4x128xf32, #tpu.memory_space<vmem>>
      %dma_start3A_446 = tpu.memref_squeeze %dma_start3A_445 : memref<1x4x128xf32, #tpu.memory_space<vmem>> -> memref<4x128xf32, #tpu.memory_space<vmem>>
      tpu.enqueue_dma source(%dma_start3A_446 : memref<4x128xf32, #tpu.memory_space<vmem>>) target(%dma_start3A_442 : memref<4x128xf32, #tpu.memory_space<hbm>>) target_semaphore(%arg12 : memref<!tpu.dma_semaphore, #tpu.memory_space<semaphore_mem>>)
      %add3A_447 = arith.constant 2 : i32
      %add3A_448 = arith.addi %add3A_73, %add3A_447 : i32
      %lt3A = arith.constant 80 : i32
      %lt3A_449 = arith.cmpi slt, %add3A_448, %lt3A : i32
      %convert_element_type3A_450 = arith.extui %lt3A_449 : i1 to i32
      %cond3A_451 = arith.constant 0 : i32
      %cond3A_452 = arith.cmpi ne, %convert_element_type3A_450, %cond3A_451 : i32
      scf.if %cond3A_452 {
        %dma_start3A_841 = arith.constant 0 : i32
        %dma_start3A_842 = arith.constant 0 : i32
        %dma_start3A_843 = arith.constant 0 : i32
        %dma_start3A_844 = tpu.memref_slice %arg6[%dma_start3A_841, %dma_start3A_842, %dma_start3A_843] : memref<2x128x128xf32, #tpu.memory_space<vmem>> -> memref<1x128x128xf32, #tpu.memory_space<vmem>>
        %dma_start3A_845 = tpu.memref_squeeze %dma_start3A_844 : memref<1x128x128xf32, #tpu.memory_space<vmem>> -> memref<128x128xf32, #tpu.memory_space<vmem>>
        %dma_start3A_846 = arith.constant 0 : i32
        %dma_start3A_847 = tpu.memref_slice %arg5[%add3A_448, %dma_start3A_846] : memref<80x128xi32, #tpu.memory_space<vmem>> -> memref<1x128xi32, #tpu.memory_space<vmem>>
        %dma_start3A_848 = tpu.memref_squeeze %dma_start3A_847 : memref<1x128xi32, #tpu.memory_space<vmem>> -> memref<128xi32, #tpu.memory_space<vmem>>
        %dma_start3A_849 = arith.constant 0 : i32
        %dma_start3A_850 = arith.constant 0 : i32
        %dma_start3A_851 = tpu.memref_slice %arg9[%dma_start3A_849, %dma_start3A_850] : memref<10240x128xf32, #tpu.memory_space<vmem_shared>> -> memref<10240x128xf32, #tpu.memory_space<vmem_shared>>
        tpu.enqueue_indirect_dma source(%dma_start3A_851 : memref<10240x128xf32, #tpu.memory_space<vmem_shared>>) target(%dma_start3A_845 : memref<128x128xf32, #tpu.memory_space<vmem>>) offsets(%dma_start3A_848 : memref<128xi32, #tpu.memory_space<vmem>>) semaphore(%arg10 : memref<!tpu.dma_semaphore, #tpu.memory_space<semaphore_mem>>)
      } else {
      }
      %mul3A_453 = arith.constant 2 : i32
      %mul3A_454 = arith.muli %scan3A_68, %mul3A_453 : i32
      %add3A_455 = arith.constant 1 : i32
      %add3A_456 = arith.addi %mul3A_454, %add3A_455 : i32
      %dma_wait3A_457 = arith.constant 1 : i32
      %dma_wait3A_458 = arith.constant 0 : i32
      %dma_wait3A_459 = arith.constant 0 : i32
      %dma_wait3A_460 = tpu.memref_slice %arg6[%dma_wait3A_457, %dma_wait3A_458, %dma_wait3A_459] : memref<2x128x128xf32, #tpu.memory_space<vmem>> -> memref<1x128x128xf32, #tpu.memory_space<vmem>>
      %dma_wait3A_461 = tpu.memref_squeeze %dma_wait3A_460 : memref<1x128x128xf32, #tpu.memory_space<vmem>> -> memref<128x128xf32, #tpu.memory_space<vmem>>
      %dma_wait3A_462 = arith.constant 0 : i32
      %dma_wait3A_463 = tpu.memref_slice %arg5[%add3A_456, %dma_wait3A_462] : memref<80x128xi32, #tpu.memory_space<vmem>> -> memref<1x128xi32, #tpu.memory_space<vmem>>
      %dma_wait3A_464 = tpu.memref_squeeze %dma_wait3A_463 : memref<1x128xi32, #tpu.memory_space<vmem>> -> memref<128xi32, #tpu.memory_space<vmem>>
      %dma_wait3A_465 = arith.constant 0 : i32
      %dma_wait3A_466 = arith.constant 0 : i32
      %dma_wait3A_467 = tpu.memref_slice %arg9[%dma_wait3A_465, %dma_wait3A_466] : memref<10240x128xf32, #tpu.memory_space<vmem_shared>> -> memref<10240x128xf32, #tpu.memory_space<vmem_shared>>
      tpu.wait_indirect_dma semaphore(%arg11 : memref<!tpu.dma_semaphore, #tpu.memory_space<semaphore_mem>>) src(%dma_wait3A_467 : memref<10240x128xf32, #tpu.memory_space<vmem_shared>>) dst(%dma_wait3A_461 : memref<128x128xf32, #tpu.memory_space<vmem>>)
      %ge3A_468 = arith.constant 2 : i32
      %ge3A_469 = arith.cmpi sge, %add3A_456, %ge3A_468 : i32
      %convert_element_type3A_470 = arith.extui %ge3A_469 : i1 to i32
      %cond3A_471 = arith.constant 0 : i32
      %cond3A_472 = arith.cmpi ne, %convert_element_type3A_470, %cond3A_471 : i32
      scf.if %cond3A_472 {
        %dma_wait3A_841 = arith.constant 1 : i32
        %dma_wait3A_842 = arith.constant 0 : i32
        %dma_wait3A_843 = arith.constant 0 : i32
        %dma_wait3A_844 = tpu.memref_slice %arg7[%dma_wait3A_841, %dma_wait3A_842, %dma_wait3A_843] : memref<2x4x128xf32, #tpu.memory_space<vmem>> -> memref<1x4x128xf32, #tpu.memory_space<vmem>>
        %dma_wait3A_845 = tpu.memref_squeeze %dma_wait3A_844 : memref<1x4x128xf32, #tpu.memory_space<vmem>> -> memref<4x128xf32, #tpu.memory_space<vmem>>
        %dma_wait3A_846 = arith.constant 0 : i32
        %dma_wait3A_847 = tpu.memref_slice %arg4[%mul3A_36, %dma_wait3A_846] : memref<10240x128xf32, #tpu.memory_space<hbm>> -> memref<4x128xf32, #tpu.memory_space<hbm>>
        %dma_wait3A_848 = arith.constant 0 : i32
        %dma_wait3A_849 = tpu.memref_slice %arg4[%mul3A_36, %dma_wait3A_848] : memref<10240x128xf32, #tpu.memory_space<hbm>> -> memref<4x128xf32, #tpu.memory_space<hbm>>
        %dma_wait3A_850 = arith.constant 0 : i32
        %dma_wait3A_851 = arith.constant 0 : i32
        %dma_wait3A_852 = tpu.memref_slice %arg7[%dma_wait3A_841, %dma_wait3A_850, %dma_wait3A_851] : memref<2x4x128xf32, #tpu.memory_space<vmem>> -> memref<1x4x128xf32, #tpu.memory_space<vmem>>
        %dma_wait3A_853 = tpu.memref_squeeze %dma_wait3A_852 : memref<1x4x128xf32, #tpu.memory_space<vmem>> -> memref<4x128xf32, #tpu.memory_space<vmem>>
        tpu.wait_dma2 semaphore(%arg13 : memref<!tpu.dma_semaphore, #tpu.memory_space<semaphore_mem>>) src(%dma_wait3A_853 : memref<4x128xf32, #tpu.memory_space<vmem>>) dst(%dma_wait3A_849 : memref<4x128xf32, #tpu.memory_space<hbm>>)
      } else {
      }
      %broadcast_in_dim3A_473 = arith.constant 0.000000e+00 : f32
      %broadcast_in_dim3A_474 = vector.broadcast %broadcast_in_dim3A_473 : f32 to vector<16xf32>
      %broadcast_in_dim3A_475 = arith.constant 0.000000e+00 : f32
      %broadcast_in_dim3A_476 = vector.broadcast %broadcast_in_dim3A_475 : f32 to vector<16xf32>
      %broadcast_in_dim3A_477 = arith.constant 0.000000e+00 : f32
      %broadcast_in_dim3A_478 = vector.broadcast %broadcast_in_dim3A_477 : f32 to vector<16xf32>
      %broadcast_in_dim3A_479 = arith.constant 0.000000e+00 : f32
      %broadcast_in_dim3A_480 = vector.broadcast %broadcast_in_dim3A_479 : f32 to vector<16xf32>
      %broadcast_in_dim3A_481 = arith.constant 0.000000e+00 : f32
      %broadcast_in_dim3A_482 = vector.broadcast %broadcast_in_dim3A_481 : f32 to vector<16xf32>
      %broadcast_in_dim3A_483 = arith.constant 0.000000e+00 : f32
      %broadcast_in_dim3A_484 = vector.broadcast %broadcast_in_dim3A_483 : f32 to vector<16xf32>
      %broadcast_in_dim3A_485 = arith.constant 0.000000e+00 : f32
      %broadcast_in_dim3A_486 = vector.broadcast %broadcast_in_dim3A_485 : f32 to vector<16xf32>
      %broadcast_in_dim3A_487 = arith.constant 0.000000e+00 : f32
      %broadcast_in_dim3A_488 = vector.broadcast %broadcast_in_dim3A_487 : f32 to vector<16xf32>
      %scan3A_489 = arith.constant 0 : i32
      %scan3A_490 = arith.constant 8 : i32
      %scan3A_491 = arith.addi %scan3A_489, %scan3A_490 : i32
      %scan3A_492 = arith.constant 1 : i32
      %scan3A_493:8 = scf.for %scan3A_841 = %scan3A_489 to %scan3A_491 step %scan3A_492 iter_args(%scan3A_842 = %broadcast_in_dim3A_474, %scan3A_843 = %broadcast_in_dim3A_476, %scan3A_844 = %broadcast_in_dim3A_478, %scan3A_845 = %broadcast_in_dim3A_480, %scan3A_846 = %broadcast_in_dim3A_482, %scan3A_847 = %broadcast_in_dim3A_484, %scan3A_848 = %broadcast_in_dim3A_486, %scan3A_849 = %broadcast_in_dim3A_488) -> (vector<16xf32>, vector<16xf32>, vector<16xf32>, vector<16xf32>, vector<16xf32>, vector<16xf32>, vector<16xf32>, vector<16xf32>)  : i32 {
        %mul3A_850 = arith.constant 4 : i32
        %mul3A_851 = arith.muli %scan3A_841, %mul3A_850 : i32
        %add3A_852 = arith.constant 0 : i32
        %add3A_853 = arith.addi %add3A_852, %mul3A_851 : i32
        %add3A_854 = arith.constant 0 : i32
        %add3A_855 = arith.addi %add3A_853, %add3A_854 : i32
        %get3A = arith.constant 1 : i32
        %get3A_856 = arith.index_cast %get3A : i32 to index
        %get3A_857 = arith.index_cast %add3A_855 : i32 to index
        %get3A_858 = arith.constant 0 : index
        %get3A_859 = tpu.vector_load %arg6[%get3A_856, %get3A_857, %get3A_858] {strides = array<i32>} : memref<2x128x128xf32, #tpu.memory_space<vmem>>, vector<1x1x16xf32>,
        %get3A_860 = vector.shape_cast %get3A_859 : vector<1x1x16xf32> to vector<16xf32>
        %add3A_861 = arith.addf %scan3A_842, %get3A_860 : vector<16xf32>
        %add3A_862 = arith.constant 0 : i32
        %add3A_863 = arith.addi %add3A_853, %add3A_862 : i32
        %get3A_864 = arith.constant 1 : i32
        %get3A_865 = arith.index_cast %get3A_864 : i32 to index
        %get3A_866 = arith.index_cast %add3A_863 : i32 to index
        %get3A_867 = arith.constant 16 : index
        %get3A_868 = tpu.vector_load %arg6[%get3A_865, %get3A_866, %get3A_867] {strides = array<i32>} : memref<2x128x128xf32, #tpu.memory_space<vmem>>, vector<1x1x16xf32>,
        %get3A_869 = vector.shape_cast %get3A_868 : vector<1x1x16xf32> to vector<16xf32>
        %add3A_870 = arith.addf %scan3A_843, %get3A_869 : vector<16xf32>
        %add3A_871 = arith.constant 0 : i32
        %add3A_872 = arith.addi %add3A_853, %add3A_871 : i32
        %get3A_873 = arith.constant 1 : i32
        %get3A_874 = arith.index_cast %get3A_873 : i32 to index
        %get3A_875 = arith.index_cast %add3A_872 : i32 to index
        %get3A_876 = arith.constant 32 : index
        %get3A_877 = tpu.vector_load %arg6[%get3A_874, %get3A_875, %get3A_876] {strides = array<i32>} : memref<2x128x128xf32, #tpu.memory_space<vmem>>, vector<1x1x16xf32>,
        %get3A_878 = vector.shape_cast %get3A_877 : vector<1x1x16xf32> to vector<16xf32>
        %add3A_879 = arith.addf %scan3A_844, %get3A_878 : vector<16xf32>
        %add3A_880 = arith.constant 0 : i32
        %add3A_881 = arith.addi %add3A_853, %add3A_880 : i32
        %get3A_882 = arith.constant 1 : i32
        %get3A_883 = arith.index_cast %get3A_882 : i32 to index
        %get3A_884 = arith.index_cast %add3A_881 : i32 to index
        %get3A_885 = arith.constant 48 : index
        %get3A_886 = tpu.vector_load %arg6[%get3A_883, %get3A_884, %get3A_885] {strides = array<i32>} : memref<2x128x128xf32, #tpu.memory_space<vmem>>, vector<1x1x16xf32>,
        %get3A_887 = vector.shape_cast %get3A_886 : vector<1x1x16xf32> to vector<16xf32>
        %add3A_888 = arith.addf %scan3A_845, %get3A_887 : vector<16xf32>
        %add3A_889 = arith.constant 0 : i32
        %add3A_890 = arith.addi %add3A_853, %add3A_889 : i32
        %get3A_891 = arith.constant 1 : i32
        %get3A_892 = arith.index_cast %get3A_891 : i32 to index
        %get3A_893 = arith.index_cast %add3A_890 : i32 to index
        %get3A_894 = arith.constant 64 : index
        %get3A_895 = tpu.vector_load %arg6[%get3A_892, %get3A_893, %get3A_894] {strides = array<i32>} : memref<2x128x128xf32, #tpu.memory_space<vmem>>, vector<1x1x16xf32>,
        %get3A_896 = vector.shape_cast %get3A_895 : vector<1x1x16xf32> to vector<16xf32>
        %add3A_897 = arith.addf %scan3A_846, %get3A_896 : vector<16xf32>
        %add3A_898 = arith.constant 0 : i32
        %add3A_899 = arith.addi %add3A_853, %add3A_898 : i32
        %get3A_900 = arith.constant 1 : i32
        %get3A_901 = arith.index_cast %get3A_900 : i32 to index
        %get3A_902 = arith.index_cast %add3A_899 : i32 to index
        %get3A_903 = arith.constant 80 : index
        %get3A_904 = tpu.vector_load %arg6[%get3A_901, %get3A_902, %get3A_903] {strides = array<i32>} : memref<2x128x128xf32, #tpu.memory_space<vmem>>, vector<1x1x16xf32>,
        %get3A_905 = vector.shape_cast %get3A_904 : vector<1x1x16xf32> to vector<16xf32>
        %add3A_906 = arith.addf %scan3A_847, %get3A_905 : vector<16xf32>
        %add3A_907 = arith.constant 0 : i32
        %add3A_908 = arith.addi %add3A_853, %add3A_907 : i32
        %get3A_909 = arith.constant 1 : i32
        %get3A_910 = arith.index_cast %get3A_909 : i32 to index
        %get3A_911 = arith.index_cast %add3A_908 : i32 to index
        %get3A_912 = arith.constant 96 : index
        %get3A_913 = tpu.vector_load %arg6[%get3A_910, %get3A_911, %get3A_912] {strides = array<i32>} : memref<2x128x128xf32, #tpu.memory_space<vmem>>, vector<1x1x16xf32>,
        %get3A_914 = vector.shape_cast %get3A_913 : vector<1x1x16xf32> to vector<16xf32>
        %add3A_915 = arith.addf %scan3A_848, %get3A_914 : vector<16xf32>
        %add3A_916 = arith.constant 0 : i32
        %add3A_917 = arith.addi %add3A_853, %add3A_916 : i32
        %get3A_918 = arith.constant 1 : i32
        %get3A_919 = arith.index_cast %get3A_918 : i32 to index
        %get3A_920 = arith.index_cast %add3A_917 : i32 to index
        %get3A_921 = arith.constant 112 : index
        %get3A_922 = tpu.vector_load %arg6[%get3A_919, %get3A_920, %get3A_921] {strides = array<i32>} : memref<2x128x128xf32, #tpu.memory_space<vmem>>, vector<1x1x16xf32>,
        %get3A_923 = vector.shape_cast %get3A_922 : vector<1x1x16xf32> to vector<16xf32>
        %add3A_924 = arith.addf %scan3A_849, %get3A_923 : vector<16xf32>
        %add3A_925 = arith.constant 1 : i32
        %add3A_926 = arith.addi %add3A_853, %add3A_925 : i32
        %get3A_927 = arith.constant 1 : i32
        %get3A_928 = arith.index_cast %get3A_927 : i32 to index
        %get3A_929 = arith.index_cast %add3A_926 : i32 to index
        %get3A_930 = arith.constant 0 : index
        %get3A_931 = tpu.vector_load %arg6[%get3A_928, %get3A_929, %get3A_930] {strides = array<i32>} : memref<2x128x128xf32, #tpu.memory_space<vmem>>, vector<1x1x16xf32>,
        %get3A_932 = vector.shape_cast %get3A_931 : vector<1x1x16xf32> to vector<16xf32>
        %add3A_933 = arith.addf %add3A_861, %get3A_932 : vector<16xf32>
        %add3A_934 = arith.constant 1 : i32
        %add3A_935 = arith.addi %add3A_853, %add3A_934 : i32
        %get3A_936 = arith.constant 1 : i32
        %get3A_937 = arith.index_cast %get3A_936 : i32 to index
        %get3A_938 = arith.index_cast %add3A_935 : i32 to index
        %get3A_939 = arith.constant 16 : index
        %get3A_940 = tpu.vector_load %arg6[%get3A_937, %get3A_938, %get3A_939] {strides = array<i32>} : memref<2x128x128xf32, #tpu.memory_space<vmem>>, vector<1x1x16xf32>,
        %get3A_941 = vector.shape_cast %get3A_940 : vector<1x1x16xf32> to vector<16xf32>
        %add3A_942 = arith.addf %add3A_870, %get3A_941 : vector<16xf32>
        %add3A_943 = arith.constant 1 : i32
        %add3A_944 = arith.addi %add3A_853, %add3A_943 : i32
        %get3A_945 = arith.constant 1 : i32
        %get3A_946 = arith.index_cast %get3A_945 : i32 to index
        %get3A_947 = arith.index_cast %add3A_944 : i32 to index
        %get3A_948 = arith.constant 32 : index
        %get3A_949 = tpu.vector_load %arg6[%get3A_946, %get3A_947, %get3A_948] {strides = array<i32>} : memref<2x128x128xf32, #tpu.memory_space<vmem>>, vector<1x1x16xf32>,
        %get3A_950 = vector.shape_cast %get3A_949 : vector<1x1x16xf32> to vector<16xf32>
        %add3A_951 = arith.addf %add3A_879, %get3A_950 : vector<16xf32>
        %add3A_952 = arith.constant 1 : i32
        %add3A_953 = arith.addi %add3A_853, %add3A_952 : i32
        %get3A_954 = arith.constant 1 : i32
        %get3A_955 = arith.index_cast %get3A_954 : i32 to index
        %get3A_956 = arith.index_cast %add3A_953 : i32 to index
        %get3A_957 = arith.constant 48 : index
        %get3A_958 = tpu.vector_load %arg6[%get3A_955, %get3A_956, %get3A_957] {strides = array<i32>} : memref<2x128x128xf32, #tpu.memory_space<vmem>>, vector<1x1x16xf32>,
        %get3A_959 = vector.shape_cast %get3A_958 : vector<1x1x16xf32> to vector<16xf32>
        %add3A_960 = arith.addf %add3A_888, %get3A_959 : vector<16xf32>
        %add3A_961 = arith.constant 1 : i32
        %add3A_962 = arith.addi %add3A_853, %add3A_961 : i32
        %get3A_963 = arith.constant 1 : i32
        %get3A_964 = arith.index_cast %get3A_963 : i32 to index
        %get3A_965 = arith.index_cast %add3A_962 : i32 to index
        %get3A_966 = arith.constant 64 : index
        %get3A_967 = tpu.vector_load %arg6[%get3A_964, %get3A_965, %get3A_966] {strides = array<i32>} : memref<2x128x128xf32, #tpu.memory_space<vmem>>, vector<1x1x16xf32>,
        %get3A_968 = vector.shape_cast %get3A_967 : vector<1x1x16xf32> to vector<16xf32>
        %add3A_969 = arith.addf %add3A_897, %get3A_968 : vector<16xf32>
        %add3A_970 = arith.constant 1 : i32
        %add3A_971 = arith.addi %add3A_853, %add3A_970 : i32
        %get3A_972 = arith.constant 1 : i32
        %get3A_973 = arith.index_cast %get3A_972 : i32 to index
        %get3A_974 = arith.index_cast %add3A_971 : i32 to index
        %get3A_975 = arith.constant 80 : index
        %get3A_976 = tpu.vector_load %arg6[%get3A_973, %get3A_974, %get3A_975] {strides = array<i32>} : memref<2x128x128xf32, #tpu.memory_space<vmem>>, vector<1x1x16xf32>,
        %get3A_977 = vector.shape_cast %get3A_976 : vector<1x1x16xf32> to vector<16xf32>
        %add3A_978 = arith.addf %add3A_906, %get3A_977 : vector<16xf32>
        %add3A_979 = arith.constant 1 : i32
        %add3A_980 = arith.addi %add3A_853, %add3A_979 : i32
        %get3A_981 = arith.constant 1 : i32
        %get3A_982 = arith.index_cast %get3A_981 : i32 to index
        %get3A_983 = arith.index_cast %add3A_980 : i32 to index
        %get3A_984 = arith.constant 96 : index
        %get3A_985 = tpu.vector_load %arg6[%get3A_982, %get3A_983, %get3A_984] {strides = array<i32>} : memref<2x128x128xf32, #tpu.memory_space<vmem>>, vector<1x1x16xf32>,
        %get3A_986 = vector.shape_cast %get3A_985 : vector<1x1x16xf32> to vector<16xf32>
        %add3A_987 = arith.addf %add3A_915, %get3A_986 : vector<16xf32>
        %add3A_988 = arith.constant 1 : i32
        %add3A_989 = arith.addi %add3A_853, %add3A_988 : i32
        %get3A_990 = arith.constant 1 : i32
        %get3A_991 = arith.index_cast %get3A_990 : i32 to index
        %get3A_992 = arith.index_cast %add3A_989 : i32 to index
        %get3A_993 = arith.constant 112 : index
        %get3A_994 = tpu.vector_load %arg6[%get3A_991, %get3A_992, %get3A_993] {strides = array<i32>} : memref<2x128x128xf32, #tpu.memory_space<vmem>>, vector<1x1x16xf32>,
        %get3A_995 = vector.shape_cast %get3A_994 : vector<1x1x16xf32> to vector<16xf32>
        %add3A_996 = arith.addf %add3A_924, %get3A_995 : vector<16xf32>
        %add3A_997 = arith.constant 2 : i32
        %add3A_998 = arith.addi %add3A_853, %add3A_997 : i32
        %get3A_999 = arith.constant 1 : i32
        %get3A_1000 = arith.index_cast %get3A_999 : i32 to index
        %get3A_1001 = arith.index_cast %add3A_998 : i32 to index
        %get3A_1002 = arith.constant 0 : index
        %get3A_1003 = tpu.vector_load %arg6[%get3A_1000, %get3A_1001, %get3A_1002] {strides = array<i32>} : memref<2x128x128xf32, #tpu.memory_space<vmem>>, vector<1x1x16xf32>,
        %get3A_1004 = vector.shape_cast %get3A_1003 : vector<1x1x16xf32> to vector<16xf32>
        %add3A_1005 = arith.addf %add3A_933, %get3A_1004 : vector<16xf32>
        %add3A_1006 = arith.constant 2 : i32
        %add3A_1007 = arith.addi %add3A_853, %add3A_1006 : i32
        %get3A_1008 = arith.constant 1 : i32
        %get3A_1009 = arith.index_cast %get3A_1008 : i32 to index
        %get3A_1010 = arith.index_cast %add3A_1007 : i32 to index
        %get3A_1011 = arith.constant 16 : index
        %get3A_1012 = tpu.vector_load %arg6[%get3A_1009, %get3A_1010, %get3A_1011] {strides = array<i32>} : memref<2x128x128xf32, #tpu.memory_space<vmem>>, vector<1x1x16xf32>,
        %get3A_1013 = vector.shape_cast %get3A_1012 : vector<1x1x16xf32> to vector<16xf32>
        %add3A_1014 = arith.addf %add3A_942, %get3A_1013 : vector<16xf32>
        %add3A_1015 = arith.constant 2 : i32
        %add3A_1016 = arith.addi %add3A_853, %add3A_1015 : i32
        %get3A_1017 = arith.constant 1 : i32
        %get3A_1018 = arith.index_cast %get3A_1017 : i32 to index
        %get3A_1019 = arith.index_cast %add3A_1016 : i32 to index
        %get3A_1020 = arith.constant 32 : index
        %get3A_1021 = tpu.vector_load %arg6[%get3A_1018, %get3A_1019, %get3A_1020] {strides = array<i32>} : memref<2x128x128xf32, #tpu.memory_space<vmem>>, vector<1x1x16xf32>,
        %get3A_1022 = vector.shape_cast %get3A_1021 : vector<1x1x16xf32> to vector<16xf32>
        %add3A_1023 = arith.addf %add3A_951, %get3A_1022 : vector<16xf32>
        %add3A_1024 = arith.constant 2 : i32
        %add3A_1025 = arith.addi %add3A_853, %add3A_1024 : i32
        %get3A_1026 = arith.constant 1 : i32
        %get3A_1027 = arith.index_cast %get3A_1026 : i32 to index
        %get3A_1028 = arith.index_cast %add3A_1025 : i32 to index
        %get3A_1029 = arith.constant 48 : index
        %get3A_1030 = tpu.vector_load %arg6[%get3A_1027, %get3A_1028, %get3A_1029] {strides = array<i32>} : memref<2x128x128xf32, #tpu.memory_space<vmem>>, vector<1x1x16xf32>,
        %get3A_1031 = vector.shape_cast %get3A_1030 : vector<1x1x16xf32> to vector<16xf32>
        %add3A_1032 = arith.addf %add3A_960, %get3A_1031 : vector<16xf32>
        %add3A_1033 = arith.constant 2 : i32
        %add3A_1034 = arith.addi %add3A_853, %add3A_1033 : i32
        %get3A_1035 = arith.constant 1 : i32
        %get3A_1036 = arith.index_cast %get3A_1035 : i32 to index
        %get3A_1037 = arith.index_cast %add3A_1034 : i32 to index
        %get3A_1038 = arith.constant 64 : index
        %get3A_1039 = tpu.vector_load %arg6[%get3A_1036, %get3A_1037, %get3A_1038] {strides = array<i32>} : memref<2x128x128xf32, #tpu.memory_space<vmem>>, vector<1x1x16xf32>,
        %get3A_1040 = vector.shape_cast %get3A_1039 : vector<1x1x16xf32> to vector<16xf32>
        %add3A_1041 = arith.addf %add3A_969, %get3A_1040 : vector<16xf32>
        %add3A_1042 = arith.constant 2 : i32
        %add3A_1043 = arith.addi %add3A_853, %add3A_1042 : i32
        %get3A_1044 = arith.constant 1 : i32
        %get3A_1045 = arith.index_cast %get3A_1044 : i32 to index
        %get3A_1046 = arith.index_cast %add3A_1043 : i32 to index
        %get3A_1047 = arith.constant 80 : index
        %get3A_1048 = tpu.vector_load %arg6[%get3A_1045, %get3A_1046, %get3A_1047] {strides = array<i32>} : memref<2x128x128xf32, #tpu.memory_space<vmem>>, vector<1x1x16xf32>,
        %get3A_1049 = vector.shape_cast %get3A_1048 : vector<1x1x16xf32> to vector<16xf32>
        %add3A_1050 = arith.addf %add3A_978, %get3A_1049 : vector<16xf32>
        %add3A_1051 = arith.constant 2 : i32
        %add3A_1052 = arith.addi %add3A_853, %add3A_1051 : i32
        %get3A_1053 = arith.constant 1 : i32
        %get3A_1054 = arith.index_cast %get3A_1053 : i32 to index
        %get3A_1055 = arith.index_cast %add3A_1052 : i32 to index
        %get3A_1056 = arith.constant 96 : index
        %get3A_1057 = tpu.vector_load %arg6[%get3A_1054, %get3A_1055, %get3A_1056] {strides = array<i32>} : memref<2x128x128xf32, #tpu.memory_space<vmem>>, vector<1x1x16xf32>,
        %get3A_1058 = vector.shape_cast %get3A_1057 : vector<1x1x16xf32> to vector<16xf32>
        %add3A_1059 = arith.addf %add3A_987, %get3A_1058 : vector<16xf32>
        %add3A_1060 = arith.constant 2 : i32
        %add3A_1061 = arith.addi %add3A_853, %add3A_1060 : i32
        %get3A_1062 = arith.constant 1 : i32
        %get3A_1063 = arith.index_cast %get3A_1062 : i32 to index
        %get3A_1064 = arith.index_cast %add3A_1061 : i32 to index
        %get3A_1065 = arith.constant 112 : index
        %get3A_1066 = tpu.vector_load %arg6[%get3A_1063, %get3A_1064, %get3A_1065] {strides = array<i32>} : memref<2x128x128xf32, #tpu.memory_space<vmem>>, vector<1x1x16xf32>,
        %get3A_1067 = vector.shape_cast %get3A_1066 : vector<1x1x16xf32> to vector<16xf32>
        %add3A_1068 = arith.addf %add3A_996, %get3A_1067 : vector<16xf32>
        %add3A_1069 = arith.constant 3 : i32
        %add3A_1070 = arith.addi %add3A_853, %add3A_1069 : i32
        %get3A_1071 = arith.constant 1 : i32
        %get3A_1072 = arith.index_cast %get3A_1071 : i32 to index
        %get3A_1073 = arith.index_cast %add3A_1070 : i32 to index
        %get3A_1074 = arith.constant 0 : index
        %get3A_1075 = tpu.vector_load %arg6[%get3A_1072, %get3A_1073, %get3A_1074] {strides = array<i32>} : memref<2x128x128xf32, #tpu.memory_space<vmem>>, vector<1x1x16xf32>,
        %get3A_1076 = vector.shape_cast %get3A_1075 : vector<1x1x16xf32> to vector<16xf32>
        %add3A_1077 = arith.addf %add3A_1005, %get3A_1076 : vector<16xf32>
        %add3A_1078 = arith.constant 3 : i32
        %add3A_1079 = arith.addi %add3A_853, %add3A_1078 : i32
        %get3A_1080 = arith.constant 1 : i32
        %get3A_1081 = arith.index_cast %get3A_1080 : i32 to index
        %get3A_1082 = arith.index_cast %add3A_1079 : i32 to index
        %get3A_1083 = arith.constant 16 : index
        %get3A_1084 = tpu.vector_load %arg6[%get3A_1081, %get3A_1082, %get3A_1083] {strides = array<i32>} : memref<2x128x128xf32, #tpu.memory_space<vmem>>, vector<1x1x16xf32>,
        %get3A_1085 = vector.shape_cast %get3A_1084 : vector<1x1x16xf32> to vector<16xf32>
        %add3A_1086 = arith.addf %add3A_1014, %get3A_1085 : vector<16xf32>
        %add3A_1087 = arith.constant 3 : i32
        %add3A_1088 = arith.addi %add3A_853, %add3A_1087 : i32
        %get3A_1089 = arith.constant 1 : i32
        %get3A_1090 = arith.index_cast %get3A_1089 : i32 to index
        %get3A_1091 = arith.index_cast %add3A_1088 : i32 to index
        %get3A_1092 = arith.constant 32 : index
        %get3A_1093 = tpu.vector_load %arg6[%get3A_1090, %get3A_1091, %get3A_1092] {strides = array<i32>} : memref<2x128x128xf32, #tpu.memory_space<vmem>>, vector<1x1x16xf32>,
        %get3A_1094 = vector.shape_cast %get3A_1093 : vector<1x1x16xf32> to vector<16xf32>
        %add3A_1095 = arith.addf %add3A_1023, %get3A_1094 : vector<16xf32>
        %add3A_1096 = arith.constant 3 : i32
        %add3A_1097 = arith.addi %add3A_853, %add3A_1096 : i32
        %get3A_1098 = arith.constant 1 : i32
        %get3A_1099 = arith.index_cast %get3A_1098 : i32 to index
        %get3A_1100 = arith.index_cast %add3A_1097 : i32 to index
        %get3A_1101 = arith.constant 48 : index
        %get3A_1102 = tpu.vector_load %arg6[%get3A_1099, %get3A_1100, %get3A_1101] {strides = array<i32>} : memref<2x128x128xf32, #tpu.memory_space<vmem>>, vector<1x1x16xf32>,
        %get3A_1103 = vector.shape_cast %get3A_1102 : vector<1x1x16xf32> to vector<16xf32>
        %add3A_1104 = arith.addf %add3A_1032, %get3A_1103 : vector<16xf32>
        %add3A_1105 = arith.constant 3 : i32
        %add3A_1106 = arith.addi %add3A_853, %add3A_1105 : i32
        %get3A_1107 = arith.constant 1 : i32
        %get3A_1108 = arith.index_cast %get3A_1107 : i32 to index
        %get3A_1109 = arith.index_cast %add3A_1106 : i32 to index
        %get3A_1110 = arith.constant 64 : index
        %get3A_1111 = tpu.vector_load %arg6[%get3A_1108, %get3A_1109, %get3A_1110] {strides = array<i32>} : memref<2x128x128xf32, #tpu.memory_space<vmem>>, vector<1x1x16xf32>,
        %get3A_1112 = vector.shape_cast %get3A_1111 : vector<1x1x16xf32> to vector<16xf32>
        %add3A_1113 = arith.addf %add3A_1041, %get3A_1112 : vector<16xf32>
        %add3A_1114 = arith.constant 3 : i32
        %add3A_1115 = arith.addi %add3A_853, %add3A_1114 : i32
        %get3A_1116 = arith.constant 1 : i32
        %get3A_1117 = arith.index_cast %get3A_1116 : i32 to index
        %get3A_1118 = arith.index_cast %add3A_1115 : i32 to index
        %get3A_1119 = arith.constant 80 : index
        %get3A_1120 = tpu.vector_load %arg6[%get3A_1117, %get3A_1118, %get3A_1119] {strides = array<i32>} : memref<2x128x128xf32, #tpu.memory_space<vmem>>, vector<1x1x16xf32>,
        %get3A_1121 = vector.shape_cast %get3A_1120 : vector<1x1x16xf32> to vector<16xf32>
        %add3A_1122 = arith.addf %add3A_1050, %get3A_1121 : vector<16xf32>
        %add3A_1123 = arith.constant 3 : i32
        %add3A_1124 = arith.addi %add3A_853, %add3A_1123 : i32
        %get3A_1125 = arith.constant 1 : i32
        %get3A_1126 = arith.index_cast %get3A_1125 : i32 to index
        %get3A_1127 = arith.index_cast %add3A_1124 : i32 to index
        %get3A_1128 = arith.constant 96 : index
        %get3A_1129 = tpu.vector_load %arg6[%get3A_1126, %get3A_1127, %get3A_1128] {strides = array<i32>} : memref<2x128x128xf32, #tpu.memory_space<vmem>>, vector<1x1x16xf32>,
        %get3A_1130 = vector.shape_cast %get3A_1129 : vector<1x1x16xf32> to vector<16xf32>
        %add3A_1131 = arith.addf %add3A_1059, %get3A_1130 : vector<16xf32>
        %add3A_1132 = arith.constant 3 : i32
        %add3A_1133 = arith.addi %add3A_853, %add3A_1132 : i32
        %get3A_1134 = arith.constant 1 : i32
        %get3A_1135 = arith.index_cast %get3A_1134 : i32 to index
        %get3A_1136 = arith.index_cast %add3A_1133 : i32 to index
        %get3A_1137 = arith.constant 112 : index
        %get3A_1138 = tpu.vector_load %arg6[%get3A_1135, %get3A_1136, %get3A_1137] {strides = array<i32>} : memref<2x128x128xf32, #tpu.memory_space<vmem>>, vector<1x1x16xf32>,
        %get3A_1139 = vector.shape_cast %get3A_1138 : vector<1x1x16xf32> to vector<16xf32>
        %add3A_1140 = arith.addf %add3A_1068, %get3A_1139 : vector<16xf32>
        scf.yield %add3A_1077, %add3A_1086, %add3A_1095, %add3A_1104, %add3A_1113, %add3A_1122, %add3A_1131, %add3A_1140 : vector<16xf32>, vector<16xf32>, vector<16xf32>, vector<16xf32>, vector<16xf32>, vector<16xf32>, vector<16xf32>, vector<16xf32>
      }
      %scan3A_494 = arith.constant 8 : i32
      %swap3A_495 = arith.constant 1 : i32
      %swap3A_496 = arith.constant 0 : i32
      %swap3A_497 = arith.index_cast %swap3A_495 : i32 to index
      %swap3A_498 = arith.index_cast %swap3A_496 : i32 to index
      %swap3A_499 = arith.constant 0 : index
      %swap3A_500 = tpu.vector_load %arg7[%swap3A_497, %swap3A_498, %swap3A_499] {strides = array<i32>} : memref<2x4x128xf32, #tpu.memory_space<vmem>>, vector<1x1x16xf32>,
      %swap3A_501 = vector.shape_cast %swap3A_500 : vector<1x1x16xf32> to vector<16xf32>
      %swap3A_502 = vector.shape_cast %scan3A_493#0 : vector<16xf32> to vector<1x1x16xf32>
      tpu.vector_store %arg7[%swap3A_497, %swap3A_498, %swap3A_499], %swap3A_502 {strides = array<i32>} : memref<2x4x128xf32, #tpu.memory_space<vmem>>, vector<1x1x16xf32>,
      %swap3A_503 = arith.constant 1 : i32
      %swap3A_504 = arith.constant 0 : i32
      %swap3A_505 = arith.index_cast %swap3A_503 : i32 to index
      %swap3A_506 = arith.index_cast %swap3A_504 : i32 to index
      %swap3A_507 = arith.constant 16 : index
      %swap3A_508 = tpu.vector_load %arg7[%swap3A_505, %swap3A_506, %swap3A_507] {strides = array<i32>} : memref<2x4x128xf32, #tpu.memory_space<vmem>>, vector<1x1x16xf32>,
      %swap3A_509 = vector.shape_cast %swap3A_508 : vector<1x1x16xf32> to vector<16xf32>
      %swap3A_510 = vector.shape_cast %scan3A_493#1 : vector<16xf32> to vector<1x1x16xf32>
      tpu.vector_store %arg7[%swap3A_505, %swap3A_506, %swap3A_507], %swap3A_510 {strides = array<i32>} : memref<2x4x128xf32, #tpu.memory_space<vmem>>, vector<1x1x16xf32>,
      %swap3A_511 = arith.constant 1 : i32
      %swap3A_512 = arith.constant 0 : i32
      %swap3A_513 = arith.index_cast %swap3A_511 : i32 to index
      %swap3A_514 = arith.index_cast %swap3A_512 : i32 to index
      %swap3A_515 = arith.constant 32 : index
      %swap3A_516 = tpu.vector_load %arg7[%swap3A_513, %swap3A_514, %swap3A_515] {strides = array<i32>} : memref<2x4x128xf32, #tpu.memory_space<vmem>>, vector<1x1x16xf32>,
      %swap3A_517 = vector.shape_cast %swap3A_516 : vector<1x1x16xf32> to vector<16xf32>
      %swap3A_518 = vector.shape_cast %scan3A_493#2 : vector<16xf32> to vector<1x1x16xf32>
      tpu.vector_store %arg7[%swap3A_513, %swap3A_514, %swap3A_515], %swap3A_518 {strides = array<i32>} : memref<2x4x128xf32, #tpu.memory_space<vmem>>, vector<1x1x16xf32>,
      %swap3A_519 = arith.constant 1 : i32
      %swap3A_520 = arith.constant 0 : i32
      %swap3A_521 = arith.index_cast %swap3A_519 : i32 to index
      %swap3A_522 = arith.index_cast %swap3A_520 : i32 to index
      %swap3A_523 = arith.constant 48 : index
      %swap3A_524 = tpu.vector_load %arg7[%swap3A_521, %swap3A_522, %swap3A_523] {strides = array<i32>} : memref<2x4x128xf32, #tpu.memory_space<vmem>>, vector<1x1x16xf32>,
      %swap3A_525 = vector.shape_cast %swap3A_524 : vector<1x1x16xf32> to vector<16xf32>
      %swap3A_526 = vector.shape_cast %scan3A_493#3 : vector<16xf32> to vector<1x1x16xf32>
      tpu.vector_store %arg7[%swap3A_521, %swap3A_522, %swap3A_523], %swap3A_526 {strides = array<i32>} : memref<2x4x128xf32, #tpu.memory_space<vmem>>, vector<1x1x16xf32>,
      %swap3A_527 = arith.constant 1 : i32
      %swap3A_528 = arith.constant 0 : i32
      %swap3A_529 = arith.index_cast %swap3A_527 : i32 to index
      %swap3A_530 = arith.index_cast %swap3A_528 : i32 to index
      %swap3A_531 = arith.constant 64 : index
      %swap3A_532 = tpu.vector_load %arg7[%swap3A_529, %swap3A_530, %swap3A_531] {strides = array<i32>} : memref<2x4x128xf32, #tpu.memory_space<vmem>>, vector<1x1x16xf32>,
      %swap3A_533 = vector.shape_cast %swap3A_532 : vector<1x1x16xf32> to vector<16xf32>
      %swap3A_534 = vector.shape_cast %scan3A_493#4 : vector<16xf32> to vector<1x1x16xf32>
      tpu.vector_store %arg7[%swap3A_529, %swap3A_530, %swap3A_531], %swap3A_534 {strides = array<i32>} : memref<2x4x128xf32, #tpu.memory_space<vmem>>, vector<1x1x16xf32>,
      %swap3A_535 = arith.constant 1 : i32
      %swap3A_536 = arith.constant 0 : i32
      %swap3A_537 = arith.index_cast %swap3A_535 : i32 to index
      %swap3A_538 = arith.index_cast %swap3A_536 : i32 to index
      %swap3A_539 = arith.constant 80 : index
      %swap3A_540 = tpu.vector_load %arg7[%swap3A_537, %swap3A_538, %swap3A_539] {strides = array<i32>} : memref<2x4x128xf32, #tpu.memory_space<vmem>>, vector<1x1x16xf32>,
      %swap3A_541 = vector.shape_cast %swap3A_540 : vector<1x1x16xf32> to vector<16xf32>
      %swap3A_542 = vector.shape_cast %scan3A_493#5 : vector<16xf32> to vector<1x1x16xf32>
      tpu.vector_store %arg7[%swap3A_537, %swap3A_538, %swap3A_539], %swap3A_542 {strides = array<i32>} : memref<2x4x128xf32, #tpu.memory_space<vmem>>, vector<1x1x16xf32>,
      %swap3A_543 = arith.constant 1 : i32
      %swap3A_544 = arith.constant 0 : i32
      %swap3A_545 = arith.index_cast %swap3A_543 : i32 to index
      %swap3A_546 = arith.index_cast %swap3A_544 : i32 to index
      %swap3A_547 = arith.constant 96 : index
      %swap3A_548 = tpu.vector_load %arg7[%swap3A_545, %swap3A_546, %swap3A_547] {strides = array<i32>} : memref<2x4x128xf32, #tpu.memory_space<vmem>>, vector<1x1x16xf32>,
      %swap3A_549 = vector.shape_cast %swap3A_548 : vector<1x1x16xf32> to vector<16xf32>
      %swap3A_550 = vector.shape_cast %scan3A_493#6 : vector<16xf32> to vector<1x1x16xf32>
      tpu.vector_store %arg7[%swap3A_545, %swap3A_546, %swap3A_547], %swap3A_550 {strides = array<i32>} : memref<2x4x128xf32, #tpu.memory_space<vmem>>, vector<1x1x16xf32>,
      %swap3A_551 = arith.constant 1 : i32
      %swap3A_552 = arith.constant 0 : i32
      %swap3A_553 = arith.index_cast %swap3A_551 : i32 to index
      %swap3A_554 = arith.index_cast %swap3A_552 : i32 to index
      %swap3A_555 = arith.constant 112 : index
      %swap3A_556 = tpu.vector_load %arg7[%swap3A_553, %swap3A_554, %swap3A_555] {strides = array<i32>} : memref<2x4x128xf32, #tpu.memory_space<vmem>>, vector<1x1x16xf32>,
      %swap3A_557 = vector.shape_cast %swap3A_556 : vector<1x1x16xf32> to vector<16xf32>
      %swap3A_558 = vector.shape_cast %scan3A_493#7 : vector<16xf32> to vector<1x1x16xf32>
      tpu.vector_store %arg7[%swap3A_553, %swap3A_554, %swap3A_555], %swap3A_558 {strides = array<i32>} : memref<2x4x128xf32, #tpu.memory_space<vmem>>, vector<1x1x16xf32>,
      %broadcast_in_dim3A_559 = arith.constant 0.000000e+00 : f32
      %broadcast_in_dim3A_560 = vector.broadcast %broadcast_in_dim3A_559 : f32 to vector<16xf32>
      %broadcast_in_dim3A_561 = arith.constant 0.000000e+00 : f32
      %broadcast_in_dim3A_562 = vector.broadcast %broadcast_in_dim3A_561 : f32 to vector<16xf32>
      %broadcast_in_dim3A_563 = arith.constant 0.000000e+00 : f32
      %broadcast_in_dim3A_564 = vector.broadcast %broadcast_in_dim3A_563 : f32 to vector<16xf32>
      %broadcast_in_dim3A_565 = arith.constant 0.000000e+00 : f32
      %broadcast_in_dim3A_566 = vector.broadcast %broadcast_in_dim3A_565 : f32 to vector<16xf32>
      %broadcast_in_dim3A_567 = arith.constant 0.000000e+00 : f32
      %broadcast_in_dim3A_568 = vector.broadcast %broadcast_in_dim3A_567 : f32 to vector<16xf32>
      %broadcast_in_dim3A_569 = arith.constant 0.000000e+00 : f32
      %broadcast_in_dim3A_570 = vector.broadcast %broadcast_in_dim3A_569 : f32 to vector<16xf32>
      %broadcast_in_dim3A_571 = arith.constant 0.000000e+00 : f32
      %broadcast_in_dim3A_572 = vector.broadcast %broadcast_in_dim3A_571 : f32 to vector<16xf32>
      %broadcast_in_dim3A_573 = arith.constant 0.000000e+00 : f32
      %broadcast_in_dim3A_574 = vector.broadcast %broadcast_in_dim3A_573 : f32 to vector<16xf32>
      %scan3A_575 = arith.constant 0 : i32
      %scan3A_576 = arith.constant 8 : i32
      %scan3A_577 = arith.addi %scan3A_575, %scan3A_576 : i32
      %scan3A_578 = arith.constant 1 : i32
      %scan3A_579:8 = scf.for %scan3A_841 = %scan3A_575 to %scan3A_577 step %scan3A_578 iter_args(%scan3A_842 = %broadcast_in_dim3A_560, %scan3A_843 = %broadcast_in_dim3A_562, %scan3A_844 = %broadcast_in_dim3A_564, %scan3A_845 = %broadcast_in_dim3A_566, %scan3A_846 = %broadcast_in_dim3A_568, %scan3A_847 = %broadcast_in_dim3A_570, %scan3A_848 = %broadcast_in_dim3A_572, %scan3A_849 = %broadcast_in_dim3A_574) -> (vector<16xf32>, vector<16xf32>, vector<16xf32>, vector<16xf32>, vector<16xf32>, vector<16xf32>, vector<16xf32>, vector<16xf32>)  : i32 {
        %mul3A_850 = arith.constant 4 : i32
        %mul3A_851 = arith.muli %scan3A_841, %mul3A_850 : i32
        %add3A_852 = arith.constant 32 : i32
        %add3A_853 = arith.addi %add3A_852, %mul3A_851 : i32
        %add3A_854 = arith.constant 0 : i32
        %add3A_855 = arith.addi %add3A_853, %add3A_854 : i32
        %get3A = arith.constant 1 : i32
        %get3A_856 = arith.index_cast %get3A : i32 to index
        %get3A_857 = arith.index_cast %add3A_855 : i32 to index
        %get3A_858 = arith.constant 0 : index
        %get3A_859 = tpu.vector_load %arg6[%get3A_856, %get3A_857, %get3A_858] {strides = array<i32>} : memref<2x128x128xf32, #tpu.memory_space<vmem>>, vector<1x1x16xf32>,
        %get3A_860 = vector.shape_cast %get3A_859 : vector<1x1x16xf32> to vector<16xf32>
        %add3A_861 = arith.addf %scan3A_842, %get3A_860 : vector<16xf32>
        %add3A_862 = arith.constant 0 : i32
        %add3A_863 = arith.addi %add3A_853, %add3A_862 : i32
        %get3A_864 = arith.constant 1 : i32
        %get3A_865 = arith.index_cast %get3A_864 : i32 to index
        %get3A_866 = arith.index_cast %add3A_863 : i32 to index
        %get3A_867 = arith.constant 16 : index
        %get3A_868 = tpu.vector_load %arg6[%get3A_865, %get3A_866, %get3A_867] {strides = array<i32>} : memref<2x128x128xf32, #tpu.memory_space<vmem>>, vector<1x1x16xf32>,
        %get3A_869 = vector.shape_cast %get3A_868 : vector<1x1x16xf32> to vector<16xf32>
        %add3A_870 = arith.addf %scan3A_843, %get3A_869 : vector<16xf32>
        %add3A_871 = arith.constant 0 : i32
        %add3A_872 = arith.addi %add3A_853, %add3A_871 : i32
        %get3A_873 = arith.constant 1 : i32
        %get3A_874 = arith.index_cast %get3A_873 : i32 to index
        %get3A_875 = arith.index_cast %add3A_872 : i32 to index
        %get3A_876 = arith.constant 32 : index
        %get3A_877 = tpu.vector_load %arg6[%get3A_874, %get3A_875, %get3A_876] {strides = array<i32>} : memref<2x128x128xf32, #tpu.memory_space<vmem>>, vector<1x1x16xf32>,
        %get3A_878 = vector.shape_cast %get3A_877 : vector<1x1x16xf32> to vector<16xf32>
        %add3A_879 = arith.addf %scan3A_844, %get3A_878 : vector<16xf32>
        %add3A_880 = arith.constant 0 : i32
        %add3A_881 = arith.addi %add3A_853, %add3A_880 : i32
        %get3A_882 = arith.constant 1 : i32
        %get3A_883 = arith.index_cast %get3A_882 : i32 to index
        %get3A_884 = arith.index_cast %add3A_881 : i32 to index
        %get3A_885 = arith.constant 48 : index
        %get3A_886 = tpu.vector_load %arg6[%get3A_883, %get3A_884, %get3A_885] {strides = array<i32>} : memref<2x128x128xf32, #tpu.memory_space<vmem>>, vector<1x1x16xf32>,
        %get3A_887 = vector.shape_cast %get3A_886 : vector<1x1x16xf32> to vector<16xf32>
        %add3A_888 = arith.addf %scan3A_845, %get3A_887 : vector<16xf32>
        %add3A_889 = arith.constant 0 : i32
        %add3A_890 = arith.addi %add3A_853, %add3A_889 : i32
        %get3A_891 = arith.constant 1 : i32
        %get3A_892 = arith.index_cast %get3A_891 : i32 to index
        %get3A_893 = arith.index_cast %add3A_890 : i32 to index
        %get3A_894 = arith.constant 64 : index
        %get3A_895 = tpu.vector_load %arg6[%get3A_892, %get3A_893, %get3A_894] {strides = array<i32>} : memref<2x128x128xf32, #tpu.memory_space<vmem>>, vector<1x1x16xf32>,
        %get3A_896 = vector.shape_cast %get3A_895 : vector<1x1x16xf32> to vector<16xf32>
        %add3A_897 = arith.addf %scan3A_846, %get3A_896 : vector<16xf32>
        %add3A_898 = arith.constant 0 : i32
        %add3A_899 = arith.addi %add3A_853, %add3A_898 : i32
        %get3A_900 = arith.constant 1 : i32
        %get3A_901 = arith.index_cast %get3A_900 : i32 to index
        %get3A_902 = arith.index_cast %add3A_899 : i32 to index
        %get3A_903 = arith.constant 80 : index
        %get3A_904 = tpu.vector_load %arg6[%get3A_901, %get3A_902, %get3A_903] {strides = array<i32>} : memref<2x128x128xf32, #tpu.memory_space<vmem>>, vector<1x1x16xf32>,
        %get3A_905 = vector.shape_cast %get3A_904 : vector<1x1x16xf32> to vector<16xf32>
        %add3A_906 = arith.addf %scan3A_847, %get3A_905 : vector<16xf32>
        %add3A_907 = arith.constant 0 : i32
        %add3A_908 = arith.addi %add3A_853, %add3A_907 : i32
        %get3A_909 = arith.constant 1 : i32
        %get3A_910 = arith.index_cast %get3A_909 : i32 to index
        %get3A_911 = arith.index_cast %add3A_908 : i32 to index
        %get3A_912 = arith.constant 96 : index
        %get3A_913 = tpu.vector_load %arg6[%get3A_910, %get3A_911, %get3A_912] {strides = array<i32>} : memref<2x128x128xf32, #tpu.memory_space<vmem>>, vector<1x1x16xf32>,
        %get3A_914 = vector.shape_cast %get3A_913 : vector<1x1x16xf32> to vector<16xf32>
        %add3A_915 = arith.addf %scan3A_848, %get3A_914 : vector<16xf32>
        %add3A_916 = arith.constant 0 : i32
        %add3A_917 = arith.addi %add3A_853, %add3A_916 : i32
        %get3A_918 = arith.constant 1 : i32
        %get3A_919 = arith.index_cast %get3A_918 : i32 to index
        %get3A_920 = arith.index_cast %add3A_917 : i32 to index
        %get3A_921 = arith.constant 112 : index
        %get3A_922 = tpu.vector_load %arg6[%get3A_919, %get3A_920, %get3A_921] {strides = array<i32>} : memref<2x128x128xf32, #tpu.memory_space<vmem>>, vector<1x1x16xf32>,
        %get3A_923 = vector.shape_cast %get3A_922 : vector<1x1x16xf32> to vector<16xf32>
        %add3A_924 = arith.addf %scan3A_849, %get3A_923 : vector<16xf32>
        %add3A_925 = arith.constant 1 : i32
        %add3A_926 = arith.addi %add3A_853, %add3A_925 : i32
        %get3A_927 = arith.constant 1 : i32
        %get3A_928 = arith.index_cast %get3A_927 : i32 to index
        %get3A_929 = arith.index_cast %add3A_926 : i32 to index
        %get3A_930 = arith.constant 0 : index
        %get3A_931 = tpu.vector_load %arg6[%get3A_928, %get3A_929, %get3A_930] {strides = array<i32>} : memref<2x128x128xf32, #tpu.memory_space<vmem>>, vector<1x1x16xf32>,
        %get3A_932 = vector.shape_cast %get3A_931 : vector<1x1x16xf32> to vector<16xf32>
        %add3A_933 = arith.addf %add3A_861, %get3A_932 : vector<16xf32>
        %add3A_934 = arith.constant 1 : i32
        %add3A_935 = arith.addi %add3A_853, %add3A_934 : i32
        %get3A_936 = arith.constant 1 : i32
        %get3A_937 = arith.index_cast %get3A_936 : i32 to index
        %get3A_938 = arith.index_cast %add3A_935 : i32 to index
        %get3A_939 = arith.constant 16 : index
        %get3A_940 = tpu.vector_load %arg6[%get3A_937, %get3A_938, %get3A_939] {strides = array<i32>} : memref<2x128x128xf32, #tpu.memory_space<vmem>>, vector<1x1x16xf32>,
        %get3A_941 = vector.shape_cast %get3A_940 : vector<1x1x16xf32> to vector<16xf32>
        %add3A_942 = arith.addf %add3A_870, %get3A_941 : vector<16xf32>
        %add3A_943 = arith.constant 1 : i32
        %add3A_944 = arith.addi %add3A_853, %add3A_943 : i32
        %get3A_945 = arith.constant 1 : i32
        %get3A_946 = arith.index_cast %get3A_945 : i32 to index
        %get3A_947 = arith.index_cast %add3A_944 : i32 to index
        %get3A_948 = arith.constant 32 : index
        %get3A_949 = tpu.vector_load %arg6[%get3A_946, %get3A_947, %get3A_948] {strides = array<i32>} : memref<2x128x128xf32, #tpu.memory_space<vmem>>, vector<1x1x16xf32>,
        %get3A_950 = vector.shape_cast %get3A_949 : vector<1x1x16xf32> to vector<16xf32>
        %add3A_951 = arith.addf %add3A_879, %get3A_950 : vector<16xf32>
        %add3A_952 = arith.constant 1 : i32
        %add3A_953 = arith.addi %add3A_853, %add3A_952 : i32
        %get3A_954 = arith.constant 1 : i32
        %get3A_955 = arith.index_cast %get3A_954 : i32 to index
        %get3A_956 = arith.index_cast %add3A_953 : i32 to index
        %get3A_957 = arith.constant 48 : index
        %get3A_958 = tpu.vector_load %arg6[%get3A_955, %get3A_956, %get3A_957] {strides = array<i32>} : memref<2x128x128xf32, #tpu.memory_space<vmem>>, vector<1x1x16xf32>,
        %get3A_959 = vector.shape_cast %get3A_958 : vector<1x1x16xf32> to vector<16xf32>
        %add3A_960 = arith.addf %add3A_888, %get3A_959 : vector<16xf32>
        %add3A_961 = arith.constant 1 : i32
        %add3A_962 = arith.addi %add3A_853, %add3A_961 : i32
        %get3A_963 = arith.constant 1 : i32
        %get3A_964 = arith.index_cast %get3A_963 : i32 to index
        %get3A_965 = arith.index_cast %add3A_962 : i32 to index
        %get3A_966 = arith.constant 64 : index
        %get3A_967 = tpu.vector_load %arg6[%get3A_964, %get3A_965, %get3A_966] {strides = array<i32>} : memref<2x128x128xf32, #tpu.memory_space<vmem>>, vector<1x1x16xf32>,
        %get3A_968 = vector.shape_cast %get3A_967 : vector<1x1x16xf32> to vector<16xf32>
        %add3A_969 = arith.addf %add3A_897, %get3A_968 : vector<16xf32>
        %add3A_970 = arith.constant 1 : i32
        %add3A_971 = arith.addi %add3A_853, %add3A_970 : i32
        %get3A_972 = arith.constant 1 : i32
        %get3A_973 = arith.index_cast %get3A_972 : i32 to index
        %get3A_974 = arith.index_cast %add3A_971 : i32 to index
        %get3A_975 = arith.constant 80 : index
        %get3A_976 = tpu.vector_load %arg6[%get3A_973, %get3A_974, %get3A_975] {strides = array<i32>} : memref<2x128x128xf32, #tpu.memory_space<vmem>>, vector<1x1x16xf32>,
        %get3A_977 = vector.shape_cast %get3A_976 : vector<1x1x16xf32> to vector<16xf32>
        %add3A_978 = arith.addf %add3A_906, %get3A_977 : vector<16xf32>
        %add3A_979 = arith.constant 1 : i32
        %add3A_980 = arith.addi %add3A_853, %add3A_979 : i32
        %get3A_981 = arith.constant 1 : i32
        %get3A_982 = arith.index_cast %get3A_981 : i32 to index
        %get3A_983 = arith.index_cast %add3A_980 : i32 to index
        %get3A_984 = arith.constant 96 : index
        %get3A_985 = tpu.vector_load %arg6[%get3A_982, %get3A_983, %get3A_984] {strides = array<i32>} : memref<2x128x128xf32, #tpu.memory_space<vmem>>, vector<1x1x16xf32>,
        %get3A_986 = vector.shape_cast %get3A_985 : vector<1x1x16xf32> to vector<16xf32>
        %add3A_987 = arith.addf %add3A_915, %get3A_986 : vector<16xf32>
        %add3A_988 = arith.constant 1 : i32
        %add3A_989 = arith.addi %add3A_853, %add3A_988 : i32
        %get3A_990 = arith.constant 1 : i32
        %get3A_991 = arith.index_cast %get3A_990 : i32 to index
        %get3A_992 = arith.index_cast %add3A_989 : i32 to index
        %get3A_993 = arith.constant 112 : index
        %get3A_994 = tpu.vector_load %arg6[%get3A_991, %get3A_992, %get3A_993] {strides = array<i32>} : memref<2x128x128xf32, #tpu.memory_space<vmem>>, vector<1x1x16xf32>,
        %get3A_995 = vector.shape_cast %get3A_994 : vector<1x1x16xf32> to vector<16xf32>
        %add3A_996 = arith.addf %add3A_924, %get3A_995 : vector<16xf32>
        %add3A_997 = arith.constant 2 : i32
        %add3A_998 = arith.addi %add3A_853, %add3A_997 : i32
        %get3A_999 = arith.constant 1 : i32
        %get3A_1000 = arith.index_cast %get3A_999 : i32 to index
        %get3A_1001 = arith.index_cast %add3A_998 : i32 to index
        %get3A_1002 = arith.constant 0 : index
        %get3A_1003 = tpu.vector_load %arg6[%get3A_1000, %get3A_1001, %get3A_1002] {strides = array<i32>} : memref<2x128x128xf32, #tpu.memory_space<vmem>>, vector<1x1x16xf32>,
        %get3A_1004 = vector.shape_cast %get3A_1003 : vector<1x1x16xf32> to vector<16xf32>
        %add3A_1005 = arith.addf %add3A_933, %get3A_1004 : vector<16xf32>
        %add3A_1006 = arith.constant 2 : i32
        %add3A_1007 = arith.addi %add3A_853, %add3A_1006 : i32
        %get3A_1008 = arith.constant 1 : i32
        %get3A_1009 = arith.index_cast %get3A_1008 : i32 to index
        %get3A_1010 = arith.index_cast %add3A_1007 : i32 to index
        %get3A_1011 = arith.constant 16 : index
        %get3A_1012 = tpu.vector_load %arg6[%get3A_1009, %get3A_1010, %get3A_1011] {strides = array<i32>} : memref<2x128x128xf32, #tpu.memory_space<vmem>>, vector<1x1x16xf32>,
        %get3A_1013 = vector.shape_cast %get3A_1012 : vector<1x1x16xf32> to vector<16xf32>
        %add3A_1014 = arith.addf %add3A_942, %get3A_1013 : vector<16xf32>
        %add3A_1015 = arith.constant 2 : i32
        %add3A_1016 = arith.addi %add3A_853, %add3A_1015 : i32
        %get3A_1017 = arith.constant 1 : i32
        %get3A_1018 = arith.index_cast %get3A_1017 : i32 to index
        %get3A_1019 = arith.index_cast %add3A_1016 : i32 to index
        %get3A_1020 = arith.constant 32 : index
        %get3A_1021 = tpu.vector_load %arg6[%get3A_1018, %get3A_1019, %get3A_1020] {strides = array<i32>} : memref<2x128x128xf32, #tpu.memory_space<vmem>>, vector<1x1x16xf32>,
        %get3A_1022 = vector.shape_cast %get3A_1021 : vector<1x1x16xf32> to vector<16xf32>
        %add3A_1023 = arith.addf %add3A_951, %get3A_1022 : vector<16xf32>
        %add3A_1024 = arith.constant 2 : i32
        %add3A_1025 = arith.addi %add3A_853, %add3A_1024 : i32
        %get3A_1026 = arith.constant 1 : i32
        %get3A_1027 = arith.index_cast %get3A_1026 : i32 to index
        %get3A_1028 = arith.index_cast %add3A_1025 : i32 to index
        %get3A_1029 = arith.constant 48 : index
        %get3A_1030 = tpu.vector_load %arg6[%get3A_1027, %get3A_1028, %get3A_1029] {strides = array<i32>} : memref<2x128x128xf32, #tpu.memory_space<vmem>>, vector<1x1x16xf32>,
        %get3A_1031 = vector.shape_cast %get3A_1030 : vector<1x1x16xf32> to vector<16xf32>
        %add3A_1032 = arith.addf %add3A_960, %get3A_1031 : vector<16xf32>
        %add3A_1033 = arith.constant 2 : i32
        %add3A_1034 = arith.addi %add3A_853, %add3A_1033 : i32
        %get3A_1035 = arith.constant 1 : i32
        %get3A_1036 = arith.index_cast %get3A_1035 : i32 to index
        %get3A_1037 = arith.index_cast %add3A_1034 : i32 to index
        %get3A_1038 = arith.constant 64 : index
        %get3A_1039 = tpu.vector_load %arg6[%get3A_1036, %get3A_1037, %get3A_1038] {strides = array<i32>} : memref<2x128x128xf32, #tpu.memory_space<vmem>>, vector<1x1x16xf32>,
        %get3A_1040 = vector.shape_cast %get3A_1039 : vector<1x1x16xf32> to vector<16xf32>
        %add3A_1041 = arith.addf %add3A_969, %get3A_1040 : vector<16xf32>
        %add3A_1042 = arith.constant 2 : i32
        %add3A_1043 = arith.addi %add3A_853, %add3A_1042 : i32
        %get3A_1044 = arith.constant 1 : i32
        %get3A_1045 = arith.index_cast %get3A_1044 : i32 to index
        %get3A_1046 = arith.index_cast %add3A_1043 : i32 to index
        %get3A_1047 = arith.constant 80 : index
        %get3A_1048 = tpu.vector_load %arg6[%get3A_1045, %get3A_1046, %get3A_1047] {strides = array<i32>} : memref<2x128x128xf32, #tpu.memory_space<vmem>>, vector<1x1x16xf32>,
        %get3A_1049 = vector.shape_cast %get3A_1048 : vector<1x1x16xf32> to vector<16xf32>
        %add3A_1050 = arith.addf %add3A_978, %get3A_1049 : vector<16xf32>
        %add3A_1051 = arith.constant 2 : i32
        %add3A_1052 = arith.addi %add3A_853, %add3A_1051 : i32
        %get3A_1053 = arith.constant 1 : i32
        %get3A_1054 = arith.index_cast %get3A_1053 : i32 to index
        %get3A_1055 = arith.index_cast %add3A_1052 : i32 to index
        %get3A_1056 = arith.constant 96 : index
        %get3A_1057 = tpu.vector_load %arg6[%get3A_1054, %get3A_1055, %get3A_1056] {strides = array<i32>} : memref<2x128x128xf32, #tpu.memory_space<vmem>>, vector<1x1x16xf32>,
        %get3A_1058 = vector.shape_cast %get3A_1057 : vector<1x1x16xf32> to vector<16xf32>
        %add3A_1059 = arith.addf %add3A_987, %get3A_1058 : vector<16xf32>
        %add3A_1060 = arith.constant 2 : i32
        %add3A_1061 = arith.addi %add3A_853, %add3A_1060 : i32
        %get3A_1062 = arith.constant 1 : i32
        %get3A_1063 = arith.index_cast %get3A_1062 : i32 to index
        %get3A_1064 = arith.index_cast %add3A_1061 : i32 to index
        %get3A_1065 = arith.constant 112 : index
        %get3A_1066 = tpu.vector_load %arg6[%get3A_1063, %get3A_1064, %get3A_1065] {strides = array<i32>} : memref<2x128x128xf32, #tpu.memory_space<vmem>>, vector<1x1x16xf32>,
        %get3A_1067 = vector.shape_cast %get3A_1066 : vector<1x1x16xf32> to vector<16xf32>
        %add3A_1068 = arith.addf %add3A_996, %get3A_1067 : vector<16xf32>
        %add3A_1069 = arith.constant 3 : i32
        %add3A_1070 = arith.addi %add3A_853, %add3A_1069 : i32
        %get3A_1071 = arith.constant 1 : i32
        %get3A_1072 = arith.index_cast %get3A_1071 : i32 to index
        %get3A_1073 = arith.index_cast %add3A_1070 : i32 to index
        %get3A_1074 = arith.constant 0 : index
        %get3A_1075 = tpu.vector_load %arg6[%get3A_1072, %get3A_1073, %get3A_1074] {strides = array<i32>} : memref<2x128x128xf32, #tpu.memory_space<vmem>>, vector<1x1x16xf32>,
        %get3A_1076 = vector.shape_cast %get3A_1075 : vector<1x1x16xf32> to vector<16xf32>
        %add3A_1077 = arith.addf %add3A_1005, %get3A_1076 : vector<16xf32>
        %add3A_1078 = arith.constant 3 : i32
        %add3A_1079 = arith.addi %add3A_853, %add3A_1078 : i32
        %get3A_1080 = arith.constant 1 : i32
        %get3A_1081 = arith.index_cast %get3A_1080 : i32 to index
        %get3A_1082 = arith.index_cast %add3A_1079 : i32 to index
        %get3A_1083 = arith.constant 16 : index
        %get3A_1084 = tpu.vector_load %arg6[%get3A_1081, %get3A_1082, %get3A_1083] {strides = array<i32>} : memref<2x128x128xf32, #tpu.memory_space<vmem>>, vector<1x1x16xf32>,
        %get3A_1085 = vector.shape_cast %get3A_1084 : vector<1x1x16xf32> to vector<16xf32>
        %add3A_1086 = arith.addf %add3A_1014, %get3A_1085 : vector<16xf32>
        %add3A_1087 = arith.constant 3 : i32
        %add3A_1088 = arith.addi %add3A_853, %add3A_1087 : i32
        %get3A_1089 = arith.constant 1 : i32
        %get3A_1090 = arith.index_cast %get3A_1089 : i32 to index
        %get3A_1091 = arith.index_cast %add3A_1088 : i32 to index
        %get3A_1092 = arith.constant 32 : index
        %get3A_1093 = tpu.vector_load %arg6[%get3A_1090, %get3A_1091, %get3A_1092] {strides = array<i32>} : memref<2x128x128xf32, #tpu.memory_space<vmem>>, vector<1x1x16xf32>,
        %get3A_1094 = vector.shape_cast %get3A_1093 : vector<1x1x16xf32> to vector<16xf32>
        %add3A_1095 = arith.addf %add3A_1023, %get3A_1094 : vector<16xf32>
        %add3A_1096 = arith.constant 3 : i32
        %add3A_1097 = arith.addi %add3A_853, %add3A_1096 : i32
        %get3A_1098 = arith.constant 1 : i32
        %get3A_1099 = arith.index_cast %get3A_1098 : i32 to index
        %get3A_1100 = arith.index_cast %add3A_1097 : i32 to index
        %get3A_1101 = arith.constant 48 : index
        %get3A_1102 = tpu.vector_load %arg6[%get3A_1099, %get3A_1100, %get3A_1101] {strides = array<i32>} : memref<2x128x128xf32, #tpu.memory_space<vmem>>, vector<1x1x16xf32>,
        %get3A_1103 = vector.shape_cast %get3A_1102 : vector<1x1x16xf32> to vector<16xf32>
        %add3A_1104 = arith.addf %add3A_1032, %get3A_1103 : vector<16xf32>
        %add3A_1105 = arith.constant 3 : i32
        %add3A_1106 = arith.addi %add3A_853, %add3A_1105 : i32
        %get3A_1107 = arith.constant 1 : i32
        %get3A_1108 = arith.index_cast %get3A_1107 : i32 to index
        %get3A_1109 = arith.index_cast %add3A_1106 : i32 to index
        %get3A_1110 = arith.constant 64 : index
        %get3A_1111 = tpu.vector_load %arg6[%get3A_1108, %get3A_1109, %get3A_1110] {strides = array<i32>} : memref<2x128x128xf32, #tpu.memory_space<vmem>>, vector<1x1x16xf32>,
        %get3A_1112 = vector.shape_cast %get3A_1111 : vector<1x1x16xf32> to vector<16xf32>
        %add3A_1113 = arith.addf %add3A_1041, %get3A_1112 : vector<16xf32>
        %add3A_1114 = arith.constant 3 : i32
        %add3A_1115 = arith.addi %add3A_853, %add3A_1114 : i32
        %get3A_1116 = arith.constant 1 : i32
        %get3A_1117 = arith.index_cast %get3A_1116 : i32 to index
        %get3A_1118 = arith.index_cast %add3A_1115 : i32 to index
        %get3A_1119 = arith.constant 80 : index
        %get3A_1120 = tpu.vector_load %arg6[%get3A_1117, %get3A_1118, %get3A_1119] {strides = array<i32>} : memref<2x128x128xf32, #tpu.memory_space<vmem>>, vector<1x1x16xf32>,
        %get3A_1121 = vector.shape_cast %get3A_1120 : vector<1x1x16xf32> to vector<16xf32>
        %add3A_1122 = arith.addf %add3A_1050, %get3A_1121 : vector<16xf32>
        %add3A_1123 = arith.constant 3 : i32
        %add3A_1124 = arith.addi %add3A_853, %add3A_1123 : i32
        %get3A_1125 = arith.constant 1 : i32
        %get3A_1126 = arith.index_cast %get3A_1125 : i32 to index
        %get3A_1127 = arith.index_cast %add3A_1124 : i32 to index
        %get3A_1128 = arith.constant 96 : index
        %get3A_1129 = tpu.vector_load %arg6[%get3A_1126, %get3A_1127, %get3A_1128] {strides = array<i32>} : memref<2x128x128xf32, #tpu.memory_space<vmem>>, vector<1x1x16xf32>,
        %get3A_1130 = vector.shape_cast %get3A_1129 : vector<1x1x16xf32> to vector<16xf32>
        %add3A_1131 = arith.addf %add3A_1059, %get3A_1130 : vector<16xf32>
        %add3A_1132 = arith.constant 3 : i32
        %add3A_1133 = arith.addi %add3A_853, %add3A_1132 : i32
        %get3A_1134 = arith.constant 1 : i32
        %get3A_1135 = arith.index_cast %get3A_1134 : i32 to index
        %get3A_1136 = arith.index_cast %add3A_1133 : i32 to index
        %get3A_1137 = arith.constant 112 : index
        %get3A_1138 = tpu.vector_load %arg6[%get3A_1135, %get3A_1136, %get3A_1137] {strides = array<i32>} : memref<2x128x128xf32, #tpu.memory_space<vmem>>, vector<1x1x16xf32>,
        %get3A_1139 = vector.shape_cast %get3A_1138 : vector<1x1x16xf32> to vector<16xf32>
        %add3A_1140 = arith.addf %add3A_1068, %get3A_1139 : vector<16xf32>
        scf.yield %add3A_1077, %add3A_1086, %add3A_1095, %add3A_1104, %add3A_1113, %add3A_1122, %add3A_1131, %add3A_1140 : vector<16xf32>, vector<16xf32>, vector<16xf32>, vector<16xf32>, vector<16xf32>, vector<16xf32>, vector<16xf32>, vector<16xf32>
      }
      %scan3A_580 = arith.constant 8 : i32
      %swap3A_581 = arith.constant 1 : i32
      %swap3A_582 = arith.constant 1 : i32
      %swap3A_583 = arith.index_cast %swap3A_581 : i32 to index
      %swap3A_584 = arith.index_cast %swap3A_582 : i32 to index
      %swap3A_585 = arith.constant 0 : index
      %swap3A_586 = tpu.vector_load %arg7[%swap3A_583, %swap3A_584, %swap3A_585] {strides = array<i32>} : memref<2x4x128xf32, #tpu.memory_space<vmem>>, vector<1x1x16xf32>,
      %swap3A_587 = vector.shape_cast %swap3A_586 : vector<1x1x16xf32> to vector<16xf32>
      %swap3A_588 = vector.shape_cast %scan3A_579#0 : vector<16xf32> to vector<1x1x16xf32>
      tpu.vector_store %arg7[%swap3A_583, %swap3A_584, %swap3A_585], %swap3A_588 {strides = array<i32>} : memref<2x4x128xf32, #tpu.memory_space<vmem>>, vector<1x1x16xf32>,
      %swap3A_589 = arith.constant 1 : i32
      %swap3A_590 = arith.constant 1 : i32
      %swap3A_591 = arith.index_cast %swap3A_589 : i32 to index
      %swap3A_592 = arith.index_cast %swap3A_590 : i32 to index
      %swap3A_593 = arith.constant 16 : index
      %swap3A_594 = tpu.vector_load %arg7[%swap3A_591, %swap3A_592, %swap3A_593] {strides = array<i32>} : memref<2x4x128xf32, #tpu.memory_space<vmem>>, vector<1x1x16xf32>,
      %swap3A_595 = vector.shape_cast %swap3A_594 : vector<1x1x16xf32> to vector<16xf32>
      %swap3A_596 = vector.shape_cast %scan3A_579#1 : vector<16xf32> to vector<1x1x16xf32>
      tpu.vector_store %arg7[%swap3A_591, %swap3A_592, %swap3A_593], %swap3A_596 {strides = array<i32>} : memref<2x4x128xf32, #tpu.memory_space<vmem>>, vector<1x1x16xf32>,
      %swap3A_597 = arith.constant 1 : i32
      %swap3A_598 = arith.constant 1 : i32
      %swap3A_599 = arith.index_cast %swap3A_597 : i32 to index
      %swap3A_600 = arith.index_cast %swap3A_598 : i32 to index
      %swap3A_601 = arith.constant 32 : index
      %swap3A_602 = tpu.vector_load %arg7[%swap3A_599, %swap3A_600, %swap3A_601] {strides = array<i32>} : memref<2x4x128xf32, #tpu.memory_space<vmem>>, vector<1x1x16xf32>,
      %swap3A_603 = vector.shape_cast %swap3A_602 : vector<1x1x16xf32> to vector<16xf32>
      %swap3A_604 = vector.shape_cast %scan3A_579#2 : vector<16xf32> to vector<1x1x16xf32>
      tpu.vector_store %arg7[%swap3A_599, %swap3A_600, %swap3A_601], %swap3A_604 {strides = array<i32>} : memref<2x4x128xf32, #tpu.memory_space<vmem>>, vector<1x1x16xf32>,
      %swap3A_605 = arith.constant 1 : i32
      %swap3A_606 = arith.constant 1 : i32
      %swap3A_607 = arith.index_cast %swap3A_605 : i32 to index
      %swap3A_608 = arith.index_cast %swap3A_606 : i32 to index
      %swap3A_609 = arith.constant 48 : index
      %swap3A_610 = tpu.vector_load %arg7[%swap3A_607, %swap3A_608, %swap3A_609] {strides = array<i32>} : memref<2x4x128xf32, #tpu.memory_space<vmem>>, vector<1x1x16xf32>,
      %swap3A_611 = vector.shape_cast %swap3A_610 : vector<1x1x16xf32> to vector<16xf32>
      %swap3A_612 = vector.shape_cast %scan3A_579#3 : vector<16xf32> to vector<1x1x16xf32>
      tpu.vector_store %arg7[%swap3A_607, %swap3A_608, %swap3A_609], %swap3A_612 {strides = array<i32>} : memref<2x4x128xf32, #tpu.memory_space<vmem>>, vector<1x1x16xf32>,
      %swap3A_613 = arith.constant 1 : i32
      %swap3A_614 = arith.constant 1 : i32
      %swap3A_615 = arith.index_cast %swap3A_613 : i32 to index
      %swap3A_616 = arith.index_cast %swap3A_614 : i32 to index
      %swap3A_617 = arith.constant 64 : index
      %swap3A_618 = tpu.vector_load %arg7[%swap3A_615, %swap3A_616, %swap3A_617] {strides = array<i32>} : memref<2x4x128xf32, #tpu.memory_space<vmem>>, vector<1x1x16xf32>,
      %swap3A_619 = vector.shape_cast %swap3A_618 : vector<1x1x16xf32> to vector<16xf32>
      %swap3A_620 = vector.shape_cast %scan3A_579#4 : vector<16xf32> to vector<1x1x16xf32>
      tpu.vector_store %arg7[%swap3A_615, %swap3A_616, %swap3A_617], %swap3A_620 {strides = array<i32>} : memref<2x4x128xf32, #tpu.memory_space<vmem>>, vector<1x1x16xf32>,
      %swap3A_621 = arith.constant 1 : i32
      %swap3A_622 = arith.constant 1 : i32
      %swap3A_623 = arith.index_cast %swap3A_621 : i32 to index
      %swap3A_624 = arith.index_cast %swap3A_622 : i32 to index
      %swap3A_625 = arith.constant 80 : index
      %swap3A_626 = tpu.vector_load %arg7[%swap3A_623, %swap3A_624, %swap3A_625] {strides = array<i32>} : memref<2x4x128xf32, #tpu.memory_space<vmem>>, vector<1x1x16xf32>,
      %swap3A_627 = vector.shape_cast %swap3A_626 : vector<1x1x16xf32> to vector<16xf32>
      %swap3A_628 = vector.shape_cast %scan3A_579#5 : vector<16xf32> to vector<1x1x16xf32>
      tpu.vector_store %arg7[%swap3A_623, %swap3A_624, %swap3A_625], %swap3A_628 {strides = array<i32>} : memref<2x4x128xf32, #tpu.memory_space<vmem>>, vector<1x1x16xf32>,
      %swap3A_629 = arith.constant 1 : i32
      %swap3A_630 = arith.constant 1 : i32
      %swap3A_631 = arith.index_cast %swap3A_629 : i32 to index
      %swap3A_632 = arith.index_cast %swap3A_630 : i32 to index
      %swap3A_633 = arith.constant 96 : index
      %swap3A_634 = tpu.vector_load %arg7[%swap3A_631, %swap3A_632, %swap3A_633] {strides = array<i32>} : memref<2x4x128xf32, #tpu.memory_space<vmem>>, vector<1x1x16xf32>,
      %swap3A_635 = vector.shape_cast %swap3A_634 : vector<1x1x16xf32> to vector<16xf32>
      %swap3A_636 = vector.shape_cast %scan3A_579#6 : vector<16xf32> to vector<1x1x16xf32>
      tpu.vector_store %arg7[%swap3A_631, %swap3A_632, %swap3A_633], %swap3A_636 {strides = array<i32>} : memref<2x4x128xf32, #tpu.memory_space<vmem>>, vector<1x1x16xf32>,
      %swap3A_637 = arith.constant 1 : i32
      %swap3A_638 = arith.constant 1 : i32
      %swap3A_639 = arith.index_cast %swap3A_637 : i32 to index
      %swap3A_640 = arith.index_cast %swap3A_638 : i32 to index
      %swap3A_641 = arith.constant 112 : index
      %swap3A_642 = tpu.vector_load %arg7[%swap3A_639, %swap3A_640, %swap3A_641] {strides = array<i32>} : memref<2x4x128xf32, #tpu.memory_space<vmem>>, vector<1x1x16xf32>,
      %swap3A_643 = vector.shape_cast %swap3A_642 : vector<1x1x16xf32> to vector<16xf32>
      %swap3A_644 = vector.shape_cast %scan3A_579#7 : vector<16xf32> to vector<1x1x16xf32>
      tpu.vector_store %arg7[%swap3A_639, %swap3A_640, %swap3A_641], %swap3A_644 {strides = array<i32>} : memref<2x4x128xf32, #tpu.memory_space<vmem>>, vector<1x1x16xf32>,
      %broadcast_in_dim3A_645 = arith.constant 0.000000e+00 : f32
      %broadcast_in_dim3A_646 = vector.broadcast %broadcast_in_dim3A_645 : f32 to vector<16xf32>
      %broadcast_in_dim3A_647 = arith.constant 0.000000e+00 : f32
      %broadcast_in_dim3A_648 = vector.broadcast %broadcast_in_dim3A_647 : f32 to vector<16xf32>
      %broadcast_in_dim3A_649 = arith.constant 0.000000e+00 : f32
      %broadcast_in_dim3A_650 = vector.broadcast %broadcast_in_dim3A_649 : f32 to vector<16xf32>
      %broadcast_in_dim3A_651 = arith.constant 0.000000e+00 : f32
      %broadcast_in_dim3A_652 = vector.broadcast %broadcast_in_dim3A_651 : f32 to vector<16xf32>
      %broadcast_in_dim3A_653 = arith.constant 0.000000e+00 : f32
      %broadcast_in_dim3A_654 = vector.broadcast %broadcast_in_dim3A_653 : f32 to vector<16xf32>
      %broadcast_in_dim3A_655 = arith.constant 0.000000e+00 : f32
      %broadcast_in_dim3A_656 = vector.broadcast %broadcast_in_dim3A_655 : f32 to vector<16xf32>
      %broadcast_in_dim3A_657 = arith.constant 0.000000e+00 : f32
      %broadcast_in_dim3A_658 = vector.broadcast %broadcast_in_dim3A_657 : f32 to vector<16xf32>
      %broadcast_in_dim3A_659 = arith.constant 0.000000e+00 : f32
      %broadcast_in_dim3A_660 = vector.broadcast %broadcast_in_dim3A_659 : f32 to vector<16xf32>
      %scan3A_661 = arith.constant 0 : i32
      %scan3A_662 = arith.constant 8 : i32
      %scan3A_663 = arith.addi %scan3A_661, %scan3A_662 : i32
      %scan3A_664 = arith.constant 1 : i32
      %scan3A_665:8 = scf.for %scan3A_841 = %scan3A_661 to %scan3A_663 step %scan3A_664 iter_args(%scan3A_842 = %broadcast_in_dim3A_646, %scan3A_843 = %broadcast_in_dim3A_648, %scan3A_844 = %broadcast_in_dim3A_650, %scan3A_845 = %broadcast_in_dim3A_652, %scan3A_846 = %broadcast_in_dim3A_654, %scan3A_847 = %broadcast_in_dim3A_656, %scan3A_848 = %broadcast_in_dim3A_658, %scan3A_849 = %broadcast_in_dim3A_660) -> (vector<16xf32>, vector<16xf32>, vector<16xf32>, vector<16xf32>, vector<16xf32>, vector<16xf32>, vector<16xf32>, vector<16xf32>)  : i32 {
        %mul3A_850 = arith.constant 4 : i32
        %mul3A_851 = arith.muli %scan3A_841, %mul3A_850 : i32
        %add3A_852 = arith.constant 64 : i32
        %add3A_853 = arith.addi %add3A_852, %mul3A_851 : i32
        %add3A_854 = arith.constant 0 : i32
        %add3A_855 = arith.addi %add3A_853, %add3A_854 : i32
        %get3A = arith.constant 1 : i32
        %get3A_856 = arith.index_cast %get3A : i32 to index
        %get3A_857 = arith.index_cast %add3A_855 : i32 to index
        %get3A_858 = arith.constant 0 : index
        %get3A_859 = tpu.vector_load %arg6[%get3A_856, %get3A_857, %get3A_858] {strides = array<i32>} : memref<2x128x128xf32, #tpu.memory_space<vmem>>, vector<1x1x16xf32>,
        %get3A_860 = vector.shape_cast %get3A_859 : vector<1x1x16xf32> to vector<16xf32>
        %add3A_861 = arith.addf %scan3A_842, %get3A_860 : vector<16xf32>
        %add3A_862 = arith.constant 0 : i32
        %add3A_863 = arith.addi %add3A_853, %add3A_862 : i32
        %get3A_864 = arith.constant 1 : i32
        %get3A_865 = arith.index_cast %get3A_864 : i32 to index
        %get3A_866 = arith.index_cast %add3A_863 : i32 to index
        %get3A_867 = arith.constant 16 : index
        %get3A_868 = tpu.vector_load %arg6[%get3A_865, %get3A_866, %get3A_867] {strides = array<i32>} : memref<2x128x128xf32, #tpu.memory_space<vmem>>, vector<1x1x16xf32>,
        %get3A_869 = vector.shape_cast %get3A_868 : vector<1x1x16xf32> to vector<16xf32>
        %add3A_870 = arith.addf %scan3A_843, %get3A_869 : vector<16xf32>
        %add3A_871 = arith.constant 0 : i32
        %add3A_872 = arith.addi %add3A_853, %add3A_871 : i32
        %get3A_873 = arith.constant 1 : i32
        %get3A_874 = arith.index_cast %get3A_873 : i32 to index
        %get3A_875 = arith.index_cast %add3A_872 : i32 to index
        %get3A_876 = arith.constant 32 : index
        %get3A_877 = tpu.vector_load %arg6[%get3A_874, %get3A_875, %get3A_876] {strides = array<i32>} : memref<2x128x128xf32, #tpu.memory_space<vmem>>, vector<1x1x16xf32>,
        %get3A_878 = vector.shape_cast %get3A_877 : vector<1x1x16xf32> to vector<16xf32>
        %add3A_879 = arith.addf %scan3A_844, %get3A_878 : vector<16xf32>
        %add3A_880 = arith.constant 0 : i32
        %add3A_881 = arith.addi %add3A_853, %add3A_880 : i32
        %get3A_882 = arith.constant 1 : i32
        %get3A_883 = arith.index_cast %get3A_882 : i32 to index
        %get3A_884 = arith.index_cast %add3A_881 : i32 to index
        %get3A_885 = arith.constant 48 : index
        %get3A_886 = tpu.vector_load %arg6[%get3A_883, %get3A_884, %get3A_885] {strides = array<i32>} : memref<2x128x128xf32, #tpu.memory_space<vmem>>, vector<1x1x16xf32>,
        %get3A_887 = vector.shape_cast %get3A_886 : vector<1x1x16xf32> to vector<16xf32>
        %add3A_888 = arith.addf %scan3A_845, %get3A_887 : vector<16xf32>
        %add3A_889 = arith.constant 0 : i32
        %add3A_890 = arith.addi %add3A_853, %add3A_889 : i32
        %get3A_891 = arith.constant 1 : i32
        %get3A_892 = arith.index_cast %get3A_891 : i32 to index
        %get3A_893 = arith.index_cast %add3A_890 : i32 to index
        %get3A_894 = arith.constant 64 : index
        %get3A_895 = tpu.vector_load %arg6[%get3A_892, %get3A_893, %get3A_894] {strides = array<i32>} : memref<2x128x128xf32, #tpu.memory_space<vmem>>, vector<1x1x16xf32>,
        %get3A_896 = vector.shape_cast %get3A_895 : vector<1x1x16xf32> to vector<16xf32>
        %add3A_897 = arith.addf %scan3A_846, %get3A_896 : vector<16xf32>
        %add3A_898 = arith.constant 0 : i32
        %add3A_899 = arith.addi %add3A_853, %add3A_898 : i32
        %get3A_900 = arith.constant 1 : i32
        %get3A_901 = arith.index_cast %get3A_900 : i32 to index
        %get3A_902 = arith.index_cast %add3A_899 : i32 to index
        %get3A_903 = arith.constant 80 : index
        %get3A_904 = tpu.vector_load %arg6[%get3A_901, %get3A_902, %get3A_903] {strides = array<i32>} : memref<2x128x128xf32, #tpu.memory_space<vmem>>, vector<1x1x16xf32>,
        %get3A_905 = vector.shape_cast %get3A_904 : vector<1x1x16xf32> to vector<16xf32>
        %add3A_906 = arith.addf %scan3A_847, %get3A_905 : vector<16xf32>
        %add3A_907 = arith.constant 0 : i32
        %add3A_908 = arith.addi %add3A_853, %add3A_907 : i32
        %get3A_909 = arith.constant 1 : i32
        %get3A_910 = arith.index_cast %get3A_909 : i32 to index
        %get3A_911 = arith.index_cast %add3A_908 : i32 to index
        %get3A_912 = arith.constant 96 : index
        %get3A_913 = tpu.vector_load %arg6[%get3A_910, %get3A_911, %get3A_912] {strides = array<i32>} : memref<2x128x128xf32, #tpu.memory_space<vmem>>, vector<1x1x16xf32>,
        %get3A_914 = vector.shape_cast %get3A_913 : vector<1x1x16xf32> to vector<16xf32>
        %add3A_915 = arith.addf %scan3A_848, %get3A_914 : vector<16xf32>
        %add3A_916 = arith.constant 0 : i32
        %add3A_917 = arith.addi %add3A_853, %add3A_916 : i32
        %get3A_918 = arith.constant 1 : i32
        %get3A_919 = arith.index_cast %get3A_918 : i32 to index
        %get3A_920 = arith.index_cast %add3A_917 : i32 to index
        %get3A_921 = arith.constant 112 : index
        %get3A_922 = tpu.vector_load %arg6[%get3A_919, %get3A_920, %get3A_921] {strides = array<i32>} : memref<2x128x128xf32, #tpu.memory_space<vmem>>, vector<1x1x16xf32>,
        %get3A_923 = vector.shape_cast %get3A_922 : vector<1x1x16xf32> to vector<16xf32>
        %add3A_924 = arith.addf %scan3A_849, %get3A_923 : vector<16xf32>
        %add3A_925 = arith.constant 1 : i32
        %add3A_926 = arith.addi %add3A_853, %add3A_925 : i32
        %get3A_927 = arith.constant 1 : i32
        %get3A_928 = arith.index_cast %get3A_927 : i32 to index
        %get3A_929 = arith.index_cast %add3A_926 : i32 to index
        %get3A_930 = arith.constant 0 : index
        %get3A_931 = tpu.vector_load %arg6[%get3A_928, %get3A_929, %get3A_930] {strides = array<i32>} : memref<2x128x128xf32, #tpu.memory_space<vmem>>, vector<1x1x16xf32>,
        %get3A_932 = vector.shape_cast %get3A_931 : vector<1x1x16xf32> to vector<16xf32>
        %add3A_933 = arith.addf %add3A_861, %get3A_932 : vector<16xf32>
        %add3A_934 = arith.constant 1 : i32
        %add3A_935 = arith.addi %add3A_853, %add3A_934 : i32
        %get3A_936 = arith.constant 1 : i32
        %get3A_937 = arith.index_cast %get3A_936 : i32 to index
        %get3A_938 = arith.index_cast %add3A_935 : i32 to index
        %get3A_939 = arith.constant 16 : index
        %get3A_940 = tpu.vector_load %arg6[%get3A_937, %get3A_938, %get3A_939] {strides = array<i32>} : memref<2x128x128xf32, #tpu.memory_space<vmem>>, vector<1x1x16xf32>,
        %get3A_941 = vector.shape_cast %get3A_940 : vector<1x1x16xf32> to vector<16xf32>
        %add3A_942 = arith.addf %add3A_870, %get3A_941 : vector<16xf32>
        %add3A_943 = arith.constant 1 : i32
        %add3A_944 = arith.addi %add3A_853, %add3A_943 : i32
        %get3A_945 = arith.constant 1 : i32
        %get3A_946 = arith.index_cast %get3A_945 : i32 to index
        %get3A_947 = arith.index_cast %add3A_944 : i32 to index
        %get3A_948 = arith.constant 32 : index
        %get3A_949 = tpu.vector_load %arg6[%get3A_946, %get3A_947, %get3A_948] {strides = array<i32>} : memref<2x128x128xf32, #tpu.memory_space<vmem>>, vector<1x1x16xf32>,
        %get3A_950 = vector.shape_cast %get3A_949 : vector<1x1x16xf32> to vector<16xf32>
        %add3A_951 = arith.addf %add3A_879, %get3A_950 : vector<16xf32>
        %add3A_952 = arith.constant 1 : i32
        %add3A_953 = arith.addi %add3A_853, %add3A_952 : i32
        %get3A_954 = arith.constant 1 : i32
        %get3A_955 = arith.index_cast %get3A_954 : i32 to index
        %get3A_956 = arith.index_cast %add3A_953 : i32 to index
        %get3A_957 = arith.constant 48 : index
        %get3A_958 = tpu.vector_load %arg6[%get3A_955, %get3A_956, %get3A_957] {strides = array<i32>} : memref<2x128x128xf32, #tpu.memory_space<vmem>>, vector<1x1x16xf32>,
        %get3A_959 = vector.shape_cast %get3A_958 : vector<1x1x16xf32> to vector<16xf32>
        %add3A_960 = arith.addf %add3A_888, %get3A_959 : vector<16xf32>
        %add3A_961 = arith.constant 1 : i32
        %add3A_962 = arith.addi %add3A_853, %add3A_961 : i32
        %get3A_963 = arith.constant 1 : i32
        %get3A_964 = arith.index_cast %get3A_963 : i32 to index
        %get3A_965 = arith.index_cast %add3A_962 : i32 to index
        %get3A_966 = arith.constant 64 : index
        %get3A_967 = tpu.vector_load %arg6[%get3A_964, %get3A_965, %get3A_966] {strides = array<i32>} : memref<2x128x128xf32, #tpu.memory_space<vmem>>, vector<1x1x16xf32>,
        %get3A_968 = vector.shape_cast %get3A_967 : vector<1x1x16xf32> to vector<16xf32>
        %add3A_969 = arith.addf %add3A_897, %get3A_968 : vector<16xf32>
        %add3A_970 = arith.constant 1 : i32
        %add3A_971 = arith.addi %add3A_853, %add3A_970 : i32
        %get3A_972 = arith.constant 1 : i32
        %get3A_973 = arith.index_cast %get3A_972 : i32 to index
        %get3A_974 = arith.index_cast %add3A_971 : i32 to index
        %get3A_975 = arith.constant 80 : index
        %get3A_976 = tpu.vector_load %arg6[%get3A_973, %get3A_974, %get3A_975] {strides = array<i32>} : memref<2x128x128xf32, #tpu.memory_space<vmem>>, vector<1x1x16xf32>,
        %get3A_977 = vector.shape_cast %get3A_976 : vector<1x1x16xf32> to vector<16xf32>
        %add3A_978 = arith.addf %add3A_906, %get3A_977 : vector<16xf32>
        %add3A_979 = arith.constant 1 : i32
        %add3A_980 = arith.addi %add3A_853, %add3A_979 : i32
        %get3A_981 = arith.constant 1 : i32
        %get3A_982 = arith.index_cast %get3A_981 : i32 to index
        %get3A_983 = arith.index_cast %add3A_980 : i32 to index
        %get3A_984 = arith.constant 96 : index
        %get3A_985 = tpu.vector_load %arg6[%get3A_982, %get3A_983, %get3A_984] {strides = array<i32>} : memref<2x128x128xf32, #tpu.memory_space<vmem>>, vector<1x1x16xf32>,
        %get3A_986 = vector.shape_cast %get3A_985 : vector<1x1x16xf32> to vector<16xf32>
        %add3A_987 = arith.addf %add3A_915, %get3A_986 : vector<16xf32>
        %add3A_988 = arith.constant 1 : i32
        %add3A_989 = arith.addi %add3A_853, %add3A_988 : i32
        %get3A_990 = arith.constant 1 : i32
        %get3A_991 = arith.index_cast %get3A_990 : i32 to index
        %get3A_992 = arith.index_cast %add3A_989 : i32 to index
        %get3A_993 = arith.constant 112 : index
        %get3A_994 = tpu.vector_load %arg6[%get3A_991, %get3A_992, %get3A_993] {strides = array<i32>} : memref<2x128x128xf32, #tpu.memory_space<vmem>>, vector<1x1x16xf32>,
        %get3A_995 = vector.shape_cast %get3A_994 : vector<1x1x16xf32> to vector<16xf32>
        %add3A_996 = arith.addf %add3A_924, %get3A_995 : vector<16xf32>
        %add3A_997 = arith.constant 2 : i32
        %add3A_998 = arith.addi %add3A_853, %add3A_997 : i32
        %get3A_999 = arith.constant 1 : i32
        %get3A_1000 = arith.index_cast %get3A_999 : i32 to index
        %get3A_1001 = arith.index_cast %add3A_998 : i32 to index
        %get3A_1002 = arith.constant 0 : index
        %get3A_1003 = tpu.vector_load %arg6[%get3A_1000, %get3A_1001, %get3A_1002] {strides = array<i32>} : memref<2x128x128xf32, #tpu.memory_space<vmem>>, vector<1x1x16xf32>,
        %get3A_1004 = vector.shape_cast %get3A_1003 : vector<1x1x16xf32> to vector<16xf32>
        %add3A_1005 = arith.addf %add3A_933, %get3A_1004 : vector<16xf32>
        %add3A_1006 = arith.constant 2 : i32
        %add3A_1007 = arith.addi %add3A_853, %add3A_1006 : i32
        %get3A_1008 = arith.constant 1 : i32
        %get3A_1009 = arith.index_cast %get3A_1008 : i32 to index
        %get3A_1010 = arith.index_cast %add3A_1007 : i32 to index
        %get3A_1011 = arith.constant 16 : index
        %get3A_1012 = tpu.vector_load %arg6[%get3A_1009, %get3A_1010, %get3A_1011] {strides = array<i32>} : memref<2x128x128xf32, #tpu.memory_space<vmem>>, vector<1x1x16xf32>,
        %get3A_1013 = vector.shape_cast %get3A_1012 : vector<1x1x16xf32> to vector<16xf32>
        %add3A_1014 = arith.addf %add3A_942, %get3A_1013 : vector<16xf32>
        %add3A_1015 = arith.constant 2 : i32
        %add3A_1016 = arith.addi %add3A_853, %add3A_1015 : i32
        %get3A_1017 = arith.constant 1 : i32
        %get3A_1018 = arith.index_cast %get3A_1017 : i32 to index
        %get3A_1019 = arith.index_cast %add3A_1016 : i32 to index
        %get3A_1020 = arith.constant 32 : index
        %get3A_1021 = tpu.vector_load %arg6[%get3A_1018, %get3A_1019, %get3A_1020] {strides = array<i32>} : memref<2x128x128xf32, #tpu.memory_space<vmem>>, vector<1x1x16xf32>,
        %get3A_1022 = vector.shape_cast %get3A_1021 : vector<1x1x16xf32> to vector<16xf32>
        %add3A_1023 = arith.addf %add3A_951, %get3A_1022 : vector<16xf32>
        %add3A_1024 = arith.constant 2 : i32
        %add3A_1025 = arith.addi %add3A_853, %add3A_1024 : i32
        %get3A_1026 = arith.constant 1 : i32
        %get3A_1027 = arith.index_cast %get3A_1026 : i32 to index
        %get3A_1028 = arith.index_cast %add3A_1025 : i32 to index
        %get3A_1029 = arith.constant 48 : index
        %get3A_1030 = tpu.vector_load %arg6[%get3A_1027, %get3A_1028, %get3A_1029] {strides = array<i32>} : memref<2x128x128xf32, #tpu.memory_space<vmem>>, vector<1x1x16xf32>,
        %get3A_1031 = vector.shape_cast %get3A_1030 : vector<1x1x16xf32> to vector<16xf32>
        %add3A_1032 = arith.addf %add3A_960, %get3A_1031 : vector<16xf32>
        %add3A_1033 = arith.constant 2 : i32
        %add3A_1034 = arith.addi %add3A_853, %add3A_1033 : i32
        %get3A_1035 = arith.constant 1 : i32
        %get3A_1036 = arith.index_cast %get3A_1035 : i32 to index
        %get3A_1037 = arith.index_cast %add3A_1034 : i32 to index
        %get3A_1038 = arith.constant 64 : index
        %get3A_1039 = tpu.vector_load %arg6[%get3A_1036, %get3A_1037, %get3A_1038] {strides = array<i32>} : memref<2x128x128xf32, #tpu.memory_space<vmem>>, vector<1x1x16xf32>,
        %get3A_1040 = vector.shape_cast %get3A_1039 : vector<1x1x16xf32> to vector<16xf32>
        %add3A_1041 = arith.addf %add3A_969, %get3A_1040 : vector<16xf32>
        %add3A_1042 = arith.constant 2 : i32
        %add3A_1043 = arith.addi %add3A_853, %add3A_1042 : i32
        %get3A_1044 = arith.constant 1 : i32
        %get3A_1045 = arith.index_cast %get3A_1044 : i32 to index
        %get3A_1046 = arith.index_cast %add3A_1043 : i32 to index
        %get3A_1047 = arith.constant 80 : index
        %get3A_1048 = tpu.vector_load %arg6[%get3A_1045, %get3A_1046, %get3A_1047] {strides = array<i32>} : memref<2x128x128xf32, #tpu.memory_space<vmem>>, vector<1x1x16xf32>,
        %get3A_1049 = vector.shape_cast %get3A_1048 : vector<1x1x16xf32> to vector<16xf32>
        %add3A_1050 = arith.addf %add3A_978, %get3A_1049 : vector<16xf32>
        %add3A_1051 = arith.constant 2 : i32
        %add3A_1052 = arith.addi %add3A_853, %add3A_1051 : i32
        %get3A_1053 = arith.constant 1 : i32
        %get3A_1054 = arith.index_cast %get3A_1053 : i32 to index
        %get3A_1055 = arith.index_cast %add3A_1052 : i32 to index
        %get3A_1056 = arith.constant 96 : index
        %get3A_1057 = tpu.vector_load %arg6[%get3A_1054, %get3A_1055, %get3A_1056] {strides = array<i32>} : memref<2x128x128xf32, #tpu.memory_space<vmem>>, vector<1x1x16xf32>,
        %get3A_1058 = vector.shape_cast %get3A_1057 : vector<1x1x16xf32> to vector<16xf32>
        %add3A_1059 = arith.addf %add3A_987, %get3A_1058 : vector<16xf32>
        %add3A_1060 = arith.constant 2 : i32
        %add3A_1061 = arith.addi %add3A_853, %add3A_1060 : i32
        %get3A_1062 = arith.constant 1 : i32
        %get3A_1063 = arith.index_cast %get3A_1062 : i32 to index
        %get3A_1064 = arith.index_cast %add3A_1061 : i32 to index
        %get3A_1065 = arith.constant 112 : index
        %get3A_1066 = tpu.vector_load %arg6[%get3A_1063, %get3A_1064, %get3A_1065] {strides = array<i32>} : memref<2x128x128xf32, #tpu.memory_space<vmem>>, vector<1x1x16xf32>,
        %get3A_1067 = vector.shape_cast %get3A_1066 : vector<1x1x16xf32> to vector<16xf32>
        %add3A_1068 = arith.addf %add3A_996, %get3A_1067 : vector<16xf32>
        %add3A_1069 = arith.constant 3 : i32
        %add3A_1070 = arith.addi %add3A_853, %add3A_1069 : i32
        %get3A_1071 = arith.constant 1 : i32
        %get3A_1072 = arith.index_cast %get3A_1071 : i32 to index
        %get3A_1073 = arith.index_cast %add3A_1070 : i32 to index
        %get3A_1074 = arith.constant 0 : index
        %get3A_1075 = tpu.vector_load %arg6[%get3A_1072, %get3A_1073, %get3A_1074] {strides = array<i32>} : memref<2x128x128xf32, #tpu.memory_space<vmem>>, vector<1x1x16xf32>,
        %get3A_1076 = vector.shape_cast %get3A_1075 : vector<1x1x16xf32> to vector<16xf32>
        %add3A_1077 = arith.addf %add3A_1005, %get3A_1076 : vector<16xf32>
        %add3A_1078 = arith.constant 3 : i32
        %add3A_1079 = arith.addi %add3A_853, %add3A_1078 : i32
        %get3A_1080 = arith.constant 1 : i32
        %get3A_1081 = arith.index_cast %get3A_1080 : i32 to index
        %get3A_1082 = arith.index_cast %add3A_1079 : i32 to index
        %get3A_1083 = arith.constant 16 : index
        %get3A_1084 = tpu.vector_load %arg6[%get3A_1081, %get3A_1082, %get3A_1083] {strides = array<i32>} : memref<2x128x128xf32, #tpu.memory_space<vmem>>, vector<1x1x16xf32>,
        %get3A_1085 = vector.shape_cast %get3A_1084 : vector<1x1x16xf32> to vector<16xf32>
        %add3A_1086 = arith.addf %add3A_1014, %get3A_1085 : vector<16xf32>
        %add3A_1087 = arith.constant 3 : i32
        %add3A_1088 = arith.addi %add3A_853, %add3A_1087 : i32
        %get3A_1089 = arith.constant 1 : i32
        %get3A_1090 = arith.index_cast %get3A_1089 : i32 to index
        %get3A_1091 = arith.index_cast %add3A_1088 : i32 to index
        %get3A_1092 = arith.constant 32 : index
        %get3A_1093 = tpu.vector_load %arg6[%get3A_1090, %get3A_1091, %get3A_1092] {strides = array<i32>} : memref<2x128x128xf32, #tpu.memory_space<vmem>>, vector<1x1x16xf32>,
        %get3A_1094 = vector.shape_cast %get3A_1093 : vector<1x1x16xf32> to vector<16xf32>
        %add3A_1095 = arith.addf %add3A_1023, %get3A_1094 : vector<16xf32>
        %add3A_1096 = arith.constant 3 : i32
        %add3A_1097 = arith.addi %add3A_853, %add3A_1096 : i32
        %get3A_1098 = arith.constant 1 : i32
        %get3A_1099 = arith.index_cast %get3A_1098 : i32 to index
        %get3A_1100 = arith.index_cast %add3A_1097 : i32 to index
        %get3A_1101 = arith.constant 48 : index
        %get3A_1102 = tpu.vector_load %arg6[%get3A_1099, %get3A_1100, %get3A_1101] {strides = array<i32>} : memref<2x128x128xf32, #tpu.memory_space<vmem>>, vector<1x1x16xf32>,
        %get3A_1103 = vector.shape_cast %get3A_1102 : vector<1x1x16xf32> to vector<16xf32>
        %add3A_1104 = arith.addf %add3A_1032, %get3A_1103 : vector<16xf32>
        %add3A_1105 = arith.constant 3 : i32
        %add3A_1106 = arith.addi %add3A_853, %add3A_1105 : i32
        %get3A_1107 = arith.constant 1 : i32
        %get3A_1108 = arith.index_cast %get3A_1107 : i32 to index
        %get3A_1109 = arith.index_cast %add3A_1106 : i32 to index
        %get3A_1110 = arith.constant 64 : index
        %get3A_1111 = tpu.vector_load %arg6[%get3A_1108, %get3A_1109, %get3A_1110] {strides = array<i32>} : memref<2x128x128xf32, #tpu.memory_space<vmem>>, vector<1x1x16xf32>,
        %get3A_1112 = vector.shape_cast %get3A_1111 : vector<1x1x16xf32> to vector<16xf32>
        %add3A_1113 = arith.addf %add3A_1041, %get3A_1112 : vector<16xf32>
        %add3A_1114 = arith.constant 3 : i32
        %add3A_1115 = arith.addi %add3A_853, %add3A_1114 : i32
        %get3A_1116 = arith.constant 1 : i32
        %get3A_1117 = arith.index_cast %get3A_1116 : i32 to index
        %get3A_1118 = arith.index_cast %add3A_1115 : i32 to index
        %get3A_1119 = arith.constant 80 : index
        %get3A_1120 = tpu.vector_load %arg6[%get3A_1117, %get3A_1118, %get3A_1119] {strides = array<i32>} : memref<2x128x128xf32, #tpu.memory_space<vmem>>, vector<1x1x16xf32>,
        %get3A_1121 = vector.shape_cast %get3A_1120 : vector<1x1x16xf32> to vector<16xf32>
        %add3A_1122 = arith.addf %add3A_1050, %get3A_1121 : vector<16xf32>
        %add3A_1123 = arith.constant 3 : i32
        %add3A_1124 = arith.addi %add3A_853, %add3A_1123 : i32
        %get3A_1125 = arith.constant 1 : i32
        %get3A_1126 = arith.index_cast %get3A_1125 : i32 to index
        %get3A_1127 = arith.index_cast %add3A_1124 : i32 to index
        %get3A_1128 = arith.constant 96 : index
        %get3A_1129 = tpu.vector_load %arg6[%get3A_1126, %get3A_1127, %get3A_1128] {strides = array<i32>} : memref<2x128x128xf32, #tpu.memory_space<vmem>>, vector<1x1x16xf32>,
        %get3A_1130 = vector.shape_cast %get3A_1129 : vector<1x1x16xf32> to vector<16xf32>
        %add3A_1131 = arith.addf %add3A_1059, %get3A_1130 : vector<16xf32>
        %add3A_1132 = arith.constant 3 : i32
        %add3A_1133 = arith.addi %add3A_853, %add3A_1132 : i32
        %get3A_1134 = arith.constant 1 : i32
        %get3A_1135 = arith.index_cast %get3A_1134 : i32 to index
        %get3A_1136 = arith.index_cast %add3A_1133 : i32 to index
        %get3A_1137 = arith.constant 112 : index
        %get3A_1138 = tpu.vector_load %arg6[%get3A_1135, %get3A_1136, %get3A_1137] {strides = array<i32>} : memref<2x128x128xf32, #tpu.memory_space<vmem>>, vector<1x1x16xf32>,
        %get3A_1139 = vector.shape_cast %get3A_1138 : vector<1x1x16xf32> to vector<16xf32>
        %add3A_1140 = arith.addf %add3A_1068, %get3A_1139 : vector<16xf32>
        scf.yield %add3A_1077, %add3A_1086, %add3A_1095, %add3A_1104, %add3A_1113, %add3A_1122, %add3A_1131, %add3A_1140 : vector<16xf32>, vector<16xf32>, vector<16xf32>, vector<16xf32>, vector<16xf32>, vector<16xf32>, vector<16xf32>, vector<16xf32>
      }
      %scan3A_666 = arith.constant 8 : i32
      %swap3A_667 = arith.constant 1 : i32
      %swap3A_668 = arith.constant 2 : i32
      %swap3A_669 = arith.index_cast %swap3A_667 : i32 to index
      %swap3A_670 = arith.index_cast %swap3A_668 : i32 to index
      %swap3A_671 = arith.constant 0 : index
      %swap3A_672 = tpu.vector_load %arg7[%swap3A_669, %swap3A_670, %swap3A_671] {strides = array<i32>} : memref<2x4x128xf32, #tpu.memory_space<vmem>>, vector<1x1x16xf32>,
      %swap3A_673 = vector.shape_cast %swap3A_672 : vector<1x1x16xf32> to vector<16xf32>
      %swap3A_674 = vector.shape_cast %scan3A_665#0 : vector<16xf32> to vector<1x1x16xf32>
      tpu.vector_store %arg7[%swap3A_669, %swap3A_670, %swap3A_671], %swap3A_674 {strides = array<i32>} : memref<2x4x128xf32, #tpu.memory_space<vmem>>, vector<1x1x16xf32>,
      %swap3A_675 = arith.constant 1 : i32
      %swap3A_676 = arith.constant 2 : i32
      %swap3A_677 = arith.index_cast %swap3A_675 : i32 to index
      %swap3A_678 = arith.index_cast %swap3A_676 : i32 to index
      %swap3A_679 = arith.constant 16 : index
      %swap3A_680 = tpu.vector_load %arg7[%swap3A_677, %swap3A_678, %swap3A_679] {strides = array<i32>} : memref<2x4x128xf32, #tpu.memory_space<vmem>>, vector<1x1x16xf32>,
      %swap3A_681 = vector.shape_cast %swap3A_680 : vector<1x1x16xf32> to vector<16xf32>
      %swap3A_682 = vector.shape_cast %scan3A_665#1 : vector<16xf32> to vector<1x1x16xf32>
      tpu.vector_store %arg7[%swap3A_677, %swap3A_678, %swap3A_679], %swap3A_682 {strides = array<i32>} : memref<2x4x128xf32, #tpu.memory_space<vmem>>, vector<1x1x16xf32>,
      %swap3A_683 = arith.constant 1 : i32
      %swap3A_684 = arith.constant 2 : i32
      %swap3A_685 = arith.index_cast %swap3A_683 : i32 to index
      %swap3A_686 = arith.index_cast %swap3A_684 : i32 to index
      %swap3A_687 = arith.constant 32 : index
      %swap3A_688 = tpu.vector_load %arg7[%swap3A_685, %swap3A_686, %swap3A_687] {strides = array<i32>} : memref<2x4x128xf32, #tpu.memory_space<vmem>>, vector<1x1x16xf32>,
      %swap3A_689 = vector.shape_cast %swap3A_688 : vector<1x1x16xf32> to vector<16xf32>
      %swap3A_690 = vector.shape_cast %scan3A_665#2 : vector<16xf32> to vector<1x1x16xf32>
      tpu.vector_store %arg7[%swap3A_685, %swap3A_686, %swap3A_687], %swap3A_690 {strides = array<i32>} : memref<2x4x128xf32, #tpu.memory_space<vmem>>, vector<1x1x16xf32>,
      %swap3A_691 = arith.constant 1 : i32
      %swap3A_692 = arith.constant 2 : i32
      %swap3A_693 = arith.index_cast %swap3A_691 : i32 to index
      %swap3A_694 = arith.index_cast %swap3A_692 : i32 to index
      %swap3A_695 = arith.constant 48 : index
      %swap3A_696 = tpu.vector_load %arg7[%swap3A_693, %swap3A_694, %swap3A_695] {strides = array<i32>} : memref<2x4x128xf32, #tpu.memory_space<vmem>>, vector<1x1x16xf32>,
      %swap3A_697 = vector.shape_cast %swap3A_696 : vector<1x1x16xf32> to vector<16xf32>
      %swap3A_698 = vector.shape_cast %scan3A_665#3 : vector<16xf32> to vector<1x1x16xf32>
      tpu.vector_store %arg7[%swap3A_693, %swap3A_694, %swap3A_695], %swap3A_698 {strides = array<i32>} : memref<2x4x128xf32, #tpu.memory_space<vmem>>, vector<1x1x16xf32>,
      %swap3A_699 = arith.constant 1 : i32
      %swap3A_700 = arith.constant 2 : i32
      %swap3A_701 = arith.index_cast %swap3A_699 : i32 to index
      %swap3A_702 = arith.index_cast %swap3A_700 : i32 to index
      %swap3A_703 = arith.constant 64 : index
      %swap3A_704 = tpu.vector_load %arg7[%swap3A_701, %swap3A_702, %swap3A_703] {strides = array<i32>} : memref<2x4x128xf32, #tpu.memory_space<vmem>>, vector<1x1x16xf32>,
      %swap3A_705 = vector.shape_cast %swap3A_704 : vector<1x1x16xf32> to vector<16xf32>
      %swap3A_706 = vector.shape_cast %scan3A_665#4 : vector<16xf32> to vector<1x1x16xf32>
      tpu.vector_store %arg7[%swap3A_701, %swap3A_702, %swap3A_703], %swap3A_706 {strides = array<i32>} : memref<2x4x128xf32, #tpu.memory_space<vmem>>, vector<1x1x16xf32>,
      %swap3A_707 = arith.constant 1 : i32
      %swap3A_708 = arith.constant 2 : i32
      %swap3A_709 = arith.index_cast %swap3A_707 : i32 to index
      %swap3A_710 = arith.index_cast %swap3A_708 : i32 to index
      %swap3A_711 = arith.constant 80 : index
      %swap3A_712 = tpu.vector_load %arg7[%swap3A_709, %swap3A_710, %swap3A_711] {strides = array<i32>} : memref<2x4x128xf32, #tpu.memory_space<vmem>>, vector<1x1x16xf32>,
      %swap3A_713 = vector.shape_cast %swap3A_712 : vector<1x1x16xf32> to vector<16xf32>
      %swap3A_714 = vector.shape_cast %scan3A_665#5 : vector<16xf32> to vector<1x1x16xf32>
      tpu.vector_store %arg7[%swap3A_709, %swap3A_710, %swap3A_711], %swap3A_714 {strides = array<i32>} : memref<2x4x128xf32, #tpu.memory_space<vmem>>, vector<1x1x16xf32>,
      %swap3A_715 = arith.constant 1 : i32
      %swap3A_716 = arith.constant 2 : i32
      %swap3A_717 = arith.index_cast %swap3A_715 : i32 to index
      %swap3A_718 = arith.index_cast %swap3A_716 : i32 to index
      %swap3A_719 = arith.constant 96 : index
      %swap3A_720 = tpu.vector_load %arg7[%swap3A_717, %swap3A_718, %swap3A_719] {strides = array<i32>} : memref<2x4x128xf32, #tpu.memory_space<vmem>>, vector<1x1x16xf32>,
      %swap3A_721 = vector.shape_cast %swap3A_720 : vector<1x1x16xf32> to vector<16xf32>
      %swap3A_722 = vector.shape_cast %scan3A_665#6 : vector<16xf32> to vector<1x1x16xf32>
      tpu.vector_store %arg7[%swap3A_717, %swap3A_718, %swap3A_719], %swap3A_722 {strides = array<i32>} : memref<2x4x128xf32, #tpu.memory_space<vmem>>, vector<1x1x16xf32>,
      %swap3A_723 = arith.constant 1 : i32
      %swap3A_724 = arith.constant 2 : i32
      %swap3A_725 = arith.index_cast %swap3A_723 : i32 to index
      %swap3A_726 = arith.index_cast %swap3A_724 : i32 to index
      %swap3A_727 = arith.constant 112 : index
      %swap3A_728 = tpu.vector_load %arg7[%swap3A_725, %swap3A_726, %swap3A_727] {strides = array<i32>} : memref<2x4x128xf32, #tpu.memory_space<vmem>>, vector<1x1x16xf32>,
      %swap3A_729 = vector.shape_cast %swap3A_728 : vector<1x1x16xf32> to vector<16xf32>
      %swap3A_730 = vector.shape_cast %scan3A_665#7 : vector<16xf32> to vector<1x1x16xf32>
      tpu.vector_store %arg7[%swap3A_725, %swap3A_726, %swap3A_727], %swap3A_730 {strides = array<i32>} : memref<2x4x128xf32, #tpu.memory_space<vmem>>, vector<1x1x16xf32>,
      %broadcast_in_dim3A_731 = arith.constant 0.000000e+00 : f32
      %broadcast_in_dim3A_732 = vector.broadcast %broadcast_in_dim3A_731 : f32 to vector<16xf32>
      %broadcast_in_dim3A_733 = arith.constant 0.000000e+00 : f32
      %broadcast_in_dim3A_734 = vector.broadcast %broadcast_in_dim3A_733 : f32 to vector<16xf32>
      %broadcast_in_dim3A_735 = arith.constant 0.000000e+00 : f32
      %broadcast_in_dim3A_736 = vector.broadcast %broadcast_in_dim3A_735 : f32 to vector<16xf32>
      %broadcast_in_dim3A_737 = arith.constant 0.000000e+00 : f32
      %broadcast_in_dim3A_738 = vector.broadcast %broadcast_in_dim3A_737 : f32 to vector<16xf32>
      %broadcast_in_dim3A_739 = arith.constant 0.000000e+00 : f32
      %broadcast_in_dim3A_740 = vector.broadcast %broadcast_in_dim3A_739 : f32 to vector<16xf32>
      %broadcast_in_dim3A_741 = arith.constant 0.000000e+00 : f32
      %broadcast_in_dim3A_742 = vector.broadcast %broadcast_in_dim3A_741 : f32 to vector<16xf32>
      %broadcast_in_dim3A_743 = arith.constant 0.000000e+00 : f32
      %broadcast_in_dim3A_744 = vector.broadcast %broadcast_in_dim3A_743 : f32 to vector<16xf32>
      %broadcast_in_dim3A_745 = arith.constant 0.000000e+00 : f32
      %broadcast_in_dim3A_746 = vector.broadcast %broadcast_in_dim3A_745 : f32 to vector<16xf32>
      %scan3A_747 = arith.constant 0 : i32
      %scan3A_748 = arith.constant 8 : i32
      %scan3A_749 = arith.addi %scan3A_747, %scan3A_748 : i32
      %scan3A_750 = arith.constant 1 : i32
      %scan3A_751:8 = scf.for %scan3A_841 = %scan3A_747 to %scan3A_749 step %scan3A_750 iter_args(%scan3A_842 = %broadcast_in_dim3A_732, %scan3A_843 = %broadcast_in_dim3A_734, %scan3A_844 = %broadcast_in_dim3A_736, %scan3A_845 = %broadcast_in_dim3A_738, %scan3A_846 = %broadcast_in_dim3A_740, %scan3A_847 = %broadcast_in_dim3A_742, %scan3A_848 = %broadcast_in_dim3A_744, %scan3A_849 = %broadcast_in_dim3A_746) -> (vector<16xf32>, vector<16xf32>, vector<16xf32>, vector<16xf32>, vector<16xf32>, vector<16xf32>, vector<16xf32>, vector<16xf32>)  : i32 {
        %mul3A_850 = arith.constant 4 : i32
        %mul3A_851 = arith.muli %scan3A_841, %mul3A_850 : i32
        %add3A_852 = arith.constant 96 : i32
        %add3A_853 = arith.addi %add3A_852, %mul3A_851 : i32
        %add3A_854 = arith.constant 0 : i32
        %add3A_855 = arith.addi %add3A_853, %add3A_854 : i32
        %get3A = arith.constant 1 : i32
        %get3A_856 = arith.index_cast %get3A : i32 to index
        %get3A_857 = arith.index_cast %add3A_855 : i32 to index
        %get3A_858 = arith.constant 0 : index
        %get3A_859 = tpu.vector_load %arg6[%get3A_856, %get3A_857, %get3A_858] {strides = array<i32>} : memref<2x128x128xf32, #tpu.memory_space<vmem>>, vector<1x1x16xf32>,
        %get3A_860 = vector.shape_cast %get3A_859 : vector<1x1x16xf32> to vector<16xf32>
        %add3A_861 = arith.addf %scan3A_842, %get3A_860 : vector<16xf32>
        %add3A_862 = arith.constant 0 : i32
        %add3A_863 = arith.addi %add3A_853, %add3A_862 : i32
        %get3A_864 = arith.constant 1 : i32
        %get3A_865 = arith.index_cast %get3A_864 : i32 to index
        %get3A_866 = arith.index_cast %add3A_863 : i32 to index
        %get3A_867 = arith.constant 16 : index
        %get3A_868 = tpu.vector_load %arg6[%get3A_865, %get3A_866, %get3A_867] {strides = array<i32>} : memref<2x128x128xf32, #tpu.memory_space<vmem>>, vector<1x1x16xf32>,
        %get3A_869 = vector.shape_cast %get3A_868 : vector<1x1x16xf32> to vector<16xf32>
        %add3A_870 = arith.addf %scan3A_843, %get3A_869 : vector<16xf32>
        %add3A_871 = arith.constant 0 : i32
        %add3A_872 = arith.addi %add3A_853, %add3A_871 : i32
        %get3A_873 = arith.constant 1 : i32
        %get3A_874 = arith.index_cast %get3A_873 : i32 to index
        %get3A_875 = arith.index_cast %add3A_872 : i32 to index
        %get3A_876 = arith.constant 32 : index
        %get3A_877 = tpu.vector_load %arg6[%get3A_874, %get3A_875, %get3A_876] {strides = array<i32>} : memref<2x128x128xf32, #tpu.memory_space<vmem>>, vector<1x1x16xf32>,
        %get3A_878 = vector.shape_cast %get3A_877 : vector<1x1x16xf32> to vector<16xf32>
        %add3A_879 = arith.addf %scan3A_844, %get3A_878 : vector<16xf32>
        %add3A_880 = arith.constant 0 : i32
        %add3A_881 = arith.addi %add3A_853, %add3A_880 : i32
        %get3A_882 = arith.constant 1 : i32
        %get3A_883 = arith.index_cast %get3A_882 : i32 to index
        %get3A_884 = arith.index_cast %add3A_881 : i32 to index
        %get3A_885 = arith.constant 48 : index
        %get3A_886 = tpu.vector_load %arg6[%get3A_883, %get3A_884, %get3A_885] {strides = array<i32>} : memref<2x128x128xf32, #tpu.memory_space<vmem>>, vector<1x1x16xf32>,
        %get3A_887 = vector.shape_cast %get3A_886 : vector<1x1x16xf32> to vector<16xf32>
        %add3A_888 = arith.addf %scan3A_845, %get3A_887 : vector<16xf32>
        %add3A_889 = arith.constant 0 : i32
        %add3A_890 = arith.addi %add3A_853, %add3A_889 : i32
        %get3A_891 = arith.constant 1 : i32
        %get3A_892 = arith.index_cast %get3A_891 : i32 to index
        %get3A_893 = arith.index_cast %add3A_890 : i32 to index
        %get3A_894 = arith.constant 64 : index
        %get3A_895 = tpu.vector_load %arg6[%get3A_892, %get3A_893, %get3A_894] {strides = array<i32>} : memref<2x128x128xf32, #tpu.memory_space<vmem>>, vector<1x1x16xf32>,
        %get3A_896 = vector.shape_cast %get3A_895 : vector<1x1x16xf32> to vector<16xf32>
        %add3A_897 = arith.addf %scan3A_846, %get3A_896 : vector<16xf32>
        %add3A_898 = arith.constant 0 : i32
        %add3A_899 = arith.addi %add3A_853, %add3A_898 : i32
        %get3A_900 = arith.constant 1 : i32
        %get3A_901 = arith.index_cast %get3A_900 : i32 to index
        %get3A_902 = arith.index_cast %add3A_899 : i32 to index
        %get3A_903 = arith.constant 80 : index
        %get3A_904 = tpu.vector_load %arg6[%get3A_901, %get3A_902, %get3A_903] {strides = array<i32>} : memref<2x128x128xf32, #tpu.memory_space<vmem>>, vector<1x1x16xf32>,
        %get3A_905 = vector.shape_cast %get3A_904 : vector<1x1x16xf32> to vector<16xf32>
        %add3A_906 = arith.addf %scan3A_847, %get3A_905 : vector<16xf32>
        %add3A_907 = arith.constant 0 : i32
        %add3A_908 = arith.addi %add3A_853, %add3A_907 : i32
        %get3A_909 = arith.constant 1 : i32
        %get3A_910 = arith.index_cast %get3A_909 : i32 to index
        %get3A_911 = arith.index_cast %add3A_908 : i32 to index
        %get3A_912 = arith.constant 96 : index
        %get3A_913 = tpu.vector_load %arg6[%get3A_910, %get3A_911, %get3A_912] {strides = array<i32>} : memref<2x128x128xf32, #tpu.memory_space<vmem>>, vector<1x1x16xf32>,
        %get3A_914 = vector.shape_cast %get3A_913 : vector<1x1x16xf32> to vector<16xf32>
        %add3A_915 = arith.addf %scan3A_848, %get3A_914 : vector<16xf32>
        %add3A_916 = arith.constant 0 : i32
        %add3A_917 = arith.addi %add3A_853, %add3A_916 : i32
        %get3A_918 = arith.constant 1 : i32
        %get3A_919 = arith.index_cast %get3A_918 : i32 to index
        %get3A_920 = arith.index_cast %add3A_917 : i32 to index
        %get3A_921 = arith.constant 112 : index
        %get3A_922 = tpu.vector_load %arg6[%get3A_919, %get3A_920, %get3A_921] {strides = array<i32>} : memref<2x128x128xf32, #tpu.memory_space<vmem>>, vector<1x1x16xf32>,
        %get3A_923 = vector.shape_cast %get3A_922 : vector<1x1x16xf32> to vector<16xf32>
        %add3A_924 = arith.addf %scan3A_849, %get3A_923 : vector<16xf32>
        %add3A_925 = arith.constant 1 : i32
        %add3A_926 = arith.addi %add3A_853, %add3A_925 : i32
        %get3A_927 = arith.constant 1 : i32
        %get3A_928 = arith.index_cast %get3A_927 : i32 to index
        %get3A_929 = arith.index_cast %add3A_926 : i32 to index
        %get3A_930 = arith.constant 0 : index
        %get3A_931 = tpu.vector_load %arg6[%get3A_928, %get3A_929, %get3A_930] {strides = array<i32>} : memref<2x128x128xf32, #tpu.memory_space<vmem>>, vector<1x1x16xf32>,
        %get3A_932 = vector.shape_cast %get3A_931 : vector<1x1x16xf32> to vector<16xf32>
        %add3A_933 = arith.addf %add3A_861, %get3A_932 : vector<16xf32>
        %add3A_934 = arith.constant 1 : i32
        %add3A_935 = arith.addi %add3A_853, %add3A_934 : i32
        %get3A_936 = arith.constant 1 : i32
        %get3A_937 = arith.index_cast %get3A_936 : i32 to index
        %get3A_938 = arith.index_cast %add3A_935 : i32 to index
        %get3A_939 = arith.constant 16 : index
        %get3A_940 = tpu.vector_load %arg6[%get3A_937, %get3A_938, %get3A_939] {strides = array<i32>} : memref<2x128x128xf32, #tpu.memory_space<vmem>>, vector<1x1x16xf32>,
        %get3A_941 = vector.shape_cast %get3A_940 : vector<1x1x16xf32> to vector<16xf32>
        %add3A_942 = arith.addf %add3A_870, %get3A_941 : vector<16xf32>
        %add3A_943 = arith.constant 1 : i32
        %add3A_944 = arith.addi %add3A_853, %add3A_943 : i32
        %get3A_945 = arith.constant 1 : i32
        %get3A_946 = arith.index_cast %get3A_945 : i32 to index
        %get3A_947 = arith.index_cast %add3A_944 : i32 to index
        %get3A_948 = arith.constant 32 : index
        %get3A_949 = tpu.vector_load %arg6[%get3A_946, %get3A_947, %get3A_948] {strides = array<i32>} : memref<2x128x128xf32, #tpu.memory_space<vmem>>, vector<1x1x16xf32>,
        %get3A_950 = vector.shape_cast %get3A_949 : vector<1x1x16xf32> to vector<16xf32>
        %add3A_951 = arith.addf %add3A_879, %get3A_950 : vector<16xf32>
        %add3A_952 = arith.constant 1 : i32
        %add3A_953 = arith.addi %add3A_853, %add3A_952 : i32
        %get3A_954 = arith.constant 1 : i32
        %get3A_955 = arith.index_cast %get3A_954 : i32 to index
        %get3A_956 = arith.index_cast %add3A_953 : i32 to index
        %get3A_957 = arith.constant 48 : index
        %get3A_958 = tpu.vector_load %arg6[%get3A_955, %get3A_956, %get3A_957] {strides = array<i32>} : memref<2x128x128xf32, #tpu.memory_space<vmem>>, vector<1x1x16xf32>,
        %get3A_959 = vector.shape_cast %get3A_958 : vector<1x1x16xf32> to vector<16xf32>
        %add3A_960 = arith.addf %add3A_888, %get3A_959 : vector<16xf32>
        %add3A_961 = arith.constant 1 : i32
        %add3A_962 = arith.addi %add3A_853, %add3A_961 : i32
        %get3A_963 = arith.constant 1 : i32
        %get3A_964 = arith.index_cast %get3A_963 : i32 to index
        %get3A_965 = arith.index_cast %add3A_962 : i32 to index
        %get3A_966 = arith.constant 64 : index
        %get3A_967 = tpu.vector_load %arg6[%get3A_964, %get3A_965, %get3A_966] {strides = array<i32>} : memref<2x128x128xf32, #tpu.memory_space<vmem>>, vector<1x1x16xf32>,
        %get3A_968 = vector.shape_cast %get3A_967 : vector<1x1x16xf32> to vector<16xf32>
        %add3A_969 = arith.addf %add3A_897, %get3A_968 : vector<16xf32>
        %add3A_970 = arith.constant 1 : i32
        %add3A_971 = arith.addi %add3A_853, %add3A_970 : i32
        %get3A_972 = arith.constant 1 : i32
        %get3A_973 = arith.index_cast %get3A_972 : i32 to index
        %get3A_974 = arith.index_cast %add3A_971 : i32 to index
        %get3A_975 = arith.constant 80 : index
        %get3A_976 = tpu.vector_load %arg6[%get3A_973, %get3A_974, %get3A_975] {strides = array<i32>} : memref<2x128x128xf32, #tpu.memory_space<vmem>>, vector<1x1x16xf32>,
        %get3A_977 = vector.shape_cast %get3A_976 : vector<1x1x16xf32> to vector<16xf32>
        %add3A_978 = arith.addf %add3A_906, %get3A_977 : vector<16xf32>
        %add3A_979 = arith.constant 1 : i32
        %add3A_980 = arith.addi %add3A_853, %add3A_979 : i32
        %get3A_981 = arith.constant 1 : i32
        %get3A_982 = arith.index_cast %get3A_981 : i32 to index
        %get3A_983 = arith.index_cast %add3A_980 : i32 to index
        %get3A_984 = arith.constant 96 : index
        %get3A_985 = tpu.vector_load %arg6[%get3A_982, %get3A_983, %get3A_984] {strides = array<i32>} : memref<2x128x128xf32, #tpu.memory_space<vmem>>, vector<1x1x16xf32>,
        %get3A_986 = vector.shape_cast %get3A_985 : vector<1x1x16xf32> to vector<16xf32>
        %add3A_987 = arith.addf %add3A_915, %get3A_986 : vector<16xf32>
        %add3A_988 = arith.constant 1 : i32
        %add3A_989 = arith.addi %add3A_853, %add3A_988 : i32
        %get3A_990 = arith.constant 1 : i32
        %get3A_991 = arith.index_cast %get3A_990 : i32 to index
        %get3A_992 = arith.index_cast %add3A_989 : i32 to index
        %get3A_993 = arith.constant 112 : index
        %get3A_994 = tpu.vector_load %arg6[%get3A_991, %get3A_992, %get3A_993] {strides = array<i32>} : memref<2x128x128xf32, #tpu.memory_space<vmem>>, vector<1x1x16xf32>,
        %get3A_995 = vector.shape_cast %get3A_994 : vector<1x1x16xf32> to vector<16xf32>
        %add3A_996 = arith.addf %add3A_924, %get3A_995 : vector<16xf32>
        %add3A_997 = arith.constant 2 : i32
        %add3A_998 = arith.addi %add3A_853, %add3A_997 : i32
        %get3A_999 = arith.constant 1 : i32
        %get3A_1000 = arith.index_cast %get3A_999 : i32 to index
        %get3A_1001 = arith.index_cast %add3A_998 : i32 to index
        %get3A_1002 = arith.constant 0 : index
        %get3A_1003 = tpu.vector_load %arg6[%get3A_1000, %get3A_1001, %get3A_1002] {strides = array<i32>} : memref<2x128x128xf32, #tpu.memory_space<vmem>>, vector<1x1x16xf32>,
        %get3A_1004 = vector.shape_cast %get3A_1003 : vector<1x1x16xf32> to vector<16xf32>
        %add3A_1005 = arith.addf %add3A_933, %get3A_1004 : vector<16xf32>
        %add3A_1006 = arith.constant 2 : i32
        %add3A_1007 = arith.addi %add3A_853, %add3A_1006 : i32
        %get3A_1008 = arith.constant 1 : i32
        %get3A_1009 = arith.index_cast %get3A_1008 : i32 to index
        %get3A_1010 = arith.index_cast %add3A_1007 : i32 to index
        %get3A_1011 = arith.constant 16 : index
        %get3A_1012 = tpu.vector_load %arg6[%get3A_1009, %get3A_1010, %get3A_1011] {strides = array<i32>} : memref<2x128x128xf32, #tpu.memory_space<vmem>>, vector<1x1x16xf32>,
        %get3A_1013 = vector.shape_cast %get3A_1012 : vector<1x1x16xf32> to vector<16xf32>
        %add3A_1014 = arith.addf %add3A_942, %get3A_1013 : vector<16xf32>
        %add3A_1015 = arith.constant 2 : i32
        %add3A_1016 = arith.addi %add3A_853, %add3A_1015 : i32
        %get3A_1017 = arith.constant 1 : i32
        %get3A_1018 = arith.index_cast %get3A_1017 : i32 to index
        %get3A_1019 = arith.index_cast %add3A_1016 : i32 to index
        %get3A_1020 = arith.constant 32 : index
        %get3A_1021 = tpu.vector_load %arg6[%get3A_1018, %get3A_1019, %get3A_1020] {strides = array<i32>} : memref<2x128x128xf32, #tpu.memory_space<vmem>>, vector<1x1x16xf32>,
        %get3A_1022 = vector.shape_cast %get3A_1021 : vector<1x1x16xf32> to vector<16xf32>
        %add3A_1023 = arith.addf %add3A_951, %get3A_1022 : vector<16xf32>
        %add3A_1024 = arith.constant 2 : i32
        %add3A_1025 = arith.addi %add3A_853, %add3A_1024 : i32
        %get3A_1026 = arith.constant 1 : i32
        %get3A_1027 = arith.index_cast %get3A_1026 : i32 to index
        %get3A_1028 = arith.index_cast %add3A_1025 : i32 to index
        %get3A_1029 = arith.constant 48 : index
        %get3A_1030 = tpu.vector_load %arg6[%get3A_1027, %get3A_1028, %get3A_1029] {strides = array<i32>} : memref<2x128x128xf32, #tpu.memory_space<vmem>>, vector<1x1x16xf32>,
        %get3A_1031 = vector.shape_cast %get3A_1030 : vector<1x1x16xf32> to vector<16xf32>
        %add3A_1032 = arith.addf %add3A_960, %get3A_1031 : vector<16xf32>
        %add3A_1033 = arith.constant 2 : i32
        %add3A_1034 = arith.addi %add3A_853, %add3A_1033 : i32
        %get3A_1035 = arith.constant 1 : i32
        %get3A_1036 = arith.index_cast %get3A_1035 : i32 to index
        %get3A_1037 = arith.index_cast %add3A_1034 : i32 to index
        %get3A_1038 = arith.constant 64 : index
        %get3A_1039 = tpu.vector_load %arg6[%get3A_1036, %get3A_1037, %get3A_1038] {strides = array<i32>} : memref<2x128x128xf32, #tpu.memory_space<vmem>>, vector<1x1x16xf32>,
        %get3A_1040 = vector.shape_cast %get3A_1039 : vector<1x1x16xf32> to vector<16xf32>
        %add3A_1041 = arith.addf %add3A_969, %get3A_1040 : vector<16xf32>
        %add3A_1042 = arith.constant 2 : i32
        %add3A_1043 = arith.addi %add3A_853, %add3A_1042 : i32
        %get3A_1044 = arith.constant 1 : i32
        %get3A_1045 = arith.index_cast %get3A_1044 : i32 to index
        %get3A_1046 = arith.index_cast %add3A_1043 : i32 to index
        %get3A_1047 = arith.constant 80 : index
        %get3A_1048 = tpu.vector_load %arg6[%get3A_1045, %get3A_1046, %get3A_1047] {strides = array<i32>} : memref<2x128x128xf32, #tpu.memory_space<vmem>>, vector<1x1x16xf32>,
        %get3A_1049 = vector.shape_cast %get3A_1048 : vector<1x1x16xf32> to vector<16xf32>
        %add3A_1050 = arith.addf %add3A_978, %get3A_1049 : vector<16xf32>
        %add3A_1051 = arith.constant 2 : i32
        %add3A_1052 = arith.addi %add3A_853, %add3A_1051 : i32
        %get3A_1053 = arith.constant 1 : i32
        %get3A_1054 = arith.index_cast %get3A_1053 : i32 to index
        %get3A_1055 = arith.index_cast %add3A_1052 : i32 to index
        %get3A_1056 = arith.constant 96 : index
        %get3A_1057 = tpu.vector_load %arg6[%get3A_1054, %get3A_1055, %get3A_1056] {strides = array<i32>} : memref<2x128x128xf32, #tpu.memory_space<vmem>>, vector<1x1x16xf32>,
        %get3A_1058 = vector.shape_cast %get3A_1057 : vector<1x1x16xf32> to vector<16xf32>
        %add3A_1059 = arith.addf %add3A_987, %get3A_1058 : vector<16xf32>
        %add3A_1060 = arith.constant 2 : i32
        %add3A_1061 = arith.addi %add3A_853, %add3A_1060 : i32
        %get3A_1062 = arith.constant 1 : i32
        %get3A_1063 = arith.index_cast %get3A_1062 : i32 to index
        %get3A_1064 = arith.index_cast %add3A_1061 : i32 to index
        %get3A_1065 = arith.constant 112 : index
        %get3A_1066 = tpu.vector_load %arg6[%get3A_1063, %get3A_1064, %get3A_1065] {strides = array<i32>} : memref<2x128x128xf32, #tpu.memory_space<vmem>>, vector<1x1x16xf32>,
        %get3A_1067 = vector.shape_cast %get3A_1066 : vector<1x1x16xf32> to vector<16xf32>
        %add3A_1068 = arith.addf %add3A_996, %get3A_1067 : vector<16xf32>
        %add3A_1069 = arith.constant 3 : i32
        %add3A_1070 = arith.addi %add3A_853, %add3A_1069 : i32
        %get3A_1071 = arith.constant 1 : i32
        %get3A_1072 = arith.index_cast %get3A_1071 : i32 to index
        %get3A_1073 = arith.index_cast %add3A_1070 : i32 to index
        %get3A_1074 = arith.constant 0 : index
        %get3A_1075 = tpu.vector_load %arg6[%get3A_1072, %get3A_1073, %get3A_1074] {strides = array<i32>} : memref<2x128x128xf32, #tpu.memory_space<vmem>>, vector<1x1x16xf32>,
        %get3A_1076 = vector.shape_cast %get3A_1075 : vector<1x1x16xf32> to vector<16xf32>
        %add3A_1077 = arith.addf %add3A_1005, %get3A_1076 : vector<16xf32>
        %add3A_1078 = arith.constant 3 : i32
        %add3A_1079 = arith.addi %add3A_853, %add3A_1078 : i32
        %get3A_1080 = arith.constant 1 : i32
        %get3A_1081 = arith.index_cast %get3A_1080 : i32 to index
        %get3A_1082 = arith.index_cast %add3A_1079 : i32 to index
        %get3A_1083 = arith.constant 16 : index
        %get3A_1084 = tpu.vector_load %arg6[%get3A_1081, %get3A_1082, %get3A_1083] {strides = array<i32>} : memref<2x128x128xf32, #tpu.memory_space<vmem>>, vector<1x1x16xf32>,
        %get3A_1085 = vector.shape_cast %get3A_1084 : vector<1x1x16xf32> to vector<16xf32>
        %add3A_1086 = arith.addf %add3A_1014, %get3A_1085 : vector<16xf32>
        %add3A_1087 = arith.constant 3 : i32
        %add3A_1088 = arith.addi %add3A_853, %add3A_1087 : i32
        %get3A_1089 = arith.constant 1 : i32
        %get3A_1090 = arith.index_cast %get3A_1089 : i32 to index
        %get3A_1091 = arith.index_cast %add3A_1088 : i32 to index
        %get3A_1092 = arith.constant 32 : index
        %get3A_1093 = tpu.vector_load %arg6[%get3A_1090, %get3A_1091, %get3A_1092] {strides = array<i32>} : memref<2x128x128xf32, #tpu.memory_space<vmem>>, vector<1x1x16xf32>,
        %get3A_1094 = vector.shape_cast %get3A_1093 : vector<1x1x16xf32> to vector<16xf32>
        %add3A_1095 = arith.addf %add3A_1023, %get3A_1094 : vector<16xf32>
        %add3A_1096 = arith.constant 3 : i32
        %add3A_1097 = arith.addi %add3A_853, %add3A_1096 : i32
        %get3A_1098 = arith.constant 1 : i32
        %get3A_1099 = arith.index_cast %get3A_1098 : i32 to index
        %get3A_1100 = arith.index_cast %add3A_1097 : i32 to index
        %get3A_1101 = arith.constant 48 : index
        %get3A_1102 = tpu.vector_load %arg6[%get3A_1099, %get3A_1100, %get3A_1101] {strides = array<i32>} : memref<2x128x128xf32, #tpu.memory_space<vmem>>, vector<1x1x16xf32>,
        %get3A_1103 = vector.shape_cast %get3A_1102 : vector<1x1x16xf32> to vector<16xf32>
        %add3A_1104 = arith.addf %add3A_1032, %get3A_1103 : vector<16xf32>
        %add3A_1105 = arith.constant 3 : i32
        %add3A_1106 = arith.addi %add3A_853, %add3A_1105 : i32
        %get3A_1107 = arith.constant 1 : i32
        %get3A_1108 = arith.index_cast %get3A_1107 : i32 to index
        %get3A_1109 = arith.index_cast %add3A_1106 : i32 to index
        %get3A_1110 = arith.constant 64 : index
        %get3A_1111 = tpu.vector_load %arg6[%get3A_1108, %get3A_1109, %get3A_1110] {strides = array<i32>} : memref<2x128x128xf32, #tpu.memory_space<vmem>>, vector<1x1x16xf32>,
        %get3A_1112 = vector.shape_cast %get3A_1111 : vector<1x1x16xf32> to vector<16xf32>
        %add3A_1113 = arith.addf %add3A_1041, %get3A_1112 : vector<16xf32>
        %add3A_1114 = arith.constant 3 : i32
        %add3A_1115 = arith.addi %add3A_853, %add3A_1114 : i32
        %get3A_1116 = arith.constant 1 : i32
        %get3A_1117 = arith.index_cast %get3A_1116 : i32 to index
        %get3A_1118 = arith.index_cast %add3A_1115 : i32 to index
        %get3A_1119 = arith.constant 80 : index
        %get3A_1120 = tpu.vector_load %arg6[%get3A_1117, %get3A_1118, %get3A_1119] {strides = array<i32>} : memref<2x128x128xf32, #tpu.memory_space<vmem>>, vector<1x1x16xf32>,
        %get3A_1121 = vector.shape_cast %get3A_1120 : vector<1x1x16xf32> to vector<16xf32>
        %add3A_1122 = arith.addf %add3A_1050, %get3A_1121 : vector<16xf32>
        %add3A_1123 = arith.constant 3 : i32
        %add3A_1124 = arith.addi %add3A_853, %add3A_1123 : i32
        %get3A_1125 = arith.constant 1 : i32
        %get3A_1126 = arith.index_cast %get3A_1125 : i32 to index
        %get3A_1127 = arith.index_cast %add3A_1124 : i32 to index
        %get3A_1128 = arith.constant 96 : index
        %get3A_1129 = tpu.vector_load %arg6[%get3A_1126, %get3A_1127, %get3A_1128] {strides = array<i32>} : memref<2x128x128xf32, #tpu.memory_space<vmem>>, vector<1x1x16xf32>,
        %get3A_1130 = vector.shape_cast %get3A_1129 : vector<1x1x16xf32> to vector<16xf32>
        %add3A_1131 = arith.addf %add3A_1059, %get3A_1130 : vector<16xf32>
        %add3A_1132 = arith.constant 3 : i32
        %add3A_1133 = arith.addi %add3A_853, %add3A_1132 : i32
        %get3A_1134 = arith.constant 1 : i32
        %get3A_1135 = arith.index_cast %get3A_1134 : i32 to index
        %get3A_1136 = arith.index_cast %add3A_1133 : i32 to index
        %get3A_1137 = arith.constant 112 : index
        %get3A_1138 = tpu.vector_load %arg6[%get3A_1135, %get3A_1136, %get3A_1137] {strides = array<i32>} : memref<2x128x128xf32, #tpu.memory_space<vmem>>, vector<1x1x16xf32>,
        %get3A_1139 = vector.shape_cast %get3A_1138 : vector<1x1x16xf32> to vector<16xf32>
        %add3A_1140 = arith.addf %add3A_1068, %get3A_1139 : vector<16xf32>
        scf.yield %add3A_1077, %add3A_1086, %add3A_1095, %add3A_1104, %add3A_1113, %add3A_1122, %add3A_1131, %add3A_1140 : vector<16xf32>, vector<16xf32>, vector<16xf32>, vector<16xf32>, vector<16xf32>, vector<16xf32>, vector<16xf32>, vector<16xf32>
      }
      %scan3A_752 = arith.constant 8 : i32
      %swap3A_753 = arith.constant 1 : i32
      %swap3A_754 = arith.constant 3 : i32
      %swap3A_755 = arith.index_cast %swap3A_753 : i32 to index
      %swap3A_756 = arith.index_cast %swap3A_754 : i32 to index
      %swap3A_757 = arith.constant 0 : index
      %swap3A_758 = tpu.vector_load %arg7[%swap3A_755, %swap3A_756, %swap3A_757] {strides = array<i32>} : memref<2x4x128xf32, #tpu.memory_space<vmem>>, vector<1x1x16xf32>,
      %swap3A_759 = vector.shape_cast %swap3A_758 : vector<1x1x16xf32> to vector<16xf32>
      %swap3A_760 = vector.shape_cast %scan3A_751#0 : vector<16xf32> to vector<1x1x16xf32>
      tpu.vector_store %arg7[%swap3A_755, %swap3A_756, %swap3A_757], %swap3A_760 {strides = array<i32>} : memref<2x4x128xf32, #tpu.memory_space<vmem>>, vector<1x1x16xf32>,
      %swap3A_761 = arith.constant 1 : i32
      %swap3A_762 = arith.constant 3 : i32
      %swap3A_763 = arith.index_cast %swap3A_761 : i32 to index
      %swap3A_764 = arith.index_cast %swap3A_762 : i32 to index
      %swap3A_765 = arith.constant 16 : index
      %swap3A_766 = tpu.vector_load %arg7[%swap3A_763, %swap3A_764, %swap3A_765] {strides = array<i32>} : memref<2x4x128xf32, #tpu.memory_space<vmem>>, vector<1x1x16xf32>,
      %swap3A_767 = vector.shape_cast %swap3A_766 : vector<1x1x16xf32> to vector<16xf32>
      %swap3A_768 = vector.shape_cast %scan3A_751#1 : vector<16xf32> to vector<1x1x16xf32>
      tpu.vector_store %arg7[%swap3A_763, %swap3A_764, %swap3A_765], %swap3A_768 {strides = array<i32>} : memref<2x4x128xf32, #tpu.memory_space<vmem>>, vector<1x1x16xf32>,
      %swap3A_769 = arith.constant 1 : i32
      %swap3A_770 = arith.constant 3 : i32
      %swap3A_771 = arith.index_cast %swap3A_769 : i32 to index
      %swap3A_772 = arith.index_cast %swap3A_770 : i32 to index
      %swap3A_773 = arith.constant 32 : index
      %swap3A_774 = tpu.vector_load %arg7[%swap3A_771, %swap3A_772, %swap3A_773] {strides = array<i32>} : memref<2x4x128xf32, #tpu.memory_space<vmem>>, vector<1x1x16xf32>,
      %swap3A_775 = vector.shape_cast %swap3A_774 : vector<1x1x16xf32> to vector<16xf32>
      %swap3A_776 = vector.shape_cast %scan3A_751#2 : vector<16xf32> to vector<1x1x16xf32>
      tpu.vector_store %arg7[%swap3A_771, %swap3A_772, %swap3A_773], %swap3A_776 {strides = array<i32>} : memref<2x4x128xf32, #tpu.memory_space<vmem>>, vector<1x1x16xf32>,
      %swap3A_777 = arith.constant 1 : i32
      %swap3A_778 = arith.constant 3 : i32
      %swap3A_779 = arith.index_cast %swap3A_777 : i32 to index
      %swap3A_780 = arith.index_cast %swap3A_778 : i32 to index
      %swap3A_781 = arith.constant 48 : index
      %swap3A_782 = tpu.vector_load %arg7[%swap3A_779, %swap3A_780, %swap3A_781] {strides = array<i32>} : memref<2x4x128xf32, #tpu.memory_space<vmem>>, vector<1x1x16xf32>,
      %swap3A_783 = vector.shape_cast %swap3A_782 : vector<1x1x16xf32> to vector<16xf32>
      %swap3A_784 = vector.shape_cast %scan3A_751#3 : vector<16xf32> to vector<1x1x16xf32>
      tpu.vector_store %arg7[%swap3A_779, %swap3A_780, %swap3A_781], %swap3A_784 {strides = array<i32>} : memref<2x4x128xf32, #tpu.memory_space<vmem>>, vector<1x1x16xf32>,
      %swap3A_785 = arith.constant 1 : i32
      %swap3A_786 = arith.constant 3 : i32
      %swap3A_787 = arith.index_cast %swap3A_785 : i32 to index
      %swap3A_788 = arith.index_cast %swap3A_786 : i32 to index
      %swap3A_789 = arith.constant 64 : index
      %swap3A_790 = tpu.vector_load %arg7[%swap3A_787, %swap3A_788, %swap3A_789] {strides = array<i32>} : memref<2x4x128xf32, #tpu.memory_space<vmem>>, vector<1x1x16xf32>,
      %swap3A_791 = vector.shape_cast %swap3A_790 : vector<1x1x16xf32> to vector<16xf32>
      %swap3A_792 = vector.shape_cast %scan3A_751#4 : vector<16xf32> to vector<1x1x16xf32>
      tpu.vector_store %arg7[%swap3A_787, %swap3A_788, %swap3A_789], %swap3A_792 {strides = array<i32>} : memref<2x4x128xf32, #tpu.memory_space<vmem>>, vector<1x1x16xf32>,
      %swap3A_793 = arith.constant 1 : i32
      %swap3A_794 = arith.constant 3 : i32
      %swap3A_795 = arith.index_cast %swap3A_793 : i32 to index
      %swap3A_796 = arith.index_cast %swap3A_794 : i32 to index
      %swap3A_797 = arith.constant 80 : index
      %swap3A_798 = tpu.vector_load %arg7[%swap3A_795, %swap3A_796, %swap3A_797] {strides = array<i32>} : memref<2x4x128xf32, #tpu.memory_space<vmem>>, vector<1x1x16xf32>,
      %swap3A_799 = vector.shape_cast %swap3A_798 : vector<1x1x16xf32> to vector<16xf32>
      %swap3A_800 = vector.shape_cast %scan3A_751#5 : vector<16xf32> to vector<1x1x16xf32>
      tpu.vector_store %arg7[%swap3A_795, %swap3A_796, %swap3A_797], %swap3A_800 {strides = array<i32>} : memref<2x4x128xf32, #tpu.memory_space<vmem>>, vector<1x1x16xf32>,
      %swap3A_801 = arith.constant 1 : i32
      %swap3A_802 = arith.constant 3 : i32
      %swap3A_803 = arith.index_cast %swap3A_801 : i32 to index
      %swap3A_804 = arith.index_cast %swap3A_802 : i32 to index
      %swap3A_805 = arith.constant 96 : index
      %swap3A_806 = tpu.vector_load %arg7[%swap3A_803, %swap3A_804, %swap3A_805] {strides = array<i32>} : memref<2x4x128xf32, #tpu.memory_space<vmem>>, vector<1x1x16xf32>,
      %swap3A_807 = vector.shape_cast %swap3A_806 : vector<1x1x16xf32> to vector<16xf32>
      %swap3A_808 = vector.shape_cast %scan3A_751#6 : vector<16xf32> to vector<1x1x16xf32>
      tpu.vector_store %arg7[%swap3A_803, %swap3A_804, %swap3A_805], %swap3A_808 {strides = array<i32>} : memref<2x4x128xf32, #tpu.memory_space<vmem>>, vector<1x1x16xf32>,
      %swap3A_809 = arith.constant 1 : i32
      %swap3A_810 = arith.constant 3 : i32
      %swap3A_811 = arith.index_cast %swap3A_809 : i32 to index
      %swap3A_812 = arith.index_cast %swap3A_810 : i32 to index
      %swap3A_813 = arith.constant 112 : index
      %swap3A_814 = tpu.vector_load %arg7[%swap3A_811, %swap3A_812, %swap3A_813] {strides = array<i32>} : memref<2x4x128xf32, #tpu.memory_space<vmem>>, vector<1x1x16xf32>,
      %swap3A_815 = vector.shape_cast %swap3A_814 : vector<1x1x16xf32> to vector<16xf32>
      %swap3A_816 = vector.shape_cast %scan3A_751#7 : vector<16xf32> to vector<1x1x16xf32>
      tpu.vector_store %arg7[%swap3A_811, %swap3A_812, %swap3A_813], %swap3A_816 {strides = array<i32>} : memref<2x4x128xf32, #tpu.memory_space<vmem>>, vector<1x1x16xf32>,
      %mul3A_817 = arith.constant 4 : i32
      %mul3A_818 = arith.muli %add3A_456, %mul3A_817 : i32
      %add3A_819 = arith.addi %mul3A_36, %mul3A_818 : i32
      %dma_start3A_820 = arith.constant 1 : i32
      %dma_start3A_821 = arith.constant 0 : i32
      %dma_start3A_822 = arith.constant 0 : i32
      %dma_start3A_823 = tpu.memref_slice %arg7[%dma_start3A_820, %dma_start3A_821, %dma_start3A_822] : memref<2x4x128xf32, #tpu.memory_space<vmem>> -> memref<1x4x128xf32, #tpu.memory_space<vmem>>
      %dma_start3A_824 = tpu.memref_squeeze %dma_start3A_823 : memref<1x4x128xf32, #tpu.memory_space<vmem>> -> memref<4x128xf32, #tpu.memory_space<vmem>>
      %dma_start3A_825 = arith.constant 0 : i32
      %dma_start3A_826 = tpu.memref_slice %arg4[%add3A_819, %dma_start3A_825] : memref<10240x128xf32, #tpu.memory_space<hbm>> -> memref<4x128xf32, #tpu.memory_space<hbm>>
      %dma_start3A_827 = arith.constant 0 : i32
      %dma_start3A_828 = tpu.memref_slice %arg4[%add3A_819, %dma_start3A_827] : memref<10240x128xf32, #tpu.memory_space<hbm>> -> memref<4x128xf32, #tpu.memory_space<hbm>>
      %dma_start3A_829 = arith.constant 0 : i32
      %dma_start3A_830 = arith.constant 0 : i32
      %dma_start3A_831 = tpu.memref_slice %arg7[%dma_start3A_820, %dma_start3A_829, %dma_start3A_830] : memref<2x4x128xf32, #tpu.memory_space<vmem>> -> memref<1x4x128xf32, #tpu.memory_space<vmem>>
      %dma_start3A_832 = tpu.memref_squeeze %dma_start3A_831 : memref<1x4x128xf32, #tpu.memory_space<vmem>> -> memref<4x128xf32, #tpu.memory_space<vmem>>
      tpu.enqueue_dma source(%dma_start3A_832 : memref<4x128xf32, #tpu.memory_space<vmem>>) target(%dma_start3A_828 : memref<4x128xf32, #tpu.memory_space<hbm>>) target_semaphore(%arg13 : memref<!tpu.dma_semaphore, #tpu.memory_space<semaphore_mem>>)
      %add3A_833 = arith.constant 2 : i32
      %add3A_834 = arith.addi %add3A_456, %add3A_833 : i32
      %lt3A_835 = arith.constant 80 : i32
      %lt3A_836 = arith.cmpi slt, %add3A_834, %lt3A_835 : i32
      %convert_element_type3A_837 = arith.extui %lt3A_836 : i1 to i32
      %cond3A_838 = arith.constant 0 : i32
      %cond3A_839 = arith.cmpi ne, %convert_element_type3A_837, %cond3A_838 : i32
      scf.if %cond3A_839 {
        %dma_start3A_841 = arith.constant 1 : i32
        %dma_start3A_842 = arith.constant 0 : i32
        %dma_start3A_843 = arith.constant 0 : i32
        %dma_start3A_844 = tpu.memref_slice %arg6[%dma_start3A_841, %dma_start3A_842, %dma_start3A_843] : memref<2x128x128xf32, #tpu.memory_space<vmem>> -> memref<1x128x128xf32, #tpu.memory_space<vmem>>
        %dma_start3A_845 = tpu.memref_squeeze %dma_start3A_844 : memref<1x128x128xf32, #tpu.memory_space<vmem>> -> memref<128x128xf32, #tpu.memory_space<vmem>>
        %dma_start3A_846 = arith.constant 0 : i32
        %dma_start3A_847 = tpu.memref_slice %arg5[%add3A_834, %dma_start3A_846] : memref<80x128xi32, #tpu.memory_space<vmem>> -> memref<1x128xi32, #tpu.memory_space<vmem>>
        %dma_start3A_848 = tpu.memref_squeeze %dma_start3A_847 : memref<1x128xi32, #tpu.memory_space<vmem>> -> memref<128xi32, #tpu.memory_space<vmem>>
        %dma_start3A_849 = arith.constant 0 : i32
        %dma_start3A_850 = arith.constant 0 : i32
        %dma_start3A_851 = tpu.memref_slice %arg9[%dma_start3A_849, %dma_start3A_850] : memref<10240x128xf32, #tpu.memory_space<vmem_shared>> -> memref<10240x128xf32, #tpu.memory_space<vmem_shared>>
        tpu.enqueue_indirect_dma source(%dma_start3A_851 : memref<10240x128xf32, #tpu.memory_space<vmem_shared>>) target(%dma_start3A_845 : memref<128x128xf32, #tpu.memory_space<vmem>>) offsets(%dma_start3A_848 : memref<128xi32, #tpu.memory_space<vmem>>) semaphore(%arg11 : memref<!tpu.dma_semaphore, #tpu.memory_space<semaphore_mem>>)
      } else {
      }
      %scan3A_840 = arith.constant 0 : i32
      scf.yield %scan3A_840 : i32
    }
    %scan3A_42 = arith.constant 40 : i32
    %dma_wait3A = arith.constant 0 : i32
    %dma_wait3A_43 = arith.constant 0 : i32
    %dma_wait3A_44 = arith.constant 0 : i32
    %dma_wait3A_45 = tpu.memref_slice %arg7[%dma_wait3A, %dma_wait3A_43, %dma_wait3A_44] : memref<2x4x128xf32, #tpu.memory_space<vmem>> -> memref<1x4x128xf32, #tpu.memory_space<vmem>>
    %dma_wait3A_46 = tpu.memref_squeeze %dma_wait3A_45 : memref<1x4x128xf32, #tpu.memory_space<vmem>> -> memref<4x128xf32, #tpu.memory_space<vmem>>
    %dma_wait3A_47 = arith.constant 0 : i32
    %dma_wait3A_48 = tpu.memref_slice %arg4[%mul3A_36, %dma_wait3A_47] : memref<10240x128xf32, #tpu.memory_space<hbm>> -> memref<4x128xf32, #tpu.memory_space<hbm>>
    %dma_wait3A_49 = arith.constant 0 : i32
    %dma_wait3A_50 = tpu.memref_slice %arg4[%mul3A_36, %dma_wait3A_49] : memref<10240x128xf32, #tpu.memory_space<hbm>> -> memref<4x128xf32, #tpu.memory_space<hbm>>
    %dma_wait3A_51 = arith.constant 0 : i32
    %dma_wait3A_52 = arith.constant 0 : i32
    %dma_wait3A_53 = tpu.memref_slice %arg7[%dma_wait3A, %dma_wait3A_51, %dma_wait3A_52] : memref<2x4x128xf32, #tpu.memory_space<vmem>> -> memref<1x4x128xf32, #tpu.memory_space<vmem>>
    %dma_wait3A_54 = tpu.memref_squeeze %dma_wait3A_53 : memref<1x4x128xf32, #tpu.memory_space<vmem>> -> memref<4x128xf32, #tpu.memory_space<vmem>>
    tpu.wait_dma2 semaphore(%arg12 : memref<!tpu.dma_semaphore, #tpu.memory_space<semaphore_mem>>) src(%dma_wait3A_54 : memref<4x128xf32, #tpu.memory_space<vmem>>) dst(%dma_wait3A_50 : memref<4x128xf32, #tpu.memory_space<hbm>>)
    %dma_wait3A_55 = arith.constant 1 : i32
    %dma_wait3A_56 = arith.constant 0 : i32
    %dma_wait3A_57 = arith.constant 0 : i32
    %dma_wait3A_58 = tpu.memref_slice %arg7[%dma_wait3A_55, %dma_wait3A_56, %dma_wait3A_57] : memref<2x4x128xf32, #tpu.memory_space<vmem>> -> memref<1x4x128xf32, #tpu.memory_space<vmem>>
    %dma_wait3A_59 = tpu.memref_squeeze %dma_wait3A_58 : memref<1x4x128xf32, #tpu.memory_space<vmem>> -> memref<4x128xf32, #tpu.memory_space<vmem>>
    %dma_wait3A_60 = arith.constant 0 : i32
    %dma_wait3A_61 = tpu.memref_slice %arg4[%mul3A_36, %dma_wait3A_60] : memref<10240x128xf32, #tpu.memory_space<hbm>> -> memref<4x128xf32, #tpu.memory_space<hbm>>
    %dma_wait3A_62 = arith.constant 0 : i32
    %dma_wait3A_63 = tpu.memref_slice %arg4[%mul3A_36, %dma_wait3A_62] : memref<10240x128xf32, #tpu.memory_space<hbm>> -> memref<4x128xf32, #tpu.memory_space<hbm>>
    %dma_wait3A_64 = arith.constant 0 : i32
    %dma_wait3A_65 = arith.constant 0 : i32
    %dma_wait3A_66 = tpu.memref_slice %arg7[%dma_wait3A_55, %dma_wait3A_64, %dma_wait3A_65] : memref<2x4x128xf32, #tpu.memory_space<vmem>> -> memref<1x4x128xf32, #tpu.memory_space<vmem>>
    %dma_wait3A_67 = tpu.memref_squeeze %dma_wait3A_66 : memref<1x4x128xf32, #tpu.memory_space<vmem>> -> memref<4x128xf32, #tpu.memory_space<vmem>>
    tpu.wait_dma2 semaphore(%arg13 : memref<!tpu.dma_semaphore, #tpu.memory_space<semaphore_mem>>) src(%dma_wait3A_67 : memref<4x128xf32, #tpu.memory_space<vmem>>) dst(%dma_wait3A_63 : memref<4x128xf32, #tpu.memory_space<hbm>>)
    return
  }
}

module attributes {stable_mosaic.version = 14 : i64} {
  func.func @_tc_gru_body(%arg0: i32, %arg1: memref<2000x128xf32, #tpu.memory_space<vmem>>, %arg2: memref<2000x128xf32, #tpu.memory_space<vmem>>, %arg3: memref<2000x128xf32, #tpu.memory_space<vmem>>, %arg4: memref<2000x32xi32, #tpu.memory_space<vmem>>, %arg5: memref<128x384xf32, #tpu.memory_space<vmem>>, %arg6: memref<128x384xf32, #tpu.memory_space<vmem>>, %arg7: memref<128x384xf32, #tpu.memory_space<vmem>>, %arg8: memref<2x384xf32, #tpu.memory_space<vmem>>, %arg9: memref<2000x128xf32, #tpu.memory_space<vmem>>, %arg10: memref<2000x128xf32, #tpu.memory_space<vmem>>) attributes {dimension_semantics = [#tpu.dimension_semantics<arbitrary>], iteration_bounds = array<i64: 5>, scalar_prefetch = 0 : i64, scratch_operands = 0 : i64, tpu.core_type = #tpu.core_type<tc>, window_params = [{transform_indices = @transform_0, window_bounds = array<i64: 2000, 128>}, {transform_indices = @transform_1, window_bounds = array<i64: 2000, 128>}, {transform_indices = @transform_2, window_bounds = array<i64: 2000, 128>}, {transform_indices = @transform_3, window_bounds = array<i64: 2000, 32>}, {pipeline_mode = #tpu.pipeline_mode<synchronous>, transform_indices = @transform_4, window_bounds = array<i64: 128, 384>}, {pipeline_mode = #tpu.pipeline_mode<synchronous>, transform_indices = @transform_5, window_bounds = array<i64: 128, 384>}, {pipeline_mode = #tpu.pipeline_mode<synchronous>, transform_indices = @transform_6, window_bounds = array<i64: 128, 384>}, {pipeline_mode = #tpu.pipeline_mode<synchronous>, transform_indices = @transform_7, window_bounds = array<i64: 2, 384>}, {transform_indices = @transform_8, window_bounds = array<i64: 2000, 128>}, {transform_indices = @transform_9, window_bounds = array<i64: 2000, 128>}]} {
    %get3A = arith.constant 0 : index
    %get3A_0 = arith.constant 0 : index
    %get3A_1 = vector.load %arg4[%get3A, %get3A_0] : memref<2000x32xi32, #tpu.memory_space<vmem>>, vector<2000x32xi32>
    %ge3A = arith.constant 0 : i32
    %ge3A_2 = vector.broadcast %ge3A : i32 to vector<2000x32xi32>
    %ge3A_3 = arith.cmpi sge, %get3A_1, %ge3A_2 : vector<2000x32xi32>
    %convert_element_type3A = arith.extui %ge3A_3 : vector<2000x32xi1> to vector<2000x32xi32>
    %convert_element_type3A_4 = arith.sitofp %convert_element_type3A : vector<2000x32xi32> to vector<2000x32xf32>
    %reduce_sum3A = arith.constant dense<0.000000e+00> : vector<2000xf32>
    %reduce_sum3A_5 = vector.multi_reduction <add>, %convert_element_type3A_4, %reduce_sum3A [1] : vector<2000x32xf32> to vector<2000xf32>
    %broadcast_in_dim3A = vector.shape_cast %reduce_sum3A_5 : vector<2000xf32> to vector<2000x1xf32>
    %get3A_6 = arith.constant 0 : index
    %get3A_7 = arith.constant 0 : index
    %get3A_8 = vector.load %arg3[%get3A_6, %get3A_7] : memref<2000x128xf32, #tpu.memory_space<vmem>>, vector<2000x128xf32>
    %add3A = arith.constant 9.99999974E-6 : f32
    %add3A_9 = vector.broadcast %add3A : f32 to vector<2000x1xf32>
    %add3A_10 = arith.addf %add3A_9, %broadcast_in_dim3A : vector<2000x1xf32>
    %div3A = vector.broadcast %add3A_10 : vector<2000x1xf32> to vector<2000x128xf32>
    %div3A_11 = arith.divf %get3A_8, %div3A : vector<2000x128xf32>
    %get3A_12 = arith.constant 0 : index
    %get3A_13 = arith.constant 0 : index
    %get3A_14 = vector.load %arg1[%get3A_12, %get3A_13] : memref<2000x128xf32, #tpu.memory_space<vmem>>, vector<2000x128xf32>
    %get3A_15 = arith.constant 0 : index
    %get3A_16 = arith.constant 0 : index
    %get3A_17 = vector.load %arg2[%get3A_15, %get3A_16] : memref<2000x128xf32, #tpu.memory_space<vmem>>, vector<2000x128xf32>
    %get3A_18 = arith.constant 0 : index
    %get3A_19 = arith.constant 0 : index
    %get3A_20 = vector.load %arg5[%get3A_18, %get3A_19] : memref<128x384xf32, #tpu.memory_space<vmem>>, vector<128x384xf32>
    %dot_general3A = arith.constant dense<0.000000e+00> : vector<2000x384xf32>
    %dot_general3A_21 = tpu.matmul %get3A_14, %get3A_20, %dot_general3A {dimension_numbers = #tpu.dot_dimension_numbers<[1], [0], [0], [1], [0, 0, 1, 1], [], []>, transpose_lhs_hint = false} : vector<2000x128xf32>, vector<128x384xf32>, vector<2000x384xf32> -> vector<2000x384xf32>
    %get3A_22 = arith.constant 0 : index
    %get3A_23 = arith.constant 0 : index
    %get3A_24 = vector.load %arg6[%get3A_22, %get3A_23] : memref<128x384xf32, #tpu.memory_space<vmem>>, vector<128x384xf32>
    %dot_general3A_25 = arith.constant dense<0.000000e+00> : vector<2000x384xf32>
    %dot_general3A_26 = tpu.matmul %div3A_11, %get3A_24, %dot_general3A_25 {dimension_numbers = #tpu.dot_dimension_numbers<[1], [0], [0], [1], [0, 0, 1, 1], [], []>, transpose_lhs_hint = false} : vector<2000x128xf32>, vector<128x384xf32>, vector<2000x384xf32> -> vector<2000x384xf32>
    %add3A_27 = arith.addf %dot_general3A_21, %dot_general3A_26 : vector<2000x384xf32>
    %get3A_28 = arith.constant 0 : index
    %get3A_29 = arith.constant 0 : index
    %get3A_30 = vector.load %arg8[%get3A_28, %get3A_29] : memref<2x384xf32, #tpu.memory_space<vmem>>, vector<1x384xf32>
    %add3A_31 = vector.broadcast %get3A_30 : vector<1x384xf32> to vector<2000x384xf32>
    %add3A_32 = arith.addf %add3A_27, %add3A_31 : vector<2000x384xf32>
    %get3A_33 = arith.constant 0 : index
    %get3A_34 = arith.constant 0 : index
    %get3A_35 = vector.load %arg7[%get3A_33, %get3A_34] : memref<128x384xf32, #tpu.memory_space<vmem>>, vector<128x384xf32>
    %dot_general3A_36 = arith.constant dense<0.000000e+00> : vector<2000x384xf32>
    %dot_general3A_37 = tpu.matmul %get3A_17, %get3A_35, %dot_general3A_36 {dimension_numbers = #tpu.dot_dimension_numbers<[1], [0], [0], [1], [0, 0, 1, 1], [], []>, transpose_lhs_hint = false} : vector<2000x128xf32>, vector<128x384xf32>, vector<2000x384xf32> -> vector<2000x384xf32>
    %get3A_38 = arith.constant 1 : index
    %get3A_39 = arith.constant 0 : index
    %get3A_40 = vector.load %arg8[%get3A_38, %get3A_39] : memref<2x384xf32, #tpu.memory_space<vmem>>, vector<1x384xf32>
    %add3A_41 = vector.broadcast %get3A_40 : vector<1x384xf32> to vector<2000x384xf32>
    %add3A_42 = arith.addf %dot_general3A_37, %add3A_41 : vector<2000x384xf32>
    %slice3A = vector.extract_strided_slice %add3A_32 {offsets = [0, 0], sizes = [2000, 128], strides = [1, 1]} : vector<2000x384xf32> to vector<2000x128xf32>
    %slice3A_43 = vector.extract_strided_slice %add3A_32 {offsets = [0, 128], sizes = [2000, 128], strides = [1, 1]} : vector<2000x384xf32> to vector<2000x128xf32>
    %slice3A_44 = vector.extract_strided_slice %add3A_32 {offsets = [0, 256], sizes = [2000, 128], strides = [1, 1]} : vector<2000x384xf32> to vector<2000x128xf32>
    %slice3A_45 = vector.extract_strided_slice %add3A_42 {offsets = [0, 0], sizes = [2000, 128], strides = [1, 1]} : vector<2000x384xf32> to vector<2000x128xf32>
    %slice3A_46 = vector.extract_strided_slice %add3A_42 {offsets = [0, 128], sizes = [2000, 128], strides = [1, 1]} : vector<2000x384xf32> to vector<2000x128xf32>
    %slice3A_47 = vector.extract_strided_slice %add3A_42 {offsets = [0, 256], sizes = [2000, 128], strides = [1, 1]} : vector<2000x384xf32> to vector<2000x128xf32>
    %add3A_48 = arith.addf %slice3A, %slice3A_45 : vector<2000x128xf32>
    %logistic3A = arith.negf %add3A_48 : vector<2000x128xf32>
    %logistic3A_49 = math.exp %logistic3A : vector<2000x128xf32>
    %logistic3A_50 = arith.constant 1.000000e+00 : f32
    %logistic3A_51 = vector.broadcast %logistic3A_50 : f32 to vector<2000x128xf32>
    %logistic3A_52 = arith.addf %logistic3A_51, %logistic3A_49 : vector<2000x128xf32>
    %logistic3A_53 = arith.divf %logistic3A_51, %logistic3A_52 : vector<2000x128xf32>
    %add3A_54 = arith.addf %slice3A_43, %slice3A_46 : vector<2000x128xf32>
    %logistic3A_55 = arith.negf %add3A_54 : vector<2000x128xf32>
    %logistic3A_56 = math.exp %logistic3A_55 : vector<2000x128xf32>
    %logistic3A_57 = arith.constant 1.000000e+00 : f32
    %logistic3A_58 = vector.broadcast %logistic3A_57 : f32 to vector<2000x128xf32>
    %logistic3A_59 = arith.addf %logistic3A_58, %logistic3A_56 : vector<2000x128xf32>
    %logistic3A_60 = arith.divf %logistic3A_58, %logistic3A_59 : vector<2000x128xf32>
    %mul3A = arith.mulf %logistic3A_60, %slice3A_47 : vector<2000x128xf32>
    %add3A_61 = arith.addf %slice3A_44, %mul3A : vector<2000x128xf32>
    %tanh3A = math.tanh %add3A_61 : vector<2000x128xf32>
    %mul3A_62 = arith.mulf %logistic3A_53, %get3A_17 : vector<2000x128xf32>
    %sub3A = arith.constant 1.000000e+00 : f32
    %sub3A_63 = vector.broadcast %sub3A : f32 to vector<2000x128xf32>
    %sub3A_64 = arith.subf %sub3A_63, %logistic3A_53 : vector<2000x128xf32>
    %mul3A_65 = arith.mulf %sub3A_64, %tanh3A : vector<2000x128xf32>
    %add3A_66 = arith.addf %mul3A_62, %mul3A_65 : vector<2000x128xf32>
    %swap3A = arith.constant 0 : index
    %swap3A_67 = arith.constant 0 : index
    %swap3A_68 = vector.load %arg9[%swap3A, %swap3A_67] : memref<2000x128xf32, #tpu.memory_space<vmem>>, vector<2000x128xf32>
    tpu.vector_store %arg9[%swap3A, %swap3A_67], %add3A_66 {strides = array<i32>} : memref<2000x128xf32, #tpu.memory_space<vmem>>, vector<2000x128xf32>,
    %swap3A_69 = arith.constant 0 : index
    %swap3A_70 = arith.constant 0 : index
    %swap3A_71 = vector.load %arg10[%swap3A_69, %swap3A_70] : memref<2000x128xf32, #tpu.memory_space<vmem>>, vector<2000x128xf32>
    tpu.vector_store %arg10[%swap3A_69, %swap3A_70], %add3A_66 {strides = array<i32>} : memref<2000x128xf32, #tpu.memory_space<vmem>>, vector<2000x128xf32>,
    return
  }
  func.func @transform_0(%arg0: i32) -> (i32, i32) {
    %c0_i32 = arith.constant 0 : i32
    %c0_i32_0 = arith.constant 0 : i32
    return %arg0, %c0_i32 : i32, i32
  }
  func.func @transform_1(%arg0: i32) -> (i32, i32) {
    %c0_i32 = arith.constant 0 : i32
    %c0_i32_0 = arith.constant 0 : i32
    return %arg0, %c0_i32 : i32, i32
  }
  func.func @transform_2(%arg0: i32) -> (i32, i32) {
    %c0_i32 = arith.constant 0 : i32
    %c0_i32_0 = arith.constant 0 : i32
    return %arg0, %c0_i32 : i32, i32
  }
  func.func @transform_3(%arg0: i32) -> (i32, i32) {
    %c0_i32 = arith.constant 0 : i32
    %c0_i32_0 = arith.constant 0 : i32
    return %arg0, %c0_i32 : i32, i32
  }
  func.func @transform_4(%arg0: i32) -> (i32, i32) {
    %c0_i32 = arith.constant 0 : i32
    %c0_i32_0 = arith.constant 0 : i32
    %c0_i32_1 = arith.constant 0 : i32
    return %c0_i32, %c0_i32_0 : i32, i32
  }
  func.func @transform_5(%arg0: i32) -> (i32, i32) {
    %c0_i32 = arith.constant 0 : i32
    %c0_i32_0 = arith.constant 0 : i32
    %c0_i32_1 = arith.constant 0 : i32
    return %c0_i32, %c0_i32_0 : i32, i32
  }
  func.func @transform_6(%arg0: i32) -> (i32, i32) {
    %c0_i32 = arith.constant 0 : i32
    %c0_i32_0 = arith.constant 0 : i32
    %c0_i32_1 = arith.constant 0 : i32
    return %c0_i32, %c0_i32_0 : i32, i32
  }
  func.func @transform_7(%arg0: i32) -> (i32, i32) {
    %c0_i32 = arith.constant 0 : i32
    %c0_i32_0 = arith.constant 0 : i32
    %c0_i32_1 = arith.constant 0 : i32
    return %c0_i32, %c0_i32_0 : i32, i32
  }
  func.func @transform_8(%arg0: i32) -> (i32, i32) {
    %c0_i32 = arith.constant 0 : i32
    %c0_i32_0 = arith.constant 0 : i32
    return %arg0, %c0_i32 : i32, i32
  }
  func.func @transform_9(%arg0: i32) -> (i32, i32) {
    %c0_i32 = arith.constant 0 : i32
    %c0_i32_0 = arith.constant 0 : i32
    return %arg0, %c0_i32 : i32, i32
  }
}

</mosaic_0001>

<sc_bundles>
// kernel: kernel.5.cloned.1.call-start
scs
__scs_entry_jumppad:
0x0: {  	(pc) =	sbr.rel $0x88, $3  }
0x1: {  	(tag) =	ssettag $0x0;
	lr =	simm.s32 $0x1  }
0x2: {  	[smem:$0x3F9B] =	sst lr;
	_ =	strace $0xD0000000  }
0x3: {  	_ = 	snop  }
0x4: {  	_ = 	snop  }
0x5: {  	_ = 	snop  }
0x6: {  	_ = 	snop  }
0x7: {  	_ = 	snop  }
__scs_overlays_trampoline_lowered:
0x8: {  	[smem:$0x3FAA] =	sst s0  }
0x9: {  	[smem:$0x3FAB] =	sst s1  }
0xa: {  	[smem:$0x3FAC] =	sst s2  }
0xb: {  	[smem:$0x3FAD] =	sst s3  }
0xc: {  	[smem:$0x3FAE] =	sst s4  }
0xd: {  	[smem:$0x3FAF] =	sst s5  }
0xe: {  	[smem:$0x3FB0] =	sst s6  }
0xf: {  	[smem:$0x3FB1] =	sst s7  }
0x10: {  	[smem:$0x3FB2] =	sst s8  }
0x11: {  	[smem:$0x3FB3] =	sst s9;
	s0 =	simm.s32 @!p0 $0x0  }
0x12: {  	s1 =	sld [smem:$0x3F99];
	s0 =	simm.s32 @p0 $0x1  }
0x13: {  	[smem:$0x3FB4] =	sst s0;
	s0 =	simm.s32 @!p1 $0x0  }
0x14: {  	s2 =	sld [smem:$0x3F98];
	s0 =	simm.s32 @p1 $0x1  }
0x15: {  	[smem:$0x3FB5] =	sst s0;
	s0 =	simm.s32 @!p2 $0x0  }
0x16: {  	s3 =	sld [smem:$0x3FDB];
	s0 =	simm.s32 @p2 $0x1  }
0x17: {  	s4 =	simm.s32 $0x1BF5;
	[smem:$0x3FB7] =	sst s0  }
0x18: {  	s0 =	sld [smem:$0x3F9A];
	_ =	swait.ge [sflag:s4], $0x0  }
0x19: {  	s7 =	sld [smem:$0x3F9B]  }
0x1a: {  	s8 =	sadd.s32 $0xFFFFE003, lr  }
0x1b: {  	s9 =	sadd.s32 $0xFFFFFEF7, lr;
	s5 =	simm.s32 $0xFFFFFFFF;
	p2 =	slt.u32 s8, $0xFFFFF086  }
0x1c: {  	p1 =	slt.u32 s9, $0xF7A;
	s5 =	simm.s32 @!p2 $0x0  }
0x1d: {  	s5 =	simm.s32 @p1 $0x1;
	p0 =	seq.s32 s7, s2  }
0x1e: {  	s7 =	smul.u32 @!p0 $0xF7A, s2;
	p2 =	seq.s32 @!p0 s5, $0x0  }
0x1f: {  	s9 =	smul.u32 $0xF7A, s1;
	s8 =	simm.s32 @!p0 $0x1BF5;
	p2 =	por !p2, p0  }
0x20: {  	[sflag:s8] =	ssyncset.s32 @!p0 $0xFFFFF086;
	s6 =	sadd.s32 @!p0 s3, s7;
	s7 =	simm.s32 @!p0 $0x108  }
0x21: {  	s3 =	sadd.s32 s3, s9;
	s6 =	sadd.s32 @!p0 $0x88, s6;
	s7 =	simm.s32 @p2 $0x1082  }
0x22: {  	[simem:s7], [sflag:s8] =	dma.local @!p0 [hbm:s6], $0xF7A  }
0x23: {  	s9 =	sor.u32 $0xD0000000, s2;
	s6 =	simm.s32 $0x108;
	_ =	swait.ge @!p0 [sflag:s8], $0x0  }
0x24: {  	s3 =	sadd.s32 $0x88, s3;
	s6 =	simm.s32 @!p1 $0x1082;
	[sflag:s4] =	ssyncset.s32 $0xFFFFF086  }
0x25: {  	[simem:s6], [sflag:s4] =	dma.local [hbm:s3], $0xF7A  }
0x26: {  	[smem:$0x3F9B] =	sst s1;
	(tag) =	ssettag s2;
	_ =	strace s9  }
0x27: {  	s1 =	sld [smem:$0x3FAB]  }
0x28: {  	s2 =	sld [smem:$0x3FAC]  }
0x29: {  	s4 =	sld [smem:$0x3FAE]  }
0x2a: {  	p0 =	seq.s32 s5, $0x0;
	s5 =	sld [smem:$0x3FAF]  }
0x2b: {  	s6 =	sld [smem:$0x3FB0]  }
0x2c: {  	s7 =	sld [smem:$0x3FB1]  }
0x2d: {  	s3 =	simm.s32 $0x108;
	s8 =	sld [smem:$0x3FB2]  }
0x2e: {  	s3 =	simm.s32 @!p0 $0x1082;
	s9 =	sld [smem:$0x3FB3]  }
0x2f: {  	lr =	sadd.s32 s0, s3;
	s0 =	sld [smem:$0x3FAA]  }
0x30: {  	s3 =	sld [smem:$0x3FAD]  }
0x31: {  	[smem:$0x3FB6] =	sst s10  }
0x32: {  	s10 =	sld [smem:$0x3FB4];
	_ =	sdelay $0x3  }
0x33: {  	p0 =	seq.s32 s10, $0x1;
	s10 =	sld [smem:$0x3FB6];
	_ =	sdelay $0x3  }
0x34: {  	[smem:$0x3FB6] =	sst s10  }
0x35: {  	s10 =	sld [smem:$0x3FB5];
	_ =	sdelay $0x3  }
0x36: {  	p1 =	seq.s32 s10, $0x1;
	s10 =	sld [smem:$0x3FB6];
	_ =	sdelay $0x3  }
0x37: {  	[smem:$0x3FB6] =	sst s10  }
0x38: {  	s10 =	sld [smem:$0x3FB7]  }
0x39: {  	_ = 	snop;
	(pc) =	sbr.ind lr, $3  }
0x3a: {  	_ = 	snop  }
0x3b: {  	_ = 	snop  }
0x3c: {  	p2 =	seq.s32 s10, $0x1;
	s10 =	sld [smem:$0x3FB6]  }
0x3d: {  	_ =	shalt  }
0x3e: {  	_ =	shalt  }
0x3f: {  	_ =	shalt  }
0x40: {  	_ =	shalt  }
0x41: {  	_ =	shalt  }
0x42: {  	_ =	shalt  }
0x43: {  	_ =	shalt  }
0x44: {  	_ =	shalt  }
0x45: {  	_ =	shalt  }
0x46: {  	_ =	shalt  }
0x47: {  	_ =	shalt  }
0x48: {  	_ =	shalt  }
0x49: {  	_ =	shalt  }
0x4a: {  	_ =	shalt  }
0x4b: {  	_ =	shalt  }
0x4c: {  	_ =	shalt  }
0x4d: {  	_ =	shalt  }
0x4e: {  	_ =	shalt  }
0x4f: {  	_ =	shalt  }
0x50: {  	_ =	shalt  }
0x51: {  	_ =	shalt  }
0x52: {  	_ =	shalt  }
0x53: {  	_ =	shalt  }
0x54: {  	_ =	shalt  }
0x55: {  	_ =	shalt  }
0x56: {  	_ =	shalt  }
0x57: {  	_ =	shalt  }
0x58: {  	_ =	shalt  }
0x59: {  	_ =	shalt  }
0x5a: {  	_ =	shalt  }
0x5b: {  	_ =	shalt  }
0x5c: {  	_ =	shalt  }
0x5d: {  	_ =	shalt  }
0x5e: {  	_ =	shalt  }
0x5f: {  	_ =	shalt  }
0x60: {  	_ =	shalt  }
0x61: {  	_ =	shalt  }
0x62: {  	_ =	shalt  }
0x63: {  	_ =	shalt  }
0x64: {  	_ =	shalt  }
0x65: {  	_ =	shalt  }
0x66: {  	_ =	shalt  }
0x67: {  	_ =	shalt  }
0x68: {  	_ =	shalt  }
0x69: {  	_ =	shalt  }
0x6a: {  	_ =	shalt  }
0x6b: {  	_ =	shalt  }
0x6c: {  	_ =	shalt  }
0x6d: {  	_ =	shalt  }
0x6e: {  	_ =	shalt  }
0x6f: {  	_ =	shalt  }
0x70: {  	_ =	shalt  }
0x71: {  	_ =	shalt  }
0x72: {  	_ =	shalt  }
0x73: {  	_ =	shalt  }
0x74: {  	_ =	shalt  }
0x75: {  	_ =	shalt  }
0x76: {  	_ =	shalt  }
0x77: {  	_ =	shalt  }
0x78: {  	_ =	shalt  }
0x79: {  	_ =	shalt  }
0x7a: {  	_ =	shalt  }
0x7b: {  	_ =	shalt  }
0x7c: {  	_ =	shalt  }
0x7d: {  	_ =	shalt  }
0x7e: {  	_ =	shalt  }
0x7f: {  	_ =	shalt  }
0x80: {  	_ =	shalt  }
0x81: {  	_ =	shalt  }
0x82: {  	_ =	shalt  }
0x83: {  	_ =	shalt  }
0x84: {  	_ =	shalt  }
0x85: {  	_ =	shalt  }
0x86: {  	_ =	shalt  }
0x87: {  	_ =	shalt  }
.Lfunc_end0:
.L_simem_size_0:
called_computation_lowered:
.L_overlay_start_0:
0x88: {  	s2 =	sld [smem:$0x3FD9]  }
0x89: {  	s3 =	sld [smem:$0x3FFE];
	_ =	sdelay $0x1  }
0x8a: {  	s1 =	srdreg.scid  }
0x8b: {  	s0 =	sand.u32 $0x1, s1  }
0x8c: {  	s14 =	sshll.u32 s0, $0xA;
	s2 =	sadd.s32 s3, s2  }
0x8d: {  	s2 =	sadd.s32 s2, s14  }
0x8e: {  	[smem:$0x3FC2] =	sst s2  }
0x8f: {  	_ = 	snop  }
0x90: {  	s2 =	sld [smem:$0x3FD0];
	_ =	sdelay $0x2  }
0x91: {  	s4 =	simm.s32 $0xA;
	s5 =	simm.s32 $0x10;
	s15 =	sld [smem:$0x3FC8]  }
0x92: {  	[smem:s5], [sflag:s4] =	dma.local [hbm:s2], $0x1  }
0x93: {  	_ =	swait.eq [sflag:s4], $0x1  }
0x94: {  	[sflag:s4] =	ssyncset.done $0x0  }
0x95: {  	[sflag:s4] =	ssyncadd.s32 $0xFFFFFFFF  }
0x96: {  	s16 =	sld [smem:$0x11];
	(tm) =	ssettm $0x1  }
0x97: {  	s17 =	sld [smem:$0x3FFB];
	_ =	sdelay $0x3  }
0x98: {  	_ =	strace s17  }
0x99: {  	s4 =	sld [smem:$0x3FFC];
	_ =	sdelay $0x3  }
0x9a: {  	_ =	strace s4  }
0x9b: {  	s4 =	sld [smem:$0x3FFD];
	_ =	sdelay $0x3  }
0x9c: {  	_ =	strace s4  }
0x9d: {  	_ =	strace $0x8FFFFFFF  }
0x9e: {  	s18 =	sld [smem:$0x3FDB];
	_ =	sdelay $0x1  }
0x9f: {  	s19 =	simm.s32 $_scs_section_size  }
0xa0: {  	s6 =	simm.s32 $_size__tile_overlayer_lowered;
	s7 =	simm.s32 $_tile_overlayer_lowered  }
0xa1: {  	s22 =	simm.s32 $0x1BFF;
	s21 =	sshll.u32 s7, $0x1;
	s4 =	sadd.s32 s19, s18  }
0xa2: {  	s8 =	simm.s32 $0x0;
	s20 =	sshll.u32 s6, $0x1;
	s6 =	sadd.s32 s21, s4  }
0xa3: {  	[timem:s8], [sflag:s22] =	dma.local [hbm:s6], s20  }
0xa4: {  	_ =	swait.ge [sflag:s22], s20  }
0xa5: {  	s5 =	ssub.s32 $0x0, s20;
	[sflag:s22] =	ssyncset.done $0x0  }
0xa6: {  	[sflag:s22] =	ssyncadd.s32 s5;
	_ =	sdelay $0x1  }
0xa7: {  	s23 =	simm.s32 $0x1B8B  }
0xa8: {  	_ =	swait.ge [sflag:s23], $0x1  }
0xa9: {  	[sflag:s23] =	ssyncset.done $0x0  }
0xaa: {  	s25 =	simm.s32 $0x1B8E;
	s24 =	sld [smem:$0x3FFE];
	[sflag:s23] =	ssyncadd.s32 $0xFFFFFFFF  }
0xab: {  	s26 =	simm.s32 $execute0_lowered;
	[smem:$0x3FD2] =	sst s25  }
0xac: {  	s6 =	sshll.u32 s26, $0x1;
	_ =	strace $0x80000046;
	[dreg:$0x1] =	wrdreg $0xFFFFFFFF  }
0xad: {  	s28 =	simm.s32 $_size_execute0_lowered;
	s4 =	sadd.s32 s4, s6;
	[dreg:$0x0] =	wrdreg $0x0  }
0xae: {  	s6 =	sshll.u32 s28, $0x1;
	[dreg:$0x2] =	wrdreg s4  }
0xaf: {  	[dreg:$0x3] =	wrdreg s6  }
0xb0: {  	[dreg:$0x4] =	wrdreg $0xC0  }
0xb1: {  	_ =	task [dreg:s8], $0x5FFFF  }
0xb2: {  	[dreg:$0x1] =	wrdreg $0xFFFFFFFF  }
0xb3: {  	[dreg:$0x0] =	wrdreg $0x60  }
0xb4: {  	[dreg:$0x2] =	wrdreg s15  }
0xb5: {  	[dreg:$0x3] =	wrdreg s16  }
0xb6: {  	[dreg:$0x4] =	wrdreg s24  }
0xb7: {  	[dreg:$0x5] =	wrdreg $0xB0000  }
0xb8: {  	[dreg:$0x6] =	wrdreg $0x9  }
0xb9: {  	_ =	task.clear_ibuf [dreg:s8], $0x7FFFF;
	_ =	strace $0x90000046  }
0xba: {  	s29 =	simm.s32 $0x9;
	_ =	strace $0x80000048  }
0xbb: {  	_ =	swait.ge [sflag:s29], $0x1  }
0xbc: {  	[sflag:s29] =	ssyncadd.s32 $0xFFFFFFFF  }
0xbd: {  	_ =	strace $0x90000048  }
0xbe: {  	_ =	sfence  }
0xbf: {  	s30 =	sld [smem:$0x0];
	_ =	sdelay $0x2  }
0xc0: {  	s31 =	sshll.u32 s1, $0xD;
	s1 =	sshrl.u32 s1, $0x2  }
0xc1: {  	s3 =	sand.u32 $0x4000, s31;
	s1 =	sadd.s32 s1, s30  }
0xc2: {  	s0 =	sor.u32 s3, s0;
	s1 =	sshll.u32 s1, $0x11  }
0xc3: {  	s0 =	sor.u32 s1, s0  }
0xc4: {  	s0 =	sadd.s32 $0x8F2B, s0  }
0xc5: {  	[sflag:s0] =	ssyncadd.remote.s32 $0x1  }
0xc6: {  	_ =	sfence.sel $0xFFFF  }
0xc7: {  	[dreg:$0x0] =	wrdreg $0xFFFFFFFF;
	(pc) =	sbr.abs _section_cstart, $3  }
0xc8: {  	[dreg:$0x1] =	wrdreg $0xFFFFFFFF  }
0xc9: {  	_ =	task.clear_ibuf [dreg:s8], $0x2FFFF;
	_ =	strace $0x9FFFFFFF  }
0xca: {  	(tm) =	ssettm $0x7FFFFFFF  }
0xcb: {  	_ =	shalt  }
tec
execute0_lowered:
.L_overlay_start_1:
0x0: {  	(tag) =	ssettag $0x1  }
0x1: {  	s8 =	rddreg [dreg:$0x0]  }
0x2: {  	s9 =	rddreg [dreg:$0x1]  }
0x3: {  	s4 =	rddreg [dreg:$0x2]  }
0x4: {  	s1 =	rddreg [dreg:$0x3]  }
0x5: {  	s2 =	srdreg.scid;
	s0 =	rddreg [dreg:$0x4]  }
0x6: {  	s3 =	simm.s32 $0x0;
	s15 =	simm.s32 $0xAC00;
	s16 =	simm.s32 $0x80  }
0x7: {  	s17 =	simm.s32 $0x2800;
	s18 =	simm.s32 $0x6800;
	s19 =	simm.s32 $0x1  }
0x8: {  	s20 =	simm.s32 $0xA800;
	s21 =	simm.s32 $0x2;
	s22 =	simm.s32 $0x4  }
0x9: {  	s23 =	simm.s32 $0xAA00;
	s24 =	simm.s32 $0x3;
	s5 =	sand.u32 $0x1, s2  }
0xa: {  	[smem:$0x7FF] =	sst s3;
	s2 =	stileid.u32;
	s4 =	sadd.s32 $0x2000, s4  }
0xb: {  	s6 =	ssub.s32 $0x2, s5;
	_ =	strace $0x80000047;
	s10 =	smul.u32 $0x4E000, s2  }
0xc: {  	s25 =	sshll.u32 s2, $0x1;
	s28 =	smul.u32 $0x2700, s2;
	s29 =	sshll.u32 s2, $0x6  }
0xd: {  	p0 =	seq.s32 s2, $0x0;
	p1 =	sne.s32 s2, $0xF;
	s12 =	sor.u32 s5, s25  }
0xe: {  	s7 =	sshrl.u32 s6, $0x1;
	s25 =	sadd.s32 $0x138000, s1;
	s30 =	smul.u32 $0x500, s12  }
0xf: {  	s11 =	ssub.s32 s6, s7;
	s26 =	sshrl.u32 s10, $0x2;
	s14 =	smul.u32 $0x1400, s12  }
.Ltmp0:
0x10: {  	s5 =	sadd.s32 s8, s28;
	s6 =	sor.u32 $0x1C05, s29;
	(pc) =	sbr.rel .LBB2_1-.Ltmp0, $4  }
0x11: {  	s7 =	sadd.s32 $0x138800, s1;
	s8 =	sadd.s32 $0x27000, s8;
	s10 =	smul.u32 $0x28, s12  }
0x12: {  	s25 =	sshrl.u32 @!p1 s25, $0x3;
	s13 =	sadd.s32 s26, s1;
	s11 =	smax.u32 s11, $0x1  }
0x13: {  	s26 =	simm.s32 $0x0;
	s9 =	sadd.s32 s9, s30;
	s31 =	sadd.s32 s14, s4  }
0x14: {  	v0 =	vimm.f32 $0.0e+00;
	s13 =	sshrl.u32 s13, $0x3;
	s14 =	simm.s32 $0x5;
	s12 =	sadd.s32 $0x40, s31  }
.LBB2_27:
0x15: {  	s26 =	sadd.s32 $0x1, s26  }
0x16: {  	_ =	swait.ge [sflag:s24], $0x200;
	p2 =	sne.s32 s26, s11  }
.Ltmp1:
0x17: {  	[sflag:s24] =	ssyncset.done $0x0;
	(pc) =	sbr.rel @!p2 .LBB2_28-.Ltmp1, $4  }
0x18: {  	[sflag:s24] =	ssyncadd.s32 $0xFFFFFE00  }
0x19: {  	_ =	swait.ge [sflag:s22], $0x200  }
0x1a: {  	[sflag:s22] =	ssyncset.done $0x0  }
0x1b: {  	[sflag:s22] =	ssyncadd.s32 $0xFFFFFE00  }
.LBB2_1:
.Ltmp2:
0x1c: {  	(pc) =	sbr.rel @p0 .LBB2_3-.Ltmp2, $4  }
0x1d: {  	[spmem:s13], [sflag:s6] =	dma.local [hbm:s5], $0x2700  }
0x1e: {  	_ =	swait.ge [sflag:s14], $0x2700  }
0x1f: {  	[sflag:s14] =	ssyncset.done $0x0  }
0x20: {  	[sflag:s14] =	ssyncadd.s32 $0xFFFFD900  }
0x21: {  	[spmem:s25], [sflag:s6] =	dma.local @!p1 [hbm:s8], $0x100  }
.Ltmp3:
0x22: {  	_ = 	snop;
	(pc) =	sbr.rel .LBB2_4-.Ltmp3, $4  }
0x23: {  	s28 =	simm.s32 @!p1 $0x5  }
0x24: {  	_ =	swait.ge @!p1 [sflag:s28], $0x100  }
0x25: {  	[sflag:s28] =	ssyncset.done @!p1 $0x0  }
0x26: {  	[sflag:s28] =	ssyncadd.s32 @!p1 $0xFFFFFF00  }
.LBB2_3:
0x27: {  	[tilespmem:$0xAC00] =	vst v0  }
0x28: {  	[tilespmem:$0xAC10] =	vst v0  }
0x29: {  	[tilespmem:$0xAC20] =	vst v0  }
0x2a: {  	[tilespmem:$0xAC30] =	vst v0  }
0x2b: {  	[tilespmem:$0xAC40] =	vst v0  }
0x2c: {  	[tilespmem:$0xAC50] =	vst v0  }
0x2d: {  	[tilespmem:$0xAC60] =	vst v0  }
0x2e: {  	[tilespmem:$0xAC70] =	vst v0  }
0x2f: {  	[tilespmem:$0xAC80] =	vst v0  }
0x30: {  	[tilespmem:$0xAC90] =	vst v0  }
0x31: {  	[tilespmem:$0xACA0] =	vst v0  }
0x32: {  	[tilespmem:$0xACB0] =	vst v0  }
0x33: {  	[tilespmem:$0xACC0] =	vst v0  }
0x34: {  	[tilespmem:$0xACD0] =	vst v0  }
0x35: {  	[tilespmem:$0xACE0] =	vst v0  }
0x36: {  	[tilespmem:$0xACF0] =	vst v0  }
0x37: {  	[tilespmem:$0xAD00] =	vst v0  }
0x38: {  	[tilespmem:$0xAD10] =	vst v0  }
0x39: {  	[tilespmem:$0xAD20] =	vst v0  }
0x3a: {  	[tilespmem:$0xAD30] =	vst v0  }
0x3b: {  	[tilespmem:$0xAD40] =	vst v0  }
0x3c: {  	[tilespmem:$0xAD50] =	vst v0  }
0x3d: {  	[tilespmem:$0xAD60] =	vst v0  }
0x3e: {  	[tilespmem:$0xAD70] =	vst v0  }
0x3f: {  	[tilespmem:$0xAD80] =	vst v0  }
0x40: {  	[tilespmem:$0xAD90] =	vst v0  }
0x41: {  	[tilespmem:$0xADA0] =	vst v0  }
0x42: {  	[tilespmem:$0xADB0] =	vst v0  }
0x43: {  	[tilespmem:$0xADC0] =	vst v0  }
0x44: {  	[tilespmem:$0xADD0] =	vst v0  }
0x45: {  	[tilespmem:$0xADE0] =	vst v0  }
0x46: {  	[tilespmem:$0xADF0] =	vst v0  }
0x47: {  	[tilespmem:$0xAE00] =	vst v0  }
0x48: {  	[tilespmem:$0xAE10] =	vst v0  }
0x49: {  	[tilespmem:$0xAE20] =	vst v0  }
0x4a: {  	[tilespmem:$0xAE30] =	vst v0  }
0x4b: {  	[tilespmem:$0xAE40] =	vst v0  }
0x4c: {  	[tilespmem:$0xAE50] =	vst v0  }
0x4d: {  	[tilespmem:$0xAE60] =	vst v0  }
0x4e: {  	[tilespmem:$0xAE70] =	vst v0  }
0x4f: {  	[tilespmem:$0xAE80] =	vst v0  }
0x50: {  	[tilespmem:$0xAE90] =	vst v0  }
0x51: {  	[tilespmem:$0xAEA0] =	vst v0  }
0x52: {  	[tilespmem:$0xAEB0] =	vst v0  }
0x53: {  	[tilespmem:$0xAEC0] =	vst v0  }
0x54: {  	[tilespmem:$0xAED0] =	vst v0  }
0x55: {  	[tilespmem:$0xAEE0] =	vst v0  }
0x56: {  	[tilespmem:$0xAEF0] =	vst v0  }
0x57: {  	[tilespmem:$0xAF00] =	vst v0  }
0x58: {  	[tilespmem:$0xAF10] =	vst v0  }
0x59: {  	[tilespmem:$0xAF20] =	vst v0  }
0x5a: {  	[tilespmem:$0xAF30] =	vst v0  }
0x5b: {  	[tilespmem:$0xAF40] =	vst v0  }
0x5c: {  	[tilespmem:$0xAF50] =	vst v0  }
0x5d: {  	[tilespmem:$0xAF60] =	vst v0  }
0x5e: {  	[tilespmem:$0xAF70] =	vst v0  }
0x5f: {  	[tilespmem:$0xAF80] =	vst v0  }
0x60: {  	[tilespmem:$0xAF90] =	vst v0  }
0x61: {  	[tilespmem:$0xAFA0] =	vst v0  }
0x62: {  	[tilespmem:$0xAFB0] =	vst v0  }
0x63: {  	[tilespmem:$0xAFC0] =	vst v0  }
0x64: {  	[tilespmem:$0xAFD0] =	vst v0  }
0x65: {  	[tilespmem:$0xAFE0] =	vst v0  }
0x66: {  	[tilespmem:$0xAFF0] =	vst v0  }
0x67: {  	[spmem:s7] =	stream.linear.scatter [tilespmem:s15], [sflag:$0x5], $0x400, $0x38;
	[tilespmem:$0x1F000] =	vst v63  }
0x68: {  	_ =	swait.ge [sflag:s14], $0x400  }
0x69: {  	[sflag:s14] =	ssyncset.done $0x0  }
0x6a: {  	[sflag:s14] =	ssyncadd.s32 $0xFFFFFC00  }
.LBB2_4:
0x6b: {  	s28 =	simm.s32 $0x0  }
0x6c: {  	[tilespmem:s28], [sflag:$0x5] =	stream.linear.gather [hbm4b:s9+s28], $0x2800, $0x38;
	[tilespmem:$0x1F000] =	vst v63  }
0x6d: {  	_ =	swait.ge [sflag:s14], $0x2800  }
0x6e: {  	[sflag:s14] =	ssyncset.done $0x0  }
0x6f: {  	[sflag:s14] =	ssyncadd.s32 $0xFFFFD800  }
0x70: {  	[bflag:$0x0] =	sbarrier.arrive $0xFFFF  }
0x71: {  	[tilespmem:s17], [sflag:$0x1] =	stream.indirect.gather [spmem:s1], $0x80, s28, s16, $0xb8;
	[tilespmem:$0x1F000] =	vst v63  }
0x72: {  	_ = 	snop  }
0x73: {  	[tilespmem:s18], [sflag:$0x2] =	stream.indirect.gather [spmem:s1], $0x80, s16, s16, $0xb8;
	[tilespmem:$0x1F000] =	vst v63  }
.LBB2_5:
0x74: {  	_ =	swait.ge [sflag:s19], $0x4000  }
0x75: {  	p2 =	seq.s32 s28, $0x0;
	[sflag:s19] =	ssyncset.done $0x0  }
0x76: {  	s29 =	simm.s32 @!p2 $0x3;
	[sflag:s19] =	ssyncadd.s32 $0xFFFFC000  }
0x77: {  	_ =	swait.ge @!p2 [sflag:s29], $0x200  }
0x78: {  	[sflag:s29] =	ssyncset.done @!p2 $0x0  }
0x79: {  	s30 =	simm.s32 $0x0;
	[sflag:s29] =	ssyncadd.s32 @!p2 $0xFFFFFE00  }
0x7a: {  	v3 =	vld [tilespmem:s30+$0x2980]  }
0x7b: {  	v5 =	vld [tilespmem:s30+$0x2990]  }
0x7c: {  	v6 =	vld [tilespmem:s30+$0x29A0]  }
0x7d: {  	v7 =	vld [tilespmem:s30+$0x29B0]  }
0x7e: {  	v1 =	vld [tilespmem:s30+$0x29C0]  }
0x7f: {  	v2 =	vld [tilespmem:s30+$0x29D0]  }
0x80: {  	v14 =	vld [tilespmem:s30+$0x2900]  }
0x81: {  	v16 =	vld [tilespmem:s30+$0x2910]  }
0x82: {  	v13 =	vld [tilespmem:s30+$0x2920]  }
0x83: {  	v15 =	vld [tilespmem:s30+$0x2930]  }
0x84: {  	v4 =	vld [tilespmem:s30+$0x2940]  }
0x85: {  	v10 =	vld [tilespmem:s30+$0x2880]  }
0x86: {  	v11 =	vld [tilespmem:s30+$0x2890]  }
0x87: {  	v12 =	vld [tilespmem:s30+$0x2800]  }
0x88: {  	v18 =	vld [tilespmem:s30+$0x2810]  }
0x89: {  	v19 =	vld [tilespmem:s30+$0x2820]  }
0x8a: {  	v20 =	vld [tilespmem:s30+$0x2830]  }
0x8b: {  	v21 =	vld [tilespmem:s30+$0x28A0]  }
0x8c: {  	v25 =	vld [tilespmem:s30+$0x28B0]  }
0x8d: {  	v9 =	vimm.f32 $0.0e+00;
	v8 =	vld [tilespmem:s30+$0x2950]  }
0x8e: {  	v17 =	vld [tilespmem:s30+$0x28C0];
	v12 =	vadd.f32 v12, v9;
	v23 =	vadd.f32 v18, v9  }
0x8f: {  	v18 =	vld [tilespmem:s30+$0x28D0];
	v24 =	vadd.f32 v19, v9;
	v26 =	vadd.f32 v20, v9  }
0x90: {  	v19 =	vld [tilespmem:s30+$0x2840];
	v22 =	vadd.f32 v10, v12;
	v23 =	vadd.f32 v11, v23  }
0x91: {  	v20 =	vld [tilespmem:s30+$0x2850];
	v24 =	vadd.f32 v21, v24;
	v25 =	vadd.f32 v25, v26  }
0x92: {  	s31 =	simm.s32 $0x800;
	s29 =	sshll.u32 s28, $0xA;
	v21 =	vld [tilespmem:s30+$0x2860];
	v12 =	vimm.f32 $0.0e+00;
	v11 =	vimm.f32 $0.0e+00;
	v10 =	vimm.f32 $0.0e+00  }
.LBB2_6:
0x93: {  	p3 =	sne.s32 s31, $0x3800;
	v26 =	vld [tilespmem:s30+$0x2870];
	v14 =	vadd.f32 v14, v22;
	v16 =	vadd.f32 v16, v23  }
0x94: {  	v22 =	vld [tilespmem:s30+$0x28E0];
	v13 =	vadd.f32 v13, v24;
	v15 =	vadd.f32 v15, v25  }
0x95: {  	v23 =	vld [tilespmem:s30+$0x28F0];
	v24 =	vadd.f32 v3, v14;
	v25 =	vadd.f32 v5, v16  }
0x96: {  	v14 =	vld [tilespmem:s30+$0x2960];
	v27 =	vadd.f32 v6, v13;
	v28 =	vadd.f32 v7, v15  }
0x97: {  	v3 =	vadd.f32 v19, v9;
	v5 =	vadd.f32 v20, v12;
	v7 =	vld [tilespmem:s30+$0x2970]  }
0x98: {  	v6 =	vadd.f32 v21, v11;
	v9 =	vadd.f32 v26, v10;
	v10 =	vld [tilespmem:s30+$0x29E0]  }
0x99: {  	v11 =	vadd.f32 v17, v3;
	v12 =	vadd.f32 v18, v5;
	v13 =	vld [tilespmem:s30+$0x29F0];
	s30 =	sshra.s32 s31, $0x2  }
0x9a: {  	v15 =	vadd.f32 v22, v6;
	v3 =	vld [tilespmem:s30+$0x2980];
	v9 =	vadd.f32 v23, v9  }
0x9b: {  	v4 =	vadd.f32 v4, v11;
	v8 =	vadd.f32 v8, v12;
	v5 =	vld [tilespmem:s30+$0x2990]  }
0x9c: {  	v11 =	vadd.f32 v14, v15;
	v6 =	vld [tilespmem:s30+$0x29A0];
	v14 =	vadd.f32 v7, v9  }
0x9d: {  	v9 =	vadd.f32 v1, v4;
	v12 =	vadd.f32 v2, v8;
	v7 =	vld [tilespmem:s30+$0x29B0]  }
0x9e: {  	v11 =	vadd.f32 v10, v11;
	v1 =	vld [tilespmem:s30+$0x29C0];
	v10 =	vadd.f32 v13, v14  }
0x9f: {  	v2 =	vld [tilespmem:s30+$0x29D0]  }
0xa0: {  	v14 =	vld [tilespmem:s30+$0x2900]  }
0xa1: {  	v16 =	vld [tilespmem:s30+$0x2910]  }
0xa2: {  	v13 =	vld [tilespmem:s30+$0x2920]  }
0xa3: {  	v15 =	vld [tilespmem:s30+$0x2930]  }
0xa4: {  	v4 =	vld [tilespmem:s30+$0x2940]  }
0xa5: {  	v8 =	vld [tilespmem:s30+$0x2950]  }
0xa6: {  	v21 =	vld [tilespmem:s30+$0x2880]  }
0xa7: {  	v23 =	vld [tilespmem:s30+$0x2890]  }
0xa8: {  	v18 =	vld [tilespmem:s30+$0x2800]  }
0xa9: {  	v19 =	vld [tilespmem:s30+$0x2810]  }
0xaa: {  	v20 =	vld [tilespmem:s30+$0x2820]  }
0xab: {  	v22 =	vld [tilespmem:s30+$0x2830]  }
0xac: {  	v26 =	vld [tilespmem:s30+$0x28A0]  }
0xad: {  	v29 =	vld [tilespmem:s30+$0x28B0]  }
.Ltmp4:
0xae: {  	v17 =	vld [tilespmem:s30+$0x28C0];
	(pc) =	sbr.rel @p3 .LBB2_6-.Ltmp4, $4  }
0xaf: {  	v24 =	vadd.f32 v18, v24;
	v25 =	vadd.f32 v19, v25;
	v18 =	vld [tilespmem:s30+$0x28D0]  }
0xb0: {  	v27 =	vadd.f32 v20, v27;
	v28 =	vadd.f32 v22, v28;
	v19 =	vld [tilespmem:s30+$0x2840]  }
0xb1: {  	v22 =	vadd.f32 v21, v24;
	v23 =	vadd.f32 v23, v25;
	v20 =	vld [tilespmem:s30+$0x2850]  }
0xb2: {  	s31 =	sadd.s32 $0x800, s31;
	v24 =	vadd.f32 v26, v27;
	v21 =	vld [tilespmem:s30+$0x2860];
	v25 =	vadd.f32 v29, v28  }
0xb3: {  	v14 =	vadd.f32 v14, v22;
	v16 =	vadd.f32 v16, v23  }
0xb4: {  	v26 =	vld [tilespmem:s30+$0x2870];
	v13 =	vadd.f32 v13, v24;
	v15 =	vadd.f32 v15, v25  }
0xb5: {  	v22 =	vld [tilespmem:s30+$0x28E0];
	v3 =	vadd.f32 v3, v14;
	v5 =	vadd.f32 v5, v16  }
0xb6: {  	v23 =	vld [tilespmem:s30+$0x28F0];
	v9 =	vadd.f32 v19, v9;
	v6 =	vadd.f32 v6, v13  }
0xb7: {  	v14 =	vld [tilespmem:s30+$0x2960];
	v7 =	vadd.f32 v7, v15;
	v12 =	vadd.f32 v20, v12  }
0xb8: {  	v13 =	vld [tilespmem:s30+$0x2970];
	v11 =	vadd.f32 v21, v11;
	v9 =	vadd.f32 v17, v9  }
0xb9: {  	v15 =	vld [tilespmem:s30+$0x29E0];
	v10 =	vadd.f32 v26, v10;
	v12 =	vadd.f32 v18, v12  }
0xba: {  	v16 =	vld [tilespmem:s30+$0x29F0];
	[tilespmem:$0xA800] =	vst v3;
	v11 =	vadd.f32 v22, v11;
	v4 =	vadd.f32 v4, v9  }
0xbb: {  	[tilespmem:$0xA810] =	vst v5;
	v3 =	vadd.f32 v23, v10;
	v8 =	vadd.f32 v8, v12  }
0xbc: {  	[tilespmem:$0xA820] =	vst v6;
	v5 =	vadd.f32 v14, v11;
	v1 =	vadd.f32 v1, v4  }
0xbd: {  	[tilespmem:$0xA830] =	vst v7;
	v3 =	vadd.f32 v13, v3;
	v2 =	vadd.f32 v2, v8  }
0xbe: {  	v4 =	vadd.f32 v15, v5;
	[tilespmem:$0xA840] =	vst v1  }
0xbf: {  	v1 =	vadd.f32 v16, v3;
	[tilespmem:$0xA850] =	vst v2  }
0xc0: {  	[tilespmem:$0xA860] =	vst v4  }
0xc1: {  	s30 =	simm.s32 $0x0;
	[tilespmem:$0xA870] =	vst v1  }
0xc2: {  	v3 =	vld [tilespmem:s30+$0x3980]  }
0xc3: {  	v5 =	vld [tilespmem:s30+$0x3990]  }
0xc4: {  	v6 =	vld [tilespmem:s30+$0x39A0]  }
0xc5: {  	v7 =	vld [tilespmem:s30+$0x39B0]  }
0xc6: {  	v1 =	vld [tilespmem:s30+$0x39C0]  }
0xc7: {  	v2 =	vld [tilespmem:s30+$0x39D0]  }
0xc8: {  	v14 =	vld [tilespmem:s30+$0x3900]  }
0xc9: {  	v16 =	vld [tilespmem:s30+$0x3910]  }
0xca: {  	v13 =	vld [tilespmem:s30+$0x3920]  }
0xcb: {  	v15 =	vld [tilespmem:s30+$0x3930]  }
0xcc: {  	v4 =	vld [tilespmem:s30+$0x3940]  }
0xcd: {  	v10 =	vld [tilespmem:s30+$0x3880]  }
0xce: {  	v11 =	vld [tilespmem:s30+$0x3890]  }
0xcf: {  	v12 =	vld [tilespmem:s30+$0x3800]  }
0xd0: {  	v18 =	vld [tilespmem:s30+$0x3810]  }
0xd1: {  	v19 =	vld [tilespmem:s30+$0x3820]  }
0xd2: {  	v20 =	vld [tilespmem:s30+$0x3830]  }
0xd3: {  	v21 =	vld [tilespmem:s30+$0x38A0]  }
0xd4: {  	v25 =	vld [tilespmem:s30+$0x38B0]  }
0xd5: {  	v9 =	vimm.f32 $0.0e+00;
	v8 =	vld [tilespmem:s30+$0x3950]  }
0xd6: {  	v17 =	vld [tilespmem:s30+$0x38C0];
	v12 =	vadd.f32 v12, v9;
	v23 =	vadd.f32 v18, v9  }
0xd7: {  	v18 =	vld [tilespmem:s30+$0x38D0];
	v24 =	vadd.f32 v19, v9;
	v26 =	vadd.f32 v20, v9  }
0xd8: {  	v19 =	vld [tilespmem:s30+$0x3840];
	v22 =	vadd.f32 v10, v12;
	v23 =	vadd.f32 v11, v23  }
0xd9: {  	v20 =	vld [tilespmem:s30+$0x3850];
	v24 =	vadd.f32 v21, v24;
	v25 =	vadd.f32 v25, v26  }
0xda: {  	s31 =	simm.s32 $0x800;
	v21 =	vld [tilespmem:s30+$0x3860];
	v12 =	vimm.f32 $0.0e+00;
	v11 =	vimm.f32 $0.0e+00;
	v10 =	vimm.f32 $0.0e+00  }
.LBB2_8:
0xdb: {  	p3 =	sne.s32 s31, $0x3800;
	v26 =	vld [tilespmem:s30+$0x3870];
	v14 =	vadd.f32 v14, v22;
	v16 =	vadd.f32 v16, v23  }
0xdc: {  	v22 =	vld [tilespmem:s30+$0x38E0];
	v13 =	vadd.f32 v13, v24;
	v15 =	vadd.f32 v15, v25  }
0xdd: {  	v23 =	vld [tilespmem:s30+$0x38F0];
	v24 =	vadd.f32 v3, v14;
	v25 =	vadd.f32 v5, v16  }
0xde: {  	v14 =	vld [tilespmem:s30+$0x3960];
	v27 =	vadd.f32 v6, v13;
	v28 =	vadd.f32 v7, v15  }
0xdf: {  	v3 =	vadd.f32 v19, v9;
	v5 =	vadd.f32 v20, v12;
	v7 =	vld [tilespmem:s30+$0x3970]  }
0xe0: {  	v6 =	vadd.f32 v21, v11;
	v9 =	vadd.f32 v26, v10;
	v10 =	vld [tilespmem:s30+$0x39E0]  }
0xe1: {  	v11 =	vadd.f32 v17, v3;
	v12 =	vadd.f32 v18, v5;
	v13 =	vld [tilespmem:s30+$0x39F0];
	s30 =	sshra.s32 s31, $0x2  }
0xe2: {  	v15 =	vadd.f32 v22, v6;
	v3 =	vld [tilespmem:s30+$0x3980];
	v9 =	vadd.f32 v23, v9  }
0xe3: {  	v4 =	vadd.f32 v4, v11;
	v8 =	vadd.f32 v8, v12;
	v5 =	vld [tilespmem:s30+$0x3990]  }
0xe4: {  	v11 =	vadd.f32 v14, v15;
	v6 =	vld [tilespmem:s30+$0x39A0];
	v14 =	vadd.f32 v7, v9  }
0xe5: {  	v9 =	vadd.f32 v1, v4;
	v12 =	vadd.f32 v2, v8;
	v7 =	vld [tilespmem:s30+$0x39B0]  }
0xe6: {  	v11 =	vadd.f32 v10, v11;
	v1 =	vld [tilespmem:s30+$0x39C0];
	v10 =	vadd.f32 v13, v14  }
0xe7: {  	v2 =	vld [tilespmem:s30+$0x39D0]  }
0xe8: {  	v14 =	vld [tilespmem:s30+$0x3900]  }
0xe9: {  	v16 =	vld [tilespmem:s30+$0x3910]  }
0xea: {  	v13 =	vld [tilespmem:s30+$0x3920]  }
0xeb: {  	v15 =	vld [tilespmem:s30+$0x3930]  }
0xec: {  	v4 =	vld [tilespmem:s30+$0x3940]  }
0xed: {  	v8 =	vld [tilespmem:s30+$0x3950]  }
0xee: {  	v21 =	vld [tilespmem:s30+$0x3880]  }
0xef: {  	v23 =	vld [tilespmem:s30+$0x3890]  }
0xf0: {  	v18 =	vld [tilespmem:s30+$0x3800]  }
0xf1: {  	v19 =	vld [tilespmem:s30+$0x3810]  }
0xf2: {  	v20 =	vld [tilespmem:s30+$0x3820]  }
0xf3: {  	v22 =	vld [tilespmem:s30+$0x3830]  }
0xf4: {  	v26 =	vld [tilespmem:s30+$0x38A0]  }
0xf5: {  	v29 =	vld [tilespmem:s30+$0x38B0]  }
.Ltmp5:
0xf6: {  	v17 =	vld [tilespmem:s30+$0x38C0];
	(pc) =	sbr.rel @p3 .LBB2_8-.Ltmp5, $4  }
0xf7: {  	v24 =	vadd.f32 v18, v24;
	v25 =	vadd.f32 v19, v25;
	v18 =	vld [tilespmem:s30+$0x38D0]  }
0xf8: {  	v27 =	vadd.f32 v20, v27;
	v28 =	vadd.f32 v22, v28;
	v19 =	vld [tilespmem:s30+$0x3840]  }
0xf9: {  	v22 =	vadd.f32 v21, v24;
	v23 =	vadd.f32 v23, v25;
	v20 =	vld [tilespmem:s30+$0x3850]  }
0xfa: {  	s31 =	sadd.s32 $0x800, s31;
	v24 =	vadd.f32 v26, v27;
	v21 =	vld [tilespmem:s30+$0x3860];
	v25 =	vadd.f32 v29, v28  }
0xfb: {  	v14 =	vadd.f32 v14, v22;
	v16 =	vadd.f32 v16, v23  }
0xfc: {  	v26 =	vld [tilespmem:s30+$0x3870];
	v13 =	vadd.f32 v13, v24;
	v15 =	vadd.f32 v15, v25  }
0xfd: {  	v22 =	vld [tilespmem:s30+$0x38E0];
	v3 =	vadd.f32 v3, v14;
	v5 =	vadd.f32 v5, v16  }
0xfe: {  	v23 =	vld [tilespmem:s30+$0x38F0];
	v9 =	vadd.f32 v19, v9;
	v6 =	vadd.f32 v6, v13  }
0xff: {  	v14 =	vld [tilespmem:s30+$0x3960];
	v7 =	vadd.f32 v7, v15;
	v12 =	vadd.f32 v20, v12  }
0x100: {  	v13 =	vld [tilespmem:s30+$0x3970];
	v11 =	vadd.f32 v21, v11;
	v9 =	vadd.f32 v17, v9  }
0x101: {  	v15 =	vld [tilespmem:s30+$0x39E0];
	v10 =	vadd.f32 v26, v10;
	v12 =	vadd.f32 v18, v12  }
0x102: {  	v16 =	vld [tilespmem:s30+$0x39F0];
	[tilespmem:$0xA880] =	vst v3;
	v11 =	vadd.f32 v22, v11;
	v4 =	vadd.f32 v4, v9  }
0x103: {  	[tilespmem:$0xA890] =	vst v5;
	v3 =	vadd.f32 v23, v10;
	v8 =	vadd.f32 v8, v12  }
0x104: {  	[tilespmem:$0xA8A0] =	vst v6;
	v5 =	vadd.f32 v14, v11;
	v1 =	vadd.f32 v1, v4  }
0x105: {  	[tilespmem:$0xA8B0] =	vst v7;
	v3 =	vadd.f32 v13, v3;
	v2 =	vadd.f32 v2, v8  }
0x106: {  	v4 =	vadd.f32 v15, v5;
	[tilespmem:$0xA8C0] =	vst v1  }
0x107: {  	v1 =	vadd.f32 v16, v3;
	[tilespmem:$0xA8D0] =	vst v2  }
0x108: {  	[tilespmem:$0xA8E0] =	vst v4  }
0x109: {  	s30 =	simm.s32 $0x0;
	[tilespmem:$0xA8F0] =	vst v1  }
0x10a: {  	v3 =	vld [tilespmem:s30+$0x4980]  }
0x10b: {  	v5 =	vld [tilespmem:s30+$0x4990]  }
0x10c: {  	v6 =	vld [tilespmem:s30+$0x49A0]  }
0x10d: {  	v7 =	vld [tilespmem:s30+$0x49B0]  }
0x10e: {  	v1 =	vld [tilespmem:s30+$0x49C0]  }
0x10f: {  	v2 =	vld [tilespmem:s30+$0x49D0]  }
0x110: {  	v14 =	vld [tilespmem:s30+$0x4900]  }
0x111: {  	v16 =	vld [tilespmem:s30+$0x4910]  }
0x112: {  	v13 =	vld [tilespmem:s30+$0x4920]  }
0x113: {  	v15 =	vld [tilespmem:s30+$0x4930]  }
0x114: {  	v4 =	vld [tilespmem:s30+$0x4940]  }
0x115: {  	v10 =	vld [tilespmem:s30+$0x4880]  }
0x116: {  	v11 =	vld [tilespmem:s30+$0x4890]  }
0x117: {  	v12 =	vld [tilespmem:s30+$0x4800]  }
0x118: {  	v18 =	vld [tilespmem:s30+$0x4810]  }
0x119: {  	v19 =	vld [tilespmem:s30+$0x4820]  }
0x11a: {  	v20 =	vld [tilespmem:s30+$0x4830]  }
0x11b: {  	v21 =	vld [tilespmem:s30+$0x48A0]  }
0x11c: {  	v25 =	vld [tilespmem:s30+$0x48B0]  }
0x11d: {  	v9 =	vimm.f32 $0.0e+00;
	v8 =	vld [tilespmem:s30+$0x4950]  }
0x11e: {  	v17 =	vld [tilespmem:s30+$0x48C0];
	v12 =	vadd.f32 v12, v9;
	v23 =	vadd.f32 v18, v9  }
0x11f: {  	v18 =	vld [tilespmem:s30+$0x48D0];
	v24 =	vadd.f32 v19, v9;
	v26 =	vadd.f32 v20, v9  }
0x120: {  	v19 =	vld [tilespmem:s30+$0x4840];
	v22 =	vadd.f32 v10, v12;
	v23 =	vadd.f32 v11, v23  }
0x121: {  	v20 =	vld [tilespmem:s30+$0x4850];
	v24 =	vadd.f32 v21, v24;
	v25 =	vadd.f32 v25, v26  }
0x122: {  	s31 =	simm.s32 $0x800;
	v21 =	vld [tilespmem:s30+$0x4860];
	v12 =	vimm.f32 $0.0e+00;
	v11 =	vimm.f32 $0.0e+00;
	v10 =	vimm.f32 $0.0e+00  }
.LBB2_10:
0x123: {  	p3 =	sne.s32 s31, $0x3800;
	v26 =	vld [tilespmem:s30+$0x4870];
	v14 =	vadd.f32 v14, v22;
	v16 =	vadd.f32 v16, v23  }
0x124: {  	v22 =	vld [tilespmem:s30+$0x48E0];
	v13 =	vadd.f32 v13, v24;
	v15 =	vadd.f32 v15, v25  }
0x125: {  	v23 =	vld [tilespmem:s30+$0x48F0];
	v24 =	vadd.f32 v3, v14;
	v25 =	vadd.f32 v5, v16  }
0x126: {  	v14 =	vld [tilespmem:s30+$0x4960];
	v27 =	vadd.f32 v6, v13;
	v28 =	vadd.f32 v7, v15  }
0x127: {  	v3 =	vadd.f32 v19, v9;
	v5 =	vadd.f32 v20, v12;
	v7 =	vld [tilespmem:s30+$0x4970]  }
0x128: {  	v6 =	vadd.f32 v21, v11;
	v9 =	vadd.f32 v26, v10;
	v10 =	vld [tilespmem:s30+$0x49E0]  }
0x129: {  	v11 =	vadd.f32 v17, v3;
	v12 =	vadd.f32 v18, v5;
	v13 =	vld [tilespmem:s30+$0x49F0];
	s30 =	sshra.s32 s31, $0x2  }
0x12a: {  	v15 =	vadd.f32 v22, v6;
	v3 =	vld [tilespmem:s30+$0x4980];
	v9 =	vadd.f32 v23, v9  }
0x12b: {  	v4 =	vadd.f32 v4, v11;
	v8 =	vadd.f32 v8, v12;
	v5 =	vld [tilespmem:s30+$0x4990]  }
0x12c: {  	v11 =	vadd.f32 v14, v15;
	v6 =	vld [tilespmem:s30+$0x49A0];
	v14 =	vadd.f32 v7, v9  }
0x12d: {  	v9 =	vadd.f32 v1, v4;
	v12 =	vadd.f32 v2, v8;
	v7 =	vld [tilespmem:s30+$0x49B0]  }
0x12e: {  	v11 =	vadd.f32 v10, v11;
	v1 =	vld [tilespmem:s30+$0x49C0];
	v10 =	vadd.f32 v13, v14  }
0x12f: {  	v2 =	vld [tilespmem:s30+$0x49D0]  }
0x130: {  	v14 =	vld [tilespmem:s30+$0x4900]  }
0x131: {  	v16 =	vld [tilespmem:s30+$0x4910]  }
0x132: {  	v13 =	vld [tilespmem:s30+$0x4920]  }
0x133: {  	v15 =	vld [tilespmem:s30+$0x4930]  }
0x134: {  	v4 =	vld [tilespmem:s30+$0x4940]  }
0x135: {  	v8 =	vld [tilespmem:s30+$0x4950]  }
0x136: {  	v21 =	vld [tilespmem:s30+$0x4880]  }
0x137: {  	v23 =	vld [tilespmem:s30+$0x4890]  }
0x138: {  	v18 =	vld [tilespmem:s30+$0x4800]  }
0x139: {  	v19 =	vld [tilespmem:s30+$0x4810]  }
0x13a: {  	v20 =	vld [tilespmem:s30+$0x4820]  }
0x13b: {  	v22 =	vld [tilespmem:s30+$0x4830]  }
0x13c: {  	v26 =	vld [tilespmem:s30+$0x48A0]  }
0x13d: {  	v29 =	vld [tilespmem:s30+$0x48B0]  }
.Ltmp6:
0x13e: {  	v17 =	vld [tilespmem:s30+$0x48C0];
	(pc) =	sbr.rel @p3 .LBB2_10-.Ltmp6, $4  }
0x13f: {  	v24 =	vadd.f32 v18, v24;
	v25 =	vadd.f32 v19, v25;
	v18 =	vld [tilespmem:s30+$0x48D0]  }
0x140: {  	v27 =	vadd.f32 v20, v27;
	v28 =	vadd.f32 v22, v28;
	v19 =	vld [tilespmem:s30+$0x4840]  }
0x141: {  	v22 =	vadd.f32 v21, v24;
	v23 =	vadd.f32 v23, v25;
	v20 =	vld [tilespmem:s30+$0x4850]  }
0x142: {  	s31 =	sadd.s32 $0x800, s31;
	v24 =	vadd.f32 v26, v27;
	v21 =	vld [tilespmem:s30+$0x4860];
	v25 =	vadd.f32 v29, v28  }
0x143: {  	v14 =	vadd.f32 v14, v22;
	v16 =	vadd.f32 v16, v23  }
0x144: {  	v26 =	vld [tilespmem:s30+$0x4870];
	v13 =	vadd.f32 v13, v24;
	v15 =	vadd.f32 v15, v25  }
0x145: {  	v22 =	vld [tilespmem:s30+$0x48E0];
	v3 =	vadd.f32 v3, v14;
	v5 =	vadd.f32 v5, v16  }
0x146: {  	v23 =	vld [tilespmem:s30+$0x48F0];
	v9 =	vadd.f32 v19, v9;
	v6 =	vadd.f32 v6, v13  }
0x147: {  	v14 =	vld [tilespmem:s30+$0x4960];
	v7 =	vadd.f32 v7, v15;
	v12 =	vadd.f32 v20, v12  }
0x148: {  	v13 =	vld [tilespmem:s30+$0x4970];
	v11 =	vadd.f32 v21, v11;
	v9 =	vadd.f32 v17, v9  }
0x149: {  	v15 =	vld [tilespmem:s30+$0x49E0];
	v10 =	vadd.f32 v26, v10;
	v12 =	vadd.f32 v18, v12  }
0x14a: {  	v16 =	vld [tilespmem:s30+$0x49F0];
	[tilespmem:$0xA900] =	vst v3;
	v11 =	vadd.f32 v22, v11;
	v4 =	vadd.f32 v4, v9  }
0x14b: {  	[tilespmem:$0xA910] =	vst v5;
	v3 =	vadd.f32 v23, v10;
	v8 =	vadd.f32 v8, v12  }
0x14c: {  	[tilespmem:$0xA920] =	vst v6;
	v5 =	vadd.f32 v14, v11;
	v1 =	vadd.f32 v1, v4  }
0x14d: {  	[tilespmem:$0xA930] =	vst v7;
	v3 =	vadd.f32 v13, v3;
	v2 =	vadd.f32 v2, v8  }
0x14e: {  	v4 =	vadd.f32 v15, v5;
	[tilespmem:$0xA940] =	vst v1  }
0x14f: {  	v1 =	vadd.f32 v16, v3;
	[tilespmem:$0xA950] =	vst v2  }
0x150: {  	[tilespmem:$0xA960] =	vst v4  }
0x151: {  	s30 =	simm.s32 $0x0;
	[tilespmem:$0xA970] =	vst v1  }
0x152: {  	v3 =	vld [tilespmem:s30+$0x5980]  }
0x153: {  	v5 =	vld [tilespmem:s30+$0x5990]  }
0x154: {  	v6 =	vld [tilespmem:s30+$0x59A0]  }
0x155: {  	v7 =	vld [tilespmem:s30+$0x59B0]  }
0x156: {  	v1 =	vld [tilespmem:s30+$0x59C0]  }
0x157: {  	v2 =	vld [tilespmem:s30+$0x59D0]  }
0x158: {  	v14 =	vld [tilespmem:s30+$0x5900]  }
0x159: {  	v16 =	vld [tilespmem:s30+$0x5910]  }
0x15a: {  	v13 =	vld [tilespmem:s30+$0x5920]  }
0x15b: {  	v15 =	vld [tilespmem:s30+$0x5930]  }
0x15c: {  	v4 =	vld [tilespmem:s30+$0x5940]  }
0x15d: {  	v10 =	vld [tilespmem:s30+$0x5880]  }
0x15e: {  	v11 =	vld [tilespmem:s30+$0x5890]  }
0x15f: {  	v12 =	vld [tilespmem:s30+$0x5800]  }
0x160: {  	v18 =	vld [tilespmem:s30+$0x5810]  }
0x161: {  	v19 =	vld [tilespmem:s30+$0x5820]  }
0x162: {  	v20 =	vld [tilespmem:s30+$0x5830]  }
0x163: {  	v21 =	vld [tilespmem:s30+$0x58A0]  }
0x164: {  	v25 =	vld [tilespmem:s30+$0x58B0]  }
0x165: {  	v9 =	vimm.f32 $0.0e+00;
	v8 =	vld [tilespmem:s30+$0x5950]  }
0x166: {  	v17 =	vld [tilespmem:s30+$0x58C0];
	v12 =	vadd.f32 v12, v9;
	v23 =	vadd.f32 v18, v9  }
0x167: {  	v18 =	vld [tilespmem:s30+$0x58D0];
	v24 =	vadd.f32 v19, v9;
	v26 =	vadd.f32 v20, v9  }
0x168: {  	v19 =	vld [tilespmem:s30+$0x5840];
	v22 =	vadd.f32 v10, v12;
	v23 =	vadd.f32 v11, v23  }
0x169: {  	v20 =	vld [tilespmem:s30+$0x5850];
	v24 =	vadd.f32 v21, v24;
	v25 =	vadd.f32 v25, v26  }
0x16a: {  	s31 =	simm.s32 $0x800;
	v21 =	vld [tilespmem:s30+$0x5860];
	v12 =	vimm.f32 $0.0e+00;
	v11 =	vimm.f32 $0.0e+00;
	v10 =	vimm.f32 $0.0e+00  }
.LBB2_12:
0x16b: {  	p3 =	sne.s32 s31, $0x3800;
	v26 =	vld [tilespmem:s30+$0x5870];
	v14 =	vadd.f32 v14, v22;
	v16 =	vadd.f32 v16, v23  }
0x16c: {  	v22 =	vld [tilespmem:s30+$0x58E0];
	v13 =	vadd.f32 v13, v24;
	v15 =	vadd.f32 v15, v25  }
0x16d: {  	v23 =	vld [tilespmem:s30+$0x58F0];
	v24 =	vadd.f32 v3, v14;
	v25 =	vadd.f32 v5, v16  }
0x16e: {  	v14 =	vld [tilespmem:s30+$0x5960];
	v27 =	vadd.f32 v6, v13;
	v28 =	vadd.f32 v7, v15  }
0x16f: {  	v3 =	vadd.f32 v19, v9;
	v5 =	vadd.f32 v20, v12;
	v7 =	vld [tilespmem:s30+$0x5970]  }
0x170: {  	v6 =	vadd.f32 v21, v11;
	v9 =	vadd.f32 v26, v10;
	v10 =	vld [tilespmem:s30+$0x59E0]  }
0x171: {  	v11 =	vadd.f32 v17, v3;
	v12 =	vadd.f32 v18, v5;
	v13 =	vld [tilespmem:s30+$0x59F0];
	s30 =	sshra.s32 s31, $0x2  }
0x172: {  	v15 =	vadd.f32 v22, v6;
	v3 =	vld [tilespmem:s30+$0x5980];
	v9 =	vadd.f32 v23, v9  }
0x173: {  	v4 =	vadd.f32 v4, v11;
	v8 =	vadd.f32 v8, v12;
	v5 =	vld [tilespmem:s30+$0x5990]  }
0x174: {  	v11 =	vadd.f32 v14, v15;
	v6 =	vld [tilespmem:s30+$0x59A0];
	v14 =	vadd.f32 v7, v9  }
0x175: {  	v9 =	vadd.f32 v1, v4;
	v12 =	vadd.f32 v2, v8;
	v7 =	vld [tilespmem:s30+$0x59B0]  }
0x176: {  	v11 =	vadd.f32 v10, v11;
	v1 =	vld [tilespmem:s30+$0x59C0];
	v10 =	vadd.f32 v13, v14  }
0x177: {  	v2 =	vld [tilespmem:s30+$0x59D0]  }
0x178: {  	v14 =	vld [tilespmem:s30+$0x5900]  }
0x179: {  	v16 =	vld [tilespmem:s30+$0x5910]  }
0x17a: {  	v13 =	vld [tilespmem:s30+$0x5920]  }
0x17b: {  	v15 =	vld [tilespmem:s30+$0x5930]  }
0x17c: {  	v4 =	vld [tilespmem:s30+$0x5940]  }
0x17d: {  	v8 =	vld [tilespmem:s30+$0x5950]  }
0x17e: {  	v21 =	vld [tilespmem:s30+$0x5880]  }
0x17f: {  	v23 =	vld [tilespmem:s30+$0x5890]  }
0x180: {  	v18 =	vld [tilespmem:s30+$0x5800]  }
0x181: {  	v19 =	vld [tilespmem:s30+$0x5810]  }
0x182: {  	v20 =	vld [tilespmem:s30+$0x5820]  }
0x183: {  	v22 =	vld [tilespmem:s30+$0x5830]  }
0x184: {  	v26 =	vld [tilespmem:s30+$0x58A0]  }
0x185: {  	v29 =	vld [tilespmem:s30+$0x58B0]  }
.Ltmp7:
0x186: {  	v17 =	vld [tilespmem:s30+$0x58C0];
	(pc) =	sbr.rel @p3 .LBB2_12-.Ltmp7, $4  }
0x187: {  	v24 =	vadd.f32 v18, v24;
	v25 =	vadd.f32 v19, v25;
	v18 =	vld [tilespmem:s30+$0x58D0]  }
0x188: {  	v27 =	vadd.f32 v20, v27;
	v28 =	vadd.f32 v22, v28;
	v19 =	vld [tilespmem:s30+$0x5840]  }
0x189: {  	v22 =	vadd.f32 v21, v24;
	v23 =	vadd.f32 v23, v25;
	v20 =	vld [tilespmem:s30+$0x5850]  }
0x18a: {  	s31 =	sadd.s32 $0x800, s31;
	v24 =	vadd.f32 v26, v27;
	v21 =	vld [tilespmem:s30+$0x5860];
	v25 =	vadd.f32 v29, v28  }
0x18b: {  	v14 =	vadd.f32 v14, v22;
	v16 =	vadd.f32 v16, v23  }
0x18c: {  	v26 =	vld [tilespmem:s30+$0x5870];
	v13 =	vadd.f32 v13, v24;
	v15 =	vadd.f32 v15, v25  }
0x18d: {  	v56 =	vld [tilespmem:s30+$0x58E0];
	v3 =	vadd.f32 v3, v14;
	v5 =	vadd.f32 v5, v16  }
0x18e: {  	v57 =	vld [tilespmem:s30+$0x58F0];
	v9 =	vadd.f32 v19, v9;
	v6 =	vadd.f32 v6, v13  }
0x18f: {  	v58 =	vld [tilespmem:s30+$0x5960];
	v7 =	vadd.f32 v7, v15;
	v12 =	vadd.f32 v20, v12  }
0x190: {  	v59 =	vld [tilespmem:s30+$0x5970];
	v11 =	vadd.f32 v21, v11;
	v9 =	vadd.f32 v17, v9  }
0x191: {  	v60 =	vld [tilespmem:s30+$0x59E0];
	v10 =	vadd.f32 v26, v10;
	v12 =	vadd.f32 v18, v12  }
0x192: {  	v61 =	vld [tilespmem:s30+$0x59F0];
	[tilespmem:$0xA980] =	vst v3;
	v11 =	vadd.f32 v56, v11;
	v4 =	vadd.f32 v4, v9  }
0x193: {  	[tilespmem:$0xA990] =	vst v5;
	v3 =	vadd.f32 v57, v10;
	v8 =	vadd.f32 v8, v12  }
0x194: {  	[tilespmem:$0xA9A0] =	vst v6;
	v62 =	vadd.f32 v58, v11;
	v1 =	vadd.f32 v1, v4  }
0x195: {  	p3 =	sne.s32 s28, $0x27;
	[tilespmem:$0xA9B0] =	vst v7;
	v3 =	vadd.f32 v59, v3;
	v2 =	vadd.f32 v2, v8  }
.Ltmp8:
0x196: {  	v63 =	vadd.f32 v60, v62;
	[tilespmem:$0xA9C0] =	vst v1;
	(pc) =	sbr.rel @p3 .LBB2_15-.Ltmp8, $4  }
0x197: {  	s31 =	sadd.s32 s10, s28;
	v1 =	vadd.f32 v61, v3;
	[tilespmem:$0xA9D0] =	vst v2  }
0x198: {  	s30 =	sshll.u32 s31, $0x7;
	[tilespmem:$0xA9E0] =	vst v63  }
0x199: {  	s30 =	sadd.s32 s4, s30;
	[tilespmem:$0xA9F0] =	vst v1  }
0x19a: {  	[hbm4b:s30+s3] =	stream.linear.scatter [tilespmem:s20], [sflag:$0x3], $0x200, $0x38;
	[tilespmem:$0x1F000] =	vst v63  }
.Ltmp9:
0x19b: {  	(pc) =	sbr.rel .LBB2_16-.Ltmp9, $4  }
0x19c: {  	_ = 	snop  }
0x19d: {  	_ =	swait.ge [sflag:s21], $0x4000  }
0x19e: {  	[sflag:s21] =	ssyncset.done $0x0  }
0x19f: {  	[sflag:s21] =	ssyncadd.s32 $0xFFFFC000  }
.LBB2_15:
0x1a0: {  	s30 =	sshrl.u32 s29, $0x2  }
.Ltmp10:
0x1a1: {  	s30 =	sadd.s32 $0x100, s30;
	(pc) =	sbr.rel @p2 .LBB2_17-.Ltmp10, $4  }
0x1a2: {  	[tilespmem:s17], [sflag:$0x1] =	stream.indirect.gather [spmem:s1], $0x80, s30, s16, $0xb8;
	[tilespmem:$0x1F000] =	vst v63  }
0x1a3: {  	_ =	swait.ge [sflag:s21], $0x4000  }
0x1a4: {  	[sflag:s21] =	ssyncset.done $0x0  }
0x1a5: {  	[sflag:s21] =	ssyncadd.s32 $0xFFFFC000  }
.LBB2_16:
0x1a6: {  	_ =	swait.ge [sflag:s22], $0x200  }
0x1a7: {  	[sflag:s22] =	ssyncset.done $0x0  }
0x1a8: {  	[sflag:s22] =	ssyncadd.s32 $0xFFFFFE00  }
.LBB2_17:
0x1a9: {  	s30 =	simm.s32 $0x0  }
0x1aa: {  	v3 =	vld [tilespmem:s30+$0x6980]  }
0x1ab: {  	v5 =	vld [tilespmem:s30+$0x6990]  }
0x1ac: {  	v6 =	vld [tilespmem:s30+$0x69A0]  }
0x1ad: {  	v7 =	vld [tilespmem:s30+$0x69B0]  }
0x1ae: {  	v1 =	vld [tilespmem:s30+$0x69C0]  }
0x1af: {  	v2 =	vld [tilespmem:s30+$0x69D0]  }
0x1b0: {  	v14 =	vld [tilespmem:s30+$0x6900]  }
0x1b1: {  	v16 =	vld [tilespmem:s30+$0x6910]  }
0x1b2: {  	v13 =	vld [tilespmem:s30+$0x6920]  }
0x1b3: {  	v15 =	vld [tilespmem:s30+$0x6930]  }
0x1b4: {  	v4 =	vld [tilespmem:s30+$0x6940]  }
0x1b5: {  	v10 =	vld [tilespmem:s30+$0x6880]  }
0x1b6: {  	v11 =	vld [tilespmem:s30+$0x6890]  }
0x1b7: {  	v12 =	vld [tilespmem:s30+$0x6800]  }
0x1b8: {  	v18 =	vld [tilespmem:s30+$0x6810]  }
0x1b9: {  	v19 =	vld [tilespmem:s30+$0x6820]  }
0x1ba: {  	v20 =	vld [tilespmem:s30+$0x6830]  }
0x1bb: {  	v21 =	vld [tilespmem:s30+$0x68A0]  }
0x1bc: {  	v25 =	vld [tilespmem:s30+$0x68B0]  }
0x1bd: {  	v9 =	vimm.f32 $0.0e+00;
	v8 =	vld [tilespmem:s30+$0x6950]  }
0x1be: {  	v17 =	vld [tilespmem:s30+$0x68C0];
	v12 =	vadd.f32 v12, v9;
	v23 =	vadd.f32 v18, v9  }
0x1bf: {  	v18 =	vld [tilespmem:s30+$0x68D0];
	v24 =	vadd.f32 v19, v9;
	v26 =	vadd.f32 v20, v9  }
0x1c0: {  	v19 =	vld [tilespmem:s30+$0x6840];
	v22 =	vadd.f32 v10, v12;
	v23 =	vadd.f32 v11, v23  }
0x1c1: {  	v20 =	vld [tilespmem:s30+$0x6850];
	v24 =	vadd.f32 v21, v24;
	v25 =	vadd.f32 v25, v26  }
0x1c2: {  	s31 =	simm.s32 $0x800;
	v21 =	vld [tilespmem:s30+$0x6860];
	v12 =	vimm.f32 $0.0e+00;
	v11 =	vimm.f32 $0.0e+00;
	v10 =	vimm.f32 $0.0e+00  }
.LBB2_18:
0x1c3: {  	p2 =	sne.s32 s31, $0x3800;
	v26 =	vld [tilespmem:s30+$0x6870];
	v14 =	vadd.f32 v14, v22;
	v16 =	vadd.f32 v16, v23  }
0x1c4: {  	v22 =	vld [tilespmem:s30+$0x68E0];
	v13 =	vadd.f32 v13, v24;
	v15 =	vadd.f32 v15, v25  }
0x1c5: {  	v23 =	vld [tilespmem:s30+$0x68F0];
	v24 =	vadd.f32 v3, v14;
	v25 =	vadd.f32 v5, v16  }
0x1c6: {  	v14 =	vld [tilespmem:s30+$0x6960];
	v27 =	vadd.f32 v6, v13;
	v28 =	vadd.f32 v7, v15  }
0x1c7: {  	v3 =	vadd.f32 v19, v9;
	v5 =	vadd.f32 v20, v12;
	v7 =	vld [tilespmem:s30+$0x6970]  }
0x1c8: {  	v6 =	vadd.f32 v21, v11;
	v9 =	vadd.f32 v26, v10;
	v10 =	vld [tilespmem:s30+$0x69E0]  }
0x1c9: {  	v11 =	vadd.f32 v17, v3;
	v12 =	vadd.f32 v18, v5;
	v13 =	vld [tilespmem:s30+$0x69F0];
	s30 =	sshra.s32 s31, $0x2  }
0x1ca: {  	v15 =	vadd.f32 v22, v6;
	v3 =	vld [tilespmem:s30+$0x6980];
	v9 =	vadd.f32 v23, v9  }
0x1cb: {  	v4 =	vadd.f32 v4, v11;
	v8 =	vadd.f32 v8, v12;
	v5 =	vld [tilespmem:s30+$0x6990]  }
0x1cc: {  	v11 =	vadd.f32 v14, v15;
	v6 =	vld [tilespmem:s30+$0x69A0];
	v14 =	vadd.f32 v7, v9  }
0x1cd: {  	v9 =	vadd.f32 v1, v4;
	v12 =	vadd.f32 v2, v8;
	v7 =	vld [tilespmem:s30+$0x69B0]  }
0x1ce: {  	v11 =	vadd.f32 v10, v11;
	v1 =	vld [tilespmem:s30+$0x69C0];
	v10 =	vadd.f32 v13, v14  }
0x1cf: {  	v2 =	vld [tilespmem:s30+$0x69D0]  }
0x1d0: {  	v14 =	vld [tilespmem:s30+$0x6900]  }
0x1d1: {  	v16 =	vld [tilespmem:s30+$0x6910]  }
0x1d2: {  	v13 =	vld [tilespmem:s30+$0x6920]  }
0x1d3: {  	v15 =	vld [tilespmem:s30+$0x6930]  }
0x1d4: {  	v4 =	vld [tilespmem:s30+$0x6940]  }
0x1d5: {  	v8 =	vld [tilespmem:s30+$0x6950]  }
0x1d6: {  	v21 =	vld [tilespmem:s30+$0x6880]  }
0x1d7: {  	v23 =	vld [tilespmem:s30+$0x6890]  }
0x1d8: {  	v18 =	vld [tilespmem:s30+$0x6800]  }
0x1d9: {  	v19 =	vld [tilespmem:s30+$0x6810]  }
0x1da: {  	v20 =	vld [tilespmem:s30+$0x6820]  }
0x1db: {  	v22 =	vld [tilespmem:s30+$0x6830]  }
0x1dc: {  	v26 =	vld [tilespmem:s30+$0x68A0]  }
0x1dd: {  	v29 =	vld [tilespmem:s30+$0x68B0]  }
.Ltmp11:
0x1de: {  	v17 =	vld [tilespmem:s30+$0x68C0];
	(pc) =	sbr.rel @p2 .LBB2_18-.Ltmp11, $4  }
0x1df: {  	v24 =	vadd.f32 v18, v24;
	v25 =	vadd.f32 v19, v25;
	v18 =	vld [tilespmem:s30+$0x68D0]  }
0x1e0: {  	v27 =	vadd.f32 v20, v27;
	v28 =	vadd.f32 v22, v28;
	v19 =	vld [tilespmem:s30+$0x6840]  }
0x1e1: {  	v22 =	vadd.f32 v21, v24;
	v23 =	vadd.f32 v23, v25;
	v20 =	vld [tilespmem:s30+$0x6850]  }
0x1e2: {  	s31 =	sadd.s32 $0x800, s31;
	v24 =	vadd.f32 v26, v27;
	v21 =	vld [tilespmem:s30+$0x6860];
	v25 =	vadd.f32 v29, v28  }
0x1e3: {  	v14 =	vadd.f32 v14, v22;
	v16 =	vadd.f32 v16, v23  }
0x1e4: {  	v26 =	vld [tilespmem:s30+$0x6870];
	v13 =	vadd.f32 v13, v24;
	v15 =	vadd.f32 v15, v25  }
0x1e5: {  	v22 =	vld [tilespmem:s30+$0x68E0];
	v3 =	vadd.f32 v3, v14;
	v5 =	vadd.f32 v5, v16  }
0x1e6: {  	v23 =	vld [tilespmem:s30+$0x68F0];
	v9 =	vadd.f32 v19, v9;
	v6 =	vadd.f32 v6, v13  }
0x1e7: {  	v14 =	vld [tilespmem:s30+$0x6960];
	v7 =	vadd.f32 v7, v15;
	v12 =	vadd.f32 v20, v12  }
0x1e8: {  	v13 =	vld [tilespmem:s30+$0x6970];
	v11 =	vadd.f32 v21, v11;
	v9 =	vadd.f32 v17, v9  }
0x1e9: {  	v15 =	vld [tilespmem:s30+$0x69E0];
	v10 =	vadd.f32 v26, v10;
	v12 =	vadd.f32 v18, v12  }
0x1ea: {  	v16 =	vld [tilespmem:s30+$0x69F0];
	[tilespmem:$0xAA00] =	vst v3;
	v11 =	vadd.f32 v22, v11;
	v4 =	vadd.f32 v4, v9  }
0x1eb: {  	[tilespmem:$0xAA10] =	vst v5;
	v3 =	vadd.f32 v23, v10;
	v8 =	vadd.f32 v8, v12  }
0x1ec: {  	[tilespmem:$0xAA20] =	vst v6;
	v5 =	vadd.f32 v14, v11;
	v1 =	vadd.f32 v1, v4  }
0x1ed: {  	[tilespmem:$0xAA30] =	vst v7;
	v3 =	vadd.f32 v13, v3;
	v2 =	vadd.f32 v2, v8  }
0x1ee: {  	v4 =	vadd.f32 v15, v5;
	[tilespmem:$0xAA40] =	vst v1  }
0x1ef: {  	v1 =	vadd.f32 v16, v3;
	[tilespmem:$0xAA50] =	vst v2  }
0x1f0: {  	[tilespmem:$0xAA60] =	vst v4  }
0x1f1: {  	s30 =	simm.s32 $0x0;
	[tilespmem:$0xAA70] =	vst v1  }
0x1f2: {  	v3 =	vld [tilespmem:s30+$0x7980]  }
0x1f3: {  	v5 =	vld [tilespmem:s30+$0x7990]  }
0x1f4: {  	v6 =	vld [tilespmem:s30+$0x79A0]  }
0x1f5: {  	v7 =	vld [tilespmem:s30+$0x79B0]  }
0x1f6: {  	v1 =	vld [tilespmem:s30+$0x79C0]  }
0x1f7: {  	v2 =	vld [tilespmem:s30+$0x79D0]  }
0x1f8: {  	v14 =	vld [tilespmem:s30+$0x7900]  }
0x1f9: {  	v16 =	vld [tilespmem:s30+$0x7910]  }
0x1fa: {  	v13 =	vld [tilespmem:s30+$0x7920]  }
0x1fb: {  	v15 =	vld [tilespmem:s30+$0x7930]  }
0x1fc: {  	v4 =	vld [tilespmem:s30+$0x7940]  }
0x1fd: {  	v10 =	vld [tilespmem:s30+$0x7880]  }
0x1fe: {  	v11 =	vld [tilespmem:s30+$0x7890]  }
0x1ff: {  	v12 =	vld [tilespmem:s30+$0x7800]  }
0x200: {  	v18 =	vld [tilespmem:s30+$0x7810]  }
0x201: {  	v19 =	vld [tilespmem:s30+$0x7820]  }
0x202: {  	v20 =	vld [tilespmem:s30+$0x7830]  }
0x203: {  	v21 =	vld [tilespmem:s30+$0x78A0]  }
0x204: {  	v25 =	vld [tilespmem:s30+$0x78B0]  }
0x205: {  	v9 =	vimm.f32 $0.0e+00;
	v8 =	vld [tilespmem:s30+$0x7950]  }
0x206: {  	v17 =	vld [tilespmem:s30+$0x78C0];
	v12 =	vadd.f32 v12, v9;
	v23 =	vadd.f32 v18, v9  }
0x207: {  	v18 =	vld [tilespmem:s30+$0x78D0];
	v24 =	vadd.f32 v19, v9;
	v26 =	vadd.f32 v20, v9  }
0x208: {  	v19 =	vld [tilespmem:s30+$0x7840];
	v22 =	vadd.f32 v10, v12;
	v23 =	vadd.f32 v11, v23  }
0x209: {  	v20 =	vld [tilespmem:s30+$0x7850];
	v24 =	vadd.f32 v21, v24;
	v25 =	vadd.f32 v25, v26  }
0x20a: {  	s31 =	simm.s32 $0x800;
	v21 =	vld [tilespmem:s30+$0x7860];
	v12 =	vimm.f32 $0.0e+00;
	v11 =	vimm.f32 $0.0e+00;
	v10 =	vimm.f32 $0.0e+00  }
.LBB2_20:
0x20b: {  	p2 =	sne.s32 s31, $0x3800;
	v26 =	vld [tilespmem:s30+$0x7870];
	v14 =	vadd.f32 v14, v22;
	v16 =	vadd.f32 v16, v23  }
0x20c: {  	v22 =	vld [tilespmem:s30+$0x78E0];
	v13 =	vadd.f32 v13, v24;
	v15 =	vadd.f32 v15, v25  }
0x20d: {  	v23 =	vld [tilespmem:s30+$0x78F0];
	v24 =	vadd.f32 v3, v14;
	v25 =	vadd.f32 v5, v16  }
0x20e: {  	v14 =	vld [tilespmem:s30+$0x7960];
	v27 =	vadd.f32 v6, v13;
	v28 =	vadd.f32 v7, v15  }
0x20f: {  	v3 =	vadd.f32 v19, v9;
	v5 =	vadd.f32 v20, v12;
	v7 =	vld [tilespmem:s30+$0x7970]  }
0x210: {  	v6 =	vadd.f32 v21, v11;
	v9 =	vadd.f32 v26, v10;
	v10 =	vld [tilespmem:s30+$0x79E0]  }
0x211: {  	v11 =	vadd.f32 v17, v3;
	v12 =	vadd.f32 v18, v5;
	v13 =	vld [tilespmem:s30+$0x79F0];
	s30 =	sshra.s32 s31, $0x2  }
0x212: {  	v15 =	vadd.f32 v22, v6;
	v3 =	vld [tilespmem:s30+$0x7980];
	v9 =	vadd.f32 v23, v9  }
0x213: {  	v4 =	vadd.f32 v4, v11;
	v8 =	vadd.f32 v8, v12;
	v5 =	vld [tilespmem:s30+$0x7990]  }
0x214: {  	v11 =	vadd.f32 v14, v15;
	v6 =	vld [tilespmem:s30+$0x79A0];
	v14 =	vadd.f32 v7, v9  }
0x215: {  	v9 =	vadd.f32 v1, v4;
	v12 =	vadd.f32 v2, v8;
	v7 =	vld [tilespmem:s30+$0x79B0]  }
0x216: {  	v11 =	vadd.f32 v10, v11;
	v1 =	vld [tilespmem:s30+$0x79C0];
	v10 =	vadd.f32 v13, v14  }
0x217: {  	v2 =	vld [tilespmem:s30+$0x79D0]  }
0x218: {  	v14 =	vld [tilespmem:s30+$0x7900]  }
0x219: {  	v16 =	vld [tilespmem:s30+$0x7910]  }
0x21a: {  	v13 =	vld [tilespmem:s30+$0x7920]  }
0x21b: {  	v15 =	vld [tilespmem:s30+$0x7930]  }
0x21c: {  	v4 =	vld [tilespmem:s30+$0x7940]  }
0x21d: {  	v8 =	vld [tilespmem:s30+$0x7950]  }
0x21e: {  	v21 =	vld [tilespmem:s30+$0x7880]  }
0x21f: {  	v23 =	vld [tilespmem:s30+$0x7890]  }
0x220: {  	v18 =	vld [tilespmem:s30+$0x7800]  }
0x221: {  	v19 =	vld [tilespmem:s30+$0x7810]  }
0x222: {  	v20 =	vld [tilespmem:s30+$0x7820]  }
0x223: {  	v22 =	vld [tilespmem:s30+$0x7830]  }
0x224: {  	v26 =	vld [tilespmem:s30+$0x78A0]  }
0x225: {  	v29 =	vld [tilespmem:s30+$0x78B0]  }
.Ltmp12:
0x226: {  	v17 =	vld [tilespmem:s30+$0x78C0];
	(pc) =	sbr.rel @p2 .LBB2_20-.Ltmp12, $4  }
0x227: {  	v24 =	vadd.f32 v18, v24;
	v25 =	vadd.f32 v19, v25;
	v18 =	vld [tilespmem:s30+$0x78D0]  }
0x228: {  	v27 =	vadd.f32 v20, v27;
	v28 =	vadd.f32 v22, v28;
	v19 =	vld [tilespmem:s30+$0x7840]  }
0x229: {  	v22 =	vadd.f32 v21, v24;
	v23 =	vadd.f32 v23, v25;
	v20 =	vld [tilespmem:s30+$0x7850]  }
0x22a: {  	s31 =	sadd.s32 $0x800, s31;
	v24 =	vadd.f32 v26, v27;
	v21 =	vld [tilespmem:s30+$0x7860];
	v25 =	vadd.f32 v29, v28  }
0x22b: {  	v14 =	vadd.f32 v14, v22;
	v16 =	vadd.f32 v16, v23  }
0x22c: {  	v26 =	vld [tilespmem:s30+$0x7870];
	v13 =	vadd.f32 v13, v24;
	v15 =	vadd.f32 v15, v25  }
0x22d: {  	v22 =	vld [tilespmem:s30+$0x78E0];
	v3 =	vadd.f32 v3, v14;
	v5 =	vadd.f32 v5, v16  }
0x22e: {  	v23 =	vld [tilespmem:s30+$0x78F0];
	v9 =	vadd.f32 v19, v9;
	v6 =	vadd.f32 v6, v13  }
0x22f: {  	v14 =	vld [tilespmem:s30+$0x7960];
	v7 =	vadd.f32 v7, v15;
	v12 =	vadd.f32 v20, v12  }
0x230: {  	v13 =	vld [tilespmem:s30+$0x7970];
	v11 =	vadd.f32 v21, v11;
	v9 =	vadd.f32 v17, v9  }
0x231: {  	v15 =	vld [tilespmem:s30+$0x79E0];
	v10 =	vadd.f32 v26, v10;
	v12 =	vadd.f32 v18, v12  }
0x232: {  	v16 =	vld [tilespmem:s30+$0x79F0];
	[tilespmem:$0xAA80] =	vst v3;
	v11 =	vadd.f32 v22, v11;
	v4 =	vadd.f32 v4, v9  }
0x233: {  	[tilespmem:$0xAA90] =	vst v5;
	v3 =	vadd.f32 v23, v10;
	v8 =	vadd.f32 v8, v12  }
0x234: {  	[tilespmem:$0xAAA0] =	vst v6;
	v5 =	vadd.f32 v14, v11;
	v1 =	vadd.f32 v1, v4  }
0x235: {  	[tilespmem:$0xAAB0] =	vst v7;
	v3 =	vadd.f32 v13, v3;
	v2 =	vadd.f32 v2, v8  }
0x236: {  	v4 =	vadd.f32 v15, v5;
	[tilespmem:$0xAAC0] =	vst v1  }
0x237: {  	v1 =	vadd.f32 v16, v3;
	[tilespmem:$0xAAD0] =	vst v2  }
0x238: {  	[tilespmem:$0xAAE0] =	vst v4  }
0x239: {  	s30 =	simm.s32 $0x0;
	[tilespmem:$0xAAF0] =	vst v1  }
0x23a: {  	v3 =	vld [tilespmem:s30+$0x8980]  }
0x23b: {  	v5 =	vld [tilespmem:s30+$0x8990]  }
0x23c: {  	v6 =	vld [tilespmem:s30+$0x89A0]  }
0x23d: {  	v7 =	vld [tilespmem:s30+$0x89B0]  }
0x23e: {  	v1 =	vld [tilespmem:s30+$0x89C0]  }
0x23f: {  	v2 =	vld [tilespmem:s30+$0x89D0]  }
0x240: {  	v14 =	vld [tilespmem:s30+$0x8900]  }
0x241: {  	v16 =	vld [tilespmem:s30+$0x8910]  }
0x242: {  	v13 =	vld [tilespmem:s30+$0x8920]  }
0x243: {  	v15 =	vld [tilespmem:s30+$0x8930]  }
0x244: {  	v4 =	vld [tilespmem:s30+$0x8940]  }
0x245: {  	v10 =	vld [tilespmem:s30+$0x8880]  }
0x246: {  	v11 =	vld [tilespmem:s30+$0x8890]  }
0x247: {  	v12 =	vld [tilespmem:s30+$0x8800]  }
0x248: {  	v18 =	vld [tilespmem:s30+$0x8810]  }
0x249: {  	v19 =	vld [tilespmem:s30+$0x8820]  }
0x24a: {  	v20 =	vld [tilespmem:s30+$0x8830]  }
0x24b: {  	v21 =	vld [tilespmem:s30+$0x88A0]  }
0x24c: {  	v25 =	vld [tilespmem:s30+$0x88B0]  }
0x24d: {  	v9 =	vimm.f32 $0.0e+00;
	v8 =	vld [tilespmem:s30+$0x8950]  }
0x24e: {  	v17 =	vld [tilespmem:s30+$0x88C0];
	v12 =	vadd.f32 v12, v9;
	v23 =	vadd.f32 v18, v9  }
0x24f: {  	v18 =	vld [tilespmem:s30+$0x88D0];
	v24 =	vadd.f32 v19, v9;
	v26 =	vadd.f32 v20, v9  }
0x250: {  	v19 =	vld [tilespmem:s30+$0x8840];
	v22 =	vadd.f32 v10, v12;
	v23 =	vadd.f32 v11, v23  }
0x251: {  	v20 =	vld [tilespmem:s30+$0x8850];
	v24 =	vadd.f32 v21, v24;
	v25 =	vadd.f32 v25, v26  }
0x252: {  	s31 =	simm.s32 $0x800;
	v21 =	vld [tilespmem:s30+$0x8860];
	v12 =	vimm.f32 $0.0e+00;
	v11 =	vimm.f32 $0.0e+00;
	v10 =	vimm.f32 $0.0e+00  }
.LBB2_22:
0x253: {  	p2 =	sne.s32 s31, $0x3800;
	v26 =	vld [tilespmem:s30+$0x8870];
	v14 =	vadd.f32 v14, v22;
	v16 =	vadd.f32 v16, v23  }
0x254: {  	v22 =	vld [tilespmem:s30+$0x88E0];
	v13 =	vadd.f32 v13, v24;
	v15 =	vadd.f32 v15, v25  }
0x255: {  	v23 =	vld [tilespmem:s30+$0x88F0];
	v24 =	vadd.f32 v3, v14;
	v25 =	vadd.f32 v5, v16  }
0x256: {  	v14 =	vld [tilespmem:s30+$0x8960];
	v27 =	vadd.f32 v6, v13;
	v28 =	vadd.f32 v7, v15  }
0x257: {  	v3 =	vadd.f32 v19, v9;
	v5 =	vadd.f32 v20, v12;
	v7 =	vld [tilespmem:s30+$0x8970]  }
0x258: {  	v6 =	vadd.f32 v21, v11;
	v9 =	vadd.f32 v26, v10;
	v10 =	vld [tilespmem:s30+$0x89E0]  }
0x259: {  	v11 =	vadd.f32 v17, v3;
	v12 =	vadd.f32 v18, v5;
	v13 =	vld [tilespmem:s30+$0x89F0];
	s30 =	sshra.s32 s31, $0x2  }
0x25a: {  	v15 =	vadd.f32 v22, v6;
	v3 =	vld [tilespmem:s30+$0x8980];
	v9 =	vadd.f32 v23, v9  }
0x25b: {  	v4 =	vadd.f32 v4, v11;
	v8 =	vadd.f32 v8, v12;
	v5 =	vld [tilespmem:s30+$0x8990]  }
0x25c: {  	v11 =	vadd.f32 v14, v15;
	v6 =	vld [tilespmem:s30+$0x89A0];
	v14 =	vadd.f32 v7, v9  }
0x25d: {  	v9 =	vadd.f32 v1, v4;
	v12 =	vadd.f32 v2, v8;
	v7 =	vld [tilespmem:s30+$0x89B0]  }
0x25e: {  	v11 =	vadd.f32 v10, v11;
	v1 =	vld [tilespmem:s30+$0x89C0];
	v10 =	vadd.f32 v13, v14  }
0x25f: {  	v2 =	vld [tilespmem:s30+$0x89D0]  }
0x260: {  	v14 =	vld [tilespmem:s30+$0x8900]  }
0x261: {  	v16 =	vld [tilespmem:s30+$0x8910]  }
0x262: {  	v13 =	vld [tilespmem:s30+$0x8920]  }
0x263: {  	v15 =	vld [tilespmem:s30+$0x8930]  }
0x264: {  	v4 =	vld [tilespmem:s30+$0x8940]  }
0x265: {  	v8 =	vld [tilespmem:s30+$0x8950]  }
0x266: {  	v21 =	vld [tilespmem:s30+$0x8880]  }
0x267: {  	v23 =	vld [tilespmem:s30+$0x8890]  }
0x268: {  	v18 =	vld [tilespmem:s30+$0x8800]  }
0x269: {  	v19 =	vld [tilespmem:s30+$0x8810]  }
0x26a: {  	v20 =	vld [tilespmem:s30+$0x8820]  }
0x26b: {  	v22 =	vld [tilespmem:s30+$0x8830]  }
0x26c: {  	v26 =	vld [tilespmem:s30+$0x88A0]  }
0x26d: {  	v29 =	vld [tilespmem:s30+$0x88B0]  }
.Ltmp13:
0x26e: {  	v17 =	vld [tilespmem:s30+$0x88C0];
	(pc) =	sbr.rel @p2 .LBB2_22-.Ltmp13, $4  }
0x26f: {  	v24 =	vadd.f32 v18, v24;
	v25 =	vadd.f32 v19, v25;
	v18 =	vld [tilespmem:s30+$0x88D0]  }
0x270: {  	v27 =	vadd.f32 v20, v27;
	v28 =	vadd.f32 v22, v28;
	v19 =	vld [tilespmem:s30+$0x8840]  }
0x271: {  	v22 =	vadd.f32 v21, v24;
	v23 =	vadd.f32 v23, v25;
	v20 =	vld [tilespmem:s30+$0x8850]  }
0x272: {  	s31 =	sadd.s32 $0x800, s31;
	v24 =	vadd.f32 v26, v27;
	v21 =	vld [tilespmem:s30+$0x8860];
	v25 =	vadd.f32 v29, v28  }
0x273: {  	v14 =	vadd.f32 v14, v22;
	v16 =	vadd.f32 v16, v23  }
0x274: {  	v26 =	vld [tilespmem:s30+$0x8870];
	v13 =	vadd.f32 v13, v24;
	v15 =	vadd.f32 v15, v25  }
0x275: {  	v22 =	vld [tilespmem:s30+$0x88E0];
	v3 =	vadd.f32 v3, v14;
	v5 =	vadd.f32 v5, v16  }
0x276: {  	v23 =	vld [tilespmem:s30+$0x88F0];
	v9 =	vadd.f32 v19, v9;
	v6 =	vadd.f32 v6, v13  }
0x277: {  	v14 =	vld [tilespmem:s30+$0x8960];
	v7 =	vadd.f32 v7, v15;
	v12 =	vadd.f32 v20, v12  }
0x278: {  	v13 =	vld [tilespmem:s30+$0x8970];
	v11 =	vadd.f32 v21, v11;
	v9 =	vadd.f32 v17, v9  }
0x279: {  	v15 =	vld [tilespmem:s30+$0x89E0];
	v10 =	vadd.f32 v26, v10;
	v12 =	vadd.f32 v18, v12  }
0x27a: {  	v16 =	vld [tilespmem:s30+$0x89F0];
	[tilespmem:$0xAB00] =	vst v3;
	v11 =	vadd.f32 v22, v11;
	v4 =	vadd.f32 v4, v9  }
0x27b: {  	[tilespmem:$0xAB10] =	vst v5;
	v3 =	vadd.f32 v23, v10;
	v8 =	vadd.f32 v8, v12  }
0x27c: {  	[tilespmem:$0xAB20] =	vst v6;
	v5 =	vadd.f32 v14, v11;
	v1 =	vadd.f32 v1, v4  }
0x27d: {  	[tilespmem:$0xAB30] =	vst v7;
	v3 =	vadd.f32 v13, v3;
	v2 =	vadd.f32 v2, v8  }
0x27e: {  	v4 =	vadd.f32 v15, v5;
	[tilespmem:$0xAB40] =	vst v1  }
0x27f: {  	v1 =	vadd.f32 v16, v3;
	[tilespmem:$0xAB50] =	vst v2  }
0x280: {  	[tilespmem:$0xAB60] =	vst v4  }
0x281: {  	s30 =	simm.s32 $0x0;
	[tilespmem:$0xAB70] =	vst v1  }
0x282: {  	v3 =	vld [tilespmem:s30+$0x9980]  }
0x283: {  	v5 =	vld [tilespmem:s30+$0x9990]  }
0x284: {  	v6 =	vld [tilespmem:s30+$0x99A0]  }
0x285: {  	v7 =	vld [tilespmem:s30+$0x99B0]  }
0x286: {  	v1 =	vld [tilespmem:s30+$0x99C0]  }
0x287: {  	v2 =	vld [tilespmem:s30+$0x99D0]  }
0x288: {  	v14 =	vld [tilespmem:s30+$0x9900]  }
0x289: {  	v16 =	vld [tilespmem:s30+$0x9910]  }
0x28a: {  	v13 =	vld [tilespmem:s30+$0x9920]  }
0x28b: {  	v15 =	vld [tilespmem:s30+$0x9930]  }
0x28c: {  	v4 =	vld [tilespmem:s30+$0x9940]  }
0x28d: {  	v10 =	vld [tilespmem:s30+$0x9880]  }
0x28e: {  	v11 =	vld [tilespmem:s30+$0x9890]  }
0x28f: {  	v12 =	vld [tilespmem:s30+$0x9800]  }
0x290: {  	v18 =	vld [tilespmem:s30+$0x9810]  }
0x291: {  	v19 =	vld [tilespmem:s30+$0x9820]  }
0x292: {  	v20 =	vld [tilespmem:s30+$0x9830]  }
0x293: {  	v21 =	vld [tilespmem:s30+$0x98A0]  }
0x294: {  	v25 =	vld [tilespmem:s30+$0x98B0]  }
0x295: {  	v9 =	vimm.f32 $0.0e+00;
	v8 =	vld [tilespmem:s30+$0x9950]  }
0x296: {  	v17 =	vld [tilespmem:s30+$0x98C0];
	v12 =	vadd.f32 v12, v9;
	v23 =	vadd.f32 v18, v9  }
0x297: {  	v18 =	vld [tilespmem:s30+$0x98D0];
	v24 =	vadd.f32 v19, v9;
	v26 =	vadd.f32 v20, v9  }
0x298: {  	v19 =	vld [tilespmem:s30+$0x9840];
	v22 =	vadd.f32 v10, v12;
	v23 =	vadd.f32 v11, v23  }
0x299: {  	v20 =	vld [tilespmem:s30+$0x9850];
	v24 =	vadd.f32 v21, v24;
	v25 =	vadd.f32 v25, v26  }
0x29a: {  	s31 =	simm.s32 $0x800;
	v21 =	vld [tilespmem:s30+$0x9860];
	v12 =	vimm.f32 $0.0e+00;
	v11 =	vimm.f32 $0.0e+00;
	v10 =	vimm.f32 $0.0e+00  }
.LBB2_24:
0x29b: {  	p2 =	sne.s32 s31, $0x3800;
	v26 =	vld [tilespmem:s30+$0x9870];
	v14 =	vadd.f32 v14, v22;
	v16 =	vadd.f32 v16, v23  }
0x29c: {  	v22 =	vld [tilespmem:s30+$0x98E0];
	v13 =	vadd.f32 v13, v24;
	v15 =	vadd.f32 v15, v25  }
0x29d: {  	v23 =	vld [tilespmem:s30+$0x98F0];
	v24 =	vadd.f32 v3, v14;
	v25 =	vadd.f32 v5, v16  }
0x29e: {  	v14 =	vld [tilespmem:s30+$0x9960];
	v27 =	vadd.f32 v6, v13;
	v28 =	vadd.f32 v7, v15  }
0x29f: {  	v3 =	vadd.f32 v19, v9;
	v5 =	vadd.f32 v20, v12;
	v7 =	vld [tilespmem:s30+$0x9970]  }
0x2a0: {  	v6 =	vadd.f32 v21, v11;
	v9 =	vadd.f32 v26, v10;
	v10 =	vld [tilespmem:s30+$0x99E0]  }
0x2a1: {  	v11 =	vadd.f32 v17, v3;
	v12 =	vadd.f32 v18, v5;
	v13 =	vld [tilespmem:s30+$0x99F0];
	s30 =	sshra.s32 s31, $0x2  }
0x2a2: {  	v15 =	vadd.f32 v22, v6;
	v3 =	vld [tilespmem:s30+$0x9980];
	v9 =	vadd.f32 v23, v9  }
0x2a3: {  	v4 =	vadd.f32 v4, v11;
	v8 =	vadd.f32 v8, v12;
	v5 =	vld [tilespmem:s30+$0x9990]  }
0x2a4: {  	v11 =	vadd.f32 v14, v15;
	v6 =	vld [tilespmem:s30+$0x99A0];
	v14 =	vadd.f32 v7, v9  }
0x2a5: {  	v9 =	vadd.f32 v1, v4;
	v12 =	vadd.f32 v2, v8;
	v7 =	vld [tilespmem:s30+$0x99B0]  }
0x2a6: {  	v11 =	vadd.f32 v10, v11;
	v1 =	vld [tilespmem:s30+$0x99C0];
	v10 =	vadd.f32 v13, v14  }
0x2a7: {  	v2 =	vld [tilespmem:s30+$0x99D0]  }
0x2a8: {  	v14 =	vld [tilespmem:s30+$0x9900]  }
0x2a9: {  	v16 =	vld [tilespmem:s30+$0x9910]  }
0x2aa: {  	v13 =	vld [tilespmem:s30+$0x9920]  }
0x2ab: {  	v15 =	vld [tilespmem:s30+$0x9930]  }
0x2ac: {  	v4 =	vld [tilespmem:s30+$0x9940]  }
0x2ad: {  	v8 =	vld [tilespmem:s30+$0x9950]  }
0x2ae: {  	v21 =	vld [tilespmem:s30+$0x9880]  }
0x2af: {  	v23 =	vld [tilespmem:s30+$0x9890]  }
0x2b0: {  	v18 =	vld [tilespmem:s30+$0x9800]  }
0x2b1: {  	v19 =	vld [tilespmem:s30+$0x9810]  }
0x2b2: {  	v20 =	vld [tilespmem:s30+$0x9820]  }
0x2b3: {  	v22 =	vld [tilespmem:s30+$0x9830]  }
0x2b4: {  	v26 =	vld [tilespmem:s30+$0x98A0]  }
0x2b5: {  	v29 =	vld [tilespmem:s30+$0x98B0]  }
.Ltmp14:
0x2b6: {  	v17 =	vld [tilespmem:s30+$0x98C0];
	(pc) =	sbr.rel @p2 .LBB2_24-.Ltmp14, $4  }
0x2b7: {  	v24 =	vadd.f32 v18, v24;
	v25 =	vadd.f32 v19, v25;
	v18 =	vld [tilespmem:s30+$0x98D0]  }
0x2b8: {  	v27 =	vadd.f32 v20, v27;
	v28 =	vadd.f32 v22, v28;
	v19 =	vld [tilespmem:s30+$0x9840]  }
0x2b9: {  	v22 =	vadd.f32 v21, v24;
	v23 =	vadd.f32 v23, v25;
	v20 =	vld [tilespmem:s30+$0x9850]  }
0x2ba: {  	s31 =	sadd.s32 $0x800, s31;
	v24 =	vadd.f32 v26, v27;
	v21 =	vld [tilespmem:s30+$0x9860];
	v25 =	vadd.f32 v29, v28  }
0x2bb: {  	v14 =	vadd.f32 v14, v22;
	v16 =	vadd.f32 v16, v23  }
0x2bc: {  	v26 =	vld [tilespmem:s30+$0x9870];
	v13 =	vadd.f32 v13, v24;
	v15 =	vadd.f32 v15, v25  }
0x2bd: {  	v56 =	vld [tilespmem:s30+$0x98E0];
	v3 =	vadd.f32 v3, v14;
	v5 =	vadd.f32 v5, v16  }
0x2be: {  	v57 =	vld [tilespmem:s30+$0x98F0];
	v9 =	vadd.f32 v19, v9;
	v6 =	vadd.f32 v6, v13  }
0x2bf: {  	v58 =	vld [tilespmem:s30+$0x9960];
	v7 =	vadd.f32 v7, v15;
	v12 =	vadd.f32 v20, v12  }
0x2c0: {  	v59 =	vld [tilespmem:s30+$0x9970];
	v11 =	vadd.f32 v21, v11;
	v9 =	vadd.f32 v17, v9  }
0x2c1: {  	v60 =	vld [tilespmem:s30+$0x99E0];
	v10 =	vadd.f32 v26, v10;
	v12 =	vadd.f32 v18, v12  }
0x2c2: {  	v61 =	vld [tilespmem:s30+$0x99F0];
	[tilespmem:$0xAB80] =	vst v3;
	v11 =	vadd.f32 v56, v11;
	v4 =	vadd.f32 v4, v9  }
0x2c3: {  	[tilespmem:$0xAB90] =	vst v5;
	v3 =	vadd.f32 v57, v10;
	v8 =	vadd.f32 v8, v12  }
0x2c4: {  	[tilespmem:$0xABA0] =	vst v6;
	v62 =	vadd.f32 v58, v11;
	v1 =	vadd.f32 v1, v4  }
0x2c5: {  	p2 =	seq.s32 s28, $0x27;
	[tilespmem:$0xABB0] =	vst v7;
	v3 =	vadd.f32 v59, v3;
	v2 =	vadd.f32 v2, v8  }
.Ltmp15:
0x2c6: {  	v63 =	vadd.f32 v60, v62;
	[tilespmem:$0xABC0] =	vst v1;
	(pc) =	sbr.rel @p2 .LBB2_27-.Ltmp15, $4  }
0x2c7: {  	v1 =	vadd.f32 v61, v3;
	[tilespmem:$0xABD0] =	vst v2  }
0x2c8: {  	s31 =	sshll.u32 s28, $0x7;
	[tilespmem:$0xABE0] =	vst v63  }
0x2c9: {  	s30 =	sadd.s32 s12, s31;
	[tilespmem:$0xABF0] =	vst v1  }
0x2ca: {  	[hbm4b:s30+s3] =	stream.linear.scatter [tilespmem:s23], [sflag:$0x4], $0x200, $0x38;
	[tilespmem:$0x1F000] =	vst v63  }
.Ltmp16:
0x2cb: {  	(pc) =	sbr.rel .LBB2_5-.Ltmp16, $4  }
0x2cc: {  	_ = 	snop  }
0x2cd: {  	s29 =	sshrl.u32 s29, $0x2  }
0x2ce: {  	s28 =	sadd.s32 $0x1, s28;
	s29 =	sadd.s32 $0x180, s29  }
0x2cf: {  	[tilespmem:s18], [sflag:$0x2] =	stream.indirect.gather [spmem:s1], $0x80, s29, s16, $0xb8;
	[tilespmem:$0x1F000] =	vst v63  }
.LBB2_28:
0x2d0: {  	_ =	sfence.sel $0x180000  }
0x2d1: {  	[bflag:$0x0] =	sbarrier.arrive $0xFFFF  }
0x2d2: {  	p0 =	sne.s32 s2, $0x0;
	_ =	strace $0x90000047  }
0x2d3: {  	s0 =	sadd.s32 @!p0 $0x100000, s0;
	[bflag:$0x2] =	sbarrier.arrive $0xFFFF  }
0x2d4: {  	[sflag:s0] =	ssyncadd.tile.s32 @!p0 $0x1;
	_ =	shalt  }
.Lfunc_end2:
_tile_overlayer_lowered:
.L_overlay_start_2:
0x2d5: {  	(tag) =	ssettag $0x2  }
0x2d6: {  	s0 =	rddreg [dreg:$0x0];
	s2 =	stileid.u32  }
0x2d7: {  	s1 =	rddreg [dreg:$0x1];
	p0 =	sne.s32 s2, $0x0  }
0x2d8: {  	s3 =	rddreg [dreg:$0x2];
	[bflag:$0x3] =	sbarrier.arrive $0xFFFF;
	s2 =	simm.s32 @!p0 $0x1C05  }
0x2d9: {  	[timem:s3], [sflag:s2] =	dma.local @!p0 [hbm:s0], s1  }
0x2da: {  	s0 =	simm.s32 @!p0 $0x5  }
0x2db: {  	_ =	swait.ge @!p0 [sflag:s0], s1  }
0x2dc: {  	s1 =	ssub.s32 @!p0 $0x0, s1;
	[sflag:s0] =	ssyncset.done @!p0 $0x0  }
0x2dd: {  	[sflag:s0] =	ssyncadd.s32 @!p0 s1  }
0x2de: {  	[bflag:$0x3] =	sbarrier.arrive $0xFFFF  }
0x2df: {  	_ =	shalt  }

</sc_bundles>
